<compile_context>
chip_gen: v7x
topology: tpu7x:2x2x1
jax: 0.10.2.dev20260603
libtpu: 0.0.44.dev20260713+nightly
codegen_flags: <defaults>
</compile_context>

<pallas_src>
import functools

import jax
import jax.numpy as jnp
from jax import lax
from jax.experimental import pallas as pl
from jax.experimental.pallas import tpu as pltpu
from jax.experimental.pallas import tpu_sc as plsc

H = 64
HH = 32
ROW = 64
C = 80
NC = 2
NS = 16


def _silu(x):
    return x / (1.0 + jnp.exp(-x))


def _stage1_body(pos_ref, wem_ref, bem_ref, we_ref, be_ref,
                 h_ref, sa0_ref, sa1_ref, sb0_ref, sb1_ref):
    pos = pos_ref[...]
    h = jnp.dot(pos, wem_ref[...],
                preferred_element_type=jnp.float32) + bem_ref[...]
    sq = jnp.sum(pos * pos, axis=1, keepdims=True)
    We = we_ref[...]
    A = jnp.dot(h, We[0:H], preferred_element_type=jnp.float32)
    B = jnp.dot(h, We[H:2 * H], preferred_element_type=jnp.float32)
    wd = We[2 * H:2 * H + 1]
    A2 = A + sq * wd
    B2 = B + sq * wd + be_ref[...]
    R = pos.shape[0]
    z14 = jnp.zeros((R, 14), jnp.float32)
    pe = jnp.concatenate([pos[:, 0:1], pos[:, 2:3], z14], axis=1)
    po = jnp.concatenate([pos[:, 1:2], z14, z14[:, :1]], axis=1)

    def mkrow(F, te, to):
        even = jnp.concatenate([F[:, :16], te], axis=1)
        odd = jnp.concatenate([F[:, 16:], to], axis=1)
        return jnp.stack([even, odd], axis=-1).reshape(
            R, ROW).astype(jnp.bfloat16)

    h_ref[...] = h
    sa0_ref[...] = mkrow(A2[:, :HH], pe, po)
    sa1_ref[...] = mkrow(A2[:, HH:], pe, po)
    sb0_ref[...] = mkrow(B2[:, :HH], -2.0 * pe, -2.0 * po)
    sb1_ref[...] = mkrow(B2[:, HH:], -2.0 * pe, -2.0 * po)


def _stage1(pos, W_embed, b_embed, W_e, b_e, interpret=False):
    N = pos.shape[0]
    R = 400 if N % 400 == 0 else N
    grid = N // R
    full = lambda shape: pl.BlockSpec(shape, lambda i: (0, 0))
    row_blk = lambda w: pl.BlockSpec((R, w), lambda i: (i, 0))
    return pl.pallas_call(
        _stage1_body,
        grid=(grid,),
        in_specs=[row_blk(3), full((3, H)), full((1, H)),
                  full((2 * H + 1, H)), full((1, H))],
        out_specs=[row_blk(H), row_blk(ROW), row_blk(ROW),
                   row_blk(ROW), row_blk(ROW)],
        out_shape=[jax.ShapeDtypeStruct((N, H), jnp.float32)] +
                  [jax.ShapeDtypeStruct((N, ROW), jnp.bfloat16)] * 4,
        interpret=interpret,
    )(pos, W_embed, b_embed.reshape(1, H), W_e, b_e.reshape(1, H))


def _sc_edge(ei, SA, SB, wd2, N, E, interpret=False):
    per_tile = E // NS
    nchunks = per_tile // C
    Npad = -(-N // (NS * 8)) * (NS * 8)
    rows_per_tile = Npad // NS
    ZR = max(d for d in range(1, 161) if rows_per_tile % d == 0)
    nzc = rows_per_tile // ZR
    mesh = plsc.VectorSubcoreMesh(core_axis_name="c", subcore_axis_name="s")

    NB = 2

    @functools.partial(
        pl.kernel,
        out_type=jax.ShapeDtypeStruct((NC, Npad, HH), jnp.float32),
        mesh=mesh,
        scratch_types=(
            [pltpu.VMEM((C,), jnp.int32)] * (4 * NB) +
            [pltpu.VMEM((C, ROW), jnp.bfloat16)] * (2 * NB) +
            [pltpu.VMEM((C, HH), jnp.float32)] * NB +
            [pltpu.VMEM((HH,), jnp.float32),
             pltpu.VMEM((ZR, HH), jnp.float32),
             pltpu.VMEM_SHARED((Npad, HH), jnp.float32)] +
            [pltpu.SemaphoreType.DMA] * (3 * NB)
        ),
        compiler_params=pltpu.CompilerParams(use_tc_tiling_on_sc=False,
                                             needs_layout_passes=False),
        interpret=interpret,
    )
    def k(ei_h, sa_h, sb_h, wd_h, out_h,
          src0, src1, dst0, dst1, dstg0, dstg1, dsts0, dsts1,
          a0, a1, b0, b1, m0_v, m1_v,
          wd_v, zb_v, agg_sh, si0, si1, sg0, sg1, ss0, ss1):
        c = lax.axis_index("c")
        s = lax.axis_index("s")
        cN = c * N
        slots = ((src0, dst0, dstg0, a0, b0, m0_v, si0, sg0, ss0, dsts0),
                 (src1, dst1, dstg1, a1, b1, m1_v, si1, sg1, ss1, dsts1))
        pltpu.sync_copy(wd_h.at[c], wd_v)
        wd0 = wd_v[pl.ds(0, 16)]
        wd1 = wd_v[pl.ds(16, 16)]

        z16 = jnp.zeros((16,), jnp.float32)

        def zrow(i, carry):
            zb_v[i, pl.ds(0, 16)] = z16
            zb_v[i, pl.ds(16, 16)] = z16
            return carry

        lax.fori_loop(0, ZR, zrow, 0)
        tile_row0 = s * rows_per_tile

        def zcopy(i, carry):
            pltpu.sync_copy(zb_v, agg_sh.at[pl.ds(tile_row0 + i * ZR, ZR)])
            return carry

        lax.fori_loop(0, nzc, zcopy, 0)
        plsc.subcore_barrier()

        ebase = s * per_tile

        def idx_copies(j, sl):
            src_v, dst_v = sl[0], sl[1]
            sem = sl[6]
            base = pl.multiple_of(ebase + j * C, 8)
            return (pltpu.make_async_copy(ei_h.at[pl.ds(base, C)], src_v, sem),
                    pltpu.make_async_copy(ei_h.at[pl.ds(E + base, C)], dst_v,
                                          sem))

        def gather_copies(sl):
            return (pltpu.make_async_copy(sa_h.at[sl[0]], sl[3], sl[7]),
                    pltpu.make_async_copy(sb_h.at[sl[2]], sl[4], sl[7]))

        def offset_ids(sl):
            src_v, dst_v, dstg_v = sl[0], sl[1], sl[2]
            for j in range(C // 16):
                w = pl.ds(j * 16, 16)
                src_v[w] = src_v[w] + cN
                dstg_v[w] = dst_v[w] + cN

        UE = 8

        def compute(sl):
            a_v, b_v, m_v = sl[3], sl[4], sl[5]

            def ebody(kk, carry):
                e0 = kk * UE
                for u in range(UE):
                    e = e0 + u
                    unp = functools.partial(
                        plsc.unpack, format=plsc.PackFormat.INTERLEAVED)
                    a0, a1 = unp(a_v[e, pl.ds(0, 32)])
                    b0, b1 = unp(b_v[e, pl.ds(0, 32)])
                    pe_a, po_a = unp(a_v[e, pl.ds(32, 32)])
                    pe_b, po_b = unp(b_v[e, pl.ds(32, 32)])
                    cpe = pe_a * pe_b
                    cpo = po_a * po_b
                    cr = cpe[0] + cpe[1] + cpo[0]
                    m0 = a0 + b0 + cr * wd0
                    m1 = a1 + b1 + cr * wd1
                    m_v[e, pl.ds(0, 16)] = _silu(m0)
                    m_v[e, pl.ds(16, 16)] = _silu(m1)
                return carry

            lax.fori_loop(0, C // UE, ebody, 0)

        def scatter_copy(sl):
            return pltpu.make_async_copy(sl[5], agg_sh.at[sl[9]], sl[8])

        for cp in idx_copies(0, slots[0]):
            cp.start()
        if nchunks > 1:
            for cp in idx_copies(1, slots[1]):
                cp.start()
        for cp in idx_copies(0, slots[0]):
            cp.wait()
        offset_ids(slots[0])
        for cp in gather_copies(slots[0]):
            cp.start()

        def step(i, p):
            sl = slots[p]
            sq = slots[1 - p]

            @pl.when(i < nchunks - 1)
            def _():
                for cp in idx_copies(i + 1, sq):
                    cp.wait()
                offset_ids(sq)
                for cp in gather_copies(sq):
                    cp.start()

            for cp in gather_copies(sl):
                cp.wait()

            @pl.when(i >= 2)
            def _():
                scatter_copy(sl).wait()

            dst_v, dsts_v = sl[1], sl[9]
            for j in range(C // 16):
                w = pl.ds(j * 16, 16)
                dsts_v[w] = dst_v[w]

            @pl.when(i < nchunks - 2)
            def _():
                for cp in idx_copies(i + 2, sl):
                    cp.start()

            compute(sl)
            scatter_copy(sl).start(add=True)

        def chunk(i, carry):
            @pl.when(i % 2 == 0)
            def _():
                step(i, 0)

            @pl.when(i % 2 == 1)
            def _():
                step(i, 1)

            return carry

        lax.fori_loop(0, nchunks, chunk, 0)
        if nchunks > 1:
            scatter_copy(slots[1]).wait()
        scatter_copy(slots[0]).wait()
        plsc.subcore_barrier()
        pltpu.sync_copy(agg_sh.at[pl.ds(tile_row0, rows_per_tile)],
                        out_h.at[c, pl.ds(tile_row0, rows_per_tile)])

    return k(ei.reshape(2 * E), SA, SB, wd2)


def _stage3_body(h_ref, agg_ref, wh_ref, bh_ref, wfc_ref, bfc_ref, out_ref):
    hv = h_ref[...]
    agg = agg_ref[...]
    Wh = wh_ref[...]
    t = (jnp.dot(hv, Wh[0:H], preferred_element_type=jnp.float32) +
         jnp.dot(agg, Wh[H:2 * H], preferred_element_type=jnp.float32) +
         bh_ref[...])
    hn = _silu(t)
    out_ref[...] = jnp.dot(hn, wfc_ref[...],
                           preferred_element_type=jnp.float32) + bfc_ref[...]


def _stage3(h, agg, W_h, b_h, W_fc, b_fc, interpret=False):
    N = h.shape[0]
    R = 400 if N % 400 == 0 else N
    grid = N // R
    full = lambda shape: pl.BlockSpec(shape, lambda i: (0, 0))
    row_blk = lambda w: pl.BlockSpec((R, w), lambda i: (i, 0))
    return pl.pallas_call(
        _stage3_body,
        grid=(grid,),
        in_specs=[row_blk(H), row_blk(H), full((2 * H, H)), full((1, H)),
                  full((H, 3)), full((1, 3))],
        out_specs=row_blk(3),
        out_shape=jax.ShapeDtypeStruct((N, 3), jnp.float32),
        interpret=interpret,
    )(h, agg, W_h, b_h.reshape(1, H), W_fc, b_fc.reshape(1, 3))


def kernel(pos, edge_index, W_embed, b_embed, W_e, b_e, W_h, b_h, W_fc, b_fc):
    N = pos.shape[0]
    E = edge_index.shape[1]
    h, sa0, sa1, sb0, sb1 = _stage1(pos, W_embed, b_embed, W_e, b_e)
    SA = jnp.concatenate([sa0, sa1], axis=0)
    SB = jnp.concatenate([sb0, sb1], axis=0)
    wd2 = W_e[2 * H].reshape(NC, HH)
    aggs = _sc_edge(edge_index, SA, SB, wd2, N, E)
    agg = jnp.concatenate([aggs[0, :N], aggs[1, :N]], axis=1)
    return _stage3(h, agg, W_h, b_h, W_fc, b_fc)

# --- scband reference (transcript-rebuilt; emitter-appended) ---
"""Pipeline reference for scband-dipole-egnn-21208548508375 (READ-ONLY COPY).

The authoritative reference and input builder live on the scoring server;
editing this copy changes nothing except your own understanding.
"""

import jax, jax.numpy as jnp
import numpy as np

N = 50000
E = 800000
H = 64

def setup_inputs(seed: int = 0) -> dict:
    key = jax.random.key(seed)
    ks = jax.random.split(key, 12)
    pos = jax.random.normal(ks[0], (N, 3), dtype=jnp.float32)
    edge_index = jax.random.randint(ks[1], (2, E), 0, N, dtype=jnp.int32)
    W_embed = jax.random.normal(ks[2], (3, H), dtype=jnp.float32) * (1.0 / np.sqrt(3))
    b_embed = jnp.zeros((H,), dtype=jnp.float32)
    W_e = jax.random.normal(ks[3], (2 * H + 1, H), dtype=jnp.float32) * (1.0 / np.sqrt(2 * H + 1))
    b_e = jnp.zeros((H,), dtype=jnp.float32)
    W_h = jax.random.normal(ks[4], (2 * H, H), dtype=jnp.float32) * (1.0 / np.sqrt(2 * H))
    b_h = jnp.zeros((H,), dtype=jnp.float32)
    W_fc = jax.random.normal(ks[5], (H, 3), dtype=jnp.float32) * (1.0 / np.sqrt(H))
    b_fc = jnp.zeros((3,), dtype=jnp.float32)
    return {"pos": pos, "edge_index": edge_index, "W_embed": W_embed, "b_embed": b_embed,
            "W_e": W_e, "b_e": b_e, "W_h": W_h, "b_h": b_h, "W_fc": W_fc, "b_fc": b_fc}


def reference(pos, edge_index, W_embed, b_embed, W_e, b_e, W_h, b_h, W_fc, b_fc):
    # DipoleEGNN.forward: x = g.ndata['pos']; x = EGNN_Network()(x, g.edges()); x = fc(x)
    src = edge_index[0]
    dst = edge_index[1]
    n = pos.shape[0]
    # node embedding of coordinates -> hidden features
    h = pos @ W_embed + b_embed
    # EGNN edge model: phi_e(h_i, h_j, ||x_i - x_j||^2)
    rel = pos[src] - pos[dst]
    dist2 = jnp.sum(rel * rel, axis=-1, keepdims=True)
    m_in = jnp.concatenate([h[src], h[dst], dist2], axis=-1)
    m = jax.nn.silu(m_in @ W_e + b_e)
    # aggregate messages at destination nodes (scatter-add)
    agg = jax.ops.segment_sum(m, dst, num_segments=n)
    # node update: phi_h(h_i, sum_j m_ij)
    h_new = jax.nn.silu(jnp.concatenate([h, agg], axis=-1) @ W_h + b_h)
    # final fc: Linear(64 -> 3)
    out = h_new @ W_fc + b_fc
    return out

if __name__ == "__main__":
    import jax
    _d = setup_inputs()
    print(jax.jit(kernel)(*tuple(_d.values())))

</pallas_src>

<mosaic_0001>
#map = affine_map<(d0, d1) -> (0)>
#map1 = affine_map<(d0, d1) -> (0, 0)>
#map2 = affine_map<(d0, d1) -> (0, 0, 0)>
module attributes {stable_mosaic.version = 14 : i64} {
  func.func @k(%arg0: i32, %arg1: i32, %arg2: memref<1600000xi32, #tpu.memory_space<hbm>>, %arg3: memref<100000x64xbf16, #tpu.memory_space<hbm>>, %arg4: memref<100000x64xbf16, #tpu.memory_space<hbm>>, %arg5: memref<2x32xf32, #tpu.memory_space<hbm>>, %arg6: memref<2x50048x32xf32, #tpu.memory_space<hbm>>, %arg7: memref<80xi32, #tpu.memory_space<vmem>>, %arg8: memref<80xi32, #tpu.memory_space<vmem>>, %arg9: memref<80xi32, #tpu.memory_space<vmem>>, %arg10: memref<80xi32, #tpu.memory_space<vmem>>, %arg11: memref<80xi32, #tpu.memory_space<vmem>>, %arg12: memref<80xi32, #tpu.memory_space<vmem>>, %arg13: memref<80xi32, #tpu.memory_space<vmem>>, %arg14: memref<80xi32, #tpu.memory_space<vmem>>, %arg15: memref<80x64xbf16, #tpu.memory_space<vmem>>, %arg16: memref<80x64xbf16, #tpu.memory_space<vmem>>, %arg17: memref<80x64xbf16, #tpu.memory_space<vmem>>, %arg18: memref<80x64xbf16, #tpu.memory_space<vmem>>, %arg19: memref<80x32xf32, #tpu.memory_space<vmem>>, %arg20: memref<80x32xf32, #tpu.memory_space<vmem>>, %arg21: memref<32xf32, #tpu.memory_space<vmem>>, %arg22: memref<136x32xf32, #tpu.memory_space<vmem>>, %arg23: memref<50048x32xf32, #tpu.memory_space<vmem_shared>>, %arg24: memref<!tpu.dma_semaphore, #tpu.memory_space<semaphore_mem>>, %arg25: memref<!tpu.dma_semaphore, #tpu.memory_space<semaphore_mem>>, %arg26: memref<!tpu.dma_semaphore, #tpu.memory_space<semaphore_mem>>, %arg27: memref<!tpu.dma_semaphore, #tpu.memory_space<semaphore_mem>>, %arg28: memref<!tpu.dma_semaphore, #tpu.memory_space<semaphore_mem>>, %arg29: memref<!tpu.dma_semaphore, #tpu.memory_space<semaphore_mem>>) attributes {dimension_semantics = [#tpu.dimension_semantics<core_parallel>, #tpu.dimension_semantics<subcore_parallel>], iteration_bounds = array<i64: 2, 16>, scalar_prefetch = 0 : i64, scratch_operands = 23 : i64, tpu.core_type = #tpu.core_type<sc_vector_subcore>, window_params = [{transform_indices = #map}, {transform_indices = #map1}, {transform_indices = #map1}, {transform_indices = #map1}, {transform_indices = #map2}]} {
    %mul3A = arith.constant 50000 : i32
    %mul3A_0 = arith.muli %arg0, %mul3A : i32
    "tpu.region"() ({
      %run_scoped3A = tpu.sem_alloc : memref<!tpu.dma_semaphore, #tpu.memory_space<semaphore_mem>>
      %dma_start3A_121 = arith.constant 0 : i32
      %dma_start3A_122 = tpu.memref_slice %arg5[%arg0, %dma_start3A_121] : memref<2x32xf32, #tpu.memory_space<hbm>> -> memref<1x32xf32, #tpu.memory_space<hbm>>
      %dma_start3A_123 = tpu.memref_squeeze %dma_start3A_122 : memref<1x32xf32, #tpu.memory_space<hbm>> -> memref<32xf32, #tpu.memory_space<hbm>>
      %dma_start3A_124 = arith.constant 0 : i32
      %dma_start3A_125 = tpu.memref_slice %arg5[%arg0, %dma_start3A_124] : memref<2x32xf32, #tpu.memory_space<hbm>> -> memref<1x32xf32, #tpu.memory_space<hbm>>
      %dma_start3A_126 = tpu.memref_squeeze %dma_start3A_125 : memref<1x32xf32, #tpu.memory_space<hbm>> -> memref<32xf32, #tpu.memory_space<hbm>>
      tpu.enqueue_dma source(%dma_start3A_126 : memref<32xf32, #tpu.memory_space<hbm>>) target(%arg21 : memref<32xf32, #tpu.memory_space<vmem>>) target_semaphore(%run_scoped3A : memref<!tpu.dma_semaphore, #tpu.memory_space<semaphore_mem>>)
      %dma_wait3A_127 = arith.constant 0 : i32
      %dma_wait3A_128 = tpu.memref_slice %arg5[%arg0, %dma_wait3A_127] : memref<2x32xf32, #tpu.memory_space<hbm>> -> memref<1x32xf32, #tpu.memory_space<hbm>>
      %dma_wait3A_129 = tpu.memref_squeeze %dma_wait3A_128 : memref<1x32xf32, #tpu.memory_space<hbm>> -> memref<32xf32, #tpu.memory_space<hbm>>
      %dma_wait3A_130 = arith.constant 0 : i32
      %dma_wait3A_131 = tpu.memref_slice %arg5[%arg0, %dma_wait3A_130] : memref<2x32xf32, #tpu.memory_space<hbm>> -> memref<1x32xf32, #tpu.memory_space<hbm>>
      %dma_wait3A_132 = tpu.memref_squeeze %dma_wait3A_131 : memref<1x32xf32, #tpu.memory_space<hbm>> -> memref<32xf32, #tpu.memory_space<hbm>>
      tpu.wait_dma2 semaphore(%run_scoped3A : memref<!tpu.dma_semaphore, #tpu.memory_space<semaphore_mem>>) src(%dma_wait3A_132 : memref<32xf32, #tpu.memory_space<hbm>>) dst(%arg21 : memref<32xf32, #tpu.memory_space<vmem>>)
      tpu.yield
    }) : () -> ()
    %get3A = arith.constant 0 : index
    %get3A_1 = tpu.vector_load %arg21[%get3A] {strides = array<i32>} : memref<32xf32, #tpu.memory_space<vmem>>, vector<16xf32>,
    %get3A_2 = arith.constant 16 : index
    %get3A_3 = tpu.vector_load %arg21[%get3A_2] {strides = array<i32>} : memref<32xf32, #tpu.memory_space<vmem>>, vector<16xf32>,
    %broadcast_in_dim3A = arith.constant 0.000000e+00 : f32
    %broadcast_in_dim3A_4 = vector.broadcast %broadcast_in_dim3A : f32 to vector<16xf32>
    %scan3A = arith.constant 0 : i32
    %scan3A_5 = arith.constant 0 : i32
    %scan3A_6 = arith.constant 136 : i32
    %scan3A_7 = arith.addi %scan3A_5, %scan3A_6 : i32
    %scan3A_8 = arith.constant 1 : i32
    scf.for %scan3A_121 = %scan3A_5 to %scan3A_7 step %scan3A_8  : i32 {
      %swap3A_122 = arith.index_cast %scan3A_121 : i32 to index
      %swap3A_123 = arith.constant 0 : index
      %swap3A_124 = tpu.vector_load %arg22[%swap3A_122, %swap3A_123] {strides = array<i32>} : memref<136x32xf32, #tpu.memory_space<vmem>>, vector<16xf32>,
      tpu.vector_store %arg22[%swap3A_122, %swap3A_123], %broadcast_in_dim3A_4 {strides = array<i32>} : memref<136x32xf32, #tpu.memory_space<vmem>>, vector<16xf32>,
      %swap3A_125 = arith.index_cast %scan3A_121 : i32 to index
      %swap3A_126 = arith.constant 16 : index
      %swap3A_127 = tpu.vector_load %arg22[%swap3A_125, %swap3A_126] {strides = array<i32>} : memref<136x32xf32, #tpu.memory_space<vmem>>, vector<16xf32>,
      tpu.vector_store %arg22[%swap3A_125, %swap3A_126], %broadcast_in_dim3A_4 {strides = array<i32>} : memref<136x32xf32, #tpu.memory_space<vmem>>, vector<16xf32>,
    }
    %scan3A_9 = arith.constant 136 : i32
    %mul3A_10 = arith.constant 3128 : i32
    %mul3A_11 = arith.muli %arg1, %mul3A_10 : i32
    %scan3A_12 = arith.constant 0 : i32
    %scan3A_13 = arith.constant 0 : i32
    %scan3A_14 = arith.constant 23 : i32
    %scan3A_15 = arith.addi %scan3A_13, %scan3A_14 : i32
    %scan3A_16 = arith.constant 1 : i32
    scf.for %scan3A_121 = %scan3A_13 to %scan3A_15 step %scan3A_16  : i32 {
      %mul3A_122 = arith.constant 136 : i32
      %mul3A_123 = arith.muli %scan3A_121, %mul3A_122 : i32
      %add3A_124 = arith.addi %mul3A_11, %mul3A_123 : i32
      "tpu.region"() ({
        %run_scoped3A = tpu.sem_alloc : memref<!tpu.dma_semaphore, #tpu.memory_space<semaphore_mem>>
        %dma_start3A_125 = arith.constant 0 : i32
        %dma_start3A_126 = tpu.memref_slice %arg23[%add3A_124, %dma_start3A_125] : memref<50048x32xf32, #tpu.memory_space<vmem_shared>> -> memref<136x32xf32, #tpu.memory_space<vmem_shared>>
        %dma_start3A_127 = arith.constant 0 : i32
        %dma_start3A_128 = tpu.memref_slice %arg23[%add3A_124, %dma_start3A_127] : memref<50048x32xf32, #tpu.memory_space<vmem_shared>> -> memref<136x32xf32, #tpu.memory_space<vmem_shared>>
        tpu.enqueue_dma source(%arg22 : memref<136x32xf32, #tpu.memory_space<vmem>>) target(%dma_start3A_128 : memref<136x32xf32, #tpu.memory_space<vmem_shared>>) target_semaphore(%run_scoped3A : memref<!tpu.dma_semaphore, #tpu.memory_space<semaphore_mem>>)
        %dma_wait3A_129 = arith.constant 0 : i32
        %dma_wait3A_130 = tpu.memref_slice %arg23[%add3A_124, %dma_wait3A_129] : memref<50048x32xf32, #tpu.memory_space<vmem_shared>> -> memref<136x32xf32, #tpu.memory_space<vmem_shared>>
        %dma_wait3A_131 = arith.constant 0 : i32
        %dma_wait3A_132 = tpu.memref_slice %arg23[%add3A_124, %dma_wait3A_131] : memref<50048x32xf32, #tpu.memory_space<vmem_shared>> -> memref<136x32xf32, #tpu.memory_space<vmem_shared>>
        tpu.wait_dma2 semaphore(%run_scoped3A : memref<!tpu.dma_semaphore, #tpu.memory_space<semaphore_mem>>) src(%arg22 : memref<136x32xf32, #tpu.memory_space<vmem>>) dst(%dma_wait3A_132 : memref<136x32xf32, #tpu.memory_space<vmem_shared>>)
        tpu.yield
      }) : () -> ()
    }
    %scan3A_17 = arith.constant 23 : i32
    %barrier3A = arith.constant 0 : index
    tpu.barrier barrier_id(%barrier3A)
    %mul3A_18 = arith.constant 50000 : i32
    %mul3A_19 = arith.muli %arg1, %mul3A_18 : i32
    %add3A = arith.constant 0 : i32
    %add3A_20 = arith.addi %mul3A_19, %add3A : i32
    %multiple_of3A = tpu.assume_multiple %add3A_20, 8 : i32
    %add3A_21 = arith.constant 800000 : i32
    %add3A_22 = arith.addi %add3A_21, %multiple_of3A : i32
    %dma_start3A = tpu.memref_slice %arg2[%multiple_of3A] : memref<1600000xi32, #tpu.memory_space<hbm>> -> memref<80xi32, #tpu.memory_space<hbm>>
    %dma_start3A_23 = tpu.memref_slice %arg2[%multiple_of3A] : memref<1600000xi32, #tpu.memory_space<hbm>> -> memref<80xi32, #tpu.memory_space<hbm>>
    tpu.enqueue_dma source(%dma_start3A_23 : memref<80xi32, #tpu.memory_space<hbm>>) target(%arg7 : memref<80xi32, #tpu.memory_space<vmem>>) target_semaphore(%arg24 : memref<!tpu.dma_semaphore, #tpu.memory_space<semaphore_mem>>)
    %dma_start3A_24 = tpu.memref_slice %arg2[%add3A_22] : memref<1600000xi32, #tpu.memory_space<hbm>> -> memref<80xi32, #tpu.memory_space<hbm>>
    %dma_start3A_25 = tpu.memref_slice %arg2[%add3A_22] : memref<1600000xi32, #tpu.memory_space<hbm>> -> memref<80xi32, #tpu.memory_space<hbm>>
    tpu.enqueue_dma source(%dma_start3A_25 : memref<80xi32, #tpu.memory_space<hbm>>) target(%arg9 : memref<80xi32, #tpu.memory_space<vmem>>) target_semaphore(%arg24 : memref<!tpu.dma_semaphore, #tpu.memory_space<semaphore_mem>>)
    %add3A_26 = arith.constant 80 : i32
    %add3A_27 = arith.addi %mul3A_19, %add3A_26 : i32
    %multiple_of3A_28 = tpu.assume_multiple %add3A_27, 8 : i32
    %add3A_29 = arith.constant 800000 : i32
    %add3A_30 = arith.addi %add3A_29, %multiple_of3A_28 : i32
    %dma_start3A_31 = tpu.memref_slice %arg2[%multiple_of3A_28] : memref<1600000xi32, #tpu.memory_space<hbm>> -> memref<80xi32, #tpu.memory_space<hbm>>
    %dma_start3A_32 = tpu.memref_slice %arg2[%multiple_of3A_28] : memref<1600000xi32, #tpu.memory_space<hbm>> -> memref<80xi32, #tpu.memory_space<hbm>>
    tpu.enqueue_dma source(%dma_start3A_32 : memref<80xi32, #tpu.memory_space<hbm>>) target(%arg8 : memref<80xi32, #tpu.memory_space<vmem>>) target_semaphore(%arg25 : memref<!tpu.dma_semaphore, #tpu.memory_space<semaphore_mem>>)
    %dma_start3A_33 = tpu.memref_slice %arg2[%add3A_30] : memref<1600000xi32, #tpu.memory_space<hbm>> -> memref<80xi32, #tpu.memory_space<hbm>>
    %dma_start3A_34 = tpu.memref_slice %arg2[%add3A_30] : memref<1600000xi32, #tpu.memory_space<hbm>> -> memref<80xi32, #tpu.memory_space<hbm>>
    tpu.enqueue_dma source(%dma_start3A_34 : memref<80xi32, #tpu.memory_space<hbm>>) target(%arg10 : memref<80xi32, #tpu.memory_space<vmem>>) target_semaphore(%arg25 : memref<!tpu.dma_semaphore, #tpu.memory_space<semaphore_mem>>)
    %add3A_35 = arith.constant 0 : i32
    %add3A_36 = arith.addi %mul3A_19, %add3A_35 : i32
    %multiple_of3A_37 = tpu.assume_multiple %add3A_36, 8 : i32
    %add3A_38 = arith.constant 800000 : i32
    %add3A_39 = arith.addi %add3A_38, %multiple_of3A_37 : i32
    %dma_wait3A = tpu.memref_slice %arg2[%multiple_of3A_37] : memref<1600000xi32, #tpu.memory_space<hbm>> -> memref<80xi32, #tpu.memory_space<hbm>>
    %dma_wait3A_40 = tpu.memref_slice %arg2[%multiple_of3A_37] : memref<1600000xi32, #tpu.memory_space<hbm>> -> memref<80xi32, #tpu.memory_space<hbm>>
    tpu.wait_dma2 semaphore(%arg24 : memref<!tpu.dma_semaphore, #tpu.memory_space<semaphore_mem>>) src(%dma_wait3A_40 : memref<80xi32, #tpu.memory_space<hbm>>) dst(%arg7 : memref<80xi32, #tpu.memory_space<vmem>>)
    %dma_wait3A_41 = tpu.memref_slice %arg2[%add3A_39] : memref<1600000xi32, #tpu.memory_space<hbm>> -> memref<80xi32, #tpu.memory_space<hbm>>
    %dma_wait3A_42 = tpu.memref_slice %arg2[%add3A_39] : memref<1600000xi32, #tpu.memory_space<hbm>> -> memref<80xi32, #tpu.memory_space<hbm>>
    tpu.wait_dma2 semaphore(%arg24 : memref<!tpu.dma_semaphore, #tpu.memory_space<semaphore_mem>>) src(%dma_wait3A_42 : memref<80xi32, #tpu.memory_space<hbm>>) dst(%arg9 : memref<80xi32, #tpu.memory_space<vmem>>)
    %get3A_43 = arith.constant 0 : index
    %get3A_44 = tpu.vector_load %arg7[%get3A_43] {strides = array<i32>} : memref<80xi32, #tpu.memory_space<vmem>>, vector<16xi32>,
    %add3A_45 = vector.broadcast %mul3A_0 : i32 to vector<16xi32>
    %add3A_46 = arith.addi %get3A_44, %add3A_45 : vector<16xi32>
    %swap3A = arith.constant 0 : index
    %swap3A_47 = tpu.vector_load %arg7[%swap3A] {strides = array<i32>} : memref<80xi32, #tpu.memory_space<vmem>>, vector<16xi32>,
    tpu.vector_store %arg7[%swap3A], %add3A_46 {strides = array<i32>} : memref<80xi32, #tpu.memory_space<vmem>>, vector<16xi32>,
    %get3A_48 = arith.constant 0 : index
    %get3A_49 = tpu.vector_load %arg9[%get3A_48] {strides = array<i32>} : memref<80xi32, #tpu.memory_space<vmem>>, vector<16xi32>,
    %add3A_50 = vector.broadcast %mul3A_0 : i32 to vector<16xi32>
    %add3A_51 = arith.addi %get3A_49, %add3A_50 : vector<16xi32>
    %swap3A_52 = arith.constant 0 : index
    %swap3A_53 = tpu.vector_load %arg11[%swap3A_52] {strides = array<i32>} : memref<80xi32, #tpu.memory_space<vmem>>, vector<16xi32>,
    tpu.vector_store %arg11[%swap3A_52], %add3A_51 {strides = array<i32>} : memref<80xi32, #tpu.memory_space<vmem>>, vector<16xi32>,
    %get3A_54 = arith.constant 16 : index
    %get3A_55 = tpu.vector_load %arg7[%get3A_54] {strides = array<i32>} : memref<80xi32, #tpu.memory_space<vmem>>, vector<16xi32>,
    %add3A_56 = vector.broadcast %mul3A_0 : i32 to vector<16xi32>
    %add3A_57 = arith.addi %get3A_55, %add3A_56 : vector<16xi32>
    %swap3A_58 = arith.constant 16 : index
    %swap3A_59 = tpu.vector_load %arg7[%swap3A_58] {strides = array<i32>} : memref<80xi32, #tpu.memory_space<vmem>>, vector<16xi32>,
    tpu.vector_store %arg7[%swap3A_58], %add3A_57 {strides = array<i32>} : memref<80xi32, #tpu.memory_space<vmem>>, vector<16xi32>,
    %get3A_60 = arith.constant 16 : index
    %get3A_61 = tpu.vector_load %arg9[%get3A_60] {strides = array<i32>} : memref<80xi32, #tpu.memory_space<vmem>>, vector<16xi32>,
    %add3A_62 = vector.broadcast %mul3A_0 : i32 to vector<16xi32>
    %add3A_63 = arith.addi %get3A_61, %add3A_62 : vector<16xi32>
    %swap3A_64 = arith.constant 16 : index
    %swap3A_65 = tpu.vector_load %arg11[%swap3A_64] {strides = array<i32>} : memref<80xi32, #tpu.memory_space<vmem>>, vector<16xi32>,
    tpu.vector_store %arg11[%swap3A_64], %add3A_63 {strides = array<i32>} : memref<80xi32, #tpu.memory_space<vmem>>, vector<16xi32>,
    %get3A_66 = arith.constant 32 : index
    %get3A_67 = tpu.vector_load %arg7[%get3A_66] {strides = array<i32>} : memref<80xi32, #tpu.memory_space<vmem>>, vector<16xi32>,
    %add3A_68 = vector.broadcast %mul3A_0 : i32 to vector<16xi32>
    %add3A_69 = arith.addi %get3A_67, %add3A_68 : vector<16xi32>
    %swap3A_70 = arith.constant 32 : index
    %swap3A_71 = tpu.vector_load %arg7[%swap3A_70] {strides = array<i32>} : memref<80xi32, #tpu.memory_space<vmem>>, vector<16xi32>,
    tpu.vector_store %arg7[%swap3A_70], %add3A_69 {strides = array<i32>} : memref<80xi32, #tpu.memory_space<vmem>>, vector<16xi32>,
    %get3A_72 = arith.constant 32 : index
    %get3A_73 = tpu.vector_load %arg9[%get3A_72] {strides = array<i32>} : memref<80xi32, #tpu.memory_space<vmem>>, vector<16xi32>,
    %add3A_74 = vector.broadcast %mul3A_0 : i32 to vector<16xi32>
    %add3A_75 = arith.addi %get3A_73, %add3A_74 : vector<16xi32>
    %swap3A_76 = arith.constant 32 : index
    %swap3A_77 = tpu.vector_load %arg11[%swap3A_76] {strides = array<i32>} : memref<80xi32, #tpu.memory_space<vmem>>, vector<16xi32>,
    tpu.vector_store %arg11[%swap3A_76], %add3A_75 {strides = array<i32>} : memref<80xi32, #tpu.memory_space<vmem>>, vector<16xi32>,
    %get3A_78 = arith.constant 48 : index
    %get3A_79 = tpu.vector_load %arg7[%get3A_78] {strides = array<i32>} : memref<80xi32, #tpu.memory_space<vmem>>, vector<16xi32>,
    %add3A_80 = vector.broadcast %mul3A_0 : i32 to vector<16xi32>
    %add3A_81 = arith.addi %get3A_79, %add3A_80 : vector<16xi32>
    %swap3A_82 = arith.constant 48 : index
    %swap3A_83 = tpu.vector_load %arg7[%swap3A_82] {strides = array<i32>} : memref<80xi32, #tpu.memory_space<vmem>>, vector<16xi32>,
    tpu.vector_store %arg7[%swap3A_82], %add3A_81 {strides = array<i32>} : memref<80xi32, #tpu.memory_space<vmem>>, vector<16xi32>,
    %get3A_84 = arith.constant 48 : index
    %get3A_85 = tpu.vector_load %arg9[%get3A_84] {strides = array<i32>} : memref<80xi32, #tpu.memory_space<vmem>>, vector<16xi32>,
    %add3A_86 = vector.broadcast %mul3A_0 : i32 to vector<16xi32>
    %add3A_87 = arith.addi %get3A_85, %add3A_86 : vector<16xi32>
    %swap3A_88 = arith.constant 48 : index
    %swap3A_89 = tpu.vector_load %arg11[%swap3A_88] {strides = array<i32>} : memref<80xi32, #tpu.memory_space<vmem>>, vector<16xi32>,
    tpu.vector_store %arg11[%swap3A_88], %add3A_87 {strides = array<i32>} : memref<80xi32, #tpu.memory_space<vmem>>, vector<16xi32>,
    %get3A_90 = arith.constant 64 : index
    %get3A_91 = tpu.vector_load %arg7[%get3A_90] {strides = array<i32>} : memref<80xi32, #tpu.memory_space<vmem>>, vector<16xi32>,
    %add3A_92 = vector.broadcast %mul3A_0 : i32 to vector<16xi32>
    %add3A_93 = arith.addi %get3A_91, %add3A_92 : vector<16xi32>
    %swap3A_94 = arith.constant 64 : index
    %swap3A_95 = tpu.vector_load %arg7[%swap3A_94] {strides = array<i32>} : memref<80xi32, #tpu.memory_space<vmem>>, vector<16xi32>,
    tpu.vector_store %arg7[%swap3A_94], %add3A_93 {strides = array<i32>} : memref<80xi32, #tpu.memory_space<vmem>>, vector<16xi32>,
    %get3A_96 = arith.constant 64 : index
    %get3A_97 = tpu.vector_load %arg9[%get3A_96] {strides = array<i32>} : memref<80xi32, #tpu.memory_space<vmem>>, vector<16xi32>,
    %add3A_98 = vector.broadcast %mul3A_0 : i32 to vector<16xi32>
    %add3A_99 = arith.addi %get3A_97, %add3A_98 : vector<16xi32>
    %swap3A_100 = arith.constant 64 : index
    %swap3A_101 = tpu.vector_load %arg11[%swap3A_100] {strides = array<i32>} : memref<80xi32, #tpu.memory_space<vmem>>, vector<16xi32>,
    tpu.vector_store %arg11[%swap3A_100], %add3A_99 {strides = array<i32>} : memref<80xi32, #tpu.memory_space<vmem>>, vector<16xi32>,
    %dma_start3A_102 = arith.constant 0 : i32
    %dma_start3A_103 = arith.constant 0 : i32
    %dma_start3A_104 = tpu.memref_slice %arg3[%dma_start3A_102, %dma_start3A_103] : memref<100000x64xbf16, #tpu.memory_space<hbm>> -> memref<100000x64xbf16, #tpu.memory_space<hbm>>
    tpu.enqueue_indirect_dma source(%dma_start3A_104 : memref<100000x64xbf16, #tpu.memory_space<hbm>>) target(%arg15 : memref<80x64xbf16, #tpu.memory_space<vmem>>) offsets(%arg7 : memref<80xi32, #tpu.memory_space<vmem>>) semaphore(%arg26 : memref<!tpu.dma_semaphore, #tpu.memory_space<semaphore_mem>>)
    %dma_start3A_105 = arith.constant 0 : i32
    %dma_start3A_106 = arith.constant 0 : i32
    %dma_start3A_107 = tpu.memref_slice %arg4[%dma_start3A_105, %dma_start3A_106] : memref<100000x64xbf16, #tpu.memory_space<hbm>> -> memref<100000x64xbf16, #tpu.memory_space<hbm>>
    tpu.enqueue_indirect_dma source(%dma_start3A_107 : memref<100000x64xbf16, #tpu.memory_space<hbm>>) target(%arg17 : memref<80x64xbf16, #tpu.memory_space<vmem>>) offsets(%arg11 : memref<80xi32, #tpu.memory_space<vmem>>) semaphore(%arg26 : memref<!tpu.dma_semaphore, #tpu.memory_space<semaphore_mem>>)
    %scan3A_108 = arith.constant 0 : i32
    %scan3A_109 = arith.constant 0 : i32
    %scan3A_110 = arith.constant 625 : i32
    %scan3A_111 = arith.addi %scan3A_109, %scan3A_110 : i32
    %scan3A_112 = arith.constant 1 : i32
    scf.for %scan3A_121 = %scan3A_109 to %scan3A_111 step %scan3A_112  : i32 {
      %jit3A = arith.constant 2 : i32
      %eq3A = arith.constant 0 : i32
      %eq3A_122 = arith.cmpi eq, %jit3A, %eq3A : i32
      %jit3A_123 = arith.constant 1 : i32
      %select_n3A = arith.select %eq3A_122, %jit3A_123, %jit3A : i32
      %rem3A = arith.remsi %scan3A_121, %select_n3A : i32
      %ne3A = arith.constant 0 : i32
      %ne3A_124 = arith.cmpi ne, %rem3A, %ne3A : i32
      %lt3A = arith.constant 0 : i32
      %lt3A_125 = arith.cmpi slt, %rem3A, %lt3A : i32
      %lt3A_126 = arith.constant 0 : i32
      %lt3A_127 = arith.cmpi slt, %select_n3A, %lt3A_126 : i32
      %ne3A_128 = arith.xori %lt3A_125, %lt3A_127 : i1
      %and3A = arith.andi %ne3A_128, %ne3A_124 : i1
      %add3A_129 = arith.addi %rem3A, %select_n3A : i32
      %select_n3A_130 = arith.select %and3A, %add3A_129, %rem3A : i32
      %eq3A_131 = arith.constant 0 : i32
      %eq3A_132 = arith.cmpi eq, %select_n3A_130, %eq3A_131 : i32
      %convert_element_type3A = arith.extui %eq3A_132 : i1 to i32
      %cond3A = arith.constant 0 : i32
      %cond3A_133 = arith.cmpi ne, %convert_element_type3A, %cond3A : i32
      scf.if %cond3A_133 {
        %lt3A_155 = arith.constant 624 : i32
        %lt3A_156 = arith.cmpi slt, %scan3A_121, %lt3A_155 : i32
        %convert_element_type3A_157 = arith.extui %lt3A_156 : i1 to i32
        %cond3A_158 = arith.constant 0 : i32
        %cond3A_159 = arith.cmpi ne, %convert_element_type3A_157, %cond3A_158 : i32
        scf.if %cond3A_159 {
          %add3A_204 = arith.constant 1 : i32
          %add3A_205 = arith.addi %scan3A_121, %add3A_204 : i32
          %mul3A_206 = arith.constant 80 : i32
          %mul3A_207 = arith.muli %add3A_205, %mul3A_206 : i32
          %add3A_208 = arith.addi %mul3A_19, %mul3A_207 : i32
          %multiple_of3A_209 = tpu.assume_multiple %add3A_208, 8 : i32
          %add3A_210 = arith.constant 800000 : i32
          %add3A_211 = arith.addi %add3A_210, %multiple_of3A_209 : i32
          %dma_wait3A_212 = tpu.memref_slice %arg2[%multiple_of3A_209] : memref<1600000xi32, #tpu.memory_space<hbm>> -> memref<80xi32, #tpu.memory_space<hbm>>
          %dma_wait3A_213 = tpu.memref_slice %arg2[%multiple_of3A_209] : memref<1600000xi32, #tpu.memory_space<hbm>> -> memref<80xi32, #tpu.memory_space<hbm>>
          tpu.wait_dma2 semaphore(%arg25 : memref<!tpu.dma_semaphore, #tpu.memory_space<semaphore_mem>>) src(%dma_wait3A_213 : memref<80xi32, #tpu.memory_space<hbm>>) dst(%arg8 : memref<80xi32, #tpu.memory_space<vmem>>)
          %dma_wait3A_214 = tpu.memref_slice %arg2[%add3A_211] : memref<1600000xi32, #tpu.memory_space<hbm>> -> memref<80xi32, #tpu.memory_space<hbm>>
          %dma_wait3A_215 = tpu.memref_slice %arg2[%add3A_211] : memref<1600000xi32, #tpu.memory_space<hbm>> -> memref<80xi32, #tpu.memory_space<hbm>>
          tpu.wait_dma2 semaphore(%arg25 : memref<!tpu.dma_semaphore, #tpu.memory_space<semaphore_mem>>) src(%dma_wait3A_215 : memref<80xi32, #tpu.memory_space<hbm>>) dst(%arg10 : memref<80xi32, #tpu.memory_space<vmem>>)
          %get3A_216 = arith.constant 0 : index
          %get3A_217 = tpu.vector_load %arg8[%get3A_216] {strides = array<i32>} : memref<80xi32, #tpu.memory_space<vmem>>, vector<16xi32>,
          %add3A_218 = vector.broadcast %mul3A_0 : i32 to vector<16xi32>
          %add3A_219 = arith.addi %get3A_217, %add3A_218 : vector<16xi32>
          %swap3A_220 = arith.constant 0 : index
          %swap3A_221 = tpu.vector_load %arg8[%swap3A_220] {strides = array<i32>} : memref<80xi32, #tpu.memory_space<vmem>>, vector<16xi32>,
          tpu.vector_store %arg8[%swap3A_220], %add3A_219 {strides = array<i32>} : memref<80xi32, #tpu.memory_space<vmem>>, vector<16xi32>,
          %get3A_222 = arith.constant 0 : index
          %get3A_223 = tpu.vector_load %arg10[%get3A_222] {strides = array<i32>} : memref<80xi32, #tpu.memory_space<vmem>>, vector<16xi32>,
          %add3A_224 = vector.broadcast %mul3A_0 : i32 to vector<16xi32>
          %add3A_225 = arith.addi %get3A_223, %add3A_224 : vector<16xi32>
          %swap3A_226 = arith.constant 0 : index
          %swap3A_227 = tpu.vector_load %arg12[%swap3A_226] {strides = array<i32>} : memref<80xi32, #tpu.memory_space<vmem>>, vector<16xi32>,
          tpu.vector_store %arg12[%swap3A_226], %add3A_225 {strides = array<i32>} : memref<80xi32, #tpu.memory_space<vmem>>, vector<16xi32>,
          %get3A_228 = arith.constant 16 : index
          %get3A_229 = tpu.vector_load %arg8[%get3A_228] {strides = array<i32>} : memref<80xi32, #tpu.memory_space<vmem>>, vector<16xi32>,
          %add3A_230 = vector.broadcast %mul3A_0 : i32 to vector<16xi32>
          %add3A_231 = arith.addi %get3A_229, %add3A_230 : vector<16xi32>
          %swap3A_232 = arith.constant 16 : index
          %swap3A_233 = tpu.vector_load %arg8[%swap3A_232] {strides = array<i32>} : memref<80xi32, #tpu.memory_space<vmem>>, vector<16xi32>,
          tpu.vector_store %arg8[%swap3A_232], %add3A_231 {strides = array<i32>} : memref<80xi32, #tpu.memory_space<vmem>>, vector<16xi32>,
          %get3A_234 = arith.constant 16 : index
          %get3A_235 = tpu.vector_load %arg10[%get3A_234] {strides = array<i32>} : memref<80xi32, #tpu.memory_space<vmem>>, vector<16xi32>,
          %add3A_236 = vector.broadcast %mul3A_0 : i32 to vector<16xi32>
          %add3A_237 = arith.addi %get3A_235, %add3A_236 : vector<16xi32>
          %swap3A_238 = arith.constant 16 : index
          %swap3A_239 = tpu.vector_load %arg12[%swap3A_238] {strides = array<i32>} : memref<80xi32, #tpu.memory_space<vmem>>, vector<16xi32>,
          tpu.vector_store %arg12[%swap3A_238], %add3A_237 {strides = array<i32>} : memref<80xi32, #tpu.memory_space<vmem>>, vector<16xi32>,
          %get3A_240 = arith.constant 32 : index
          %get3A_241 = tpu.vector_load %arg8[%get3A_240] {strides = array<i32>} : memref<80xi32, #tpu.memory_space<vmem>>, vector<16xi32>,
          %add3A_242 = vector.broadcast %mul3A_0 : i32 to vector<16xi32>
          %add3A_243 = arith.addi %get3A_241, %add3A_242 : vector<16xi32>
          %swap3A_244 = arith.constant 32 : index
          %swap3A_245 = tpu.vector_load %arg8[%swap3A_244] {strides = array<i32>} : memref<80xi32, #tpu.memory_space<vmem>>, vector<16xi32>,
          tpu.vector_store %arg8[%swap3A_244], %add3A_243 {strides = array<i32>} : memref<80xi32, #tpu.memory_space<vmem>>, vector<16xi32>,
          %get3A_246 = arith.constant 32 : index
          %get3A_247 = tpu.vector_load %arg10[%get3A_246] {strides = array<i32>} : memref<80xi32, #tpu.memory_space<vmem>>, vector<16xi32>,
          %add3A_248 = vector.broadcast %mul3A_0 : i32 to vector<16xi32>
          %add3A_249 = arith.addi %get3A_247, %add3A_248 : vector<16xi32>
          %swap3A_250 = arith.constant 32 : index
          %swap3A_251 = tpu.vector_load %arg12[%swap3A_250] {strides = array<i32>} : memref<80xi32, #tpu.memory_space<vmem>>, vector<16xi32>,
          tpu.vector_store %arg12[%swap3A_250], %add3A_249 {strides = array<i32>} : memref<80xi32, #tpu.memory_space<vmem>>, vector<16xi32>,
          %get3A_252 = arith.constant 48 : index
          %get3A_253 = tpu.vector_load %arg8[%get3A_252] {strides = array<i32>} : memref<80xi32, #tpu.memory_space<vmem>>, vector<16xi32>,
          %add3A_254 = vector.broadcast %mul3A_0 : i32 to vector<16xi32>
          %add3A_255 = arith.addi %get3A_253, %add3A_254 : vector<16xi32>
          %swap3A_256 = arith.constant 48 : index
          %swap3A_257 = tpu.vector_load %arg8[%swap3A_256] {strides = array<i32>} : memref<80xi32, #tpu.memory_space<vmem>>, vector<16xi32>,
          tpu.vector_store %arg8[%swap3A_256], %add3A_255 {strides = array<i32>} : memref<80xi32, #tpu.memory_space<vmem>>, vector<16xi32>,
          %get3A_258 = arith.constant 48 : index
          %get3A_259 = tpu.vector_load %arg10[%get3A_258] {strides = array<i32>} : memref<80xi32, #tpu.memory_space<vmem>>, vector<16xi32>,
          %add3A_260 = vector.broadcast %mul3A_0 : i32 to vector<16xi32>
          %add3A_261 = arith.addi %get3A_259, %add3A_260 : vector<16xi32>
          %swap3A_262 = arith.constant 48 : index
          %swap3A_263 = tpu.vector_load %arg12[%swap3A_262] {strides = array<i32>} : memref<80xi32, #tpu.memory_space<vmem>>, vector<16xi32>,
          tpu.vector_store %arg12[%swap3A_262], %add3A_261 {strides = array<i32>} : memref<80xi32, #tpu.memory_space<vmem>>, vector<16xi32>,
          %get3A_264 = arith.constant 64 : index
          %get3A_265 = tpu.vector_load %arg8[%get3A_264] {strides = array<i32>} : memref<80xi32, #tpu.memory_space<vmem>>, vector<16xi32>,
          %add3A_266 = vector.broadcast %mul3A_0 : i32 to vector<16xi32>
          %add3A_267 = arith.addi %get3A_265, %add3A_266 : vector<16xi32>
          %swap3A_268 = arith.constant 64 : index
          %swap3A_269 = tpu.vector_load %arg8[%swap3A_268] {strides = array<i32>} : memref<80xi32, #tpu.memory_space<vmem>>, vector<16xi32>,
          tpu.vector_store %arg8[%swap3A_268], %add3A_267 {strides = array<i32>} : memref<80xi32, #tpu.memory_space<vmem>>, vector<16xi32>,
          %get3A_270 = arith.constant 64 : index
          %get3A_271 = tpu.vector_load %arg10[%get3A_270] {strides = array<i32>} : memref<80xi32, #tpu.memory_space<vmem>>, vector<16xi32>,
          %add3A_272 = vector.broadcast %mul3A_0 : i32 to vector<16xi32>
          %add3A_273 = arith.addi %get3A_271, %add3A_272 : vector<16xi32>
          %swap3A_274 = arith.constant 64 : index
          %swap3A_275 = tpu.vector_load %arg12[%swap3A_274] {strides = array<i32>} : memref<80xi32, #tpu.memory_space<vmem>>, vector<16xi32>,
          tpu.vector_store %arg12[%swap3A_274], %add3A_273 {strides = array<i32>} : memref<80xi32, #tpu.memory_space<vmem>>, vector<16xi32>,
          %dma_start3A_276 = arith.constant 0 : i32
          %dma_start3A_277 = arith.constant 0 : i32
          %dma_start3A_278 = tpu.memref_slice %arg3[%dma_start3A_276, %dma_start3A_277] : memref<100000x64xbf16, #tpu.memory_space<hbm>> -> memref<100000x64xbf16, #tpu.memory_space<hbm>>
          tpu.enqueue_indirect_dma source(%dma_start3A_278 : memref<100000x64xbf16, #tpu.memory_space<hbm>>) target(%arg16 : memref<80x64xbf16, #tpu.memory_space<vmem>>) offsets(%arg8 : memref<80xi32, #tpu.memory_space<vmem>>) semaphore(%arg27 : memref<!tpu.dma_semaphore, #tpu.memory_space<semaphore_mem>>)
          %dma_start3A_279 = arith.constant 0 : i32
          %dma_start3A_280 = arith.constant 0 : i32
          %dma_start3A_281 = tpu.memref_slice %arg4[%dma_start3A_279, %dma_start3A_280] : memref<100000x64xbf16, #tpu.memory_space<hbm>> -> memref<100000x64xbf16, #tpu.memory_space<hbm>>
          tpu.enqueue_indirect_dma source(%dma_start3A_281 : memref<100000x64xbf16, #tpu.memory_space<hbm>>) target(%arg18 : memref<80x64xbf16, #tpu.memory_space<vmem>>) offsets(%arg12 : memref<80xi32, #tpu.memory_space<vmem>>) semaphore(%arg27 : memref<!tpu.dma_semaphore, #tpu.memory_space<semaphore_mem>>)
        } else {
        }
        %dma_wait3A_160 = arith.constant 0 : i32
        %dma_wait3A_161 = arith.constant 0 : i32
        %dma_wait3A_162 = tpu.memref_slice %arg3[%dma_wait3A_160, %dma_wait3A_161] : memref<100000x64xbf16, #tpu.memory_space<hbm>> -> memref<100000x64xbf16, #tpu.memory_space<hbm>>
        tpu.wait_indirect_dma semaphore(%arg26 : memref<!tpu.dma_semaphore, #tpu.memory_space<semaphore_mem>>) src(%dma_wait3A_162 : memref<100000x64xbf16, #tpu.memory_space<hbm>>) dst(%arg15 : memref<80x64xbf16, #tpu.memory_space<vmem>>)
        %dma_wait3A_163 = arith.constant 0 : i32
        %dma_wait3A_164 = arith.constant 0 : i32
        %dma_wait3A_165 = tpu.memref_slice %arg4[%dma_wait3A_163, %dma_wait3A_164] : memref<100000x64xbf16, #tpu.memory_space<hbm>> -> memref<100000x64xbf16, #tpu.memory_space<hbm>>
        tpu.wait_indirect_dma semaphore(%arg26 : memref<!tpu.dma_semaphore, #tpu.memory_space<semaphore_mem>>) src(%dma_wait3A_165 : memref<100000x64xbf16, #tpu.memory_space<hbm>>) dst(%arg17 : memref<80x64xbf16, #tpu.memory_space<vmem>>)
        %ge3A = arith.constant 2 : i32
        %ge3A_166 = arith.cmpi sge, %scan3A_121, %ge3A : i32
        %convert_element_type3A_167 = arith.extui %ge3A_166 : i1 to i32
        %cond3A_168 = arith.constant 0 : i32
        %cond3A_169 = arith.cmpi ne, %convert_element_type3A_167, %cond3A_168 : i32
        scf.if %cond3A_169 {
          %dma_wait3A_204 = arith.constant 0 : i32
          %dma_wait3A_205 = arith.constant 0 : i32
          %dma_wait3A_206 = tpu.memref_slice %arg23[%dma_wait3A_204, %dma_wait3A_205] : memref<50048x32xf32, #tpu.memory_space<vmem_shared>> -> memref<50048x32xf32, #tpu.memory_space<vmem_shared>>
          tpu.wait_indirect_dma semaphore(%arg28 : memref<!tpu.dma_semaphore, #tpu.memory_space<semaphore_mem>>) src(%arg19 : memref<80x32xf32, #tpu.memory_space<vmem>>) dst(%dma_wait3A_206 : memref<50048x32xf32, #tpu.memory_space<vmem_shared>>)
        } else {
        }
        %get3A_170 = arith.constant 0 : index
        %get3A_171 = tpu.vector_load %arg9[%get3A_170] {strides = array<i32>} : memref<80xi32, #tpu.memory_space<vmem>>, vector<16xi32>,
        %swap3A_172 = arith.constant 0 : index
        %swap3A_173 = tpu.vector_load %arg13[%swap3A_172] {strides = array<i32>} : memref<80xi32, #tpu.memory_space<vmem>>, vector<16xi32>,
        tpu.vector_store %arg13[%swap3A_172], %get3A_171 {strides = array<i32>} : memref<80xi32, #tpu.memory_space<vmem>>, vector<16xi32>,
        %get3A_174 = arith.constant 16 : index
        %get3A_175 = tpu.vector_load %arg9[%get3A_174] {strides = array<i32>} : memref<80xi32, #tpu.memory_space<vmem>>, vector<16xi32>,
        %swap3A_176 = arith.constant 16 : index
        %swap3A_177 = tpu.vector_load %arg13[%swap3A_176] {strides = array<i32>} : memref<80xi32, #tpu.memory_space<vmem>>, vector<16xi32>,
        tpu.vector_store %arg13[%swap3A_176], %get3A_175 {strides = array<i32>} : memref<80xi32, #tpu.memory_space<vmem>>, vector<16xi32>,
        %get3A_178 = arith.constant 32 : index
        %get3A_179 = tpu.vector_load %arg9[%get3A_178] {strides = array<i32>} : memref<80xi32, #tpu.memory_space<vmem>>, vector<16xi32>,
        %swap3A_180 = arith.constant 32 : index
        %swap3A_181 = tpu.vector_load %arg13[%swap3A_180] {strides = array<i32>} : memref<80xi32, #tpu.memory_space<vmem>>, vector<16xi32>,
        tpu.vector_store %arg13[%swap3A_180], %get3A_179 {strides = array<i32>} : memref<80xi32, #tpu.memory_space<vmem>>, vector<16xi32>,
        %get3A_182 = arith.constant 48 : index
        %get3A_183 = tpu.vector_load %arg9[%get3A_182] {strides = array<i32>} : memref<80xi32, #tpu.memory_space<vmem>>, vector<16xi32>,
        %swap3A_184 = arith.constant 48 : index
        %swap3A_185 = tpu.vector_load %arg13[%swap3A_184] {strides = array<i32>} : memref<80xi32, #tpu.memory_space<vmem>>, vector<16xi32>,
        tpu.vector_store %arg13[%swap3A_184], %get3A_183 {strides = array<i32>} : memref<80xi32, #tpu.memory_space<vmem>>, vector<16xi32>,
        %get3A_186 = arith.constant 64 : index
        %get3A_187 = tpu.vector_load %arg9[%get3A_186] {strides = array<i32>} : memref<80xi32, #tpu.memory_space<vmem>>, vector<16xi32>,
        %swap3A_188 = arith.constant 64 : index
        %swap3A_189 = tpu.vector_load %arg13[%swap3A_188] {strides = array<i32>} : memref<80xi32, #tpu.memory_space<vmem>>, vector<16xi32>,
        tpu.vector_store %arg13[%swap3A_188], %get3A_187 {strides = array<i32>} : memref<80xi32, #tpu.memory_space<vmem>>, vector<16xi32>,
        %lt3A_190 = arith.constant 623 : i32
        %lt3A_191 = arith.cmpi slt, %scan3A_121, %lt3A_190 : i32
        %convert_element_type3A_192 = arith.extui %lt3A_191 : i1 to i32
        %cond3A_193 = arith.constant 0 : i32
        %cond3A_194 = arith.cmpi ne, %convert_element_type3A_192, %cond3A_193 : i32
        scf.if %cond3A_194 {
          %add3A_204 = arith.constant 2 : i32
          %add3A_205 = arith.addi %scan3A_121, %add3A_204 : i32
          %mul3A_206 = arith.constant 80 : i32
          %mul3A_207 = arith.muli %add3A_205, %mul3A_206 : i32
          %add3A_208 = arith.addi %mul3A_19, %mul3A_207 : i32
          %multiple_of3A_209 = tpu.assume_multiple %add3A_208, 8 : i32
          %add3A_210 = arith.constant 800000 : i32
          %add3A_211 = arith.addi %add3A_210, %multiple_of3A_209 : i32
          %dma_start3A_212 = tpu.memref_slice %arg2[%multiple_of3A_209] : memref<1600000xi32, #tpu.memory_space<hbm>> -> memref<80xi32, #tpu.memory_space<hbm>>
          %dma_start3A_213 = tpu.memref_slice %arg2[%multiple_of3A_209] : memref<1600000xi32, #tpu.memory_space<hbm>> -> memref<80xi32, #tpu.memory_space<hbm>>
          tpu.enqueue_dma source(%dma_start3A_213 : memref<80xi32, #tpu.memory_space<hbm>>) target(%arg7 : memref<80xi32, #tpu.memory_space<vmem>>) target_semaphore(%arg24 : memref<!tpu.dma_semaphore, #tpu.memory_space<semaphore_mem>>)
          %dma_start3A_214 = tpu.memref_slice %arg2[%add3A_211] : memref<1600000xi32, #tpu.memory_space<hbm>> -> memref<80xi32, #tpu.memory_space<hbm>>
          %dma_start3A_215 = tpu.memref_slice %arg2[%add3A_211] : memref<1600000xi32, #tpu.memory_space<hbm>> -> memref<80xi32, #tpu.memory_space<hbm>>
          tpu.enqueue_dma source(%dma_start3A_215 : memref<80xi32, #tpu.memory_space<hbm>>) target(%arg9 : memref<80xi32, #tpu.memory_space<vmem>>) target_semaphore(%arg24 : memref<!tpu.dma_semaphore, #tpu.memory_space<semaphore_mem>>)
        } else {
        }
        %scan3A_195 = arith.constant 0 : i32
        %scan3A_196 = arith.constant 0 : i32
        %scan3A_197 = arith.constant 10 : i32
        %scan3A_198 = arith.addi %scan3A_196, %scan3A_197 : i32
        %scan3A_199 = arith.constant 1 : i32
        scf.for %scan3A_204 = %scan3A_196 to %scan3A_198 step %scan3A_199  : i32 {
          %mul3A_205 = arith.constant 8 : i32
          %mul3A_206 = arith.muli %scan3A_204, %mul3A_205 : i32
          %add3A_207 = arith.constant 0 : i32
          %add3A_208 = arith.addi %mul3A_206, %add3A_207 : i32
          %get3A_209 = arith.index_cast %add3A_208 : i32 to index
          %get3A_210 = arith.constant 0 : index
          %get3A_211 = tpu.vector_load %arg15[%get3A_209, %get3A_210] {strides = array<i32>} : memref<80x64xbf16, #tpu.memory_space<vmem>>, vector<32xbf16>,
          %unpack3A = tpu.unpack_subelements %get3A_211, 0 {pack_format = #tpu.pack_format<interleaved>} : vector<32xbf16> -> vector<16xf32>
          %unpack3A_212 = tpu.unpack_subelements %get3A_211, 1 {pack_format = #tpu.pack_format<interleaved>} : vector<32xbf16> -> vector<16xf32>
          %get3A_213 = arith.index_cast %add3A_208 : i32 to index
          %get3A_214 = arith.constant 0 : index
          %get3A_215 = tpu.vector_load %arg17[%get3A_213, %get3A_214] {strides = array<i32>} : memref<80x64xbf16, #tpu.memory_space<vmem>>, vector<32xbf16>,
          %unpack3A_216 = tpu.unpack_subelements %get3A_215, 0 {pack_format = #tpu.pack_format<interleaved>} : vector<32xbf16> -> vector<16xf32>
          %unpack3A_217 = tpu.unpack_subelements %get3A_215, 1 {pack_format = #tpu.pack_format<interleaved>} : vector<32xbf16> -> vector<16xf32>
          %get3A_218 = arith.index_cast %add3A_208 : i32 to index
          %get3A_219 = arith.constant 32 : index
          %get3A_220 = tpu.vector_load %arg15[%get3A_218, %get3A_219] {strides = array<i32>} : memref<80x64xbf16, #tpu.memory_space<vmem>>, vector<32xbf16>,
          %unpack3A_221 = tpu.unpack_subelements %get3A_220, 0 {pack_format = #tpu.pack_format<interleaved>} : vector<32xbf16> -> vector<16xf32>
          %unpack3A_222 = tpu.unpack_subelements %get3A_220, 1 {pack_format = #tpu.pack_format<interleaved>} : vector<32xbf16> -> vector<16xf32>
          %get3A_223 = arith.index_cast %add3A_208 : i32 to index
          %get3A_224 = arith.constant 32 : index
          %get3A_225 = tpu.vector_load %arg17[%get3A_223, %get3A_224] {strides = array<i32>} : memref<80x64xbf16, #tpu.memory_space<vmem>>, vector<32xbf16>,
          %unpack3A_226 = tpu.unpack_subelements %get3A_225, 0 {pack_format = #tpu.pack_format<interleaved>} : vector<32xbf16> -> vector<16xf32>
          %unpack3A_227 = tpu.unpack_subelements %get3A_225, 1 {pack_format = #tpu.pack_format<interleaved>} : vector<32xbf16> -> vector<16xf32>
          %mul3A_228 = arith.mulf %unpack3A_221, %unpack3A_226 : vector<16xf32>
          %mul3A_229 = arith.mulf %unpack3A_222, %unpack3A_227 : vector<16xf32>
          %slice3A = vector.extract_strided_slice %mul3A_228 {offsets = [0], sizes = [1], strides = [1]} : vector<16xf32> to vector<1xf32>
          %squeeze3A = vector.extract %slice3A[0] : f32 from vector<1xf32>
          %slice3A_230 = vector.extract_strided_slice %mul3A_228 {offsets = [1], sizes = [1], strides = [1]} : vector<16xf32> to vector<1xf32>
          %squeeze3A_231 = vector.extract %slice3A_230[0] : f32 from vector<1xf32>
          %add3A_232 = arith.addf %squeeze3A, %squeeze3A_231 : f32
          %slice3A_233 = vector.extract_strided_slice %mul3A_229 {offsets = [0], sizes = [1], strides = [1]} : vector<16xf32> to vector<1xf32>
          %squeeze3A_234 = vector.extract %slice3A_233[0] : f32 from vector<1xf32>
          %add3A_235 = arith.addf %add3A_232, %squeeze3A_234 : f32
          %add3A_236 = arith.addf %unpack3A, %unpack3A_216 : vector<16xf32>
          %mul3A_237 = vector.broadcast %add3A_235 : f32 to vector<16xf32>
          %mul3A_238 = arith.mulf %mul3A_237, %get3A_1 : vector<16xf32>
          %add3A_239 = arith.addf %add3A_236, %mul3A_238 : vector<16xf32>
          %add3A_240 = arith.addf %unpack3A_212, %unpack3A_217 : vector<16xf32>
          %mul3A_241 = vector.broadcast %add3A_235 : f32 to vector<16xf32>
          %mul3A_242 = arith.mulf %mul3A_241, %get3A_3 : vector<16xf32>
          %add3A_243 = arith.addf %add3A_240, %mul3A_242 : vector<16xf32>
          %neg3A = arith.constant 0.000000e+00 : f32
          %neg3A_244 = vector.broadcast %neg3A : f32 to vector<16xf32>
          %neg3A_245 = arith.subf %neg3A_244, %add3A_239 : vector<16xf32>
          %exp3A = math.exp %neg3A_245 : vector<16xf32>
          %add3A_246 = arith.constant 1.000000e+00 : f32
          %add3A_247 = vector.broadcast %add3A_246 : f32 to vector<16xf32>
          %add3A_248 = arith.addf %add3A_247, %exp3A : vector<16xf32>
          %div3A = arith.divf %add3A_239, %add3A_248 : vector<16xf32>
          %swap3A_249 = arith.index_cast %add3A_208 : i32 to index
          %swap3A_250 = arith.constant 0 : index
          %swap3A_251 = tpu.vector_load %arg19[%swap3A_249, %swap3A_250] {strides = array<i32>} : memref<80x32xf32, #tpu.memory_space<vmem>>, vector<16xf32>,
          tpu.vector_store %arg19[%swap3A_249, %swap3A_250], %div3A {strides = array<i32>} : memref<80x32xf32, #tpu.memory_space<vmem>>, vector<16xf32>,
          %neg3A_252 = arith.constant 0.000000e+00 : f32
          %neg3A_253 = vector.broadcast %neg3A_252 : f32 to vector<16xf32>
          %neg3A_254 = arith.subf %neg3A_253, %add3A_243 : vector<16xf32>
          %exp3A_255 = math.exp %neg3A_254 : vector<16xf32>
          %add3A_256 = arith.constant 1.000000e+00 : f32
          %add3A_257 = vector.broadcast %add3A_256 : f32 to vector<16xf32>
          %add3A_258 = arith.addf %add3A_257, %exp3A_255 : vector<16xf32>
          %div3A_259 = arith.divf %add3A_243, %add3A_258 : vector<16xf32>
          %swap3A_260 = arith.index_cast %add3A_208 : i32 to index
          %swap3A_261 = arith.constant 16 : index
          %swap3A_262 = tpu.vector_load %arg19[%swap3A_260, %swap3A_261] {strides = array<i32>} : memref<80x32xf32, #tpu.memory_space<vmem>>, vector<16xf32>,
          tpu.vector_store %arg19[%swap3A_260, %swap3A_261], %div3A_259 {strides = array<i32>} : memref<80x32xf32, #tpu.memory_space<vmem>>, vector<16xf32>,
          %add3A_263 = arith.constant 1 : i32
          %add3A_264 = arith.addi %mul3A_206, %add3A_263 : i32
          %get3A_265 = arith.index_cast %add3A_264 : i32 to index
          %get3A_266 = arith.constant 0 : index
          %get3A_267 = tpu.vector_load %arg15[%get3A_265, %get3A_266] {strides = array<i32>} : memref<80x64xbf16, #tpu.memory_space<vmem>>, vector<32xbf16>,
          %unpack3A_268 = tpu.unpack_subelements %get3A_267, 0 {pack_format = #tpu.pack_format<interleaved>} : vector<32xbf16> -> vector<16xf32>
          %unpack3A_269 = tpu.unpack_subelements %get3A_267, 1 {pack_format = #tpu.pack_format<interleaved>} : vector<32xbf16> -> vector<16xf32>
          %get3A_270 = arith.index_cast %add3A_264 : i32 to index
          %get3A_271 = arith.constant 0 : index
          %get3A_272 = tpu.vector_load %arg17[%get3A_270, %get3A_271] {strides = array<i32>} : memref<80x64xbf16, #tpu.memory_space<vmem>>, vector<32xbf16>,
          %unpack3A_273 = tpu.unpack_subelements %get3A_272, 0 {pack_format = #tpu.pack_format<interleaved>} : vector<32xbf16> -> vector<16xf32>
          %unpack3A_274 = tpu.unpack_subelements %get3A_272, 1 {pack_format = #tpu.pack_format<interleaved>} : vector<32xbf16> -> vector<16xf32>
          %get3A_275 = arith.index_cast %add3A_264 : i32 to index
          %get3A_276 = arith.constant 32 : index
          %get3A_277 = tpu.vector_load %arg15[%get3A_275, %get3A_276] {strides = array<i32>} : memref<80x64xbf16, #tpu.memory_space<vmem>>, vector<32xbf16>,
          %unpack3A_278 = tpu.unpack_subelements %get3A_277, 0 {pack_format = #tpu.pack_format<interleaved>} : vector<32xbf16> -> vector<16xf32>
          %unpack3A_279 = tpu.unpack_subelements %get3A_277, 1 {pack_format = #tpu.pack_format<interleaved>} : vector<32xbf16> -> vector<16xf32>
          %get3A_280 = arith.index_cast %add3A_264 : i32 to index
          %get3A_281 = arith.constant 32 : index
          %get3A_282 = tpu.vector_load %arg17[%get3A_280, %get3A_281] {strides = array<i32>} : memref<80x64xbf16, #tpu.memory_space<vmem>>, vector<32xbf16>,
          %unpack3A_283 = tpu.unpack_subelements %get3A_282, 0 {pack_format = #tpu.pack_format<interleaved>} : vector<32xbf16> -> vector<16xf32>
          %unpack3A_284 = tpu.unpack_subelements %get3A_282, 1 {pack_format = #tpu.pack_format<interleaved>} : vector<32xbf16> -> vector<16xf32>
          %mul3A_285 = arith.mulf %unpack3A_278, %unpack3A_283 : vector<16xf32>
          %mul3A_286 = arith.mulf %unpack3A_279, %unpack3A_284 : vector<16xf32>
          %slice3A_287 = vector.extract_strided_slice %mul3A_285 {offsets = [0], sizes = [1], strides = [1]} : vector<16xf32> to vector<1xf32>
          %squeeze3A_288 = vector.extract %slice3A_287[0] : f32 from vector<1xf32>
          %slice3A_289 = vector.extract_strided_slice %mul3A_285 {offsets = [1], sizes = [1], strides = [1]} : vector<16xf32> to vector<1xf32>
          %squeeze3A_290 = vector.extract %slice3A_289[0] : f32 from vector<1xf32>
          %add3A_291 = arith.addf %squeeze3A_288, %squeeze3A_290 : f32
          %slice3A_292 = vector.extract_strided_slice %mul3A_286 {offsets = [0], sizes = [1], strides = [1]} : vector<16xf32> to vector<1xf32>
          %squeeze3A_293 = vector.extract %slice3A_292[0] : f32 from vector<1xf32>
          %add3A_294 = arith.addf %add3A_291, %squeeze3A_293 : f32
          %add3A_295 = arith.addf %unpack3A_268, %unpack3A_273 : vector<16xf32>
          %mul3A_296 = vector.broadcast %add3A_294 : f32 to vector<16xf32>
          %mul3A_297 = arith.mulf %mul3A_296, %get3A_1 : vector<16xf32>
          %add3A_298 = arith.addf %add3A_295, %mul3A_297 : vector<16xf32>
          %add3A_299 = arith.addf %unpack3A_269, %unpack3A_274 : vector<16xf32>
          %mul3A_300 = vector.broadcast %add3A_294 : f32 to vector<16xf32>
          %mul3A_301 = arith.mulf %mul3A_300, %get3A_3 : vector<16xf32>
          %add3A_302 = arith.addf %add3A_299, %mul3A_301 : vector<16xf32>
          %neg3A_303 = arith.constant 0.000000e+00 : f32
          %neg3A_304 = vector.broadcast %neg3A_303 : f32 to vector<16xf32>
          %neg3A_305 = arith.subf %neg3A_304, %add3A_298 : vector<16xf32>
          %exp3A_306 = math.exp %neg3A_305 : vector<16xf32>
          %add3A_307 = arith.constant 1.000000e+00 : f32
          %add3A_308 = vector.broadcast %add3A_307 : f32 to vector<16xf32>
          %add3A_309 = arith.addf %add3A_308, %exp3A_306 : vector<16xf32>
          %div3A_310 = arith.divf %add3A_298, %add3A_309 : vector<16xf32>
          %swap3A_311 = arith.index_cast %add3A_264 : i32 to index
          %swap3A_312 = arith.constant 0 : index
          %swap3A_313 = tpu.vector_load %arg19[%swap3A_311, %swap3A_312] {strides = array<i32>} : memref<80x32xf32, #tpu.memory_space<vmem>>, vector<16xf32>,
          tpu.vector_store %arg19[%swap3A_311, %swap3A_312], %div3A_310 {strides = array<i32>} : memref<80x32xf32, #tpu.memory_space<vmem>>, vector<16xf32>,
          %neg3A_314 = arith.constant 0.000000e+00 : f32
          %neg3A_315 = vector.broadcast %neg3A_314 : f32 to vector<16xf32>
          %neg3A_316 = arith.subf %neg3A_315, %add3A_302 : vector<16xf32>
          %exp3A_317 = math.exp %neg3A_316 : vector<16xf32>
          %add3A_318 = arith.constant 1.000000e+00 : f32
          %add3A_319 = vector.broadcast %add3A_318 : f32 to vector<16xf32>
          %add3A_320 = arith.addf %add3A_319, %exp3A_317 : vector<16xf32>
          %div3A_321 = arith.divf %add3A_302, %add3A_320 : vector<16xf32>
          %swap3A_322 = arith.index_cast %add3A_264 : i32 to index
          %swap3A_323 = arith.constant 16 : index
          %swap3A_324 = tpu.vector_load %arg19[%swap3A_322, %swap3A_323] {strides = array<i32>} : memref<80x32xf32, #tpu.memory_space<vmem>>, vector<16xf32>,
          tpu.vector_store %arg19[%swap3A_322, %swap3A_323], %div3A_321 {strides = array<i32>} : memref<80x32xf32, #tpu.memory_space<vmem>>, vector<16xf32>,
          %add3A_325 = arith.constant 2 : i32
          %add3A_326 = arith.addi %mul3A_206, %add3A_325 : i32
          %get3A_327 = arith.index_cast %add3A_326 : i32 to index
          %get3A_328 = arith.constant 0 : index
          %get3A_329 = tpu.vector_load %arg15[%get3A_327, %get3A_328] {strides = array<i32>} : memref<80x64xbf16, #tpu.memory_space<vmem>>, vector<32xbf16>,
          %unpack3A_330 = tpu.unpack_subelements %get3A_329, 0 {pack_format = #tpu.pack_format<interleaved>} : vector<32xbf16> -> vector<16xf32>
          %unpack3A_331 = tpu.unpack_subelements %get3A_329, 1 {pack_format = #tpu.pack_format<interleaved>} : vector<32xbf16> -> vector<16xf32>
          %get3A_332 = arith.index_cast %add3A_326 : i32 to index
          %get3A_333 = arith.constant 0 : index
          %get3A_334 = tpu.vector_load %arg17[%get3A_332, %get3A_333] {strides = array<i32>} : memref<80x64xbf16, #tpu.memory_space<vmem>>, vector<32xbf16>,
          %unpack3A_335 = tpu.unpack_subelements %get3A_334, 0 {pack_format = #tpu.pack_format<interleaved>} : vector<32xbf16> -> vector<16xf32>
          %unpack3A_336 = tpu.unpack_subelements %get3A_334, 1 {pack_format = #tpu.pack_format<interleaved>} : vector<32xbf16> -> vector<16xf32>
          %get3A_337 = arith.index_cast %add3A_326 : i32 to index
          %get3A_338 = arith.constant 32 : index
          %get3A_339 = tpu.vector_load %arg15[%get3A_337, %get3A_338] {strides = array<i32>} : memref<80x64xbf16, #tpu.memory_space<vmem>>, vector<32xbf16>,
          %unpack3A_340 = tpu.unpack_subelements %get3A_339, 0 {pack_format = #tpu.pack_format<interleaved>} : vector<32xbf16> -> vector<16xf32>
          %unpack3A_341 = tpu.unpack_subelements %get3A_339, 1 {pack_format = #tpu.pack_format<interleaved>} : vector<32xbf16> -> vector<16xf32>
          %get3A_342 = arith.index_cast %add3A_326 : i32 to index
          %get3A_343 = arith.constant 32 : index
          %get3A_344 = tpu.vector_load %arg17[%get3A_342, %get3A_343] {strides = array<i32>} : memref<80x64xbf16, #tpu.memory_space<vmem>>, vector<32xbf16>,
          %unpack3A_345 = tpu.unpack_subelements %get3A_344, 0 {pack_format = #tpu.pack_format<interleaved>} : vector<32xbf16> -> vector<16xf32>
          %unpack3A_346 = tpu.unpack_subelements %get3A_344, 1 {pack_format = #tpu.pack_format<interleaved>} : vector<32xbf16> -> vector<16xf32>
          %mul3A_347 = arith.mulf %unpack3A_340, %unpack3A_345 : vector<16xf32>
          %mul3A_348 = arith.mulf %unpack3A_341, %unpack3A_346 : vector<16xf32>
          %slice3A_349 = vector.extract_strided_slice %mul3A_347 {offsets = [0], sizes = [1], strides = [1]} : vector<16xf32> to vector<1xf32>
          %squeeze3A_350 = vector.extract %slice3A_349[0] : f32 from vector<1xf32>
          %slice3A_351 = vector.extract_strided_slice %mul3A_347 {offsets = [1], sizes = [1], strides = [1]} : vector<16xf32> to vector<1xf32>
          %squeeze3A_352 = vector.extract %slice3A_351[0] : f32 from vector<1xf32>
          %add3A_353 = arith.addf %squeeze3A_350, %squeeze3A_352 : f32
          %slice3A_354 = vector.extract_strided_slice %mul3A_348 {offsets = [0], sizes = [1], strides = [1]} : vector<16xf32> to vector<1xf32>
          %squeeze3A_355 = vector.extract %slice3A_354[0] : f32 from vector<1xf32>
          %add3A_356 = arith.addf %add3A_353, %squeeze3A_355 : f32
          %add3A_357 = arith.addf %unpack3A_330, %unpack3A_335 : vector<16xf32>
          %mul3A_358 = vector.broadcast %add3A_356 : f32 to vector<16xf32>
          %mul3A_359 = arith.mulf %mul3A_358, %get3A_1 : vector<16xf32>
          %add3A_360 = arith.addf %add3A_357, %mul3A_359 : vector<16xf32>
          %add3A_361 = arith.addf %unpack3A_331, %unpack3A_336 : vector<16xf32>
          %mul3A_362 = vector.broadcast %add3A_356 : f32 to vector<16xf32>
          %mul3A_363 = arith.mulf %mul3A_362, %get3A_3 : vector<16xf32>
          %add3A_364 = arith.addf %add3A_361, %mul3A_363 : vector<16xf32>
          %neg3A_365 = arith.constant 0.000000e+00 : f32
          %neg3A_366 = vector.broadcast %neg3A_365 : f32 to vector<16xf32>
          %neg3A_367 = arith.subf %neg3A_366, %add3A_360 : vector<16xf32>
          %exp3A_368 = math.exp %neg3A_367 : vector<16xf32>
          %add3A_369 = arith.constant 1.000000e+00 : f32
          %add3A_370 = vector.broadcast %add3A_369 : f32 to vector<16xf32>
          %add3A_371 = arith.addf %add3A_370, %exp3A_368 : vector<16xf32>
          %div3A_372 = arith.divf %add3A_360, %add3A_371 : vector<16xf32>
          %swap3A_373 = arith.index_cast %add3A_326 : i32 to index
          %swap3A_374 = arith.constant 0 : index
          %swap3A_375 = tpu.vector_load %arg19[%swap3A_373, %swap3A_374] {strides = array<i32>} : memref<80x32xf32, #tpu.memory_space<vmem>>, vector<16xf32>,
          tpu.vector_store %arg19[%swap3A_373, %swap3A_374], %div3A_372 {strides = array<i32>} : memref<80x32xf32, #tpu.memory_space<vmem>>, vector<16xf32>,
          %neg3A_376 = arith.constant 0.000000e+00 : f32
          %neg3A_377 = vector.broadcast %neg3A_376 : f32 to vector<16xf32>
          %neg3A_378 = arith.subf %neg3A_377, %add3A_364 : vector<16xf32>
          %exp3A_379 = math.exp %neg3A_378 : vector<16xf32>
          %add3A_380 = arith.constant 1.000000e+00 : f32
          %add3A_381 = vector.broadcast %add3A_380 : f32 to vector<16xf32>
          %add3A_382 = arith.addf %add3A_381, %exp3A_379 : vector<16xf32>
          %div3A_383 = arith.divf %add3A_364, %add3A_382 : vector<16xf32>
          %swap3A_384 = arith.index_cast %add3A_326 : i32 to index
          %swap3A_385 = arith.constant 16 : index
          %swap3A_386 = tpu.vector_load %arg19[%swap3A_384, %swap3A_385] {strides = array<i32>} : memref<80x32xf32, #tpu.memory_space<vmem>>, vector<16xf32>,
          tpu.vector_store %arg19[%swap3A_384, %swap3A_385], %div3A_383 {strides = array<i32>} : memref<80x32xf32, #tpu.memory_space<vmem>>, vector<16xf32>,
          %add3A_387 = arith.constant 3 : i32
          %add3A_388 = arith.addi %mul3A_206, %add3A_387 : i32
          %get3A_389 = arith.index_cast %add3A_388 : i32 to index
          %get3A_390 = arith.constant 0 : index
          %get3A_391 = tpu.vector_load %arg15[%get3A_389, %get3A_390] {strides = array<i32>} : memref<80x64xbf16, #tpu.memory_space<vmem>>, vector<32xbf16>,
          %unpack3A_392 = tpu.unpack_subelements %get3A_391, 0 {pack_format = #tpu.pack_format<interleaved>} : vector<32xbf16> -> vector<16xf32>
          %unpack3A_393 = tpu.unpack_subelements %get3A_391, 1 {pack_format = #tpu.pack_format<interleaved>} : vector<32xbf16> -> vector<16xf32>
          %get3A_394 = arith.index_cast %add3A_388 : i32 to index
          %get3A_395 = arith.constant 0 : index
          %get3A_396 = tpu.vector_load %arg17[%get3A_394, %get3A_395] {strides = array<i32>} : memref<80x64xbf16, #tpu.memory_space<vmem>>, vector<32xbf16>,
          %unpack3A_397 = tpu.unpack_subelements %get3A_396, 0 {pack_format = #tpu.pack_format<interleaved>} : vector<32xbf16> -> vector<16xf32>
          %unpack3A_398 = tpu.unpack_subelements %get3A_396, 1 {pack_format = #tpu.pack_format<interleaved>} : vector<32xbf16> -> vector<16xf32>
          %get3A_399 = arith.index_cast %add3A_388 : i32 to index
          %get3A_400 = arith.constant 32 : index
          %get3A_401 = tpu.vector_load %arg15[%get3A_399, %get3A_400] {strides = array<i32>} : memref<80x64xbf16, #tpu.memory_space<vmem>>, vector<32xbf16>,
          %unpack3A_402 = tpu.unpack_subelements %get3A_401, 0 {pack_format = #tpu.pack_format<interleaved>} : vector<32xbf16> -> vector<16xf32>
          %unpack3A_403 = tpu.unpack_subelements %get3A_401, 1 {pack_format = #tpu.pack_format<interleaved>} : vector<32xbf16> -> vector<16xf32>
          %get3A_404 = arith.index_cast %add3A_388 : i32 to index
          %get3A_405 = arith.constant 32 : index
          %get3A_406 = tpu.vector_load %arg17[%get3A_404, %get3A_405] {strides = array<i32>} : memref<80x64xbf16, #tpu.memory_space<vmem>>, vector<32xbf16>,
          %unpack3A_407 = tpu.unpack_subelements %get3A_406, 0 {pack_format = #tpu.pack_format<interleaved>} : vector<32xbf16> -> vector<16xf32>
          %unpack3A_408 = tpu.unpack_subelements %get3A_406, 1 {pack_format = #tpu.pack_format<interleaved>} : vector<32xbf16> -> vector<16xf32>
          %mul3A_409 = arith.mulf %unpack3A_402, %unpack3A_407 : vector<16xf32>
          %mul3A_410 = arith.mulf %unpack3A_403, %unpack3A_408 : vector<16xf32>
          %slice3A_411 = vector.extract_strided_slice %mul3A_409 {offsets = [0], sizes = [1], strides = [1]} : vector<16xf32> to vector<1xf32>
          %squeeze3A_412 = vector.extract %slice3A_411[0] : f32 from vector<1xf32>
          %slice3A_413 = vector.extract_strided_slice %mul3A_409 {offsets = [1], sizes = [1], strides = [1]} : vector<16xf32> to vector<1xf32>
          %squeeze3A_414 = vector.extract %slice3A_413[0] : f32 from vector<1xf32>
          %add3A_415 = arith.addf %squeeze3A_412, %squeeze3A_414 : f32
          %slice3A_416 = vector.extract_strided_slice %mul3A_410 {offsets = [0], sizes = [1], strides = [1]} : vector<16xf32> to vector<1xf32>
          %squeeze3A_417 = vector.extract %slice3A_416[0] : f32 from vector<1xf32>
          %add3A_418 = arith.addf %add3A_415, %squeeze3A_417 : f32
          %add3A_419 = arith.addf %unpack3A_392, %unpack3A_397 : vector<16xf32>
          %mul3A_420 = vector.broadcast %add3A_418 : f32 to vector<16xf32>
          %mul3A_421 = arith.mulf %mul3A_420, %get3A_1 : vector<16xf32>
          %add3A_422 = arith.addf %add3A_419, %mul3A_421 : vector<16xf32>
          %add3A_423 = arith.addf %unpack3A_393, %unpack3A_398 : vector<16xf32>
          %mul3A_424 = vector.broadcast %add3A_418 : f32 to vector<16xf32>
          %mul3A_425 = arith.mulf %mul3A_424, %get3A_3 : vector<16xf32>
          %add3A_426 = arith.addf %add3A_423, %mul3A_425 : vector<16xf32>
          %neg3A_427 = arith.constant 0.000000e+00 : f32
          %neg3A_428 = vector.broadcast %neg3A_427 : f32 to vector<16xf32>
          %neg3A_429 = arith.subf %neg3A_428, %add3A_422 : vector<16xf32>
          %exp3A_430 = math.exp %neg3A_429 : vector<16xf32>
          %add3A_431 = arith.constant 1.000000e+00 : f32
          %add3A_432 = vector.broadcast %add3A_431 : f32 to vector<16xf32>
          %add3A_433 = arith.addf %add3A_432, %exp3A_430 : vector<16xf32>
          %div3A_434 = arith.divf %add3A_422, %add3A_433 : vector<16xf32>
          %swap3A_435 = arith.index_cast %add3A_388 : i32 to index
          %swap3A_436 = arith.constant 0 : index
          %swap3A_437 = tpu.vector_load %arg19[%swap3A_435, %swap3A_436] {strides = array<i32>} : memref<80x32xf32, #tpu.memory_space<vmem>>, vector<16xf32>,
          tpu.vector_store %arg19[%swap3A_435, %swap3A_436], %div3A_434 {strides = array<i32>} : memref<80x32xf32, #tpu.memory_space<vmem>>, vector<16xf32>,
          %neg3A_438 = arith.constant 0.000000e+00 : f32
          %neg3A_439 = vector.broadcast %neg3A_438 : f32 to vector<16xf32>
          %neg3A_440 = arith.subf %neg3A_439, %add3A_426 : vector<16xf32>
          %exp3A_441 = math.exp %neg3A_440 : vector<16xf32>
          %add3A_442 = arith.constant 1.000000e+00 : f32
          %add3A_443 = vector.broadcast %add3A_442 : f32 to vector<16xf32>
          %add3A_444 = arith.addf %add3A_443, %exp3A_441 : vector<16xf32>
          %div3A_445 = arith.divf %add3A_426, %add3A_444 : vector<16xf32>
          %swap3A_446 = arith.index_cast %add3A_388 : i32 to index
          %swap3A_447 = arith.constant 16 : index
          %swap3A_448 = tpu.vector_load %arg19[%swap3A_446, %swap3A_447] {strides = array<i32>} : memref<80x32xf32, #tpu.memory_space<vmem>>, vector<16xf32>,
          tpu.vector_store %arg19[%swap3A_446, %swap3A_447], %div3A_445 {strides = array<i32>} : memref<80x32xf32, #tpu.memory_space<vmem>>, vector<16xf32>,
          %add3A_449 = arith.constant 4 : i32
          %add3A_450 = arith.addi %mul3A_206, %add3A_449 : i32
          %get3A_451 = arith.index_cast %add3A_450 : i32 to index
          %get3A_452 = arith.constant 0 : index
          %get3A_453 = tpu.vector_load %arg15[%get3A_451, %get3A_452] {strides = array<i32>} : memref<80x64xbf16, #tpu.memory_space<vmem>>, vector<32xbf16>,
          %unpack3A_454 = tpu.unpack_subelements %get3A_453, 0 {pack_format = #tpu.pack_format<interleaved>} : vector<32xbf16> -> vector<16xf32>
          %unpack3A_455 = tpu.unpack_subelements %get3A_453, 1 {pack_format = #tpu.pack_format<interleaved>} : vector<32xbf16> -> vector<16xf32>
          %get3A_456 = arith.index_cast %add3A_450 : i32 to index
          %get3A_457 = arith.constant 0 : index
          %get3A_458 = tpu.vector_load %arg17[%get3A_456, %get3A_457] {strides = array<i32>} : memref<80x64xbf16, #tpu.memory_space<vmem>>, vector<32xbf16>,
          %unpack3A_459 = tpu.unpack_subelements %get3A_458, 0 {pack_format = #tpu.pack_format<interleaved>} : vector<32xbf16> -> vector<16xf32>
          %unpack3A_460 = tpu.unpack_subelements %get3A_458, 1 {pack_format = #tpu.pack_format<interleaved>} : vector<32xbf16> -> vector<16xf32>
          %get3A_461 = arith.index_cast %add3A_450 : i32 to index
          %get3A_462 = arith.constant 32 : index
          %get3A_463 = tpu.vector_load %arg15[%get3A_461, %get3A_462] {strides = array<i32>} : memref<80x64xbf16, #tpu.memory_space<vmem>>, vector<32xbf16>,
          %unpack3A_464 = tpu.unpack_subelements %get3A_463, 0 {pack_format = #tpu.pack_format<interleaved>} : vector<32xbf16> -> vector<16xf32>
          %unpack3A_465 = tpu.unpack_subelements %get3A_463, 1 {pack_format = #tpu.pack_format<interleaved>} : vector<32xbf16> -> vector<16xf32>
          %get3A_466 = arith.index_cast %add3A_450 : i32 to index
          %get3A_467 = arith.constant 32 : index
          %get3A_468 = tpu.vector_load %arg17[%get3A_466, %get3A_467] {strides = array<i32>} : memref<80x64xbf16, #tpu.memory_space<vmem>>, vector<32xbf16>,
          %unpack3A_469 = tpu.unpack_subelements %get3A_468, 0 {pack_format = #tpu.pack_format<interleaved>} : vector<32xbf16> -> vector<16xf32>
          %unpack3A_470 = tpu.unpack_subelements %get3A_468, 1 {pack_format = #tpu.pack_format<interleaved>} : vector<32xbf16> -> vector<16xf32>
          %mul3A_471 = arith.mulf %unpack3A_464, %unpack3A_469 : vector<16xf32>
          %mul3A_472 = arith.mulf %unpack3A_465, %unpack3A_470 : vector<16xf32>
          %slice3A_473 = vector.extract_strided_slice %mul3A_471 {offsets = [0], sizes = [1], strides = [1]} : vector<16xf32> to vector<1xf32>
          %squeeze3A_474 = vector.extract %slice3A_473[0] : f32 from vector<1xf32>
          %slice3A_475 = vector.extract_strided_slice %mul3A_471 {offsets = [1], sizes = [1], strides = [1]} : vector<16xf32> to vector<1xf32>
          %squeeze3A_476 = vector.extract %slice3A_475[0] : f32 from vector<1xf32>
          %add3A_477 = arith.addf %squeeze3A_474, %squeeze3A_476 : f32
          %slice3A_478 = vector.extract_strided_slice %mul3A_472 {offsets = [0], sizes = [1], strides = [1]} : vector<16xf32> to vector<1xf32>
          %squeeze3A_479 = vector.extract %slice3A_478[0] : f32 from vector<1xf32>
          %add3A_480 = arith.addf %add3A_477, %squeeze3A_479 : f32
          %add3A_481 = arith.addf %unpack3A_454, %unpack3A_459 : vector<16xf32>
          %mul3A_482 = vector.broadcast %add3A_480 : f32 to vector<16xf32>
          %mul3A_483 = arith.mulf %mul3A_482, %get3A_1 : vector<16xf32>
          %add3A_484 = arith.addf %add3A_481, %mul3A_483 : vector<16xf32>
          %add3A_485 = arith.addf %unpack3A_455, %unpack3A_460 : vector<16xf32>
          %mul3A_486 = vector.broadcast %add3A_480 : f32 to vector<16xf32>
          %mul3A_487 = arith.mulf %mul3A_486, %get3A_3 : vector<16xf32>
          %add3A_488 = arith.addf %add3A_485, %mul3A_487 : vector<16xf32>
          %neg3A_489 = arith.constant 0.000000e+00 : f32
          %neg3A_490 = vector.broadcast %neg3A_489 : f32 to vector<16xf32>
          %neg3A_491 = arith.subf %neg3A_490, %add3A_484 : vector<16xf32>
          %exp3A_492 = math.exp %neg3A_491 : vector<16xf32>
          %add3A_493 = arith.constant 1.000000e+00 : f32
          %add3A_494 = vector.broadcast %add3A_493 : f32 to vector<16xf32>
          %add3A_495 = arith.addf %add3A_494, %exp3A_492 : vector<16xf32>
          %div3A_496 = arith.divf %add3A_484, %add3A_495 : vector<16xf32>
          %swap3A_497 = arith.index_cast %add3A_450 : i32 to index
          %swap3A_498 = arith.constant 0 : index
          %swap3A_499 = tpu.vector_load %arg19[%swap3A_497, %swap3A_498] {strides = array<i32>} : memref<80x32xf32, #tpu.memory_space<vmem>>, vector<16xf32>,
          tpu.vector_store %arg19[%swap3A_497, %swap3A_498], %div3A_496 {strides = array<i32>} : memref<80x32xf32, #tpu.memory_space<vmem>>, vector<16xf32>,
          %neg3A_500 = arith.constant 0.000000e+00 : f32
          %neg3A_501 = vector.broadcast %neg3A_500 : f32 to vector<16xf32>
          %neg3A_502 = arith.subf %neg3A_501, %add3A_488 : vector<16xf32>
          %exp3A_503 = math.exp %neg3A_502 : vector<16xf32>
          %add3A_504 = arith.constant 1.000000e+00 : f32
          %add3A_505 = vector.broadcast %add3A_504 : f32 to vector<16xf32>
          %add3A_506 = arith.addf %add3A_505, %exp3A_503 : vector<16xf32>
          %div3A_507 = arith.divf %add3A_488, %add3A_506 : vector<16xf32>
          %swap3A_508 = arith.index_cast %add3A_450 : i32 to index
          %swap3A_509 = arith.constant 16 : index
          %swap3A_510 = tpu.vector_load %arg19[%swap3A_508, %swap3A_509] {strides = array<i32>} : memref<80x32xf32, #tpu.memory_space<vmem>>, vector<16xf32>,
          tpu.vector_store %arg19[%swap3A_508, %swap3A_509], %div3A_507 {strides = array<i32>} : memref<80x32xf32, #tpu.memory_space<vmem>>, vector<16xf32>,
          %add3A_511 = arith.constant 5 : i32
          %add3A_512 = arith.addi %mul3A_206, %add3A_511 : i32
          %get3A_513 = arith.index_cast %add3A_512 : i32 to index
          %get3A_514 = arith.constant 0 : index
          %get3A_515 = tpu.vector_load %arg15[%get3A_513, %get3A_514] {strides = array<i32>} : memref<80x64xbf16, #tpu.memory_space<vmem>>, vector<32xbf16>,
          %unpack3A_516 = tpu.unpack_subelements %get3A_515, 0 {pack_format = #tpu.pack_format<interleaved>} : vector<32xbf16> -> vector<16xf32>
          %unpack3A_517 = tpu.unpack_subelements %get3A_515, 1 {pack_format = #tpu.pack_format<interleaved>} : vector<32xbf16> -> vector<16xf32>
          %get3A_518 = arith.index_cast %add3A_512 : i32 to index
          %get3A_519 = arith.constant 0 : index
          %get3A_520 = tpu.vector_load %arg17[%get3A_518, %get3A_519] {strides = array<i32>} : memref<80x64xbf16, #tpu.memory_space<vmem>>, vector<32xbf16>,
          %unpack3A_521 = tpu.unpack_subelements %get3A_520, 0 {pack_format = #tpu.pack_format<interleaved>} : vector<32xbf16> -> vector<16xf32>
          %unpack3A_522 = tpu.unpack_subelements %get3A_520, 1 {pack_format = #tpu.pack_format<interleaved>} : vector<32xbf16> -> vector<16xf32>
          %get3A_523 = arith.index_cast %add3A_512 : i32 to index
          %get3A_524 = arith.constant 32 : index
          %get3A_525 = tpu.vector_load %arg15[%get3A_523, %get3A_524] {strides = array<i32>} : memref<80x64xbf16, #tpu.memory_space<vmem>>, vector<32xbf16>,
          %unpack3A_526 = tpu.unpack_subelements %get3A_525, 0 {pack_format = #tpu.pack_format<interleaved>} : vector<32xbf16> -> vector<16xf32>
          %unpack3A_527 = tpu.unpack_subelements %get3A_525, 1 {pack_format = #tpu.pack_format<interleaved>} : vector<32xbf16> -> vector<16xf32>
          %get3A_528 = arith.index_cast %add3A_512 : i32 to index
          %get3A_529 = arith.constant 32 : index
          %get3A_530 = tpu.vector_load %arg17[%get3A_528, %get3A_529] {strides = array<i32>} : memref<80x64xbf16, #tpu.memory_space<vmem>>, vector<32xbf16>,
          %unpack3A_531 = tpu.unpack_subelements %get3A_530, 0 {pack_format = #tpu.pack_format<interleaved>} : vector<32xbf16> -> vector<16xf32>
          %unpack3A_532 = tpu.unpack_subelements %get3A_530, 1 {pack_format = #tpu.pack_format<interleaved>} : vector<32xbf16> -> vector<16xf32>
          %mul3A_533 = arith.mulf %unpack3A_526, %unpack3A_531 : vector<16xf32>
          %mul3A_534 = arith.mulf %unpack3A_527, %unpack3A_532 : vector<16xf32>
          %slice3A_535 = vector.extract_strided_slice %mul3A_533 {offsets = [0], sizes = [1], strides = [1]} : vector<16xf32> to vector<1xf32>
          %squeeze3A_536 = vector.extract %slice3A_535[0] : f32 from vector<1xf32>
          %slice3A_537 = vector.extract_strided_slice %mul3A_533 {offsets = [1], sizes = [1], strides = [1]} : vector<16xf32> to vector<1xf32>
          %squeeze3A_538 = vector.extract %slice3A_537[0] : f32 from vector<1xf32>
          %add3A_539 = arith.addf %squeeze3A_536, %squeeze3A_538 : f32
          %slice3A_540 = vector.extract_strided_slice %mul3A_534 {offsets = [0], sizes = [1], strides = [1]} : vector<16xf32> to vector<1xf32>
          %squeeze3A_541 = vector.extract %slice3A_540[0] : f32 from vector<1xf32>
          %add3A_542 = arith.addf %add3A_539, %squeeze3A_541 : f32
          %add3A_543 = arith.addf %unpack3A_516, %unpack3A_521 : vector<16xf32>
          %mul3A_544 = vector.broadcast %add3A_542 : f32 to vector<16xf32>
          %mul3A_545 = arith.mulf %mul3A_544, %get3A_1 : vector<16xf32>
          %add3A_546 = arith.addf %add3A_543, %mul3A_545 : vector<16xf32>
          %add3A_547 = arith.addf %unpack3A_517, %unpack3A_522 : vector<16xf32>
          %mul3A_548 = vector.broadcast %add3A_542 : f32 to vector<16xf32>
          %mul3A_549 = arith.mulf %mul3A_548, %get3A_3 : vector<16xf32>
          %add3A_550 = arith.addf %add3A_547, %mul3A_549 : vector<16xf32>
          %neg3A_551 = arith.constant 0.000000e+00 : f32
          %neg3A_552 = vector.broadcast %neg3A_551 : f32 to vector<16xf32>
          %neg3A_553 = arith.subf %neg3A_552, %add3A_546 : vector<16xf32>
          %exp3A_554 = math.exp %neg3A_553 : vector<16xf32>
          %add3A_555 = arith.constant 1.000000e+00 : f32
          %add3A_556 = vector.broadcast %add3A_555 : f32 to vector<16xf32>
          %add3A_557 = arith.addf %add3A_556, %exp3A_554 : vector<16xf32>
          %div3A_558 = arith.divf %add3A_546, %add3A_557 : vector<16xf32>
          %swap3A_559 = arith.index_cast %add3A_512 : i32 to index
          %swap3A_560 = arith.constant 0 : index
          %swap3A_561 = tpu.vector_load %arg19[%swap3A_559, %swap3A_560] {strides = array<i32>} : memref<80x32xf32, #tpu.memory_space<vmem>>, vector<16xf32>,
          tpu.vector_store %arg19[%swap3A_559, %swap3A_560], %div3A_558 {strides = array<i32>} : memref<80x32xf32, #tpu.memory_space<vmem>>, vector<16xf32>,
          %neg3A_562 = arith.constant 0.000000e+00 : f32
          %neg3A_563 = vector.broadcast %neg3A_562 : f32 to vector<16xf32>
          %neg3A_564 = arith.subf %neg3A_563, %add3A_550 : vector<16xf32>
          %exp3A_565 = math.exp %neg3A_564 : vector<16xf32>
          %add3A_566 = arith.constant 1.000000e+00 : f32
          %add3A_567 = vector.broadcast %add3A_566 : f32 to vector<16xf32>
          %add3A_568 = arith.addf %add3A_567, %exp3A_565 : vector<16xf32>
          %div3A_569 = arith.divf %add3A_550, %add3A_568 : vector<16xf32>
          %swap3A_570 = arith.index_cast %add3A_512 : i32 to index
          %swap3A_571 = arith.constant 16 : index
          %swap3A_572 = tpu.vector_load %arg19[%swap3A_570, %swap3A_571] {strides = array<i32>} : memref<80x32xf32, #tpu.memory_space<vmem>>, vector<16xf32>,
          tpu.vector_store %arg19[%swap3A_570, %swap3A_571], %div3A_569 {strides = array<i32>} : memref<80x32xf32, #tpu.memory_space<vmem>>, vector<16xf32>,
          %add3A_573 = arith.constant 6 : i32
          %add3A_574 = arith.addi %mul3A_206, %add3A_573 : i32
          %get3A_575 = arith.index_cast %add3A_574 : i32 to index
          %get3A_576 = arith.constant 0 : index
          %get3A_577 = tpu.vector_load %arg15[%get3A_575, %get3A_576] {strides = array<i32>} : memref<80x64xbf16, #tpu.memory_space<vmem>>, vector<32xbf16>,
          %unpack3A_578 = tpu.unpack_subelements %get3A_577, 0 {pack_format = #tpu.pack_format<interleaved>} : vector<32xbf16> -> vector<16xf32>
          %unpack3A_579 = tpu.unpack_subelements %get3A_577, 1 {pack_format = #tpu.pack_format<interleaved>} : vector<32xbf16> -> vector<16xf32>
          %get3A_580 = arith.index_cast %add3A_574 : i32 to index
          %get3A_581 = arith.constant 0 : index
          %get3A_582 = tpu.vector_load %arg17[%get3A_580, %get3A_581] {strides = array<i32>} : memref<80x64xbf16, #tpu.memory_space<vmem>>, vector<32xbf16>,
          %unpack3A_583 = tpu.unpack_subelements %get3A_582, 0 {pack_format = #tpu.pack_format<interleaved>} : vector<32xbf16> -> vector<16xf32>
          %unpack3A_584 = tpu.unpack_subelements %get3A_582, 1 {pack_format = #tpu.pack_format<interleaved>} : vector<32xbf16> -> vector<16xf32>
          %get3A_585 = arith.index_cast %add3A_574 : i32 to index
          %get3A_586 = arith.constant 32 : index
          %get3A_587 = tpu.vector_load %arg15[%get3A_585, %get3A_586] {strides = array<i32>} : memref<80x64xbf16, #tpu.memory_space<vmem>>, vector<32xbf16>,
          %unpack3A_588 = tpu.unpack_subelements %get3A_587, 0 {pack_format = #tpu.pack_format<interleaved>} : vector<32xbf16> -> vector<16xf32>
          %unpack3A_589 = tpu.unpack_subelements %get3A_587, 1 {pack_format = #tpu.pack_format<interleaved>} : vector<32xbf16> -> vector<16xf32>
          %get3A_590 = arith.index_cast %add3A_574 : i32 to index
          %get3A_591 = arith.constant 32 : index
          %get3A_592 = tpu.vector_load %arg17[%get3A_590, %get3A_591] {strides = array<i32>} : memref<80x64xbf16, #tpu.memory_space<vmem>>, vector<32xbf16>,
          %unpack3A_593 = tpu.unpack_subelements %get3A_592, 0 {pack_format = #tpu.pack_format<interleaved>} : vector<32xbf16> -> vector<16xf32>
          %unpack3A_594 = tpu.unpack_subelements %get3A_592, 1 {pack_format = #tpu.pack_format<interleaved>} : vector<32xbf16> -> vector<16xf32>
          %mul3A_595 = arith.mulf %unpack3A_588, %unpack3A_593 : vector<16xf32>
          %mul3A_596 = arith.mulf %unpack3A_589, %unpack3A_594 : vector<16xf32>
          %slice3A_597 = vector.extract_strided_slice %mul3A_595 {offsets = [0], sizes = [1], strides = [1]} : vector<16xf32> to vector<1xf32>
          %squeeze3A_598 = vector.extract %slice3A_597[0] : f32 from vector<1xf32>
          %slice3A_599 = vector.extract_strided_slice %mul3A_595 {offsets = [1], sizes = [1], strides = [1]} : vector<16xf32> to vector<1xf32>
          %squeeze3A_600 = vector.extract %slice3A_599[0] : f32 from vector<1xf32>
          %add3A_601 = arith.addf %squeeze3A_598, %squeeze3A_600 : f32
          %slice3A_602 = vector.extract_strided_slice %mul3A_596 {offsets = [0], sizes = [1], strides = [1]} : vector<16xf32> to vector<1xf32>
          %squeeze3A_603 = vector.extract %slice3A_602[0] : f32 from vector<1xf32>
          %add3A_604 = arith.addf %add3A_601, %squeeze3A_603 : f32
          %add3A_605 = arith.addf %unpack3A_578, %unpack3A_583 : vector<16xf32>
          %mul3A_606 = vector.broadcast %add3A_604 : f32 to vector<16xf32>
          %mul3A_607 = arith.mulf %mul3A_606, %get3A_1 : vector<16xf32>
          %add3A_608 = arith.addf %add3A_605, %mul3A_607 : vector<16xf32>
          %add3A_609 = arith.addf %unpack3A_579, %unpack3A_584 : vector<16xf32>
          %mul3A_610 = vector.broadcast %add3A_604 : f32 to vector<16xf32>
          %mul3A_611 = arith.mulf %mul3A_610, %get3A_3 : vector<16xf32>
          %add3A_612 = arith.addf %add3A_609, %mul3A_611 : vector<16xf32>
          %neg3A_613 = arith.constant 0.000000e+00 : f32
          %neg3A_614 = vector.broadcast %neg3A_613 : f32 to vector<16xf32>
          %neg3A_615 = arith.subf %neg3A_614, %add3A_608 : vector<16xf32>
          %exp3A_616 = math.exp %neg3A_615 : vector<16xf32>
          %add3A_617 = arith.constant 1.000000e+00 : f32
          %add3A_618 = vector.broadcast %add3A_617 : f32 to vector<16xf32>
          %add3A_619 = arith.addf %add3A_618, %exp3A_616 : vector<16xf32>
          %div3A_620 = arith.divf %add3A_608, %add3A_619 : vector<16xf32>
          %swap3A_621 = arith.index_cast %add3A_574 : i32 to index
          %swap3A_622 = arith.constant 0 : index
          %swap3A_623 = tpu.vector_load %arg19[%swap3A_621, %swap3A_622] {strides = array<i32>} : memref<80x32xf32, #tpu.memory_space<vmem>>, vector<16xf32>,
          tpu.vector_store %arg19[%swap3A_621, %swap3A_622], %div3A_620 {strides = array<i32>} : memref<80x32xf32, #tpu.memory_space<vmem>>, vector<16xf32>,
          %neg3A_624 = arith.constant 0.000000e+00 : f32
          %neg3A_625 = vector.broadcast %neg3A_624 : f32 to vector<16xf32>
          %neg3A_626 = arith.subf %neg3A_625, %add3A_612 : vector<16xf32>
          %exp3A_627 = math.exp %neg3A_626 : vector<16xf32>
          %add3A_628 = arith.constant 1.000000e+00 : f32
          %add3A_629 = vector.broadcast %add3A_628 : f32 to vector<16xf32>
          %add3A_630 = arith.addf %add3A_629, %exp3A_627 : vector<16xf32>
          %div3A_631 = arith.divf %add3A_612, %add3A_630 : vector<16xf32>
          %swap3A_632 = arith.index_cast %add3A_574 : i32 to index
          %swap3A_633 = arith.constant 16 : index
          %swap3A_634 = tpu.vector_load %arg19[%swap3A_632, %swap3A_633] {strides = array<i32>} : memref<80x32xf32, #tpu.memory_space<vmem>>, vector<16xf32>,
          tpu.vector_store %arg19[%swap3A_632, %swap3A_633], %div3A_631 {strides = array<i32>} : memref<80x32xf32, #tpu.memory_space<vmem>>, vector<16xf32>,
          %add3A_635 = arith.constant 7 : i32
          %add3A_636 = arith.addi %mul3A_206, %add3A_635 : i32
          %get3A_637 = arith.index_cast %add3A_636 : i32 to index
          %get3A_638 = arith.constant 0 : index
          %get3A_639 = tpu.vector_load %arg15[%get3A_637, %get3A_638] {strides = array<i32>} : memref<80x64xbf16, #tpu.memory_space<vmem>>, vector<32xbf16>,
          %unpack3A_640 = tpu.unpack_subelements %get3A_639, 0 {pack_format = #tpu.pack_format<interleaved>} : vector<32xbf16> -> vector<16xf32>
          %unpack3A_641 = tpu.unpack_subelements %get3A_639, 1 {pack_format = #tpu.pack_format<interleaved>} : vector<32xbf16> -> vector<16xf32>
          %get3A_642 = arith.index_cast %add3A_636 : i32 to index
          %get3A_643 = arith.constant 0 : index
          %get3A_644 = tpu.vector_load %arg17[%get3A_642, %get3A_643] {strides = array<i32>} : memref<80x64xbf16, #tpu.memory_space<vmem>>, vector<32xbf16>,
          %unpack3A_645 = tpu.unpack_subelements %get3A_644, 0 {pack_format = #tpu.pack_format<interleaved>} : vector<32xbf16> -> vector<16xf32>
          %unpack3A_646 = tpu.unpack_subelements %get3A_644, 1 {pack_format = #tpu.pack_format<interleaved>} : vector<32xbf16> -> vector<16xf32>
          %get3A_647 = arith.index_cast %add3A_636 : i32 to index
          %get3A_648 = arith.constant 32 : index
          %get3A_649 = tpu.vector_load %arg15[%get3A_647, %get3A_648] {strides = array<i32>} : memref<80x64xbf16, #tpu.memory_space<vmem>>, vector<32xbf16>,
          %unpack3A_650 = tpu.unpack_subelements %get3A_649, 0 {pack_format = #tpu.pack_format<interleaved>} : vector<32xbf16> -> vector<16xf32>
          %unpack3A_651 = tpu.unpack_subelements %get3A_649, 1 {pack_format = #tpu.pack_format<interleaved>} : vector<32xbf16> -> vector<16xf32>
          %get3A_652 = arith.index_cast %add3A_636 : i32 to index
          %get3A_653 = arith.constant 32 : index
          %get3A_654 = tpu.vector_load %arg17[%get3A_652, %get3A_653] {strides = array<i32>} : memref<80x64xbf16, #tpu.memory_space<vmem>>, vector<32xbf16>,
          %unpack3A_655 = tpu.unpack_subelements %get3A_654, 0 {pack_format = #tpu.pack_format<interleaved>} : vector<32xbf16> -> vector<16xf32>
          %unpack3A_656 = tpu.unpack_subelements %get3A_654, 1 {pack_format = #tpu.pack_format<interleaved>} : vector<32xbf16> -> vector<16xf32>
          %mul3A_657 = arith.mulf %unpack3A_650, %unpack3A_655 : vector<16xf32>
          %mul3A_658 = arith.mulf %unpack3A_651, %unpack3A_656 : vector<16xf32>
          %slice3A_659 = vector.extract_strided_slice %mul3A_657 {offsets = [0], sizes = [1], strides = [1]} : vector<16xf32> to vector<1xf32>
          %squeeze3A_660 = vector.extract %slice3A_659[0] : f32 from vector<1xf32>
          %slice3A_661 = vector.extract_strided_slice %mul3A_657 {offsets = [1], sizes = [1], strides = [1]} : vector<16xf32> to vector<1xf32>
          %squeeze3A_662 = vector.extract %slice3A_661[0] : f32 from vector<1xf32>
          %add3A_663 = arith.addf %squeeze3A_660, %squeeze3A_662 : f32
          %slice3A_664 = vector.extract_strided_slice %mul3A_658 {offsets = [0], sizes = [1], strides = [1]} : vector<16xf32> to vector<1xf32>
          %squeeze3A_665 = vector.extract %slice3A_664[0] : f32 from vector<1xf32>
          %add3A_666 = arith.addf %add3A_663, %squeeze3A_665 : f32
          %add3A_667 = arith.addf %unpack3A_640, %unpack3A_645 : vector<16xf32>
          %mul3A_668 = vector.broadcast %add3A_666 : f32 to vector<16xf32>
          %mul3A_669 = arith.mulf %mul3A_668, %get3A_1 : vector<16xf32>
          %add3A_670 = arith.addf %add3A_667, %mul3A_669 : vector<16xf32>
          %add3A_671 = arith.addf %unpack3A_641, %unpack3A_646 : vector<16xf32>
          %mul3A_672 = vector.broadcast %add3A_666 : f32 to vector<16xf32>
          %mul3A_673 = arith.mulf %mul3A_672, %get3A_3 : vector<16xf32>
          %add3A_674 = arith.addf %add3A_671, %mul3A_673 : vector<16xf32>
          %neg3A_675 = arith.constant 0.000000e+00 : f32
          %neg3A_676 = vector.broadcast %neg3A_675 : f32 to vector<16xf32>
          %neg3A_677 = arith.subf %neg3A_676, %add3A_670 : vector<16xf32>
          %exp3A_678 = math.exp %neg3A_677 : vector<16xf32>
          %add3A_679 = arith.constant 1.000000e+00 : f32
          %add3A_680 = vector.broadcast %add3A_679 : f32 to vector<16xf32>
          %add3A_681 = arith.addf %add3A_680, %exp3A_678 : vector<16xf32>
          %div3A_682 = arith.divf %add3A_670, %add3A_681 : vector<16xf32>
          %swap3A_683 = arith.index_cast %add3A_636 : i32 to index
          %swap3A_684 = arith.constant 0 : index
          %swap3A_685 = tpu.vector_load %arg19[%swap3A_683, %swap3A_684] {strides = array<i32>} : memref<80x32xf32, #tpu.memory_space<vmem>>, vector<16xf32>,
          tpu.vector_store %arg19[%swap3A_683, %swap3A_684], %div3A_682 {strides = array<i32>} : memref<80x32xf32, #tpu.memory_space<vmem>>, vector<16xf32>,
          %neg3A_686 = arith.constant 0.000000e+00 : f32
          %neg3A_687 = vector.broadcast %neg3A_686 : f32 to vector<16xf32>
          %neg3A_688 = arith.subf %neg3A_687, %add3A_674 : vector<16xf32>
          %exp3A_689 = math.exp %neg3A_688 : vector<16xf32>
          %add3A_690 = arith.constant 1.000000e+00 : f32
          %add3A_691 = vector.broadcast %add3A_690 : f32 to vector<16xf32>
          %add3A_692 = arith.addf %add3A_691, %exp3A_689 : vector<16xf32>
          %div3A_693 = arith.divf %add3A_674, %add3A_692 : vector<16xf32>
          %swap3A_694 = arith.index_cast %add3A_636 : i32 to index
          %swap3A_695 = arith.constant 16 : index
          %swap3A_696 = tpu.vector_load %arg19[%swap3A_694, %swap3A_695] {strides = array<i32>} : memref<80x32xf32, #tpu.memory_space<vmem>>, vector<16xf32>,
          tpu.vector_store %arg19[%swap3A_694, %swap3A_695], %div3A_693 {strides = array<i32>} : memref<80x32xf32, #tpu.memory_space<vmem>>, vector<16xf32>,
        }
        %scan3A_200 = arith.constant 10 : i32
        %dma_start3A_201 = arith.constant 0 : i32
        %dma_start3A_202 = arith.constant 0 : i32
        %dma_start3A_203 = tpu.memref_slice %arg23[%dma_start3A_201, %dma_start3A_202] : memref<50048x32xf32, #tpu.memory_space<vmem_shared>> -> memref<50048x32xf32, #tpu.memory_space<vmem_shared>>
        tpu.enqueue_indirect_dma source(%arg19 : memref<80x32xf32, #tpu.memory_space<vmem>>) target(%dma_start3A_203 : memref<50048x32xf32, #tpu.memory_space<vmem_shared>>) offsets(%arg13 : memref<80xi32, #tpu.memory_space<vmem>>) semaphore(%arg28 : memref<!tpu.dma_semaphore, #tpu.memory_space<semaphore_mem>>) {add = true}
      } else {
      }
      %jit3A_134 = arith.constant 2 : i32
      %eq3A_135 = arith.constant 0 : i32
      %eq3A_136 = arith.cmpi eq, %jit3A_134, %eq3A_135 : i32
      %jit3A_137 = arith.constant 1 : i32
      %select_n3A_138 = arith.select %eq3A_136, %jit3A_137, %jit3A_134 : i32
      %rem3A_139 = arith.remsi %scan3A_121, %select_n3A_138 : i32
      %ne3A_140 = arith.constant 0 : i32
      %ne3A_141 = arith.cmpi ne, %rem3A_139, %ne3A_140 : i32
      %lt3A_142 = arith.constant 0 : i32
      %lt3A_143 = arith.cmpi slt, %rem3A_139, %lt3A_142 : i32
      %lt3A_144 = arith.constant 0 : i32
      %lt3A_145 = arith.cmpi slt, %select_n3A_138, %lt3A_144 : i32
      %ne3A_146 = arith.xori %lt3A_143, %lt3A_145 : i1
      %and3A_147 = arith.andi %ne3A_146, %ne3A_141 : i1
      %add3A_148 = arith.addi %rem3A_139, %select_n3A_138 : i32
      %select_n3A_149 = arith.select %and3A_147, %add3A_148, %rem3A_139 : i32
      %eq3A_150 = arith.constant 1 : i32
      %eq3A_151 = arith.cmpi eq, %select_n3A_149, %eq3A_150 : i32
      %convert_element_type3A_152 = arith.extui %eq3A_151 : i1 to i32
      %cond3A_153 = arith.constant 0 : i32
      %cond3A_154 = arith.cmpi ne, %convert_element_type3A_152, %cond3A_153 : i32
      scf.if %cond3A_154 {
        %lt3A_155 = arith.constant 624 : i32
        %lt3A_156 = arith.cmpi slt, %scan3A_121, %lt3A_155 : i32
        %convert_element_type3A_157 = arith.extui %lt3A_156 : i1 to i32
        %cond3A_158 = arith.constant 0 : i32
        %cond3A_159 = arith.cmpi ne, %convert_element_type3A_157, %cond3A_158 : i32
        scf.if %cond3A_159 {
          %add3A_204 = arith.constant 1 : i32
          %add3A_205 = arith.addi %scan3A_121, %add3A_204 : i32
          %mul3A_206 = arith.constant 80 : i32
          %mul3A_207 = arith.muli %add3A_205, %mul3A_206 : i32
          %add3A_208 = arith.addi %mul3A_19, %mul3A_207 : i32
          %multiple_of3A_209 = tpu.assume_multiple %add3A_208, 8 : i32
          %add3A_210 = arith.constant 800000 : i32
          %add3A_211 = arith.addi %add3A_210, %multiple_of3A_209 : i32
          %dma_wait3A_212 = tpu.memref_slice %arg2[%multiple_of3A_209] : memref<1600000xi32, #tpu.memory_space<hbm>> -> memref<80xi32, #tpu.memory_space<hbm>>
          %dma_wait3A_213 = tpu.memref_slice %arg2[%multiple_of3A_209] : memref<1600000xi32, #tpu.memory_space<hbm>> -> memref<80xi32, #tpu.memory_space<hbm>>
          tpu.wait_dma2 semaphore(%arg24 : memref<!tpu.dma_semaphore, #tpu.memory_space<semaphore_mem>>) src(%dma_wait3A_213 : memref<80xi32, #tpu.memory_space<hbm>>) dst(%arg7 : memref<80xi32, #tpu.memory_space<vmem>>)
          %dma_wait3A_214 = tpu.memref_slice %arg2[%add3A_211] : memref<1600000xi32, #tpu.memory_space<hbm>> -> memref<80xi32, #tpu.memory_space<hbm>>
          %dma_wait3A_215 = tpu.memref_slice %arg2[%add3A_211] : memref<1600000xi32, #tpu.memory_space<hbm>> -> memref<80xi32, #tpu.memory_space<hbm>>
          tpu.wait_dma2 semaphore(%arg24 : memref<!tpu.dma_semaphore, #tpu.memory_space<semaphore_mem>>) src(%dma_wait3A_215 : memref<80xi32, #tpu.memory_space<hbm>>) dst(%arg9 : memref<80xi32, #tpu.memory_space<vmem>>)
          %get3A_216 = arith.constant 0 : index
          %get3A_217 = tpu.vector_load %arg7[%get3A_216] {strides = array<i32>} : memref<80xi32, #tpu.memory_space<vmem>>, vector<16xi32>,
          %add3A_218 = vector.broadcast %mul3A_0 : i32 to vector<16xi32>
          %add3A_219 = arith.addi %get3A_217, %add3A_218 : vector<16xi32>
          %swap3A_220 = arith.constant 0 : index
          %swap3A_221 = tpu.vector_load %arg7[%swap3A_220] {strides = array<i32>} : memref<80xi32, #tpu.memory_space<vmem>>, vector<16xi32>,
          tpu.vector_store %arg7[%swap3A_220], %add3A_219 {strides = array<i32>} : memref<80xi32, #tpu.memory_space<vmem>>, vector<16xi32>,
          %get3A_222 = arith.constant 0 : index
          %get3A_223 = tpu.vector_load %arg9[%get3A_222] {strides = array<i32>} : memref<80xi32, #tpu.memory_space<vmem>>, vector<16xi32>,
          %add3A_224 = vector.broadcast %mul3A_0 : i32 to vector<16xi32>
          %add3A_225 = arith.addi %get3A_223, %add3A_224 : vector<16xi32>
          %swap3A_226 = arith.constant 0 : index
          %swap3A_227 = tpu.vector_load %arg11[%swap3A_226] {strides = array<i32>} : memref<80xi32, #tpu.memory_space<vmem>>, vector<16xi32>,
          tpu.vector_store %arg11[%swap3A_226], %add3A_225 {strides = array<i32>} : memref<80xi32, #tpu.memory_space<vmem>>, vector<16xi32>,
          %get3A_228 = arith.constant 16 : index
          %get3A_229 = tpu.vector_load %arg7[%get3A_228] {strides = array<i32>} : memref<80xi32, #tpu.memory_space<vmem>>, vector<16xi32>,
          %add3A_230 = vector.broadcast %mul3A_0 : i32 to vector<16xi32>
          %add3A_231 = arith.addi %get3A_229, %add3A_230 : vector<16xi32>
          %swap3A_232 = arith.constant 16 : index
          %swap3A_233 = tpu.vector_load %arg7[%swap3A_232] {strides = array<i32>} : memref<80xi32, #tpu.memory_space<vmem>>, vector<16xi32>,
          tpu.vector_store %arg7[%swap3A_232], %add3A_231 {strides = array<i32>} : memref<80xi32, #tpu.memory_space<vmem>>, vector<16xi32>,
          %get3A_234 = arith.constant 16 : index
          %get3A_235 = tpu.vector_load %arg9[%get3A_234] {strides = array<i32>} : memref<80xi32, #tpu.memory_space<vmem>>, vector<16xi32>,
          %add3A_236 = vector.broadcast %mul3A_0 : i32 to vector<16xi32>
          %add3A_237 = arith.addi %get3A_235, %add3A_236 : vector<16xi32>
          %swap3A_238 = arith.constant 16 : index
          %swap3A_239 = tpu.vector_load %arg11[%swap3A_238] {strides = array<i32>} : memref<80xi32, #tpu.memory_space<vmem>>, vector<16xi32>,
          tpu.vector_store %arg11[%swap3A_238], %add3A_237 {strides = array<i32>} : memref<80xi32, #tpu.memory_space<vmem>>, vector<16xi32>,
          %get3A_240 = arith.constant 32 : index
          %get3A_241 = tpu.vector_load %arg7[%get3A_240] {strides = array<i32>} : memref<80xi32, #tpu.memory_space<vmem>>, vector<16xi32>,
          %add3A_242 = vector.broadcast %mul3A_0 : i32 to vector<16xi32>
          %add3A_243 = arith.addi %get3A_241, %add3A_242 : vector<16xi32>
          %swap3A_244 = arith.constant 32 : index
          %swap3A_245 = tpu.vector_load %arg7[%swap3A_244] {strides = array<i32>} : memref<80xi32, #tpu.memory_space<vmem>>, vector<16xi32>,
          tpu.vector_store %arg7[%swap3A_244], %add3A_243 {strides = array<i32>} : memref<80xi32, #tpu.memory_space<vmem>>, vector<16xi32>,
          %get3A_246 = arith.constant 32 : index
          %get3A_247 = tpu.vector_load %arg9[%get3A_246] {strides = array<i32>} : memref<80xi32, #tpu.memory_space<vmem>>, vector<16xi32>,
          %add3A_248 = vector.broadcast %mul3A_0 : i32 to vector<16xi32>
          %add3A_249 = arith.addi %get3A_247, %add3A_248 : vector<16xi32>
          %swap3A_250 = arith.constant 32 : index
          %swap3A_251 = tpu.vector_load %arg11[%swap3A_250] {strides = array<i32>} : memref<80xi32, #tpu.memory_space<vmem>>, vector<16xi32>,
          tpu.vector_store %arg11[%swap3A_250], %add3A_249 {strides = array<i32>} : memref<80xi32, #tpu.memory_space<vmem>>, vector<16xi32>,
          %get3A_252 = arith.constant 48 : index
          %get3A_253 = tpu.vector_load %arg7[%get3A_252] {strides = array<i32>} : memref<80xi32, #tpu.memory_space<vmem>>, vector<16xi32>,
          %add3A_254 = vector.broadcast %mul3A_0 : i32 to vector<16xi32>
          %add3A_255 = arith.addi %get3A_253, %add3A_254 : vector<16xi32>
          %swap3A_256 = arith.constant 48 : index
          %swap3A_257 = tpu.vector_load %arg7[%swap3A_256] {strides = array<i32>} : memref<80xi32, #tpu.memory_space<vmem>>, vector<16xi32>,
          tpu.vector_store %arg7[%swap3A_256], %add3A_255 {strides = array<i32>} : memref<80xi32, #tpu.memory_space<vmem>>, vector<16xi32>,
          %get3A_258 = arith.constant 48 : index
          %get3A_259 = tpu.vector_load %arg9[%get3A_258] {strides = array<i32>} : memref<80xi32, #tpu.memory_space<vmem>>, vector<16xi32>,
          %add3A_260 = vector.broadcast %mul3A_0 : i32 to vector<16xi32>
          %add3A_261 = arith.addi %get3A_259, %add3A_260 : vector<16xi32>
          %swap3A_262 = arith.constant 48 : index
          %swap3A_263 = tpu.vector_load %arg11[%swap3A_262] {strides = array<i32>} : memref<80xi32, #tpu.memory_space<vmem>>, vector<16xi32>,
          tpu.vector_store %arg11[%swap3A_262], %add3A_261 {strides = array<i32>} : memref<80xi32, #tpu.memory_space<vmem>>, vector<16xi32>,
          %get3A_264 = arith.constant 64 : index
          %get3A_265 = tpu.vector_load %arg7[%get3A_264] {strides = array<i32>} : memref<80xi32, #tpu.memory_space<vmem>>, vector<16xi32>,
          %add3A_266 = vector.broadcast %mul3A_0 : i32 to vector<16xi32>
          %add3A_267 = arith.addi %get3A_265, %add3A_266 : vector<16xi32>
          %swap3A_268 = arith.constant 64 : index
          %swap3A_269 = tpu.vector_load %arg7[%swap3A_268] {strides = array<i32>} : memref<80xi32, #tpu.memory_space<vmem>>, vector<16xi32>,
          tpu.vector_store %arg7[%swap3A_268], %add3A_267 {strides = array<i32>} : memref<80xi32, #tpu.memory_space<vmem>>, vector<16xi32>,
          %get3A_270 = arith.constant 64 : index
          %get3A_271 = tpu.vector_load %arg9[%get3A_270] {strides = array<i32>} : memref<80xi32, #tpu.memory_space<vmem>>, vector<16xi32>,
          %add3A_272 = vector.broadcast %mul3A_0 : i32 to vector<16xi32>
          %add3A_273 = arith.addi %get3A_271, %add3A_272 : vector<16xi32>
          %swap3A_274 = arith.constant 64 : index
          %swap3A_275 = tpu.vector_load %arg11[%swap3A_274] {strides = array<i32>} : memref<80xi32, #tpu.memory_space<vmem>>, vector<16xi32>,
          tpu.vector_store %arg11[%swap3A_274], %add3A_273 {strides = array<i32>} : memref<80xi32, #tpu.memory_space<vmem>>, vector<16xi32>,
          %dma_start3A_276 = arith.constant 0 : i32
          %dma_start3A_277 = arith.constant 0 : i32
          %dma_start3A_278 = tpu.memref_slice %arg3[%dma_start3A_276, %dma_start3A_277] : memref<100000x64xbf16, #tpu.memory_space<hbm>> -> memref<100000x64xbf16, #tpu.memory_space<hbm>>
          tpu.enqueue_indirect_dma source(%dma_start3A_278 : memref<100000x64xbf16, #tpu.memory_space<hbm>>) target(%arg15 : memref<80x64xbf16, #tpu.memory_space<vmem>>) offsets(%arg7 : memref<80xi32, #tpu.memory_space<vmem>>) semaphore(%arg26 : memref<!tpu.dma_semaphore, #tpu.memory_space<semaphore_mem>>)
          %dma_start3A_279 = arith.constant 0 : i32
          %dma_start3A_280 = arith.constant 0 : i32
          %dma_start3A_281 = tpu.memref_slice %arg4[%dma_start3A_279, %dma_start3A_280] : memref<100000x64xbf16, #tpu.memory_space<hbm>> -> memref<100000x64xbf16, #tpu.memory_space<hbm>>
          tpu.enqueue_indirect_dma source(%dma_start3A_281 : memref<100000x64xbf16, #tpu.memory_space<hbm>>) target(%arg17 : memref<80x64xbf16, #tpu.memory_space<vmem>>) offsets(%arg11 : memref<80xi32, #tpu.memory_space<vmem>>) semaphore(%arg26 : memref<!tpu.dma_semaphore, #tpu.memory_space<semaphore_mem>>)
        } else {
        }
        %dma_wait3A_160 = arith.constant 0 : i32
        %dma_wait3A_161 = arith.constant 0 : i32
        %dma_wait3A_162 = tpu.memref_slice %arg3[%dma_wait3A_160, %dma_wait3A_161] : memref<100000x64xbf16, #tpu.memory_space<hbm>> -> memref<100000x64xbf16, #tpu.memory_space<hbm>>
        tpu.wait_indirect_dma semaphore(%arg27 : memref<!tpu.dma_semaphore, #tpu.memory_space<semaphore_mem>>) src(%dma_wait3A_162 : memref<100000x64xbf16, #tpu.memory_space<hbm>>) dst(%arg16 : memref<80x64xbf16, #tpu.memory_space<vmem>>)
        %dma_wait3A_163 = arith.constant 0 : i32
        %dma_wait3A_164 = arith.constant 0 : i32
        %dma_wait3A_165 = tpu.memref_slice %arg4[%dma_wait3A_163, %dma_wait3A_164] : memref<100000x64xbf16, #tpu.memory_space<hbm>> -> memref<100000x64xbf16, #tpu.memory_space<hbm>>
        tpu.wait_indirect_dma semaphore(%arg27 : memref<!tpu.dma_semaphore, #tpu.memory_space<semaphore_mem>>) src(%dma_wait3A_165 : memref<100000x64xbf16, #tpu.memory_space<hbm>>) dst(%arg18 : memref<80x64xbf16, #tpu.memory_space<vmem>>)
        %ge3A = arith.constant 2 : i32
        %ge3A_166 = arith.cmpi sge, %scan3A_121, %ge3A : i32
        %convert_element_type3A_167 = arith.extui %ge3A_166 : i1 to i32
        %cond3A_168 = arith.constant 0 : i32
        %cond3A_169 = arith.cmpi ne, %convert_element_type3A_167, %cond3A_168 : i32
        scf.if %cond3A_169 {
          %dma_wait3A_204 = arith.constant 0 : i32
          %dma_wait3A_205 = arith.constant 0 : i32
          %dma_wait3A_206 = tpu.memref_slice %arg23[%dma_wait3A_204, %dma_wait3A_205] : memref<50048x32xf32, #tpu.memory_space<vmem_shared>> -> memref<50048x32xf32, #tpu.memory_space<vmem_shared>>
          tpu.wait_indirect_dma semaphore(%arg29 : memref<!tpu.dma_semaphore, #tpu.memory_space<semaphore_mem>>) src(%arg20 : memref<80x32xf32, #tpu.memory_space<vmem>>) dst(%dma_wait3A_206 : memref<50048x32xf32, #tpu.memory_space<vmem_shared>>)
        } else {
        }
        %get3A_170 = arith.constant 0 : index
        %get3A_171 = tpu.vector_load %arg10[%get3A_170] {strides = array<i32>} : memref<80xi32, #tpu.memory_space<vmem>>, vector<16xi32>,
        %swap3A_172 = arith.constant 0 : index
        %swap3A_173 = tpu.vector_load %arg14[%swap3A_172] {strides = array<i32>} : memref<80xi32, #tpu.memory_space<vmem>>, vector<16xi32>,
        tpu.vector_store %arg14[%swap3A_172], %get3A_171 {strides = array<i32>} : memref<80xi32, #tpu.memory_space<vmem>>, vector<16xi32>,
        %get3A_174 = arith.constant 16 : index
        %get3A_175 = tpu.vector_load %arg10[%get3A_174] {strides = array<i32>} : memref<80xi32, #tpu.memory_space<vmem>>, vector<16xi32>,
        %swap3A_176 = arith.constant 16 : index
        %swap3A_177 = tpu.vector_load %arg14[%swap3A_176] {strides = array<i32>} : memref<80xi32, #tpu.memory_space<vmem>>, vector<16xi32>,
        tpu.vector_store %arg14[%swap3A_176], %get3A_175 {strides = array<i32>} : memref<80xi32, #tpu.memory_space<vmem>>, vector<16xi32>,
        %get3A_178 = arith.constant 32 : index
        %get3A_179 = tpu.vector_load %arg10[%get3A_178] {strides = array<i32>} : memref<80xi32, #tpu.memory_space<vmem>>, vector<16xi32>,
        %swap3A_180 = arith.constant 32 : index
        %swap3A_181 = tpu.vector_load %arg14[%swap3A_180] {strides = array<i32>} : memref<80xi32, #tpu.memory_space<vmem>>, vector<16xi32>,
        tpu.vector_store %arg14[%swap3A_180], %get3A_179 {strides = array<i32>} : memref<80xi32, #tpu.memory_space<vmem>>, vector<16xi32>,
        %get3A_182 = arith.constant 48 : index
        %get3A_183 = tpu.vector_load %arg10[%get3A_182] {strides = array<i32>} : memref<80xi32, #tpu.memory_space<vmem>>, vector<16xi32>,
        %swap3A_184 = arith.constant 48 : index
        %swap3A_185 = tpu.vector_load %arg14[%swap3A_184] {strides = array<i32>} : memref<80xi32, #tpu.memory_space<vmem>>, vector<16xi32>,
        tpu.vector_store %arg14[%swap3A_184], %get3A_183 {strides = array<i32>} : memref<80xi32, #tpu.memory_space<vmem>>, vector<16xi32>,
        %get3A_186 = arith.constant 64 : index
        %get3A_187 = tpu.vector_load %arg10[%get3A_186] {strides = array<i32>} : memref<80xi32, #tpu.memory_space<vmem>>, vector<16xi32>,
        %swap3A_188 = arith.constant 64 : index
        %swap3A_189 = tpu.vector_load %arg14[%swap3A_188] {strides = array<i32>} : memref<80xi32, #tpu.memory_space<vmem>>, vector<16xi32>,
        tpu.vector_store %arg14[%swap3A_188], %get3A_187 {strides = array<i32>} : memref<80xi32, #tpu.memory_space<vmem>>, vector<16xi32>,
        %lt3A_190 = arith.constant 623 : i32
        %lt3A_191 = arith.cmpi slt, %scan3A_121, %lt3A_190 : i32
        %convert_element_type3A_192 = arith.extui %lt3A_191 : i1 to i32
        %cond3A_193 = arith.constant 0 : i32
        %cond3A_194 = arith.cmpi ne, %convert_element_type3A_192, %cond3A_193 : i32
        scf.if %cond3A_194 {
          %add3A_204 = arith.constant 2 : i32
          %add3A_205 = arith.addi %scan3A_121, %add3A_204 : i32
          %mul3A_206 = arith.constant 80 : i32
          %mul3A_207 = arith.muli %add3A_205, %mul3A_206 : i32
          %add3A_208 = arith.addi %mul3A_19, %mul3A_207 : i32
          %multiple_of3A_209 = tpu.assume_multiple %add3A_208, 8 : i32
          %add3A_210 = arith.constant 800000 : i32
          %add3A_211 = arith.addi %add3A_210, %multiple_of3A_209 : i32
          %dma_start3A_212 = tpu.memref_slice %arg2[%multiple_of3A_209] : memref<1600000xi32, #tpu.memory_space<hbm>> -> memref<80xi32, #tpu.memory_space<hbm>>
          %dma_start3A_213 = tpu.memref_slice %arg2[%multiple_of3A_209] : memref<1600000xi32, #tpu.memory_space<hbm>> -> memref<80xi32, #tpu.memory_space<hbm>>
          tpu.enqueue_dma source(%dma_start3A_213 : memref<80xi32, #tpu.memory_space<hbm>>) target(%arg8 : memref<80xi32, #tpu.memory_space<vmem>>) target_semaphore(%arg25 : memref<!tpu.dma_semaphore, #tpu.memory_space<semaphore_mem>>)
          %dma_start3A_214 = tpu.memref_slice %arg2[%add3A_211] : memref<1600000xi32, #tpu.memory_space<hbm>> -> memref<80xi32, #tpu.memory_space<hbm>>
          %dma_start3A_215 = tpu.memref_slice %arg2[%add3A_211] : memref<1600000xi32, #tpu.memory_space<hbm>> -> memref<80xi32, #tpu.memory_space<hbm>>
          tpu.enqueue_dma source(%dma_start3A_215 : memref<80xi32, #tpu.memory_space<hbm>>) target(%arg10 : memref<80xi32, #tpu.memory_space<vmem>>) target_semaphore(%arg25 : memref<!tpu.dma_semaphore, #tpu.memory_space<semaphore_mem>>)
        } else {
        }
        %scan3A_195 = arith.constant 0 : i32
        %scan3A_196 = arith.constant 0 : i32
        %scan3A_197 = arith.constant 10 : i32
        %scan3A_198 = arith.addi %scan3A_196, %scan3A_197 : i32
        %scan3A_199 = arith.constant 1 : i32
        scf.for %scan3A_204 = %scan3A_196 to %scan3A_198 step %scan3A_199  : i32 {
          %mul3A_205 = arith.constant 8 : i32
          %mul3A_206 = arith.muli %scan3A_204, %mul3A_205 : i32
          %add3A_207 = arith.constant 0 : i32
          %add3A_208 = arith.addi %mul3A_206, %add3A_207 : i32
          %get3A_209 = arith.index_cast %add3A_208 : i32 to index
          %get3A_210 = arith.constant 0 : index
          %get3A_211 = tpu.vector_load %arg16[%get3A_209, %get3A_210] {strides = array<i32>} : memref<80x64xbf16, #tpu.memory_space<vmem>>, vector<32xbf16>,
          %unpack3A = tpu.unpack_subelements %get3A_211, 0 {pack_format = #tpu.pack_format<interleaved>} : vector<32xbf16> -> vector<16xf32>
          %unpack3A_212 = tpu.unpack_subelements %get3A_211, 1 {pack_format = #tpu.pack_format<interleaved>} : vector<32xbf16> -> vector<16xf32>
          %get3A_213 = arith.index_cast %add3A_208 : i32 to index
          %get3A_214 = arith.constant 0 : index
          %get3A_215 = tpu.vector_load %arg18[%get3A_213, %get3A_214] {strides = array<i32>} : memref<80x64xbf16, #tpu.memory_space<vmem>>, vector<32xbf16>,
          %unpack3A_216 = tpu.unpack_subelements %get3A_215, 0 {pack_format = #tpu.pack_format<interleaved>} : vector<32xbf16> -> vector<16xf32>
          %unpack3A_217 = tpu.unpack_subelements %get3A_215, 1 {pack_format = #tpu.pack_format<interleaved>} : vector<32xbf16> -> vector<16xf32>
          %get3A_218 = arith.index_cast %add3A_208 : i32 to index
          %get3A_219 = arith.constant 32 : index
          %get3A_220 = tpu.vector_load %arg16[%get3A_218, %get3A_219] {strides = array<i32>} : memref<80x64xbf16, #tpu.memory_space<vmem>>, vector<32xbf16>,
          %unpack3A_221 = tpu.unpack_subelements %get3A_220, 0 {pack_format = #tpu.pack_format<interleaved>} : vector<32xbf16> -> vector<16xf32>
          %unpack3A_222 = tpu.unpack_subelements %get3A_220, 1 {pack_format = #tpu.pack_format<interleaved>} : vector<32xbf16> -> vector<16xf32>
          %get3A_223 = arith.index_cast %add3A_208 : i32 to index
          %get3A_224 = arith.constant 32 : index
          %get3A_225 = tpu.vector_load %arg18[%get3A_223, %get3A_224] {strides = array<i32>} : memref<80x64xbf16, #tpu.memory_space<vmem>>, vector<32xbf16>,
          %unpack3A_226 = tpu.unpack_subelements %get3A_225, 0 {pack_format = #tpu.pack_format<interleaved>} : vector<32xbf16> -> vector<16xf32>
          %unpack3A_227 = tpu.unpack_subelements %get3A_225, 1 {pack_format = #tpu.pack_format<interleaved>} : vector<32xbf16> -> vector<16xf32>
          %mul3A_228 = arith.mulf %unpack3A_221, %unpack3A_226 : vector<16xf32>
          %mul3A_229 = arith.mulf %unpack3A_222, %unpack3A_227 : vector<16xf32>
          %slice3A = vector.extract_strided_slice %mul3A_228 {offsets = [0], sizes = [1], strides = [1]} : vector<16xf32> to vector<1xf32>
          %squeeze3A = vector.extract %slice3A[0] : f32 from vector<1xf32>
          %slice3A_230 = vector.extract_strided_slice %mul3A_228 {offsets = [1], sizes = [1], strides = [1]} : vector<16xf32> to vector<1xf32>
          %squeeze3A_231 = vector.extract %slice3A_230[0] : f32 from vector<1xf32>
          %add3A_232 = arith.addf %squeeze3A, %squeeze3A_231 : f32
          %slice3A_233 = vector.extract_strided_slice %mul3A_229 {offsets = [0], sizes = [1], strides = [1]} : vector<16xf32> to vector<1xf32>
          %squeeze3A_234 = vector.extract %slice3A_233[0] : f32 from vector<1xf32>
          %add3A_235 = arith.addf %add3A_232, %squeeze3A_234 : f32
          %add3A_236 = arith.addf %unpack3A, %unpack3A_216 : vector<16xf32>
          %mul3A_237 = vector.broadcast %add3A_235 : f32 to vector<16xf32>
          %mul3A_238 = arith.mulf %mul3A_237, %get3A_1 : vector<16xf32>
          %add3A_239 = arith.addf %add3A_236, %mul3A_238 : vector<16xf32>
          %add3A_240 = arith.addf %unpack3A_212, %unpack3A_217 : vector<16xf32>
          %mul3A_241 = vector.broadcast %add3A_235 : f32 to vector<16xf32>
          %mul3A_242 = arith.mulf %mul3A_241, %get3A_3 : vector<16xf32>
          %add3A_243 = arith.addf %add3A_240, %mul3A_242 : vector<16xf32>
          %neg3A = arith.constant 0.000000e+00 : f32
          %neg3A_244 = vector.broadcast %neg3A : f32 to vector<16xf32>
          %neg3A_245 = arith.subf %neg3A_244, %add3A_239 : vector<16xf32>
          %exp3A = math.exp %neg3A_245 : vector<16xf32>
          %add3A_246 = arith.constant 1.000000e+00 : f32
          %add3A_247 = vector.broadcast %add3A_246 : f32 to vector<16xf32>
          %add3A_248 = arith.addf %add3A_247, %exp3A : vector<16xf32>
          %div3A = arith.divf %add3A_239, %add3A_248 : vector<16xf32>
          %swap3A_249 = arith.index_cast %add3A_208 : i32 to index
          %swap3A_250 = arith.constant 0 : index
          %swap3A_251 = tpu.vector_load %arg20[%swap3A_249, %swap3A_250] {strides = array<i32>} : memref<80x32xf32, #tpu.memory_space<vmem>>, vector<16xf32>,
          tpu.vector_store %arg20[%swap3A_249, %swap3A_250], %div3A {strides = array<i32>} : memref<80x32xf32, #tpu.memory_space<vmem>>, vector<16xf32>,
          %neg3A_252 = arith.constant 0.000000e+00 : f32
          %neg3A_253 = vector.broadcast %neg3A_252 : f32 to vector<16xf32>
          %neg3A_254 = arith.subf %neg3A_253, %add3A_243 : vector<16xf32>
          %exp3A_255 = math.exp %neg3A_254 : vector<16xf32>
          %add3A_256 = arith.constant 1.000000e+00 : f32
          %add3A_257 = vector.broadcast %add3A_256 : f32 to vector<16xf32>
          %add3A_258 = arith.addf %add3A_257, %exp3A_255 : vector<16xf32>
          %div3A_259 = arith.divf %add3A_243, %add3A_258 : vector<16xf32>
          %swap3A_260 = arith.index_cast %add3A_208 : i32 to index
          %swap3A_261 = arith.constant 16 : index
          %swap3A_262 = tpu.vector_load %arg20[%swap3A_260, %swap3A_261] {strides = array<i32>} : memref<80x32xf32, #tpu.memory_space<vmem>>, vector<16xf32>,
          tpu.vector_store %arg20[%swap3A_260, %swap3A_261], %div3A_259 {strides = array<i32>} : memref<80x32xf32, #tpu.memory_space<vmem>>, vector<16xf32>,
          %add3A_263 = arith.constant 1 : i32
          %add3A_264 = arith.addi %mul3A_206, %add3A_263 : i32
          %get3A_265 = arith.index_cast %add3A_264 : i32 to index
          %get3A_266 = arith.constant 0 : index
          %get3A_267 = tpu.vector_load %arg16[%get3A_265, %get3A_266] {strides = array<i32>} : memref<80x64xbf16, #tpu.memory_space<vmem>>, vector<32xbf16>,
          %unpack3A_268 = tpu.unpack_subelements %get3A_267, 0 {pack_format = #tpu.pack_format<interleaved>} : vector<32xbf16> -> vector<16xf32>
          %unpack3A_269 = tpu.unpack_subelements %get3A_267, 1 {pack_format = #tpu.pack_format<interleaved>} : vector<32xbf16> -> vector<16xf32>
          %get3A_270 = arith.index_cast %add3A_264 : i32 to index
          %get3A_271 = arith.constant 0 : index
          %get3A_272 = tpu.vector_load %arg18[%get3A_270, %get3A_271] {strides = array<i32>} : memref<80x64xbf16, #tpu.memory_space<vmem>>, vector<32xbf16>,
          %unpack3A_273 = tpu.unpack_subelements %get3A_272, 0 {pack_format = #tpu.pack_format<interleaved>} : vector<32xbf16> -> vector<16xf32>
          %unpack3A_274 = tpu.unpack_subelements %get3A_272, 1 {pack_format = #tpu.pack_format<interleaved>} : vector<32xbf16> -> vector<16xf32>
          %get3A_275 = arith.index_cast %add3A_264 : i32 to index
          %get3A_276 = arith.constant 32 : index
          %get3A_277 = tpu.vector_load %arg16[%get3A_275, %get3A_276] {strides = array<i32>} : memref<80x64xbf16, #tpu.memory_space<vmem>>, vector<32xbf16>,
          %unpack3A_278 = tpu.unpack_subelements %get3A_277, 0 {pack_format = #tpu.pack_format<interleaved>} : vector<32xbf16> -> vector<16xf32>
          %unpack3A_279 = tpu.unpack_subelements %get3A_277, 1 {pack_format = #tpu.pack_format<interleaved>} : vector<32xbf16> -> vector<16xf32>
          %get3A_280 = arith.index_cast %add3A_264 : i32 to index
          %get3A_281 = arith.constant 32 : index
          %get3A_282 = tpu.vector_load %arg18[%get3A_280, %get3A_281] {strides = array<i32>} : memref<80x64xbf16, #tpu.memory_space<vmem>>, vector<32xbf16>,
          %unpack3A_283 = tpu.unpack_subelements %get3A_282, 0 {pack_format = #tpu.pack_format<interleaved>} : vector<32xbf16> -> vector<16xf32>
          %unpack3A_284 = tpu.unpack_subelements %get3A_282, 1 {pack_format = #tpu.pack_format<interleaved>} : vector<32xbf16> -> vector<16xf32>
          %mul3A_285 = arith.mulf %unpack3A_278, %unpack3A_283 : vector<16xf32>
          %mul3A_286 = arith.mulf %unpack3A_279, %unpack3A_284 : vector<16xf32>
          %slice3A_287 = vector.extract_strided_slice %mul3A_285 {offsets = [0], sizes = [1], strides = [1]} : vector<16xf32> to vector<1xf32>
          %squeeze3A_288 = vector.extract %slice3A_287[0] : f32 from vector<1xf32>
          %slice3A_289 = vector.extract_strided_slice %mul3A_285 {offsets = [1], sizes = [1], strides = [1]} : vector<16xf32> to vector<1xf32>
          %squeeze3A_290 = vector.extract %slice3A_289[0] : f32 from vector<1xf32>
          %add3A_291 = arith.addf %squeeze3A_288, %squeeze3A_290 : f32
          %slice3A_292 = vector.extract_strided_slice %mul3A_286 {offsets = [0], sizes = [1], strides = [1]} : vector<16xf32> to vector<1xf32>
          %squeeze3A_293 = vector.extract %slice3A_292[0] : f32 from vector<1xf32>
          %add3A_294 = arith.addf %add3A_291, %squeeze3A_293 : f32
          %add3A_295 = arith.addf %unpack3A_268, %unpack3A_273 : vector<16xf32>
          %mul3A_296 = vector.broadcast %add3A_294 : f32 to vector<16xf32>
          %mul3A_297 = arith.mulf %mul3A_296, %get3A_1 : vector<16xf32>
          %add3A_298 = arith.addf %add3A_295, %mul3A_297 : vector<16xf32>
          %add3A_299 = arith.addf %unpack3A_269, %unpack3A_274 : vector<16xf32>
          %mul3A_300 = vector.broadcast %add3A_294 : f32 to vector<16xf32>
          %mul3A_301 = arith.mulf %mul3A_300, %get3A_3 : vector<16xf32>
          %add3A_302 = arith.addf %add3A_299, %mul3A_301 : vector<16xf32>
          %neg3A_303 = arith.constant 0.000000e+00 : f32
          %neg3A_304 = vector.broadcast %neg3A_303 : f32 to vector<16xf32>
          %neg3A_305 = arith.subf %neg3A_304, %add3A_298 : vector<16xf32>
          %exp3A_306 = math.exp %neg3A_305 : vector<16xf32>
          %add3A_307 = arith.constant 1.000000e+00 : f32
          %add3A_308 = vector.broadcast %add3A_307 : f32 to vector<16xf32>
          %add3A_309 = arith.addf %add3A_308, %exp3A_306 : vector<16xf32>
          %div3A_310 = arith.divf %add3A_298, %add3A_309 : vector<16xf32>
          %swap3A_311 = arith.index_cast %add3A_264 : i32 to index
          %swap3A_312 = arith.constant 0 : index
          %swap3A_313 = tpu.vector_load %arg20[%swap3A_311, %swap3A_312] {strides = array<i32>} : memref<80x32xf32, #tpu.memory_space<vmem>>, vector<16xf32>,
          tpu.vector_store %arg20[%swap3A_311, %swap3A_312], %div3A_310 {strides = array<i32>} : memref<80x32xf32, #tpu.memory_space<vmem>>, vector<16xf32>,
          %neg3A_314 = arith.constant 0.000000e+00 : f32
          %neg3A_315 = vector.broadcast %neg3A_314 : f32 to vector<16xf32>
          %neg3A_316 = arith.subf %neg3A_315, %add3A_302 : vector<16xf32>
          %exp3A_317 = math.exp %neg3A_316 : vector<16xf32>
          %add3A_318 = arith.constant 1.000000e+00 : f32
          %add3A_319 = vector.broadcast %add3A_318 : f32 to vector<16xf32>
          %add3A_320 = arith.addf %add3A_319, %exp3A_317 : vector<16xf32>
          %div3A_321 = arith.divf %add3A_302, %add3A_320 : vector<16xf32>
          %swap3A_322 = arith.index_cast %add3A_264 : i32 to index
          %swap3A_323 = arith.constant 16 : index
          %swap3A_324 = tpu.vector_load %arg20[%swap3A_322, %swap3A_323] {strides = array<i32>} : memref<80x32xf32, #tpu.memory_space<vmem>>, vector<16xf32>,
          tpu.vector_store %arg20[%swap3A_322, %swap3A_323], %div3A_321 {strides = array<i32>} : memref<80x32xf32, #tpu.memory_space<vmem>>, vector<16xf32>,
          %add3A_325 = arith.constant 2 : i32
          %add3A_326 = arith.addi %mul3A_206, %add3A_325 : i32
          %get3A_327 = arith.index_cast %add3A_326 : i32 to index
          %get3A_328 = arith.constant 0 : index
          %get3A_329 = tpu.vector_load %arg16[%get3A_327, %get3A_328] {strides = array<i32>} : memref<80x64xbf16, #tpu.memory_space<vmem>>, vector<32xbf16>,
          %unpack3A_330 = tpu.unpack_subelements %get3A_329, 0 {pack_format = #tpu.pack_format<interleaved>} : vector<32xbf16> -> vector<16xf32>
          %unpack3A_331 = tpu.unpack_subelements %get3A_329, 1 {pack_format = #tpu.pack_format<interleaved>} : vector<32xbf16> -> vector<16xf32>
          %get3A_332 = arith.index_cast %add3A_326 : i32 to index
          %get3A_333 = arith.constant 0 : index
          %get3A_334 = tpu.vector_load %arg18[%get3A_332, %get3A_333] {strides = array<i32>} : memref<80x64xbf16, #tpu.memory_space<vmem>>, vector<32xbf16>,
          %unpack3A_335 = tpu.unpack_subelements %get3A_334, 0 {pack_format = #tpu.pack_format<interleaved>} : vector<32xbf16> -> vector<16xf32>
          %unpack3A_336 = tpu.unpack_subelements %get3A_334, 1 {pack_format = #tpu.pack_format<interleaved>} : vector<32xbf16> -> vector<16xf32>
          %get3A_337 = arith.index_cast %add3A_326 : i32 to index
          %get3A_338 = arith.constant 32 : index
          %get3A_339 = tpu.vector_load %arg16[%get3A_337, %get3A_338] {strides = array<i32>} : memref<80x64xbf16, #tpu.memory_space<vmem>>, vector<32xbf16>,
          %unpack3A_340 = tpu.unpack_subelements %get3A_339, 0 {pack_format = #tpu.pack_format<interleaved>} : vector<32xbf16> -> vector<16xf32>
          %unpack3A_341 = tpu.unpack_subelements %get3A_339, 1 {pack_format = #tpu.pack_format<interleaved>} : vector<32xbf16> -> vector<16xf32>
          %get3A_342 = arith.index_cast %add3A_326 : i32 to index
          %get3A_343 = arith.constant 32 : index
          %get3A_344 = tpu.vector_load %arg18[%get3A_342, %get3A_343] {strides = array<i32>} : memref<80x64xbf16, #tpu.memory_space<vmem>>, vector<32xbf16>,
          %unpack3A_345 = tpu.unpack_subelements %get3A_344, 0 {pack_format = #tpu.pack_format<interleaved>} : vector<32xbf16> -> vector<16xf32>
          %unpack3A_346 = tpu.unpack_subelements %get3A_344, 1 {pack_format = #tpu.pack_format<interleaved>} : vector<32xbf16> -> vector<16xf32>
          %mul3A_347 = arith.mulf %unpack3A_340, %unpack3A_345 : vector<16xf32>
          %mul3A_348 = arith.mulf %unpack3A_341, %unpack3A_346 : vector<16xf32>
          %slice3A_349 = vector.extract_strided_slice %mul3A_347 {offsets = [0], sizes = [1], strides = [1]} : vector<16xf32> to vector<1xf32>
          %squeeze3A_350 = vector.extract %slice3A_349[0] : f32 from vector<1xf32>
          %slice3A_351 = vector.extract_strided_slice %mul3A_347 {offsets = [1], sizes = [1], strides = [1]} : vector<16xf32> to vector<1xf32>
          %squeeze3A_352 = vector.extract %slice3A_351[0] : f32 from vector<1xf32>
          %add3A_353 = arith.addf %squeeze3A_350, %squeeze3A_352 : f32
          %slice3A_354 = vector.extract_strided_slice %mul3A_348 {offsets = [0], sizes = [1], strides = [1]} : vector<16xf32> to vector<1xf32>
          %squeeze3A_355 = vector.extract %slice3A_354[0] : f32 from vector<1xf32>
          %add3A_356 = arith.addf %add3A_353, %squeeze3A_355 : f32
          %add3A_357 = arith.addf %unpack3A_330, %unpack3A_335 : vector<16xf32>
          %mul3A_358 = vector.broadcast %add3A_356 : f32 to vector<16xf32>
          %mul3A_359 = arith.mulf %mul3A_358, %get3A_1 : vector<16xf32>
          %add3A_360 = arith.addf %add3A_357, %mul3A_359 : vector<16xf32>
          %add3A_361 = arith.addf %unpack3A_331, %unpack3A_336 : vector<16xf32>
          %mul3A_362 = vector.broadcast %add3A_356 : f32 to vector<16xf32>
          %mul3A_363 = arith.mulf %mul3A_362, %get3A_3 : vector<16xf32>
          %add3A_364 = arith.addf %add3A_361, %mul3A_363 : vector<16xf32>
          %neg3A_365 = arith.constant 0.000000e+00 : f32
          %neg3A_366 = vector.broadcast %neg3A_365 : f32 to vector<16xf32>
          %neg3A_367 = arith.subf %neg3A_366, %add3A_360 : vector<16xf32>
          %exp3A_368 = math.exp %neg3A_367 : vector<16xf32>
          %add3A_369 = arith.constant 1.000000e+00 : f32
          %add3A_370 = vector.broadcast %add3A_369 : f32 to vector<16xf32>
          %add3A_371 = arith.addf %add3A_370, %exp3A_368 : vector<16xf32>
          %div3A_372 = arith.divf %add3A_360, %add3A_371 : vector<16xf32>
          %swap3A_373 = arith.index_cast %add3A_326 : i32 to index
          %swap3A_374 = arith.constant 0 : index
          %swap3A_375 = tpu.vector_load %arg20[%swap3A_373, %swap3A_374] {strides = array<i32>} : memref<80x32xf32, #tpu.memory_space<vmem>>, vector<16xf32>,
          tpu.vector_store %arg20[%swap3A_373, %swap3A_374], %div3A_372 {strides = array<i32>} : memref<80x32xf32, #tpu.memory_space<vmem>>, vector<16xf32>,
          %neg3A_376 = arith.constant 0.000000e+00 : f32
          %neg3A_377 = vector.broadcast %neg3A_376 : f32 to vector<16xf32>
          %neg3A_378 = arith.subf %neg3A_377, %add3A_364 : vector<16xf32>
          %exp3A_379 = math.exp %neg3A_378 : vector<16xf32>
          %add3A_380 = arith.constant 1.000000e+00 : f32
          %add3A_381 = vector.broadcast %add3A_380 : f32 to vector<16xf32>
          %add3A_382 = arith.addf %add3A_381, %exp3A_379 : vector<16xf32>
          %div3A_383 = arith.divf %add3A_364, %add3A_382 : vector<16xf32>
          %swap3A_384 = arith.index_cast %add3A_326 : i32 to index
          %swap3A_385 = arith.constant 16 : index
          %swap3A_386 = tpu.vector_load %arg20[%swap3A_384, %swap3A_385] {strides = array<i32>} : memref<80x32xf32, #tpu.memory_space<vmem>>, vector<16xf32>,
          tpu.vector_store %arg20[%swap3A_384, %swap3A_385], %div3A_383 {strides = array<i32>} : memref<80x32xf32, #tpu.memory_space<vmem>>, vector<16xf32>,
          %add3A_387 = arith.constant 3 : i32
          %add3A_388 = arith.addi %mul3A_206, %add3A_387 : i32
          %get3A_389 = arith.index_cast %add3A_388 : i32 to index
          %get3A_390 = arith.constant 0 : index
          %get3A_391 = tpu.vector_load %arg16[%get3A_389, %get3A_390] {strides = array<i32>} : memref<80x64xbf16, #tpu.memory_space<vmem>>, vector<32xbf16>,
          %unpack3A_392 = tpu.unpack_subelements %get3A_391, 0 {pack_format = #tpu.pack_format<interleaved>} : vector<32xbf16> -> vector<16xf32>
          %unpack3A_393 = tpu.unpack_subelements %get3A_391, 1 {pack_format = #tpu.pack_format<interleaved>} : vector<32xbf16> -> vector<16xf32>
          %get3A_394 = arith.index_cast %add3A_388 : i32 to index
          %get3A_395 = arith.constant 0 : index
          %get3A_396 = tpu.vector_load %arg18[%get3A_394, %get3A_395] {strides = array<i32>} : memref<80x64xbf16, #tpu.memory_space<vmem>>, vector<32xbf16>,
          %unpack3A_397 = tpu.unpack_subelements %get3A_396, 0 {pack_format = #tpu.pack_format<interleaved>} : vector<32xbf16> -> vector<16xf32>
          %unpack3A_398 = tpu.unpack_subelements %get3A_396, 1 {pack_format = #tpu.pack_format<interleaved>} : vector<32xbf16> -> vector<16xf32>
          %get3A_399 = arith.index_cast %add3A_388 : i32 to index
          %get3A_400 = arith.constant 32 : index
          %get3A_401 = tpu.vector_load %arg16[%get3A_399, %get3A_400] {strides = array<i32>} : memref<80x64xbf16, #tpu.memory_space<vmem>>, vector<32xbf16>,
          %unpack3A_402 = tpu.unpack_subelements %get3A_401, 0 {pack_format = #tpu.pack_format<interleaved>} : vector<32xbf16> -> vector<16xf32>
          %unpack3A_403 = tpu.unpack_subelements %get3A_401, 1 {pack_format = #tpu.pack_format<interleaved>} : vector<32xbf16> -> vector<16xf32>
          %get3A_404 = arith.index_cast %add3A_388 : i32 to index
          %get3A_405 = arith.constant 32 : index
          %get3A_406 = tpu.vector_load %arg18[%get3A_404, %get3A_405] {strides = array<i32>} : memref<80x64xbf16, #tpu.memory_space<vmem>>, vector<32xbf16>,
          %unpack3A_407 = tpu.unpack_subelements %get3A_406, 0 {pack_format = #tpu.pack_format<interleaved>} : vector<32xbf16> -> vector<16xf32>
          %unpack3A_408 = tpu.unpack_subelements %get3A_406, 1 {pack_format = #tpu.pack_format<interleaved>} : vector<32xbf16> -> vector<16xf32>
          %mul3A_409 = arith.mulf %unpack3A_402, %unpack3A_407 : vector<16xf32>
          %mul3A_410 = arith.mulf %unpack3A_403, %unpack3A_408 : vector<16xf32>
          %slice3A_411 = vector.extract_strided_slice %mul3A_409 {offsets = [0], sizes = [1], strides = [1]} : vector<16xf32> to vector<1xf32>
          %squeeze3A_412 = vector.extract %slice3A_411[0] : f32 from vector<1xf32>
          %slice3A_413 = vector.extract_strided_slice %mul3A_409 {offsets = [1], sizes = [1], strides = [1]} : vector<16xf32> to vector<1xf32>
          %squeeze3A_414 = vector.extract %slice3A_413[0] : f32 from vector<1xf32>
          %add3A_415 = arith.addf %squeeze3A_412, %squeeze3A_414 : f32
          %slice3A_416 = vector.extract_strided_slice %mul3A_410 {offsets = [0], sizes = [1], strides = [1]} : vector<16xf32> to vector<1xf32>
          %squeeze3A_417 = vector.extract %slice3A_416[0] : f32 from vector<1xf32>
          %add3A_418 = arith.addf %add3A_415, %squeeze3A_417 : f32
          %add3A_419 = arith.addf %unpack3A_392, %unpack3A_397 : vector<16xf32>
          %mul3A_420 = vector.broadcast %add3A_418 : f32 to vector<16xf32>
          %mul3A_421 = arith.mulf %mul3A_420, %get3A_1 : vector<16xf32>
          %add3A_422 = arith.addf %add3A_419, %mul3A_421 : vector<16xf32>
          %add3A_423 = arith.addf %unpack3A_393, %unpack3A_398 : vector<16xf32>
          %mul3A_424 = vector.broadcast %add3A_418 : f32 to vector<16xf32>
          %mul3A_425 = arith.mulf %mul3A_424, %get3A_3 : vector<16xf32>
          %add3A_426 = arith.addf %add3A_423, %mul3A_425 : vector<16xf32>
          %neg3A_427 = arith.constant 0.000000e+00 : f32
          %neg3A_428 = vector.broadcast %neg3A_427 : f32 to vector<16xf32>
          %neg3A_429 = arith.subf %neg3A_428, %add3A_422 : vector<16xf32>
          %exp3A_430 = math.exp %neg3A_429 : vector<16xf32>
          %add3A_431 = arith.constant 1.000000e+00 : f32
          %add3A_432 = vector.broadcast %add3A_431 : f32 to vector<16xf32>
          %add3A_433 = arith.addf %add3A_432, %exp3A_430 : vector<16xf32>
          %div3A_434 = arith.divf %add3A_422, %add3A_433 : vector<16xf32>
          %swap3A_435 = arith.index_cast %add3A_388 : i32 to index
          %swap3A_436 = arith.constant 0 : index
          %swap3A_437 = tpu.vector_load %arg20[%swap3A_435, %swap3A_436] {strides = array<i32>} : memref<80x32xf32, #tpu.memory_space<vmem>>, vector<16xf32>,
          tpu.vector_store %arg20[%swap3A_435, %swap3A_436], %div3A_434 {strides = array<i32>} : memref<80x32xf32, #tpu.memory_space<vmem>>, vector<16xf32>,
          %neg3A_438 = arith.constant 0.000000e+00 : f32
          %neg3A_439 = vector.broadcast %neg3A_438 : f32 to vector<16xf32>
          %neg3A_440 = arith.subf %neg3A_439, %add3A_426 : vector<16xf32>
          %exp3A_441 = math.exp %neg3A_440 : vector<16xf32>
          %add3A_442 = arith.constant 1.000000e+00 : f32
          %add3A_443 = vector.broadcast %add3A_442 : f32 to vector<16xf32>
          %add3A_444 = arith.addf %add3A_443, %exp3A_441 : vector<16xf32>
          %div3A_445 = arith.divf %add3A_426, %add3A_444 : vector<16xf32>
          %swap3A_446 = arith.index_cast %add3A_388 : i32 to index
          %swap3A_447 = arith.constant 16 : index
          %swap3A_448 = tpu.vector_load %arg20[%swap3A_446, %swap3A_447] {strides = array<i32>} : memref<80x32xf32, #tpu.memory_space<vmem>>, vector<16xf32>,
          tpu.vector_store %arg20[%swap3A_446, %swap3A_447], %div3A_445 {strides = array<i32>} : memref<80x32xf32, #tpu.memory_space<vmem>>, vector<16xf32>,
          %add3A_449 = arith.constant 4 : i32
          %add3A_450 = arith.addi %mul3A_206, %add3A_449 : i32
          %get3A_451 = arith.index_cast %add3A_450 : i32 to index
          %get3A_452 = arith.constant 0 : index
          %get3A_453 = tpu.vector_load %arg16[%get3A_451, %get3A_452] {strides = array<i32>} : memref<80x64xbf16, #tpu.memory_space<vmem>>, vector<32xbf16>,
          %unpack3A_454 = tpu.unpack_subelements %get3A_453, 0 {pack_format = #tpu.pack_format<interleaved>} : vector<32xbf16> -> vector<16xf32>
          %unpack3A_455 = tpu.unpack_subelements %get3A_453, 1 {pack_format = #tpu.pack_format<interleaved>} : vector<32xbf16> -> vector<16xf32>
          %get3A_456 = arith.index_cast %add3A_450 : i32 to index
          %get3A_457 = arith.constant 0 : index
          %get3A_458 = tpu.vector_load %arg18[%get3A_456, %get3A_457] {strides = array<i32>} : memref<80x64xbf16, #tpu.memory_space<vmem>>, vector<32xbf16>,
          %unpack3A_459 = tpu.unpack_subelements %get3A_458, 0 {pack_format = #tpu.pack_format<interleaved>} : vector<32xbf16> -> vector<16xf32>
          %unpack3A_460 = tpu.unpack_subelements %get3A_458, 1 {pack_format = #tpu.pack_format<interleaved>} : vector<32xbf16> -> vector<16xf32>
          %get3A_461 = arith.index_cast %add3A_450 : i32 to index
          %get3A_462 = arith.constant 32 : index
          %get3A_463 = tpu.vector_load %arg16[%get3A_461, %get3A_462] {strides = array<i32>} : memref<80x64xbf16, #tpu.memory_space<vmem>>, vector<32xbf16>,
          %unpack3A_464 = tpu.unpack_subelements %get3A_463, 0 {pack_format = #tpu.pack_format<interleaved>} : vector<32xbf16> -> vector<16xf32>
          %unpack3A_465 = tpu.unpack_subelements %get3A_463, 1 {pack_format = #tpu.pack_format<interleaved>} : vector<32xbf16> -> vector<16xf32>
          %get3A_466 = arith.index_cast %add3A_450 : i32 to index
          %get3A_467 = arith.constant 32 : index
          %get3A_468 = tpu.vector_load %arg18[%get3A_466, %get3A_467] {strides = array<i32>} : memref<80x64xbf16, #tpu.memory_space<vmem>>, vector<32xbf16>,
          %unpack3A_469 = tpu.unpack_subelements %get3A_468, 0 {pack_format = #tpu.pack_format<interleaved>} : vector<32xbf16> -> vector<16xf32>
          %unpack3A_470 = tpu.unpack_subelements %get3A_468, 1 {pack_format = #tpu.pack_format<interleaved>} : vector<32xbf16> -> vector<16xf32>
          %mul3A_471 = arith.mulf %unpack3A_464, %unpack3A_469 : vector<16xf32>
          %mul3A_472 = arith.mulf %unpack3A_465, %unpack3A_470 : vector<16xf32>
          %slice3A_473 = vector.extract_strided_slice %mul3A_471 {offsets = [0], sizes = [1], strides = [1]} : vector<16xf32> to vector<1xf32>
          %squeeze3A_474 = vector.extract %slice3A_473[0] : f32 from vector<1xf32>
          %slice3A_475 = vector.extract_strided_slice %mul3A_471 {offsets = [1], sizes = [1], strides = [1]} : vector<16xf32> to vector<1xf32>
          %squeeze3A_476 = vector.extract %slice3A_475[0] : f32 from vector<1xf32>
          %add3A_477 = arith.addf %squeeze3A_474, %squeeze3A_476 : f32
          %slice3A_478 = vector.extract_strided_slice %mul3A_472 {offsets = [0], sizes = [1], strides = [1]} : vector<16xf32> to vector<1xf32>
          %squeeze3A_479 = vector.extract %slice3A_478[0] : f32 from vector<1xf32>
          %add3A_480 = arith.addf %add3A_477, %squeeze3A_479 : f32
          %add3A_481 = arith.addf %unpack3A_454, %unpack3A_459 : vector<16xf32>
          %mul3A_482 = vector.broadcast %add3A_480 : f32 to vector<16xf32>
          %mul3A_483 = arith.mulf %mul3A_482, %get3A_1 : vector<16xf32>
          %add3A_484 = arith.addf %add3A_481, %mul3A_483 : vector<16xf32>
          %add3A_485 = arith.addf %unpack3A_455, %unpack3A_460 : vector<16xf32>
          %mul3A_486 = vector.broadcast %add3A_480 : f32 to vector<16xf32>
          %mul3A_487 = arith.mulf %mul3A_486, %get3A_3 : vector<16xf32>
          %add3A_488 = arith.addf %add3A_485, %mul3A_487 : vector<16xf32>
          %neg3A_489 = arith.constant 0.000000e+00 : f32
          %neg3A_490 = vector.broadcast %neg3A_489 : f32 to vector<16xf32>
          %neg3A_491 = arith.subf %neg3A_490, %add3A_484 : vector<16xf32>
          %exp3A_492 = math.exp %neg3A_491 : vector<16xf32>
          %add3A_493 = arith.constant 1.000000e+00 : f32
          %add3A_494 = vector.broadcast %add3A_493 : f32 to vector<16xf32>
          %add3A_495 = arith.addf %add3A_494, %exp3A_492 : vector<16xf32>
          %div3A_496 = arith.divf %add3A_484, %add3A_495 : vector<16xf32>
          %swap3A_497 = arith.index_cast %add3A_450 : i32 to index
          %swap3A_498 = arith.constant 0 : index
          %swap3A_499 = tpu.vector_load %arg20[%swap3A_497, %swap3A_498] {strides = array<i32>} : memref<80x32xf32, #tpu.memory_space<vmem>>, vector<16xf32>,
          tpu.vector_store %arg20[%swap3A_497, %swap3A_498], %div3A_496 {strides = array<i32>} : memref<80x32xf32, #tpu.memory_space<vmem>>, vector<16xf32>,
          %neg3A_500 = arith.constant 0.000000e+00 : f32
          %neg3A_501 = vector.broadcast %neg3A_500 : f32 to vector<16xf32>
          %neg3A_502 = arith.subf %neg3A_501, %add3A_488 : vector<16xf32>
          %exp3A_503 = math.exp %neg3A_502 : vector<16xf32>
          %add3A_504 = arith.constant 1.000000e+00 : f32
          %add3A_505 = vector.broadcast %add3A_504 : f32 to vector<16xf32>
          %add3A_506 = arith.addf %add3A_505, %exp3A_503 : vector<16xf32>
          %div3A_507 = arith.divf %add3A_488, %add3A_506 : vector<16xf32>
          %swap3A_508 = arith.index_cast %add3A_450 : i32 to index
          %swap3A_509 = arith.constant 16 : index
          %swap3A_510 = tpu.vector_load %arg20[%swap3A_508, %swap3A_509] {strides = array<i32>} : memref<80x32xf32, #tpu.memory_space<vmem>>, vector<16xf32>,
          tpu.vector_store %arg20[%swap3A_508, %swap3A_509], %div3A_507 {strides = array<i32>} : memref<80x32xf32, #tpu.memory_space<vmem>>, vector<16xf32>,
          %add3A_511 = arith.constant 5 : i32
          %add3A_512 = arith.addi %mul3A_206, %add3A_511 : i32
          %get3A_513 = arith.index_cast %add3A_512 : i32 to index
          %get3A_514 = arith.constant 0 : index
          %get3A_515 = tpu.vector_load %arg16[%get3A_513, %get3A_514] {strides = array<i32>} : memref<80x64xbf16, #tpu.memory_space<vmem>>, vector<32xbf16>,
          %unpack3A_516 = tpu.unpack_subelements %get3A_515, 0 {pack_format = #tpu.pack_format<interleaved>} : vector<32xbf16> -> vector<16xf32>
          %unpack3A_517 = tpu.unpack_subelements %get3A_515, 1 {pack_format = #tpu.pack_format<interleaved>} : vector<32xbf16> -> vector<16xf32>
          %get3A_518 = arith.index_cast %add3A_512 : i32 to index
          %get3A_519 = arith.constant 0 : index
          %get3A_520 = tpu.vector_load %arg18[%get3A_518, %get3A_519] {strides = array<i32>} : memref<80x64xbf16, #tpu.memory_space<vmem>>, vector<32xbf16>,
          %unpack3A_521 = tpu.unpack_subelements %get3A_520, 0 {pack_format = #tpu.pack_format<interleaved>} : vector<32xbf16> -> vector<16xf32>
          %unpack3A_522 = tpu.unpack_subelements %get3A_520, 1 {pack_format = #tpu.pack_format<interleaved>} : vector<32xbf16> -> vector<16xf32>
          %get3A_523 = arith.index_cast %add3A_512 : i32 to index
          %get3A_524 = arith.constant 32 : index
          %get3A_525 = tpu.vector_load %arg16[%get3A_523, %get3A_524] {strides = array<i32>} : memref<80x64xbf16, #tpu.memory_space<vmem>>, vector<32xbf16>,
          %unpack3A_526 = tpu.unpack_subelements %get3A_525, 0 {pack_format = #tpu.pack_format<interleaved>} : vector<32xbf16> -> vector<16xf32>
          %unpack3A_527 = tpu.unpack_subelements %get3A_525, 1 {pack_format = #tpu.pack_format<interleaved>} : vector<32xbf16> -> vector<16xf32>
          %get3A_528 = arith.index_cast %add3A_512 : i32 to index
          %get3A_529 = arith.constant 32 : index
          %get3A_530 = tpu.vector_load %arg18[%get3A_528, %get3A_529] {strides = array<i32>} : memref<80x64xbf16, #tpu.memory_space<vmem>>, vector<32xbf16>,
          %unpack3A_531 = tpu.unpack_subelements %get3A_530, 0 {pack_format = #tpu.pack_format<interleaved>} : vector<32xbf16> -> vector<16xf32>
          %unpack3A_532 = tpu.unpack_subelements %get3A_530, 1 {pack_format = #tpu.pack_format<interleaved>} : vector<32xbf16> -> vector<16xf32>
          %mul3A_533 = arith.mulf %unpack3A_526, %unpack3A_531 : vector<16xf32>
          %mul3A_534 = arith.mulf %unpack3A_527, %unpack3A_532 : vector<16xf32>
          %slice3A_535 = vector.extract_strided_slice %mul3A_533 {offsets = [0], sizes = [1], strides = [1]} : vector<16xf32> to vector<1xf32>
          %squeeze3A_536 = vector.extract %slice3A_535[0] : f32 from vector<1xf32>
          %slice3A_537 = vector.extract_strided_slice %mul3A_533 {offsets = [1], sizes = [1], strides = [1]} : vector<16xf32> to vector<1xf32>
          %squeeze3A_538 = vector.extract %slice3A_537[0] : f32 from vector<1xf32>
          %add3A_539 = arith.addf %squeeze3A_536, %squeeze3A_538 : f32
          %slice3A_540 = vector.extract_strided_slice %mul3A_534 {offsets = [0], sizes = [1], strides = [1]} : vector<16xf32> to vector<1xf32>
          %squeeze3A_541 = vector.extract %slice3A_540[0] : f32 from vector<1xf32>
          %add3A_542 = arith.addf %add3A_539, %squeeze3A_541 : f32
          %add3A_543 = arith.addf %unpack3A_516, %unpack3A_521 : vector<16xf32>
          %mul3A_544 = vector.broadcast %add3A_542 : f32 to vector<16xf32>
          %mul3A_545 = arith.mulf %mul3A_544, %get3A_1 : vector<16xf32>
          %add3A_546 = arith.addf %add3A_543, %mul3A_545 : vector<16xf32>
          %add3A_547 = arith.addf %unpack3A_517, %unpack3A_522 : vector<16xf32>
          %mul3A_548 = vector.broadcast %add3A_542 : f32 to vector<16xf32>
          %mul3A_549 = arith.mulf %mul3A_548, %get3A_3 : vector<16xf32>
          %add3A_550 = arith.addf %add3A_547, %mul3A_549 : vector<16xf32>
          %neg3A_551 = arith.constant 0.000000e+00 : f32
          %neg3A_552 = vector.broadcast %neg3A_551 : f32 to vector<16xf32>
          %neg3A_553 = arith.subf %neg3A_552, %add3A_546 : vector<16xf32>
          %exp3A_554 = math.exp %neg3A_553 : vector<16xf32>
          %add3A_555 = arith.constant 1.000000e+00 : f32
          %add3A_556 = vector.broadcast %add3A_555 : f32 to vector<16xf32>
          %add3A_557 = arith.addf %add3A_556, %exp3A_554 : vector<16xf32>
          %div3A_558 = arith.divf %add3A_546, %add3A_557 : vector<16xf32>
          %swap3A_559 = arith.index_cast %add3A_512 : i32 to index
          %swap3A_560 = arith.constant 0 : index
          %swap3A_561 = tpu.vector_load %arg20[%swap3A_559, %swap3A_560] {strides = array<i32>} : memref<80x32xf32, #tpu.memory_space<vmem>>, vector<16xf32>,
          tpu.vector_store %arg20[%swap3A_559, %swap3A_560], %div3A_558 {strides = array<i32>} : memref<80x32xf32, #tpu.memory_space<vmem>>, vector<16xf32>,
          %neg3A_562 = arith.constant 0.000000e+00 : f32
          %neg3A_563 = vector.broadcast %neg3A_562 : f32 to vector<16xf32>
          %neg3A_564 = arith.subf %neg3A_563, %add3A_550 : vector<16xf32>
          %exp3A_565 = math.exp %neg3A_564 : vector<16xf32>
          %add3A_566 = arith.constant 1.000000e+00 : f32
          %add3A_567 = vector.broadcast %add3A_566 : f32 to vector<16xf32>
          %add3A_568 = arith.addf %add3A_567, %exp3A_565 : vector<16xf32>
          %div3A_569 = arith.divf %add3A_550, %add3A_568 : vector<16xf32>
          %swap3A_570 = arith.index_cast %add3A_512 : i32 to index
          %swap3A_571 = arith.constant 16 : index
          %swap3A_572 = tpu.vector_load %arg20[%swap3A_570, %swap3A_571] {strides = array<i32>} : memref<80x32xf32, #tpu.memory_space<vmem>>, vector<16xf32>,
          tpu.vector_store %arg20[%swap3A_570, %swap3A_571], %div3A_569 {strides = array<i32>} : memref<80x32xf32, #tpu.memory_space<vmem>>, vector<16xf32>,
          %add3A_573 = arith.constant 6 : i32
          %add3A_574 = arith.addi %mul3A_206, %add3A_573 : i32
          %get3A_575 = arith.index_cast %add3A_574 : i32 to index
          %get3A_576 = arith.constant 0 : index
          %get3A_577 = tpu.vector_load %arg16[%get3A_575, %get3A_576] {strides = array<i32>} : memref<80x64xbf16, #tpu.memory_space<vmem>>, vector<32xbf16>,
          %unpack3A_578 = tpu.unpack_subelements %get3A_577, 0 {pack_format = #tpu.pack_format<interleaved>} : vector<32xbf16> -> vector<16xf32>
          %unpack3A_579 = tpu.unpack_subelements %get3A_577, 1 {pack_format = #tpu.pack_format<interleaved>} : vector<32xbf16> -> vector<16xf32>
          %get3A_580 = arith.index_cast %add3A_574 : i32 to index
          %get3A_581 = arith.constant 0 : index
          %get3A_582 = tpu.vector_load %arg18[%get3A_580, %get3A_581] {strides = array<i32>} : memref<80x64xbf16, #tpu.memory_space<vmem>>, vector<32xbf16>,
          %unpack3A_583 = tpu.unpack_subelements %get3A_582, 0 {pack_format = #tpu.pack_format<interleaved>} : vector<32xbf16> -> vector<16xf32>
          %unpack3A_584 = tpu.unpack_subelements %get3A_582, 1 {pack_format = #tpu.pack_format<interleaved>} : vector<32xbf16> -> vector<16xf32>
          %get3A_585 = arith.index_cast %add3A_574 : i32 to index
          %get3A_586 = arith.constant 32 : index
          %get3A_587 = tpu.vector_load %arg16[%get3A_585, %get3A_586] {strides = array<i32>} : memref<80x64xbf16, #tpu.memory_space<vmem>>, vector<32xbf16>,
          %unpack3A_588 = tpu.unpack_subelements %get3A_587, 0 {pack_format = #tpu.pack_format<interleaved>} : vector<32xbf16> -> vector<16xf32>
          %unpack3A_589 = tpu.unpack_subelements %get3A_587, 1 {pack_format = #tpu.pack_format<interleaved>} : vector<32xbf16> -> vector<16xf32>
          %get3A_590 = arith.index_cast %add3A_574 : i32 to index
          %get3A_591 = arith.constant 32 : index
          %get3A_592 = tpu.vector_load %arg18[%get3A_590, %get3A_591] {strides = array<i32>} : memref<80x64xbf16, #tpu.memory_space<vmem>>, vector<32xbf16>,
          %unpack3A_593 = tpu.unpack_subelements %get3A_592, 0 {pack_format = #tpu.pack_format<interleaved>} : vector<32xbf16> -> vector<16xf32>
          %unpack3A_594 = tpu.unpack_subelements %get3A_592, 1 {pack_format = #tpu.pack_format<interleaved>} : vector<32xbf16> -> vector<16xf32>
          %mul3A_595 = arith.mulf %unpack3A_588, %unpack3A_593 : vector<16xf32>
          %mul3A_596 = arith.mulf %unpack3A_589, %unpack3A_594 : vector<16xf32>
          %slice3A_597 = vector.extract_strided_slice %mul3A_595 {offsets = [0], sizes = [1], strides = [1]} : vector<16xf32> to vector<1xf32>
          %squeeze3A_598 = vector.extract %slice3A_597[0] : f32 from vector<1xf32>
          %slice3A_599 = vector.extract_strided_slice %mul3A_595 {offsets = [1], sizes = [1], strides = [1]} : vector<16xf32> to vector<1xf32>
          %squeeze3A_600 = vector.extract %slice3A_599[0] : f32 from vector<1xf32>
          %add3A_601 = arith.addf %squeeze3A_598, %squeeze3A_600 : f32
          %slice3A_602 = vector.extract_strided_slice %mul3A_596 {offsets = [0], sizes = [1], strides = [1]} : vector<16xf32> to vector<1xf32>
          %squeeze3A_603 = vector.extract %slice3A_602[0] : f32 from vector<1xf32>
          %add3A_604 = arith.addf %add3A_601, %squeeze3A_603 : f32
          %add3A_605 = arith.addf %unpack3A_578, %unpack3A_583 : vector<16xf32>
          %mul3A_606 = vector.broadcast %add3A_604 : f32 to vector<16xf32>
          %mul3A_607 = arith.mulf %mul3A_606, %get3A_1 : vector<16xf32>
          %add3A_608 = arith.addf %add3A_605, %mul3A_607 : vector<16xf32>
          %add3A_609 = arith.addf %unpack3A_579, %unpack3A_584 : vector<16xf32>
          %mul3A_610 = vector.broadcast %add3A_604 : f32 to vector<16xf32>
          %mul3A_611 = arith.mulf %mul3A_610, %get3A_3 : vector<16xf32>
          %add3A_612 = arith.addf %add3A_609, %mul3A_611 : vector<16xf32>
          %neg3A_613 = arith.constant 0.000000e+00 : f32
          %neg3A_614 = vector.broadcast %neg3A_613 : f32 to vector<16xf32>
          %neg3A_615 = arith.subf %neg3A_614, %add3A_608 : vector<16xf32>
          %exp3A_616 = math.exp %neg3A_615 : vector<16xf32>
          %add3A_617 = arith.constant 1.000000e+00 : f32
          %add3A_618 = vector.broadcast %add3A_617 : f32 to vector<16xf32>
          %add3A_619 = arith.addf %add3A_618, %exp3A_616 : vector<16xf32>
          %div3A_620 = arith.divf %add3A_608, %add3A_619 : vector<16xf32>
          %swap3A_621 = arith.index_cast %add3A_574 : i32 to index
          %swap3A_622 = arith.constant 0 : index
          %swap3A_623 = tpu.vector_load %arg20[%swap3A_621, %swap3A_622] {strides = array<i32>} : memref<80x32xf32, #tpu.memory_space<vmem>>, vector<16xf32>,
          tpu.vector_store %arg20[%swap3A_621, %swap3A_622], %div3A_620 {strides = array<i32>} : memref<80x32xf32, #tpu.memory_space<vmem>>, vector<16xf32>,
          %neg3A_624 = arith.constant 0.000000e+00 : f32
          %neg3A_625 = vector.broadcast %neg3A_624 : f32 to vector<16xf32>
          %neg3A_626 = arith.subf %neg3A_625, %add3A_612 : vector<16xf32>
          %exp3A_627 = math.exp %neg3A_626 : vector<16xf32>
          %add3A_628 = arith.constant 1.000000e+00 : f32
          %add3A_629 = vector.broadcast %add3A_628 : f32 to vector<16xf32>
          %add3A_630 = arith.addf %add3A_629, %exp3A_627 : vector<16xf32>
          %div3A_631 = arith.divf %add3A_612, %add3A_630 : vector<16xf32>
          %swap3A_632 = arith.index_cast %add3A_574 : i32 to index
          %swap3A_633 = arith.constant 16 : index
          %swap3A_634 = tpu.vector_load %arg20[%swap3A_632, %swap3A_633] {strides = array<i32>} : memref<80x32xf32, #tpu.memory_space<vmem>>, vector<16xf32>,
          tpu.vector_store %arg20[%swap3A_632, %swap3A_633], %div3A_631 {strides = array<i32>} : memref<80x32xf32, #tpu.memory_space<vmem>>, vector<16xf32>,
          %add3A_635 = arith.constant 7 : i32
          %add3A_636 = arith.addi %mul3A_206, %add3A_635 : i32
          %get3A_637 = arith.index_cast %add3A_636 : i32 to index
          %get3A_638 = arith.constant 0 : index
          %get3A_639 = tpu.vector_load %arg16[%get3A_637, %get3A_638] {strides = array<i32>} : memref<80x64xbf16, #tpu.memory_space<vmem>>, vector<32xbf16>,
          %unpack3A_640 = tpu.unpack_subelements %get3A_639, 0 {pack_format = #tpu.pack_format<interleaved>} : vector<32xbf16> -> vector<16xf32>
          %unpack3A_641 = tpu.unpack_subelements %get3A_639, 1 {pack_format = #tpu.pack_format<interleaved>} : vector<32xbf16> -> vector<16xf32>
          %get3A_642 = arith.index_cast %add3A_636 : i32 to index
          %get3A_643 = arith.constant 0 : index
          %get3A_644 = tpu.vector_load %arg18[%get3A_642, %get3A_643] {strides = array<i32>} : memref<80x64xbf16, #tpu.memory_space<vmem>>, vector<32xbf16>,
          %unpack3A_645 = tpu.unpack_subelements %get3A_644, 0 {pack_format = #tpu.pack_format<interleaved>} : vector<32xbf16> -> vector<16xf32>
          %unpack3A_646 = tpu.unpack_subelements %get3A_644, 1 {pack_format = #tpu.pack_format<interleaved>} : vector<32xbf16> -> vector<16xf32>
          %get3A_647 = arith.index_cast %add3A_636 : i32 to index
          %get3A_648 = arith.constant 32 : index
          %get3A_649 = tpu.vector_load %arg16[%get3A_647, %get3A_648] {strides = array<i32>} : memref<80x64xbf16, #tpu.memory_space<vmem>>, vector<32xbf16>,
          %unpack3A_650 = tpu.unpack_subelements %get3A_649, 0 {pack_format = #tpu.pack_format<interleaved>} : vector<32xbf16> -> vector<16xf32>
          %unpack3A_651 = tpu.unpack_subelements %get3A_649, 1 {pack_format = #tpu.pack_format<interleaved>} : vector<32xbf16> -> vector<16xf32>
          %get3A_652 = arith.index_cast %add3A_636 : i32 to index
          %get3A_653 = arith.constant 32 : index
          %get3A_654 = tpu.vector_load %arg18[%get3A_652, %get3A_653] {strides = array<i32>} : memref<80x64xbf16, #tpu.memory_space<vmem>>, vector<32xbf16>,
          %unpack3A_655 = tpu.unpack_subelements %get3A_654, 0 {pack_format = #tpu.pack_format<interleaved>} : vector<32xbf16> -> vector<16xf32>
          %unpack3A_656 = tpu.unpack_subelements %get3A_654, 1 {pack_format = #tpu.pack_format<interleaved>} : vector<32xbf16> -> vector<16xf32>
          %mul3A_657 = arith.mulf %unpack3A_650, %unpack3A_655 : vector<16xf32>
          %mul3A_658 = arith.mulf %unpack3A_651, %unpack3A_656 : vector<16xf32>
          %slice3A_659 = vector.extract_strided_slice %mul3A_657 {offsets = [0], sizes = [1], strides = [1]} : vector<16xf32> to vector<1xf32>
          %squeeze3A_660 = vector.extract %slice3A_659[0] : f32 from vector<1xf32>
          %slice3A_661 = vector.extract_strided_slice %mul3A_657 {offsets = [1], sizes = [1], strides = [1]} : vector<16xf32> to vector<1xf32>
          %squeeze3A_662 = vector.extract %slice3A_661[0] : f32 from vector<1xf32>
          %add3A_663 = arith.addf %squeeze3A_660, %squeeze3A_662 : f32
          %slice3A_664 = vector.extract_strided_slice %mul3A_658 {offsets = [0], sizes = [1], strides = [1]} : vector<16xf32> to vector<1xf32>
          %squeeze3A_665 = vector.extract %slice3A_664[0] : f32 from vector<1xf32>
          %add3A_666 = arith.addf %add3A_663, %squeeze3A_665 : f32
          %add3A_667 = arith.addf %unpack3A_640, %unpack3A_645 : vector<16xf32>
          %mul3A_668 = vector.broadcast %add3A_666 : f32 to vector<16xf32>
          %mul3A_669 = arith.mulf %mul3A_668, %get3A_1 : vector<16xf32>
          %add3A_670 = arith.addf %add3A_667, %mul3A_669 : vector<16xf32>
          %add3A_671 = arith.addf %unpack3A_641, %unpack3A_646 : vector<16xf32>
          %mul3A_672 = vector.broadcast %add3A_666 : f32 to vector<16xf32>
          %mul3A_673 = arith.mulf %mul3A_672, %get3A_3 : vector<16xf32>
          %add3A_674 = arith.addf %add3A_671, %mul3A_673 : vector<16xf32>
          %neg3A_675 = arith.constant 0.000000e+00 : f32
          %neg3A_676 = vector.broadcast %neg3A_675 : f32 to vector<16xf32>
          %neg3A_677 = arith.subf %neg3A_676, %add3A_670 : vector<16xf32>
          %exp3A_678 = math.exp %neg3A_677 : vector<16xf32>
          %add3A_679 = arith.constant 1.000000e+00 : f32
          %add3A_680 = vector.broadcast %add3A_679 : f32 to vector<16xf32>
          %add3A_681 = arith.addf %add3A_680, %exp3A_678 : vector<16xf32>
          %div3A_682 = arith.divf %add3A_670, %add3A_681 : vector<16xf32>
          %swap3A_683 = arith.index_cast %add3A_636 : i32 to index
          %swap3A_684 = arith.constant 0 : index
          %swap3A_685 = tpu.vector_load %arg20[%swap3A_683, %swap3A_684] {strides = array<i32>} : memref<80x32xf32, #tpu.memory_space<vmem>>, vector<16xf32>,
          tpu.vector_store %arg20[%swap3A_683, %swap3A_684], %div3A_682 {strides = array<i32>} : memref<80x32xf32, #tpu.memory_space<vmem>>, vector<16xf32>,
          %neg3A_686 = arith.constant 0.000000e+00 : f32
          %neg3A_687 = vector.broadcast %neg3A_686 : f32 to vector<16xf32>
          %neg3A_688 = arith.subf %neg3A_687, %add3A_674 : vector<16xf32>
          %exp3A_689 = math.exp %neg3A_688 : vector<16xf32>
          %add3A_690 = arith.constant 1.000000e+00 : f32
          %add3A_691 = vector.broadcast %add3A_690 : f32 to vector<16xf32>
          %add3A_692 = arith.addf %add3A_691, %exp3A_689 : vector<16xf32>
          %div3A_693 = arith.divf %add3A_674, %add3A_692 : vector<16xf32>
          %swap3A_694 = arith.index_cast %add3A_636 : i32 to index
          %swap3A_695 = arith.constant 16 : index
          %swap3A_696 = tpu.vector_load %arg20[%swap3A_694, %swap3A_695] {strides = array<i32>} : memref<80x32xf32, #tpu.memory_space<vmem>>, vector<16xf32>,
          tpu.vector_store %arg20[%swap3A_694, %swap3A_695], %div3A_693 {strides = array<i32>} : memref<80x32xf32, #tpu.memory_space<vmem>>, vector<16xf32>,
        }
        %scan3A_200 = arith.constant 10 : i32
        %dma_start3A_201 = arith.constant 0 : i32
        %dma_start3A_202 = arith.constant 0 : i32
        %dma_start3A_203 = tpu.memref_slice %arg23[%dma_start3A_201, %dma_start3A_202] : memref<50048x32xf32, #tpu.memory_space<vmem_shared>> -> memref<50048x32xf32, #tpu.memory_space<vmem_shared>>
        tpu.enqueue_indirect_dma source(%arg20 : memref<80x32xf32, #tpu.memory_space<vmem>>) target(%dma_start3A_203 : memref<50048x32xf32, #tpu.memory_space<vmem_shared>>) offsets(%arg14 : memref<80xi32, #tpu.memory_space<vmem>>) semaphore(%arg29 : memref<!tpu.dma_semaphore, #tpu.memory_space<semaphore_mem>>) {add = true}
      } else {
      }
    }
    %scan3A_113 = arith.constant 625 : i32
    %dma_wait3A_114 = arith.constant 0 : i32
    %dma_wait3A_115 = arith.constant 0 : i32
    %dma_wait3A_116 = tpu.memref_slice %arg23[%dma_wait3A_114, %dma_wait3A_115] : memref<50048x32xf32, #tpu.memory_space<vmem_shared>> -> memref<50048x32xf32, #tpu.memory_space<vmem_shared>>
    tpu.wait_indirect_dma semaphore(%arg29 : memref<!tpu.dma_semaphore, #tpu.memory_space<semaphore_mem>>) src(%arg20 : memref<80x32xf32, #tpu.memory_space<vmem>>) dst(%dma_wait3A_116 : memref<50048x32xf32, #tpu.memory_space<vmem_shared>>)
    %dma_wait3A_117 = arith.constant 0 : i32
    %dma_wait3A_118 = arith.constant 0 : i32
    %dma_wait3A_119 = tpu.memref_slice %arg23[%dma_wait3A_117, %dma_wait3A_118] : memref<50048x32xf32, #tpu.memory_space<vmem_shared>> -> memref<50048x32xf32, #tpu.memory_space<vmem_shared>>
    tpu.wait_indirect_dma semaphore(%arg28 : memref<!tpu.dma_semaphore, #tpu.memory_space<semaphore_mem>>) src(%arg19 : memref<80x32xf32, #tpu.memory_space<vmem>>) dst(%dma_wait3A_119 : memref<50048x32xf32, #tpu.memory_space<vmem_shared>>)
    %barrier3A_120 = arith.constant 0 : index
    tpu.barrier barrier_id(%barrier3A_120)
    "tpu.region"() ({
      %run_scoped3A = tpu.sem_alloc : memref<!tpu.dma_semaphore, #tpu.memory_space<semaphore_mem>>
      %dma_start3A_121 = arith.constant 0 : i32
      %dma_start3A_122 = tpu.memref_slice %arg6[%arg0, %mul3A_11, %dma_start3A_121] : memref<2x50048x32xf32, #tpu.memory_space<hbm>> -> memref<1x3128x32xf32, #tpu.memory_space<hbm>>
      %dma_start3A_123 = tpu.memref_squeeze %dma_start3A_122 : memref<1x3128x32xf32, #tpu.memory_space<hbm>> -> memref<3128x32xf32, #tpu.memory_space<hbm>>
      %dma_start3A_124 = arith.constant 0 : i32
      %dma_start3A_125 = tpu.memref_slice %arg23[%mul3A_11, %dma_start3A_124] : memref<50048x32xf32, #tpu.memory_space<vmem_shared>> -> memref<3128x32xf32, #tpu.memory_space<vmem_shared>>
      tpu.enqueue_dma source(%dma_start3A_125 : memref<3128x32xf32, #tpu.memory_space<vmem_shared>>) target(%dma_start3A_123 : memref<3128x32xf32, #tpu.memory_space<hbm>>) target_semaphore(%run_scoped3A : memref<!tpu.dma_semaphore, #tpu.memory_space<semaphore_mem>>)
      %dma_wait3A_126 = arith.constant 0 : i32
      %dma_wait3A_127 = tpu.memref_slice %arg6[%arg0, %mul3A_11, %dma_wait3A_126] : memref<2x50048x32xf32, #tpu.memory_space<hbm>> -> memref<1x3128x32xf32, #tpu.memory_space<hbm>>
      %dma_wait3A_128 = tpu.memref_squeeze %dma_wait3A_127 : memref<1x3128x32xf32, #tpu.memory_space<hbm>> -> memref<3128x32xf32, #tpu.memory_space<hbm>>
      %dma_wait3A_129 = arith.constant 0 : i32
      %dma_wait3A_130 = tpu.memref_slice %arg23[%mul3A_11, %dma_wait3A_129] : memref<50048x32xf32, #tpu.memory_space<vmem_shared>> -> memref<3128x32xf32, #tpu.memory_space<vmem_shared>>
      tpu.wait_dma2 semaphore(%run_scoped3A : memref<!tpu.dma_semaphore, #tpu.memory_space<semaphore_mem>>) src(%dma_wait3A_130 : memref<3128x32xf32, #tpu.memory_space<vmem_shared>>) dst(%dma_wait3A_128 : memref<3128x32xf32, #tpu.memory_space<hbm>>)
      tpu.yield
    }) : () -> ()
    return
  }
}

module attributes {stable_mosaic.version = 14 : i64} {
  func.func @_stage1_body(%arg0: i32, %arg1: memref<400x3xf32, #tpu.memory_space<vmem>>, %arg2: memref<3x64xf32, #tpu.memory_space<vmem>>, %arg3: memref<1x64xf32, #tpu.memory_space<vmem>>, %arg4: memref<129x64xf32, #tpu.memory_space<vmem>>, %arg5: memref<1x64xf32, #tpu.memory_space<vmem>>, %arg6: memref<400x64xf32, #tpu.memory_space<vmem>>, %arg7: memref<400x64xbf16, #tpu.memory_space<vmem>>, %arg8: memref<400x64xbf16, #tpu.memory_space<vmem>>, %arg9: memref<400x64xbf16, #tpu.memory_space<vmem>>, %arg10: memref<400x64xbf16, #tpu.memory_space<vmem>>) attributes {dimension_semantics = [#tpu.dimension_semantics<arbitrary>], iteration_bounds = array<i64: 125>, scalar_prefetch = 0 : i64, scratch_operands = 0 : i64, tpu.core_type = #tpu.core_type<tc>, window_params = [{transform_indices = @transform_0, window_bounds = array<i64: 400, 3>}, {pipeline_mode = #tpu.pipeline_mode<synchronous>, transform_indices = @transform_1, window_bounds = array<i64: 3, 64>}, {pipeline_mode = #tpu.pipeline_mode<synchronous>, transform_indices = @transform_2, window_bounds = array<i64: 1, 64>}, {pipeline_mode = #tpu.pipeline_mode<synchronous>, transform_indices = @transform_3, window_bounds = array<i64: 129, 64>}, {pipeline_mode = #tpu.pipeline_mode<synchronous>, transform_indices = @transform_4, window_bounds = array<i64: 1, 64>}, {transform_indices = @transform_5, window_bounds = array<i64: 400, 64>}, {transform_indices = @transform_6, window_bounds = array<i64: 400, 64>}, {transform_indices = @transform_7, window_bounds = array<i64: 400, 64>}, {transform_indices = @transform_8, window_bounds = array<i64: 400, 64>}, {transform_indices = @transform_9, window_bounds = array<i64: 400, 64>}]} {
    %get3A = arith.constant 0 : index
    %get3A_0 = arith.constant 0 : index
    %get3A_1 = vector.load %arg1[%get3A, %get3A_0] : memref<400x3xf32, #tpu.memory_space<vmem>>, vector<400x3xf32>
    %get3A_2 = arith.constant 0 : index
    %get3A_3 = arith.constant 0 : index
    %get3A_4 = vector.load %arg2[%get3A_2, %get3A_3] : memref<3x64xf32, #tpu.memory_space<vmem>>, vector<3x64xf32>
    %dot_general3A = arith.constant dense<0.000000e+00> : vector<400x64xf32>
    %dot_general3A_5 = tpu.matmul %get3A_1, %get3A_4, %dot_general3A {dimension_numbers = #tpu.dot_dimension_numbers<[1], [0], [0], [1], [0, 0, 1, 1], [], []>, transpose_lhs_hint = false} : vector<400x3xf32>, vector<3x64xf32>, vector<400x64xf32> -> vector<400x64xf32>
    %get3A_6 = arith.constant 0 : index
    %get3A_7 = arith.constant 0 : index
    %get3A_8 = vector.load %arg3[%get3A_6, %get3A_7] : memref<1x64xf32, #tpu.memory_space<vmem>>, vector<1x64xf32>
    %add3A = vector.broadcast %get3A_8 : vector<1x64xf32> to vector<400x64xf32>
    %add3A_9 = arith.addf %dot_general3A_5, %add3A : vector<400x64xf32>
    %mul3A = arith.mulf %get3A_1, %get3A_1 : vector<400x3xf32>
    %reduce_sum3A = arith.constant dense<0.000000e+00> : vector<400xf32>
    %reduce_sum3A_10 = vector.multi_reduction <add>, %mul3A, %reduce_sum3A [1] : vector<400x3xf32> to vector<400xf32>
    %broadcast_in_dim3A = vector.shape_cast %reduce_sum3A_10 : vector<400xf32> to vector<400x1xf32>
    %get3A_11 = arith.constant 0 : index
    %get3A_12 = arith.constant 0 : index
    %get3A_13 = vector.load %arg4[%get3A_11, %get3A_12] : memref<129x64xf32, #tpu.memory_space<vmem>>, vector<129x64xf32>
    %slice3A = vector.extract_strided_slice %get3A_13 {offsets = [0, 0], sizes = [64, 64], strides = [1, 1]} : vector<129x64xf32> to vector<64x64xf32>
    %dot_general3A_14 = arith.constant dense<0.000000e+00> : vector<400x64xf32>
    %dot_general3A_15 = tpu.matmul %add3A_9, %slice3A, %dot_general3A_14 {dimension_numbers = #tpu.dot_dimension_numbers<[1], [0], [0], [1], [0, 0, 1, 1], [], []>, transpose_lhs_hint = false} : vector<400x64xf32>, vector<64x64xf32>, vector<400x64xf32> -> vector<400x64xf32>
    %slice3A_16 = vector.extract_strided_slice %get3A_13 {offsets = [64, 0], sizes = [64, 64], strides = [1, 1]} : vector<129x64xf32> to vector<64x64xf32>
    %dot_general3A_17 = arith.constant dense<0.000000e+00> : vector<400x64xf32>
    %dot_general3A_18 = tpu.matmul %add3A_9, %slice3A_16, %dot_general3A_17 {dimension_numbers = #tpu.dot_dimension_numbers<[1], [0], [0], [1], [0, 0, 1, 1], [], []>, transpose_lhs_hint = false} : vector<400x64xf32>, vector<64x64xf32>, vector<400x64xf32> -> vector<400x64xf32>
    %slice3A_19 = vector.extract_strided_slice %get3A_13 {offsets = [128, 0], sizes = [1, 64], strides = [1, 1]} : vector<129x64xf32> to vector<1x64xf32>
    %mul3A_20 = vector.broadcast %broadcast_in_dim3A : vector<400x1xf32> to vector<400x64xf32>
    %mul3A_21 = vector.broadcast %slice3A_19 : vector<1x64xf32> to vector<400x64xf32>
    %mul3A_22 = arith.mulf %mul3A_20, %mul3A_21 : vector<400x64xf32>
    %add3A_23 = arith.addf %dot_general3A_15, %mul3A_22 : vector<400x64xf32>
    %mul3A_24 = vector.broadcast %broadcast_in_dim3A : vector<400x1xf32> to vector<400x64xf32>
    %mul3A_25 = vector.broadcast %slice3A_19 : vector<1x64xf32> to vector<400x64xf32>
    %mul3A_26 = arith.mulf %mul3A_24, %mul3A_25 : vector<400x64xf32>
    %add3A_27 = arith.addf %dot_general3A_18, %mul3A_26 : vector<400x64xf32>
    %get3A_28 = arith.constant 0 : index
    %get3A_29 = arith.constant 0 : index
    %get3A_30 = vector.load %arg5[%get3A_28, %get3A_29] : memref<1x64xf32, #tpu.memory_space<vmem>>, vector<1x64xf32>
    %add3A_31 = vector.broadcast %get3A_30 : vector<1x64xf32> to vector<400x64xf32>
    %add3A_32 = arith.addf %add3A_27, %add3A_31 : vector<400x64xf32>
    %broadcast_in_dim3A_33 = arith.constant 0.000000e+00 : f32
    %broadcast_in_dim3A_34 = vector.broadcast %broadcast_in_dim3A_33 : f32 to vector<400x14xf32>
    %slice3A_35 = vector.extract_strided_slice %get3A_1 {offsets = [0, 0], sizes = [400, 1], strides = [1, 1]} : vector<400x3xf32> to vector<400x1xf32>
    %slice3A_36 = vector.extract_strided_slice %get3A_1 {offsets = [0, 2], sizes = [400, 1], strides = [1, 1]} : vector<400x3xf32> to vector<400x1xf32>
    %concatenate3A = tpu.concatenate %slice3A_35, %slice3A_36, %broadcast_in_dim3A_34 in 1 : vector<400x1xf32>, vector<400x1xf32>, vector<400x14xf32> -> vector<400x16xf32>
    %slice3A_37 = vector.extract_strided_slice %get3A_1 {offsets = [0, 1], sizes = [400, 1], strides = [1, 1]} : vector<400x3xf32> to vector<400x1xf32>
    %slice3A_38 = vector.extract_strided_slice %broadcast_in_dim3A_34 {offsets = [0, 0], sizes = [400, 1], strides = [1, 1]} : vector<400x14xf32> to vector<400x1xf32>
    %concatenate3A_39 = tpu.concatenate %slice3A_37, %broadcast_in_dim3A_34, %slice3A_38 in 1 : vector<400x1xf32>, vector<400x14xf32>, vector<400x1xf32> -> vector<400x16xf32>
    %swap3A = arith.constant 0 : index
    %swap3A_40 = arith.constant 0 : index
    %swap3A_41 = vector.load %arg6[%swap3A, %swap3A_40] : memref<400x64xf32, #tpu.memory_space<vmem>>, vector<400x64xf32>
    tpu.vector_store %arg6[%swap3A, %swap3A_40], %add3A_9 {strides = array<i32>} : memref<400x64xf32, #tpu.memory_space<vmem>>, vector<400x64xf32>,
    %slice3A_42 = vector.extract_strided_slice %add3A_23 {offsets = [0, 0], sizes = [400, 32], strides = [1, 1]} : vector<400x64xf32> to vector<400x32xf32>
    %slice3A_43 = vector.extract_strided_slice %slice3A_42 {offsets = [0, 0], sizes = [400, 16], strides = [1, 1]} : vector<400x32xf32> to vector<400x16xf32>
    %concatenate3A_44 = tpu.concatenate %slice3A_43, %concatenate3A in 1 : vector<400x16xf32>, vector<400x16xf32> -> vector<400x32xf32>
    %slice3A_45 = vector.extract_strided_slice %slice3A_42 {offsets = [0, 16], sizes = [400, 16], strides = [1, 1]} : vector<400x32xf32> to vector<400x16xf32>
    %concatenate3A_46 = tpu.concatenate %slice3A_45, %concatenate3A_39 in 1 : vector<400x16xf32>, vector<400x16xf32> -> vector<400x32xf32>
    %stack3A = vector.shape_cast %concatenate3A_44 : vector<400x32xf32> to vector<400x32x1xf32>
    %stack3A_47 = vector.shape_cast %concatenate3A_46 : vector<400x32xf32> to vector<400x32x1xf32>
    %stack3A_48 = tpu.concatenate %stack3A, %stack3A_47 in 2 : vector<400x32x1xf32>, vector<400x32x1xf32> -> vector<400x32x2xf32>
    %reshape3A = vector.shape_cast %stack3A_48 : vector<400x32x2xf32> to vector<400x64xf32>
    %convert_element_type3A = arith.truncf %reshape3A : vector<400x64xf32> to vector<400x64xbf16>
    %swap3A_49 = arith.constant 0 : index
    %swap3A_50 = arith.constant 0 : index
    %swap3A_51 = vector.load %arg7[%swap3A_49, %swap3A_50] : memref<400x64xbf16, #tpu.memory_space<vmem>>, vector<400x64xbf16>
    tpu.vector_store %arg7[%swap3A_49, %swap3A_50], %convert_element_type3A {strides = array<i32>} : memref<400x64xbf16, #tpu.memory_space<vmem>>, vector<400x64xbf16>,
    %slice3A_52 = vector.extract_strided_slice %add3A_23 {offsets = [0, 32], sizes = [400, 32], strides = [1, 1]} : vector<400x64xf32> to vector<400x32xf32>
    %slice3A_53 = vector.extract_strided_slice %slice3A_52 {offsets = [0, 0], sizes = [400, 16], strides = [1, 1]} : vector<400x32xf32> to vector<400x16xf32>
    %concatenate3A_54 = tpu.concatenate %slice3A_53, %concatenate3A in 1 : vector<400x16xf32>, vector<400x16xf32> -> vector<400x32xf32>
    %slice3A_55 = vector.extract_strided_slice %slice3A_52 {offsets = [0, 16], sizes = [400, 16], strides = [1, 1]} : vector<400x32xf32> to vector<400x16xf32>
    %concatenate3A_56 = tpu.concatenate %slice3A_55, %concatenate3A_39 in 1 : vector<400x16xf32>, vector<400x16xf32> -> vector<400x32xf32>
    %stack3A_57 = vector.shape_cast %concatenate3A_54 : vector<400x32xf32> to vector<400x32x1xf32>
    %stack3A_58 = vector.shape_cast %concatenate3A_56 : vector<400x32xf32> to vector<400x32x1xf32>
    %stack3A_59 = tpu.concatenate %stack3A_57, %stack3A_58 in 2 : vector<400x32x1xf32>, vector<400x32x1xf32> -> vector<400x32x2xf32>
    %reshape3A_60 = vector.shape_cast %stack3A_59 : vector<400x32x2xf32> to vector<400x64xf32>
    %convert_element_type3A_61 = arith.truncf %reshape3A_60 : vector<400x64xf32> to vector<400x64xbf16>
    %swap3A_62 = arith.constant 0 : index
    %swap3A_63 = arith.constant 0 : index
    %swap3A_64 = vector.load %arg8[%swap3A_62, %swap3A_63] : memref<400x64xbf16, #tpu.memory_space<vmem>>, vector<400x64xbf16>
    tpu.vector_store %arg8[%swap3A_62, %swap3A_63], %convert_element_type3A_61 {strides = array<i32>} : memref<400x64xbf16, #tpu.memory_space<vmem>>, vector<400x64xbf16>,
    %slice3A_65 = vector.extract_strided_slice %add3A_32 {offsets = [0, 0], sizes = [400, 32], strides = [1, 1]} : vector<400x64xf32> to vector<400x32xf32>
    %mul3A_66 = arith.constant -2.000000e+00 : f32
    %mul3A_67 = vector.broadcast %mul3A_66 : f32 to vector<400x16xf32>
    %mul3A_68 = arith.mulf %mul3A_67, %concatenate3A : vector<400x16xf32>
    %mul3A_69 = arith.constant -2.000000e+00 : f32
    %mul3A_70 = vector.broadcast %mul3A_69 : f32 to vector<400x16xf32>
    %mul3A_71 = arith.mulf %mul3A_70, %concatenate3A_39 : vector<400x16xf32>
    %slice3A_72 = vector.extract_strided_slice %slice3A_65 {offsets = [0, 0], sizes = [400, 16], strides = [1, 1]} : vector<400x32xf32> to vector<400x16xf32>
    %concatenate3A_73 = tpu.concatenate %slice3A_72, %mul3A_68 in 1 : vector<400x16xf32>, vector<400x16xf32> -> vector<400x32xf32>
    %slice3A_74 = vector.extract_strided_slice %slice3A_65 {offsets = [0, 16], sizes = [400, 16], strides = [1, 1]} : vector<400x32xf32> to vector<400x16xf32>
    %concatenate3A_75 = tpu.concatenate %slice3A_74, %mul3A_71 in 1 : vector<400x16xf32>, vector<400x16xf32> -> vector<400x32xf32>
    %stack3A_76 = vector.shape_cast %concatenate3A_73 : vector<400x32xf32> to vector<400x32x1xf32>
    %stack3A_77 = vector.shape_cast %concatenate3A_75 : vector<400x32xf32> to vector<400x32x1xf32>
    %stack3A_78 = tpu.concatenate %stack3A_76, %stack3A_77 in 2 : vector<400x32x1xf32>, vector<400x32x1xf32> -> vector<400x32x2xf32>
    %reshape3A_79 = vector.shape_cast %stack3A_78 : vector<400x32x2xf32> to vector<400x64xf32>
    %convert_element_type3A_80 = arith.truncf %reshape3A_79 : vector<400x64xf32> to vector<400x64xbf16>
    %swap3A_81 = arith.constant 0 : index
    %swap3A_82 = arith.constant 0 : index
    %swap3A_83 = vector.load %arg9[%swap3A_81, %swap3A_82] : memref<400x64xbf16, #tpu.memory_space<vmem>>, vector<400x64xbf16>
    tpu.vector_store %arg9[%swap3A_81, %swap3A_82], %convert_element_type3A_80 {strides = array<i32>} : memref<400x64xbf16, #tpu.memory_space<vmem>>, vector<400x64xbf16>,
    %slice3A_84 = vector.extract_strided_slice %add3A_32 {offsets = [0, 32], sizes = [400, 32], strides = [1, 1]} : vector<400x64xf32> to vector<400x32xf32>
    %mul3A_85 = arith.constant -2.000000e+00 : f32
    %mul3A_86 = vector.broadcast %mul3A_85 : f32 to vector<400x16xf32>
    %mul3A_87 = arith.mulf %mul3A_86, %concatenate3A : vector<400x16xf32>
    %mul3A_88 = arith.constant -2.000000e+00 : f32
    %mul3A_89 = vector.broadcast %mul3A_88 : f32 to vector<400x16xf32>
    %mul3A_90 = arith.mulf %mul3A_89, %concatenate3A_39 : vector<400x16xf32>
    %slice3A_91 = vector.extract_strided_slice %slice3A_84 {offsets = [0, 0], sizes = [400, 16], strides = [1, 1]} : vector<400x32xf32> to vector<400x16xf32>
    %concatenate3A_92 = tpu.concatenate %slice3A_91, %mul3A_87 in 1 : vector<400x16xf32>, vector<400x16xf32> -> vector<400x32xf32>
    %slice3A_93 = vector.extract_strided_slice %slice3A_84 {offsets = [0, 16], sizes = [400, 16], strides = [1, 1]} : vector<400x32xf32> to vector<400x16xf32>
    %concatenate3A_94 = tpu.concatenate %slice3A_93, %mul3A_90 in 1 : vector<400x16xf32>, vector<400x16xf32> -> vector<400x32xf32>
    %stack3A_95 = vector.shape_cast %concatenate3A_92 : vector<400x32xf32> to vector<400x32x1xf32>
    %stack3A_96 = vector.shape_cast %concatenate3A_94 : vector<400x32xf32> to vector<400x32x1xf32>
    %stack3A_97 = tpu.concatenate %stack3A_95, %stack3A_96 in 2 : vector<400x32x1xf32>, vector<400x32x1xf32> -> vector<400x32x2xf32>
    %reshape3A_98 = vector.shape_cast %stack3A_97 : vector<400x32x2xf32> to vector<400x64xf32>
    %convert_element_type3A_99 = arith.truncf %reshape3A_98 : vector<400x64xf32> to vector<400x64xbf16>
    %swap3A_100 = arith.constant 0 : index
    %swap3A_101 = arith.constant 0 : index
    %swap3A_102 = vector.load %arg10[%swap3A_100, %swap3A_101] : memref<400x64xbf16, #tpu.memory_space<vmem>>, vector<400x64xbf16>
    tpu.vector_store %arg10[%swap3A_100, %swap3A_101], %convert_element_type3A_99 {strides = array<i32>} : memref<400x64xbf16, #tpu.memory_space<vmem>>, vector<400x64xbf16>,
    return
  }
  func.func @transform_0(%arg0: i32) -> (i32, i32) {
    %c0_i32 = arith.constant 0 : i32
    %c0_i32_0 = arith.constant 0 : i32
    return %arg0, %c0_i32 : i32, i32
  }
  func.func @transform_1(%arg0: i32) -> (i32, i32) {
    %c0_i32 = arith.constant 0 : i32
    %c0_i32_0 = arith.constant 0 : i32
    %c0_i32_1 = arith.constant 0 : i32
    return %c0_i32, %c0_i32_0 : i32, i32
  }
  func.func @transform_2(%arg0: i32) -> (i32, i32) {
    %c0_i32 = arith.constant 0 : i32
    %c0_i32_0 = arith.constant 0 : i32
    %c0_i32_1 = arith.constant 0 : i32
    return %c0_i32, %c0_i32_0 : i32, i32
  }
  func.func @transform_3(%arg0: i32) -> (i32, i32) {
    %c0_i32 = arith.constant 0 : i32
    %c0_i32_0 = arith.constant 0 : i32
    %c0_i32_1 = arith.constant 0 : i32
    return %c0_i32, %c0_i32_0 : i32, i32
  }
  func.func @transform_4(%arg0: i32) -> (i32, i32) {
    %c0_i32 = arith.constant 0 : i32
    %c0_i32_0 = arith.constant 0 : i32
    %c0_i32_1 = arith.constant 0 : i32
    return %c0_i32, %c0_i32_0 : i32, i32
  }
  func.func @transform_5(%arg0: i32) -> (i32, i32) {
    %c0_i32 = arith.constant 0 : i32
    %c0_i32_0 = arith.constant 0 : i32
    return %arg0, %c0_i32 : i32, i32
  }
  func.func @transform_6(%arg0: i32) -> (i32, i32) {
    %c0_i32 = arith.constant 0 : i32
    %c0_i32_0 = arith.constant 0 : i32
    return %arg0, %c0_i32 : i32, i32
  }
  func.func @transform_7(%arg0: i32) -> (i32, i32) {
    %c0_i32 = arith.constant 0 : i32
    %c0_i32_0 = arith.constant 0 : i32
    return %arg0, %c0_i32 : i32, i32
  }
  func.func @transform_8(%arg0: i32) -> (i32, i32) {
    %c0_i32 = arith.constant 0 : i32
    %c0_i32_0 = arith.constant 0 : i32
    return %arg0, %c0_i32 : i32, i32
  }
  func.func @transform_9(%arg0: i32) -> (i32, i32) {
    %c0_i32 = arith.constant 0 : i32
    %c0_i32_0 = arith.constant 0 : i32
    return %arg0, %c0_i32 : i32, i32
  }
}

module attributes {stable_mosaic.version = 14 : i64} {
  func.func @_stage3_body(%arg0: i32, %arg1: memref<400x64xf32, #tpu.memory_space<vmem>>, %arg2: memref<400x64xf32, #tpu.memory_space<vmem>>, %arg3: memref<128x64xf32, #tpu.memory_space<vmem>>, %arg4: memref<1x64xf32, #tpu.memory_space<vmem>>, %arg5: memref<64x3xf32, #tpu.memory_space<vmem>>, %arg6: memref<1x3xf32, #tpu.memory_space<vmem>>, %arg7: memref<400x3xf32, #tpu.memory_space<vmem>>) attributes {dimension_semantics = [#tpu.dimension_semantics<arbitrary>], iteration_bounds = array<i64: 125>, scalar_prefetch = 0 : i64, scratch_operands = 0 : i64, tpu.core_type = #tpu.core_type<tc>, window_params = [{transform_indices = @transform_0, window_bounds = array<i64: 400, 64>}, {transform_indices = @transform_1, window_bounds = array<i64: 400, 64>}, {pipeline_mode = #tpu.pipeline_mode<synchronous>, transform_indices = @transform_2, window_bounds = array<i64: 128, 64>}, {pipeline_mode = #tpu.pipeline_mode<synchronous>, transform_indices = @transform_3, window_bounds = array<i64: 1, 64>}, {pipeline_mode = #tpu.pipeline_mode<synchronous>, transform_indices = @transform_4, window_bounds = array<i64: 64, 3>}, {pipeline_mode = #tpu.pipeline_mode<synchronous>, transform_indices = @transform_5, window_bounds = array<i64: 1, 3>}, {transform_indices = @transform_6, window_bounds = array<i64: 400, 3>}]} {
    %get3A = arith.constant 0 : index
    %get3A_0 = arith.constant 0 : index
    %get3A_1 = vector.load %arg1[%get3A, %get3A_0] : memref<400x64xf32, #tpu.memory_space<vmem>>, vector<400x64xf32>
    %get3A_2 = arith.constant 0 : index
    %get3A_3 = arith.constant 0 : index
    %get3A_4 = vector.load %arg2[%get3A_2, %get3A_3] : memref<400x64xf32, #tpu.memory_space<vmem>>, vector<400x64xf32>
    %get3A_5 = arith.constant 0 : index
    %get3A_6 = arith.constant 0 : index
    %get3A_7 = vector.load %arg3[%get3A_5, %get3A_6] : memref<128x64xf32, #tpu.memory_space<vmem>>, vector<128x64xf32>
    %slice3A = vector.extract_strided_slice %get3A_7 {offsets = [0, 0], sizes = [64, 64], strides = [1, 1]} : vector<128x64xf32> to vector<64x64xf32>
    %dot_general3A = arith.constant dense<0.000000e+00> : vector<400x64xf32>
    %dot_general3A_8 = tpu.matmul %get3A_1, %slice3A, %dot_general3A {dimension_numbers = #tpu.dot_dimension_numbers<[1], [0], [0], [1], [0, 0, 1, 1], [], []>, transpose_lhs_hint = false} : vector<400x64xf32>, vector<64x64xf32>, vector<400x64xf32> -> vector<400x64xf32>
    %slice3A_9 = vector.extract_strided_slice %get3A_7 {offsets = [64, 0], sizes = [64, 64], strides = [1, 1]} : vector<128x64xf32> to vector<64x64xf32>
    %dot_general3A_10 = arith.constant dense<0.000000e+00> : vector<400x64xf32>
    %dot_general3A_11 = tpu.matmul %get3A_4, %slice3A_9, %dot_general3A_10 {dimension_numbers = #tpu.dot_dimension_numbers<[1], [0], [0], [1], [0, 0, 1, 1], [], []>, transpose_lhs_hint = false} : vector<400x64xf32>, vector<64x64xf32>, vector<400x64xf32> -> vector<400x64xf32>
    %add3A = arith.addf %dot_general3A_8, %dot_general3A_11 : vector<400x64xf32>
    %get3A_12 = arith.constant 0 : index
    %get3A_13 = arith.constant 0 : index
    %get3A_14 = vector.load %arg4[%get3A_12, %get3A_13] : memref<1x64xf32, #tpu.memory_space<vmem>>, vector<1x64xf32>
    %add3A_15 = vector.broadcast %get3A_14 : vector<1x64xf32> to vector<400x64xf32>
    %add3A_16 = arith.addf %add3A, %add3A_15 : vector<400x64xf32>
    %neg3A = arith.constant 0.000000e+00 : f32
    %neg3A_17 = vector.broadcast %neg3A : f32 to vector<400x64xf32>
    %neg3A_18 = arith.subf %neg3A_17, %add3A_16 : vector<400x64xf32>
    %exp3A = math.exp %neg3A_18 : vector<400x64xf32>
    %add3A_19 = arith.constant 1.000000e+00 : f32
    %add3A_20 = vector.broadcast %add3A_19 : f32 to vector<400x64xf32>
    %add3A_21 = arith.addf %add3A_20, %exp3A : vector<400x64xf32>
    %div3A = arith.divf %add3A_16, %add3A_21 : vector<400x64xf32>
    %get3A_22 = arith.constant 0 : index
    %get3A_23 = arith.constant 0 : index
    %get3A_24 = vector.load %arg5[%get3A_22, %get3A_23] : memref<64x3xf32, #tpu.memory_space<vmem>>, vector<64x3xf32>
    %dot_general3A_25 = arith.constant dense<0.000000e+00> : vector<400x3xf32>
    %dot_general3A_26 = tpu.matmul %div3A, %get3A_24, %dot_general3A_25 {dimension_numbers = #tpu.dot_dimension_numbers<[1], [0], [0], [1], [0, 0, 1, 1], [], []>, transpose_lhs_hint = false} : vector<400x64xf32>, vector<64x3xf32>, vector<400x3xf32> -> vector<400x3xf32>
    %get3A_27 = arith.constant 0 : index
    %get3A_28 = arith.constant 0 : index
    %get3A_29 = vector.load %arg6[%get3A_27, %get3A_28] : memref<1x3xf32, #tpu.memory_space<vmem>>, vector<1x3xf32>
    %add3A_30 = vector.broadcast %get3A_29 : vector<1x3xf32> to vector<400x3xf32>
    %add3A_31 = arith.addf %dot_general3A_26, %add3A_30 : vector<400x3xf32>
    %swap3A = arith.constant 0 : index
    %swap3A_32 = arith.constant 0 : index
    %swap3A_33 = vector.load %arg7[%swap3A, %swap3A_32] : memref<400x3xf32, #tpu.memory_space<vmem>>, vector<400x3xf32>
    tpu.vector_store %arg7[%swap3A, %swap3A_32], %add3A_31 {strides = array<i32>} : memref<400x3xf32, #tpu.memory_space<vmem>>, vector<400x3xf32>,
    return
  }
  func.func @transform_0(%arg0: i32) -> (i32, i32) {
    %c0_i32 = arith.constant 0 : i32
    %c0_i32_0 = arith.constant 0 : i32
    return %arg0, %c0_i32 : i32, i32
  }
  func.func @transform_1(%arg0: i32) -> (i32, i32) {
    %c0_i32 = arith.constant 0 : i32
    %c0_i32_0 = arith.constant 0 : i32
    return %arg0, %c0_i32 : i32, i32
  }
  func.func @transform_2(%arg0: i32) -> (i32, i32) {
    %c0_i32 = arith.constant 0 : i32
    %c0_i32_0 = arith.constant 0 : i32
    %c0_i32_1 = arith.constant 0 : i32
    return %c0_i32, %c0_i32_0 : i32, i32
  }
  func.func @transform_3(%arg0: i32) -> (i32, i32) {
    %c0_i32 = arith.constant 0 : i32
    %c0_i32_0 = arith.constant 0 : i32
    %c0_i32_1 = arith.constant 0 : i32
    return %c0_i32, %c0_i32_0 : i32, i32
  }
  func.func @transform_4(%arg0: i32) -> (i32, i32) {
    %c0_i32 = arith.constant 0 : i32
    %c0_i32_0 = arith.constant 0 : i32
    %c0_i32_1 = arith.constant 0 : i32
    return %c0_i32, %c0_i32_0 : i32, i32
  }
  func.func @transform_5(%arg0: i32) -> (i32, i32) {
    %c0_i32 = arith.constant 0 : i32
    %c0_i32_0 = arith.constant 0 : i32
    %c0_i32_1 = arith.constant 0 : i32
    return %c0_i32, %c0_i32_0 : i32, i32
  }
  func.func @transform_6(%arg0: i32) -> (i32, i32) {
    %c0_i32 = arith.constant 0 : i32
    %c0_i32_0 = arith.constant 0 : i32
    return %arg0, %c0_i32 : i32, i32
  }
}

</mosaic_0001>

<sc_bundles>
// kernel: kernel.5.cloned.1.call-start
scs
__scs_entry_jumppad:
0x0: {  	(pc) =	sbr.rel $0x88, $3  }
0x1: {  	(tag) =	ssettag $0x0;
	lr =	simm.s32 $0x1  }
0x2: {  	[smem:$0x3F97] =	sst lr;
	_ =	strace $0xD0000000  }
0x3: {  	_ = 	snop  }
0x4: {  	_ = 	snop  }
0x5: {  	_ = 	snop  }
0x6: {  	_ = 	snop  }
0x7: {  	_ = 	snop  }
__scs_overlays_trampoline_lowered:
0x8: {  	[smem:$0x3FA6] =	sst s0  }
0x9: {  	[smem:$0x3FA7] =	sst s1  }
0xa: {  	[smem:$0x3FA8] =	sst s2  }
0xb: {  	[smem:$0x3FA9] =	sst s3  }
0xc: {  	[smem:$0x3FAA] =	sst s4  }
0xd: {  	[smem:$0x3FAB] =	sst s5  }
0xe: {  	[smem:$0x3FAC] =	sst s6  }
0xf: {  	[smem:$0x3FAD] =	sst s7  }
0x10: {  	[smem:$0x3FAE] =	sst s8  }
0x11: {  	[smem:$0x3FAF] =	sst s9;
	s0 =	simm.s32 @!p0 $0x0  }
0x12: {  	s1 =	sld [smem:$0x3F95];
	s0 =	simm.s32 @p0 $0x1  }
0x13: {  	[smem:$0x3FB0] =	sst s0;
	s0 =	simm.s32 @!p1 $0x0  }
0x14: {  	s2 =	sld [smem:$0x3F94];
	s0 =	simm.s32 @p1 $0x1  }
0x15: {  	[smem:$0x3FB1] =	sst s0;
	s0 =	simm.s32 @!p2 $0x0  }
0x16: {  	s3 =	sld [smem:$0x3FDB];
	s0 =	simm.s32 @p2 $0x1  }
0x17: {  	s4 =	simm.s32 $0x1BF5;
	[smem:$0x3FB3] =	sst s0  }
0x18: {  	s0 =	sld [smem:$0x3F96];
	_ =	swait.ge [sflag:s4], $0x0  }
0x19: {  	s7 =	sld [smem:$0x3F97]  }
0x1a: {  	s8 =	sadd.s32 $0xFFFFE003, lr  }
0x1b: {  	s9 =	sadd.s32 $0xFFFFFEF7, lr;
	s5 =	simm.s32 $0xFFFFFFFF;
	p2 =	slt.u32 s8, $0xFFFFF086  }
0x1c: {  	p1 =	slt.u32 s9, $0xF7A;
	s5 =	simm.s32 @!p2 $0x0  }
0x1d: {  	s5 =	simm.s32 @p1 $0x1;
	p0 =	seq.s32 s7, s2  }
0x1e: {  	s7 =	smul.u32 @!p0 $0xF7A, s2;
	p2 =	seq.s32 @!p0 s5, $0x0  }
0x1f: {  	s9 =	smul.u32 $0xF7A, s1;
	s8 =	simm.s32 @!p0 $0x1BF5;
	p2 =	por !p2, p0  }
0x20: {  	[sflag:s8] =	ssyncset.s32 @!p0 $0xFFFFF086;
	s6 =	sadd.s32 @!p0 s3, s7;
	s7 =	simm.s32 @!p0 $0x108  }
0x21: {  	s3 =	sadd.s32 s3, s9;
	s6 =	sadd.s32 @!p0 $0x88, s6;
	s7 =	simm.s32 @p2 $0x1082  }
0x22: {  	[simem:s7], [sflag:s8] =	dma.local @!p0 [hbm:s6], $0xF7A  }
0x23: {  	s9 =	sor.u32 $0xD0000000, s2;
	s6 =	simm.s32 $0x108;
	_ =	swait.ge @!p0 [sflag:s8], $0x0  }
0x24: {  	s3 =	sadd.s32 $0x88, s3;
	s6 =	simm.s32 @!p1 $0x1082;
	[sflag:s4] =	ssyncset.s32 $0xFFFFF086  }
0x25: {  	[simem:s6], [sflag:s4] =	dma.local [hbm:s3], $0xF7A  }
0x26: {  	[smem:$0x3F97] =	sst s1;
	(tag) =	ssettag s2;
	_ =	strace s9  }
0x27: {  	s1 =	sld [smem:$0x3FA7]  }
0x28: {  	s2 =	sld [smem:$0x3FA8]  }
0x29: {  	s4 =	sld [smem:$0x3FAA]  }
0x2a: {  	p0 =	seq.s32 s5, $0x0;
	s5 =	sld [smem:$0x3FAB]  }
0x2b: {  	s6 =	sld [smem:$0x3FAC]  }
0x2c: {  	s7 =	sld [smem:$0x3FAD]  }
0x2d: {  	s3 =	simm.s32 $0x108;
	s8 =	sld [smem:$0x3FAE]  }
0x2e: {  	s3 =	simm.s32 @!p0 $0x1082;
	s9 =	sld [smem:$0x3FAF]  }
0x2f: {  	lr =	sadd.s32 s0, s3;
	s0 =	sld [smem:$0x3FA6]  }
0x30: {  	s3 =	sld [smem:$0x3FA9]  }
0x31: {  	[smem:$0x3FB2] =	sst s10  }
0x32: {  	s10 =	sld [smem:$0x3FB0];
	_ =	sdelay $0x3  }
0x33: {  	p0 =	seq.s32 s10, $0x1;
	s10 =	sld [smem:$0x3FB2];
	_ =	sdelay $0x3  }
0x34: {  	[smem:$0x3FB2] =	sst s10  }
0x35: {  	s10 =	sld [smem:$0x3FB1];
	_ =	sdelay $0x3  }
0x36: {  	p1 =	seq.s32 s10, $0x1;
	s10 =	sld [smem:$0x3FB2];
	_ =	sdelay $0x3  }
0x37: {  	[smem:$0x3FB2] =	sst s10  }
0x38: {  	s10 =	sld [smem:$0x3FB3]  }
0x39: {  	_ = 	snop;
	(pc) =	sbr.ind lr, $3  }
0x3a: {  	_ = 	snop  }
0x3b: {  	_ = 	snop  }
0x3c: {  	p2 =	seq.s32 s10, $0x1;
	s10 =	sld [smem:$0x3FB2]  }
0x3d: {  	_ =	shalt  }
0x3e: {  	_ =	shalt  }
0x3f: {  	_ =	shalt  }
0x40: {  	_ =	shalt  }
0x41: {  	_ =	shalt  }
0x42: {  	_ =	shalt  }
0x43: {  	_ =	shalt  }
0x44: {  	_ =	shalt  }
0x45: {  	_ =	shalt  }
0x46: {  	_ =	shalt  }
0x47: {  	_ =	shalt  }
0x48: {  	_ =	shalt  }
0x49: {  	_ =	shalt  }
0x4a: {  	_ =	shalt  }
0x4b: {  	_ =	shalt  }
0x4c: {  	_ =	shalt  }
0x4d: {  	_ =	shalt  }
0x4e: {  	_ =	shalt  }
0x4f: {  	_ =	shalt  }
0x50: {  	_ =	shalt  }
0x51: {  	_ =	shalt  }
0x52: {  	_ =	shalt  }
0x53: {  	_ =	shalt  }
0x54: {  	_ =	shalt  }
0x55: {  	_ =	shalt  }
0x56: {  	_ =	shalt  }
0x57: {  	_ =	shalt  }
0x58: {  	_ =	shalt  }
0x59: {  	_ =	shalt  }
0x5a: {  	_ =	shalt  }
0x5b: {  	_ =	shalt  }
0x5c: {  	_ =	shalt  }
0x5d: {  	_ =	shalt  }
0x5e: {  	_ =	shalt  }
0x5f: {  	_ =	shalt  }
0x60: {  	_ =	shalt  }
0x61: {  	_ =	shalt  }
0x62: {  	_ =	shalt  }
0x63: {  	_ =	shalt  }
0x64: {  	_ =	shalt  }
0x65: {  	_ =	shalt  }
0x66: {  	_ =	shalt  }
0x67: {  	_ =	shalt  }
0x68: {  	_ =	shalt  }
0x69: {  	_ =	shalt  }
0x6a: {  	_ =	shalt  }
0x6b: {  	_ =	shalt  }
0x6c: {  	_ =	shalt  }
0x6d: {  	_ =	shalt  }
0x6e: {  	_ =	shalt  }
0x6f: {  	_ =	shalt  }
0x70: {  	_ =	shalt  }
0x71: {  	_ =	shalt  }
0x72: {  	_ =	shalt  }
0x73: {  	_ =	shalt  }
0x74: {  	_ =	shalt  }
0x75: {  	_ =	shalt  }
0x76: {  	_ =	shalt  }
0x77: {  	_ =	shalt  }
0x78: {  	_ =	shalt  }
0x79: {  	_ =	shalt  }
0x7a: {  	_ =	shalt  }
0x7b: {  	_ =	shalt  }
0x7c: {  	_ =	shalt  }
0x7d: {  	_ =	shalt  }
0x7e: {  	_ =	shalt  }
0x7f: {  	_ =	shalt  }
0x80: {  	_ =	shalt  }
0x81: {  	_ =	shalt  }
0x82: {  	_ =	shalt  }
0x83: {  	_ =	shalt  }
0x84: {  	_ =	shalt  }
0x85: {  	_ =	shalt  }
0x86: {  	_ =	shalt  }
0x87: {  	_ =	shalt  }
.Lfunc_end0:
.L_simem_size_0:
called_computation_lowered:
.L_overlay_start_0:
0x88: {  	s2 =	sld [smem:$0x3FD9]  }
0x89: {  	s3 =	sld [smem:$0x3FFE];
	_ =	sdelay $0x1  }
0x8a: {  	s1 =	srdreg.scid  }
0x8b: {  	s0 =	sand.u32 $0x1, s1  }
0x8c: {  	s17 =	sshll.u32 s0, $0xA;
	s2 =	sadd.s32 s3, s2  }
0x8d: {  	s2 =	sadd.s32 s2, s17  }
0x8e: {  	[smem:$0x3FBE] =	sst s2  }
0x8f: {  	_ = 	snop  }
0x90: {  	s2 =	sld [smem:$0x3FD0];
	(tm) =	ssettm $0x1  }
0x91: {  	s18 =	sld [smem:$0x3FFB];
	_ =	sdelay $0x3  }
0x92: {  	_ =	strace s18  }
0x93: {  	s3 =	sld [smem:$0x3FFC];
	_ =	sdelay $0x3  }
0x94: {  	_ =	strace s3  }
0x95: {  	s3 =	sld [smem:$0x3FFD];
	_ =	sdelay $0x3  }
0x96: {  	_ =	strace s3  }
0x97: {  	_ =	strace $0x8FFFFFFF  }
0x98: {  	s19 =	sld [smem:$0x3FDB];
	_ =	sdelay $0x1  }
0x99: {  	s4 =	simm.s32 $_scs_section_size  }
0x9a: {  	s5 =	simm.s32 $_size__tile_overlayer_lowered;
	s6 =	simm.s32 $_tile_overlayer_lowered  }
0x9b: {  	s22 =	simm.s32 $0x1BFF;
	s21 =	sshll.u32 s6, $0x1;
	s3 =	sadd.s32 s4, s19  }
0x9c: {  	s7 =	simm.s32 $0x0;
	s20 =	sshll.u32 s5, $0x1;
	s5 =	sadd.s32 s21, s3  }
0x9d: {  	[timem:s7], [sflag:s22] =	dma.local [hbm:s5], s20  }
0x9e: {  	_ =	swait.ge [sflag:s22], s20  }
0x9f: {  	s4 =	ssub.s32 $0x0, s20;
	[sflag:s22] =	ssyncset.done $0x0  }
0xa0: {  	[sflag:s22] =	ssyncadd.s32 s4;
	_ =	sdelay $0x1  }
0xa1: {  	s23 =	simm.s32 $0x1B8B  }
0xa2: {  	_ =	swait.ge [sflag:s23], $0x1  }
0xa3: {  	[sflag:s23] =	ssyncset.done $0x0  }
0xa4: {  	s25 =	simm.s32 $0x1B8E;
	s24 =	sld [smem:$0x3FFE];
	[sflag:s23] =	ssyncadd.s32 $0xFFFFFFFF  }
0xa5: {  	s26 =	simm.s32 $execute0_lowered;
	[smem:$0x3FD2] =	sst s25  }
0xa6: {  	s5 =	sshll.u32 s26, $0x1;
	_ =	strace $0x80000046;
	[dreg:$0x1] =	wrdreg $0xFFFFFFFF  }
0xa7: {  	s28 =	simm.s32 $_size_execute0_lowered;
	s3 =	sadd.s32 s3, s5;
	[dreg:$0x0] =	wrdreg $0x0  }
0xa8: {  	s5 =	sshll.u32 s28, $0x1;
	[dreg:$0x2] =	wrdreg s3  }
0xa9: {  	[dreg:$0x3] =	wrdreg s5  }
0xaa: {  	[dreg:$0x4] =	wrdreg $0xC0  }
0xab: {  	_ =	task [dreg:s7], $0x5FFFF  }
0xac: {  	[dreg:$0x1] =	wrdreg $0xFFFFFFFF  }
0xad: {  	[dreg:$0x0] =	wrdreg $0x60  }
0xae: {  	[dreg:$0x2] =	wrdreg s24  }
0xaf: {  	[dreg:$0x3] =	wrdreg s2  }
0xb0: {  	[dreg:$0x4] =	wrdreg $0x4FA00  }
0xb1: {  	[dreg:$0x5] =	wrdreg $0x9  }
0xb2: {  	_ =	task.clear_ibuf [dreg:s7], $0x6FFFF;
	_ =	strace $0x90000046  }
0xb3: {  	s29 =	simm.s32 $0x9;
	_ =	strace $0x80000048  }
0xb4: {  	_ =	swait.ge [sflag:s29], $0x1  }
0xb5: {  	[sflag:s29] =	ssyncadd.s32 $0xFFFFFFFF  }
0xb6: {  	_ =	strace $0x90000048  }
0xb7: {  	_ =	sfence  }
0xb8: {  	s30 =	sld [smem:$0x0];
	_ =	sdelay $0x2  }
0xb9: {  	s31 =	sshll.u32 s1, $0xD;
	s1 =	sshrl.u32 s1, $0x2  }
0xba: {  	s3 =	sand.u32 $0x4000, s31;
	s1 =	sadd.s32 s1, s30  }
0xbb: {  	s0 =	sor.u32 s3, s0;
	s1 =	sshll.u32 s1, $0x11  }
0xbc: {  	s0 =	sor.u32 s1, s0  }
0xbd: {  	s0 =	sadd.s32 $0x8F2B, s0  }
0xbe: {  	[sflag:s0] =	ssyncadd.remote.s32 $0x1  }
0xbf: {  	_ =	sfence.sel $0xFFFF  }
0xc0: {  	[dreg:$0x0] =	wrdreg $0xFFFFFFFF;
	(pc) =	sbr.abs _section_cstart, $3  }
0xc1: {  	[dreg:$0x1] =	wrdreg $0xFFFFFFFF  }
0xc2: {  	_ =	task.clear_ibuf [dreg:s7], $0x2FFFF;
	_ =	strace $0x9FFFFFFF  }
0xc3: {  	(tm) =	ssettm $0x7FFFFFFF  }
tec
execute0_lowered:
.L_overlay_start_1:
0x0: {  	(tag) =	ssettag $0x1  }
0x1: {  	s0 =	rddreg [dreg:$0x0]  }
0x2: {  	s2 =	rddreg [dreg:$0x1]  }
0x3: {  	s1 =	rddreg [dreg:$0x2];
	s3 =	srdreg.scid;
	s4 =	simm.s32 $0x0  }
0x4: {  	s12 =	stileid.u32;
	s17 =	simm.s32 $0x7;
	s18 =	simm.s32 $0x3EA0  }
0x5: {  	s20 =	simm.s32 $0x50;
	s28 =	simm.s32 $0x4;
	s7 =	smul.u32 $0x18700, s12  }
0x6: {  	s30 =	simm.s32 $0x3480;
	s16 =	simm.s32 $0x3;
	s10 =	smul.u32 $0xC350, s12  }
0x7: {  	s3 =	sand.u32 $0x1, s3;
	[smem:$0x7FF] =	sst s4;
	s26 =	smul.u32 $0x61C00, s12  }
0x8: {  	s4 =	sadd.s32 $0xC7000, s0;
	s5 =	sadd.s32 $0x3800, s0;
	s6 =	smul.u32 $0x187000, s3  }
0x9: {  	_ =	strace $0x80000047;
	s9 =	ssub.s32 $0x2, s3;
	s22 =	sshll.u32 s3, $0x2  }
0xa: {  	s3 =	smul.u32 $0xC350, s3;
	s21 =	sshrl.u32 s9, $0x1;
	s2 =	sadd.s32 s2, s22  }
0xb: {  	s11 =	sshrl.u32 s10, $0x3;
	s6 =	sadd.s32 s7, s6;
	[dreg:$0x4] =	wrdreg s2  }
0xc: {  	s23 =	sadd.s32 s4, s11;
	s8 =	sshrl.u32 s6, $0x3;
	s6 =	sadd.s32 $0x65400, s0  }
0xd: {  	s24 =	sadd.s32 $0x186A0, s23;
	s25 =	sadd.s32 $0xA, s23;
	[dreg:$0x5] =	wrdreg s23  }
0xe: {  	s0 =	sadd.s32 s8, s0;
	s8 =	ssub.s32 s9, s21;
	[dreg:$0x6] =	wrdreg s24  }
.Ltmp0:
0xf: {  	[dreg:$0x7] =	wrdreg s25;
	s9 =	sadd.s32 $0x186AA, s23;
	(pc) =	sbr.rel .LBB2_1-.Ltmp0, $4  }
0x10: {  	s12 =	sadd.s32 $0xA0, s10;
	[dreg:$0x8] =	wrdreg s9;
	s0 =	sadd.s32 $0xF7E00, s0  }
0x11: {  	s29 =	sadd.s32 s7, s1;
	s31 =	smax.u32 s8, $0x1;
	[dreg:$0x9] =	wrdreg s0  }
0x12: {  	s2 =	sshrl.u32 s26, $0x2;
	v0 =	vmov s3;
	[dreg:$0xa] =	wrdreg s31;
	s0 =	sshrl.u32 s29, $0x3  }
0x13: {  	s15 =	sadd.s32 s2, s1;
	[tilespmem:$0x1FFF0] =	vst v0;
	v0 =	vimm.f32 $0.0e+00;
	s2 =	simm.s32 $0x0;
	[dreg:$0xb] =	wrdreg s0  }
.LBB2_14:
0x14: {  	s0 =	simm.s32 $0x6  }
0x15: {  	_ =	swait.ge [sflag:s0], $0xA00  }
0x16: {  	[sflag:s0] =	ssyncset.done $0x0  }
0x17: {  	s25 =	simm.s32 $0x5;
	[sflag:s0] =	ssyncadd.s32 $0xFFFFF600  }
0x18: {  	_ =	swait.ge [sflag:s25], $0xA00  }
0x19: {  	[sflag:s25] =	ssyncset.done $0x0  }
0x1a: {  	[sflag:s25] =	ssyncadd.s32 $0xFFFFF600  }
0x1b: {  	s26 =	stileid.u32;
	[bflag:$0x0] =	sbarrier.arrive $0xFFFF  }
0x1c: {  	s0 =	sshll.u32 s26, $0x6;
	s2 =	rddreg [dreg:$0x9]  }
0x1d: {  	s0 =	sor.u32 $0x1C07, s0;
	s3 =	rddreg [dreg:$0xb]  }
0x1e: {  	[hbm:s2], [sflag:s0] =	dma.local [spmem:s3], $0x30E0  }
0x1f: {  	_ =	swait.ge [sflag:s17], $0x30E0  }
0x20: {  	s29 =	rddreg [dreg:$0xc]  }
0x21: {  	s31 =	rddreg [dreg:$0xa];
	s2 =	sadd.s32 $0x1, s29  }
0x22: {  	p0 =	sne.s32 s2, s31  }
.Ltmp1:
0x23: {  	_ = 	snop;
	(pc) =	sbr.rel @!p0 .LBB2_15-.Ltmp1, $3  }
0x24: {  	_ =	sdelay $0x1  }
0x25: {  	[sflag:s17] =	ssyncset.done $0x0  }
0x26: {  	v0 =	vimm.f32 $0.0e+00;
	[sflag:s17] =	ssyncadd.s32 $0xFFFFCF20  }
.LBB2_1:
0x27: {  	[dreg:$0xc] =	wrdreg s2  }
0x28: {  	s0 =	simm.s32 $0x0;
	s31 =	rddreg [dreg:$0x4];
	s3 =	simm.s32 $0x3E80  }
0x29: {  	[tilespmem:s3], [sflag:$0x7] =	stream.linear.gather [hbm4b:s31+s0], $0x20, $0x38;
	[tilespmem:$0x1D6A0] =	vst v63  }
0x2a: {  	_ =	swait.ge [sflag:s17], $0x20  }
0x2b: {  	[sflag:s17] =	ssyncset.done $0x0  }
0x2c: {  	[sflag:s17] =	ssyncadd.s32 $0xFFFFFFE0  }
0x2d: {  	v3 =	vld [tilespmem:$0x3E80]  }
0x2e: {  	s0 =	simm.s32 $0x0;
	v2 =	vld [tilespmem:$0x3E90]  }
.LBB2_2:
0x2f: {  	p0 =	sne.s32 s0, $0x4380  }
.Ltmp2:
0x30: {  	_ = 	snop;
	(pc) =	sbr.rel @p0 .LBB2_2-.Ltmp2, $4  }
0x31: {  	_ = 	snop  }
0x32: {  	s2 =	sshra.s32 s0, $0x2  }
0x33: {  	[tilespmem:s2+$0x3EA0] =	vst v0  }
0x34: {  	s0 =	sadd.s32 $0x80, s0;
	[tilespmem:s2+$0x3EB0] =	vst v0  }
0x35: {  	s0 =	sadd.s32 $0x0, s15  }
0x36: {  	[spmem:s0] =	stream.linear.scatter [tilespmem:s18], [sflag:$0x7], $0x1100, $0x38;
	[tilespmem:$0x1D6A0] =	vst v63  }
0x37: {  	s0 =	simm.s32 $0x4400;
	_ =	swait.ge [sflag:s17], $0x1100  }
.LBB2_4:
0x38: {  	s2 =	sshra.s32 s0, $0x2;
	[sflag:s17] =	ssyncset.done $0x0;
	p0 =	sne.s32 s0, $0x5D800  }
.Ltmp3:
0x39: {  	s2 =	sadd.s32 s2, s15;
	[sflag:s17] =	ssyncadd.s32 $0xFFFFEF00;
	(pc) =	sbr.rel @p0 .LBB2_4-.Ltmp3, $3  }
0x3a: {  	[spmem:s2] =	stream.linear.scatter [tilespmem:s18], [sflag:$0x7], $0x1100, $0x38;
	[tilespmem:$0x1D6A0] =	vst v63  }
0x3b: {  	s0 =	sadd.s32 $0x4400, s0;
	_ =	sdelay $0x1  }
0x3c: {  	_ =	swait.ge [sflag:s17], $0x1100  }
0x3d: {  	[sflag:s17] =	ssyncset.done $0x0  }
0x3e: {  	[sflag:s17] =	ssyncadd.s32 $0xFFFFEF00  }
0x3f: {  	[bflag:$0x0] =	sbarrier.arrive $0xFFFF  }
0x40: {  	s25 =	simm.s32 $0x0;
	s0 =	rddreg [dreg:$0x5]  }
0x41: {  	[tilespmem:s25], [sflag:$0x1] =	stream.linear.gather [hbm4b:s0+s25], $0x50, $0x38;
	[tilespmem:$0x1D6A0] =	vst v63  }
0x42: {  	s2 =	simm.s32 $0xA0;
	s19 =	rddreg [dreg:$0x6]  }
0x43: {  	[tilespmem:s2], [sflag:$0x1] =	stream.linear.gather [hbm4b:s19+s25], $0x50, $0x38;
	[tilespmem:$0x1D6A0] =	vst v63  }
0x44: {  	s21 =	rddreg [dreg:$0x7]  }
0x45: {  	[tilespmem:s20], [sflag:$0x2] =	stream.linear.gather [hbm4b:s21+s25], $0x50, $0x38;
	[tilespmem:$0x1D6A0] =	vst v63  }
0x46: {  	s23 =	simm.s32 $0xF0;
	s24 =	simm.s32 $0x1;
	s22 =	rddreg [dreg:$0x8]  }
0x47: {  	[tilespmem:s23], [sflag:$0x2] =	stream.linear.gather [hbm4b:s22+s25], $0x50, $0x38;
	[tilespmem:$0x1D6A0] =	vst v63  }
0x48: {  	_ =	swait.ge [sflag:s24], $0x50  }
0x49: {  	[sflag:s24] =	ssyncset.done $0x0  }
0x4a: {  	[sflag:s24] =	ssyncadd.s32 $0xFFFFFFB0  }
0x4b: {  	_ =	swait.ge [sflag:s24], $0x50  }
0x4c: {  	[sflag:s24] =	ssyncset.done $0x0  }
0x4d: {  	v0 =	vld [tilespmem:$0x1FFF0];
	[sflag:s24] =	ssyncadd.s32 $0xFFFFFFB0  }
0x4e: {  	v4 =	vld [tilespmem:$0x0]  }
0x4f: {  	v5 =	vld [tilespmem:$0xA0]  }
0x50: {  	v6 =	vld [tilespmem:$0x10]  }
0x51: {  	v7 =	vld [tilespmem:$0xB0]  }
0x52: {  	v8 =	vld [tilespmem:$0x20]  }
0x53: {  	v9 =	vld [tilespmem:$0xC0];
	v4 =	vadd.s32 v0, v4  }
0x54: {  	[tilespmem:$0x0] =	vst v4;
	v4 =	vadd.s32 v0, v5;
	v5 =	vld [tilespmem:$0x30]  }
0x55: {  	v61 =	vld [tilespmem:$0xD0];
	[tilespmem:$0x140] =	vst v4;
	v4 =	vadd.s32 v0, v6  }
0x56: {  	v62 =	vld [tilespmem:$0x40];
	[tilespmem:$0x10] =	vst v4;
	v4 =	vadd.s32 v0, v7  }
0x57: {  	v63 =	vld [tilespmem:$0xE0];
	[tilespmem:$0x150] =	vst v4;
	v4 =	vadd.s32 v0, v8  }
0x58: {  	[tilespmem:$0x20] =	vst v4;
	v4 =	vadd.s32 v0, v9  }
0x59: {  	[tilespmem:$0x160] =	vst v4;
	v4 =	vadd.s32 v0, v5  }
0x5a: {  	[tilespmem:$0x30] =	vst v4;
	v4 =	vadd.s32 v0, v61  }
0x5b: {  	[tilespmem:$0x170] =	vst v4;
	v4 =	vadd.s32 v0, v62  }
.Ltmp4:
0x5c: {  	[tilespmem:$0x40] =	vst v4;
	v4 =	vadd.s32 v0, v63;
	(pc) =	sbr.rel .LBB2_6-.Ltmp4, $4  }
0x5d: {  	s26 =	simm.s32 $0x280;
	[tilespmem:$0x180] =	vst v4  }
0x5e: {  	[tilespmem:s26], [sflag:$0x3] =	stream.indirect.gather [hbm4b:s5+s20], $0x20, s25, s20, $0xb8;
	[tilespmem:$0x1D6A0] =	vst v63  }
0x5f: {  	s29 =	simm.s32 $0x140;
	s31 =	simm.s32 $0x1680;
	[tilespmem:$0x1FFE0] =	vst v2  }
0x60: {  	[tilespmem:s31], [sflag:$0x3] =	stream.indirect.gather [hbm4b:s6+s20], $0x20, s29, s20, $0xb8;
	[tilespmem:$0x1D6A0] =	vst v63  }
.LBB2_13:
0x61: {  	s25 =	sadd.s32 $0x1, s25  }
0x62: {  	p0 =	sne.s32 s25, $0x271  }
.Ltmp5:
0x63: {  	_ = 	snop;
	(pc) =	sbr.rel @!p0 .LBB2_14-.Ltmp5, $1  }
0x64: {  	_ =	sdelay $0x3  }
.LBB2_6:
0x65: {  	s26 =	sand.u32 $0x1, s25  }
0x66: {  	p0 =	seq.s32 s26, $0x1  }
.Ltmp6:
0x67: {  	_ = 	snop;
	(pc) =	sbr.rel @p0 .LBB2_10-.Ltmp6, $1  }
0x68: {  	_ =	sdelay $0x3  }
0x69: {  	p0 =	seq.s32 s25, $0x270  }
0x6a: {  	s0 =	simm.s32 @!p0 $0x2  }
0x6b: {  	_ =	swait.ge @!p0 [sflag:s0], $0x50  }
0x6c: {  	[sflag:s0] =	ssyncset.done @!p0 $0x0  }
0x6d: {  	[sflag:s0] =	ssyncadd.s32 @!p0 $0xFFFFFFB0  }
0x6e: {  	_ =	swait.ge @!p0 [sflag:s0], $0x50  }
0x6f: {  	[sflag:s0] =	ssyncset.done @!p0 $0x0  }
0x70: {  	v0 =	vld [tilespmem:$0x1FFF0];
	[sflag:s0] =	ssyncadd.s32 @!p0 $0xFFFFFFB0  }
0x71: {  	v4 =	vld @!p0 [tilespmem:$0x50]  }
0x72: {  	v5 =	vld @!p0 [tilespmem:$0xF0]  }
0x73: {  	v6 =	vld @!p0 [tilespmem:$0x60]  }
0x74: {  	v7 =	vld @!p0 [tilespmem:$0x100]  }
0x75: {  	v8 =	vld @!p0 [tilespmem:$0x70]  }
0x76: {  	v9 =	vld @!p0 [tilespmem:$0x110];
	v4 =	vadd.s32 @!p0 v0, v4  }
0x77: {  	[tilespmem:$0x50] =	vst @!p0 v4;
	v4 =	vadd.s32 @!p0 v0, v5;
	v5 =	vld @!p0 [tilespmem:$0x80]  }
0x78: {  	[tilespmem:$0x190] =	vst @!p0 v4;
	v4 =	vadd.s32 @!p0 v0, v6;
	v6 =	vld @!p0 [tilespmem:$0x120]  }
0x79: {  	[tilespmem:$0x60] =	vst @!p0 v4;
	v4 =	vadd.s32 @!p0 v0, v7;
	v7 =	vld @!p0 [tilespmem:$0x90]  }
0x7a: {  	[tilespmem:$0x1A0] =	vst @!p0 v4;
	v4 =	vadd.s32 @!p0 v0, v8;
	v8 =	vld @!p0 [tilespmem:$0x130]  }
0x7b: {  	[tilespmem:$0x70] =	vst @!p0 v4;
	v4 =	vadd.s32 @!p0 v0, v9  }
0x7c: {  	[tilespmem:$0x1B0] =	vst @!p0 v4;
	v4 =	vadd.s32 @!p0 v0, v5  }
0x7d: {  	[tilespmem:$0x80] =	vst @!p0 v4;
	v4 =	vadd.s32 @!p0 v0, v6  }
0x7e: {  	[tilespmem:$0x1C0] =	vst @!p0 v4;
	v4 =	vadd.s32 @!p0 v0, v7  }
0x7f: {  	[tilespmem:$0x90] =	vst @!p0 v4;
	v4 =	vadd.s32 @!p0 v0, v8  }
0x80: {  	s2 =	simm.s32 @!p0 $0xC80;
	s0 =	simm.s32 @!p0 $0x50;
	[tilespmem:$0x1D0] =	vst @!p0 v4  }
0x81: {  	[tilespmem:s2], [sflag:$0x4] =	stream.indirect.gather @!p0 [hbm4b:s5+s0], $0x20, s0, s0, $0xb8;
	[tilespmem:$0x1D6A0] =	vst v63  }
0x82: {  	s3 =	simm.s32 @!p0 $0x2080;
	s2 =	simm.s32 @!p0 $0x190  }
0x83: {  	[tilespmem:s3], [sflag:$0x4] =	stream.indirect.gather @!p0 [hbm4b:s6+s0], $0x20, s2, s0, $0xb8;
	[tilespmem:$0x1D6A0] =	vst v63  }
0x84: {  	_ =	swait.ge [sflag:s16], $0xA00  }
0x85: {  	[sflag:s16] =	ssyncset.done $0x0  }
0x86: {  	[sflag:s16] =	ssyncadd.s32 $0xFFFFF600  }
0x87: {  	_ =	swait.ge [sflag:s16], $0xA00  }
0x88: {  	p0 =	slt.u32 s25, $0x2;
	[sflag:s16] =	ssyncset.done $0x0  }
0x89: {  	s0 =	simm.s32 @!p0 $0x5;
	[sflag:s16] =	ssyncadd.s32 $0xFFFFF600  }
0x8a: {  	_ =	swait.ge @!p0 [sflag:s0], $0xA00  }
0x8b: {  	[sflag:s0] =	ssyncset.done @!p0 $0x0  }
0x8c: {  	[sflag:s0] =	ssyncadd.s32 @!p0 $0xFFFFF600  }
0x8d: {  	v4 =	vld [tilespmem:$0xA0]  }
0x8e: {  	v5 =	vld [tilespmem:$0xB0]  }
0x8f: {  	v6 =	vld [tilespmem:$0xC0]  }
0x90: {  	v7 =	vld [tilespmem:$0xD0]  }
0x91: {  	p0 =	sgt.u32 s25, $0x26E;
	v8 =	vld [tilespmem:$0xE0]  }
0x92: {  	s0 =	smul.u32 @!p0 $0x50, s25;
	[tilespmem:$0x1E0] =	vst v4  }
0x93: {  	[tilespmem:$0x1F0] =	vst v5  }
0x94: {  	s0 =	sadd.s32 @!p0 s0, s12;
	[tilespmem:$0x200] =	vst v6  }
0x95: {  	s0 =	sshrl.u32 @!p0 s0, $0x3;
	[tilespmem:$0x210] =	vst v7  }
0x96: {  	s2 =	simm.s32 @!p0 $0x0;
	s0 =	sadd.s32 @!p0 s4, s0;
	[tilespmem:$0x220] =	vst v8  }
0x97: {  	[tilespmem:s2], [sflag:$0x1] =	stream.linear.gather @!p0 [hbm4b:s0+s2], $0x50, $0x38;
	[tilespmem:$0x1D6A0] =	vst v63  }
0x98: {  	s3 =	simm.s32 @!p0 $0xA0;
	s0 =	sadd.s32 @!p0 $0x186A0, s0  }
0x99: {  	[tilespmem:s3], [sflag:$0x1] =	stream.linear.gather @!p0 [hbm4b:s0+s2], $0x50, $0x38;
	[tilespmem:$0x1D6A0] =	vst v63  }
0x9a: {  	s2 =	simm.s32 $0x0  }
0x9b: {  	v4 =	vld [tilespmem:s2+$0x370]  }
0x9c: {  	v5 =	vld [tilespmem:s2+$0x1770];
	_ =	sdelay $0x2  }
0x9d: {  	v6 =	vld [tilespmem:s2+$0x290]  }
0x9e: {  	v8 =	vld [tilespmem:s2+$0x2B0]  }
0x9f: {  	v14 =	vld [tilespmem:s2+$0x16F0];
	v9 =	vunpack.i.l.bf16.f32 v4;
	v10 =	vunpack.i.l.bf16.f32 v5  }
0xa0: {  	v17 =	vld [tilespmem:s2+$0x1710];
	v9 =	vmul.f32 v10, v9  }
0xa1: {  	v7 =	vld [tilespmem:s2+$0x1690]  }
0xa2: {  	v11 =	vld [tilespmem:s2+$0x16B0];
	v4 =	vunpack.i.u.bf16.f32 v4;
	v5 =	vunpack.i.u.bf16.f32 v5;
	(v2sf) =	vpush v9, $0x0  }
0xa3: {  	v15 =	vunpack.i.l.bf16.f32 v8;
	v10 =	vld [tilespmem:s2+$0x2D0];
	v4 =	vmul.f32 v5, v4;
	(v2sf) =	vpush v9, $0x1  }
0xa4: {  	v12 =	vld [tilespmem:s2+$0x16D0];
	v8 =	vunpack.i.u.bf16.f32 v8;
	v20 =	vunpack.i.l.bf16.f32 v14;
	v14 =	vunpack.i.u.bf16.f32 v14  }
0xa5: {  	v22 =	vunpack.i.l.bf16.f32 v17;
	v5 =	vunpack.i.u.bf16.f32 v6;
	(v2sf) =	vpush v4, $0x0  }
0xa6: {  	v13 =	vld [tilespmem:s2+$0x2F0];
	v6 =	vunpack.i.l.bf16.f32 v6;
	v9 =	vunpack.i.u.bf16.f32 v7;
	v7 =	vunpack.i.l.bf16.f32 v7  }
0xa7: {  	v17 =	vunpack.i.u.bf16.f32 v17;
	v4 =	vmul.f32 v7, v6;
	v6 =	vunpack.i.l.bf16.f32 v11  }
0xa8: {  	v16 =	vld [tilespmem:s2+$0x310];
	v11 =	vunpack.i.u.bf16.f32 v11;
	v5 =	vmul.f32 v9, v5;
	v7 =	vunpack.i.l.bf16.f32 v10  }
0xa9: {  	v18 =	vld [tilespmem:s2+$0x330];
	v6 =	vmul.f32 v6, v15;
	v15 =	vunpack.i.l.bf16.f32 v12;
	v10 =	vunpack.i.u.bf16.f32 v10  }
0xaa: {  	v12 =	vunpack.i.u.bf16.f32 v12;
	v8 =	vmul.f32 v11, v8;
	v7 =	vmul.f32 v15, v7  }
0xab: {  	v19 =	vld [tilespmem:s2+$0x1730];
	v15 =	vunpack.i.l.bf16.f32 v13;
	v13 =	vunpack.i.u.bf16.f32 v13;
	(v2sf) =	vpush v4, $0x0  }
0xac: {  	v10 =	vmul.f32 v12, v10;
	v15 =	vmul.f32 v20, v15;
	(v2sf) =	vpush v4, $0x1  }
0xad: {  	v21 =	vld [tilespmem:s2+$0x350];
	v20 =	vunpack.i.l.bf16.f32 v16;
	v16 =	vunpack.i.u.bf16.f32 v16;
	(v2sf) =	vpush v6, $0x0  }
0xae: {  	v24 =	vld [tilespmem:s2+$0x1760];
	v4 =	vunpack.i.l.bf16.f32 v18;
	v18 =	vunpack.i.u.bf16.f32 v18;
	(v2sf) =	vpush v6, $0x1  }
0xaf: {  	v23 =	vld [tilespmem:s2+$0x1750];
	v12 =	vmul.f32 v14, v13;
	v20 =	vmul.f32 v22, v20;
	(v2sf) =	vpush v7, $0x0  }
0xb0: {  	v11 =	vld [tilespmem:s2+$0x1680];
	v22 =	vunpack.i.l.bf16.f32 v19;
	v13 =	vmul.f32 v17, v16;
	(v2sf) =	vpush v7, $0x1  }
0xb1: {  	v6 =	vunpack.i.u.bf16.f32 v19;
	v4 =	vmul.f32 v22, v4;
	v22 =	vld [tilespmem:s2+$0x360];
	(v2sf) =	vpush v15, $0x0;
	s19 =	spop (v2sf)  }
0xb2: {  	v19 =	vunpack.i.l.bf16.f32 v21;
	v21 =	vunpack.i.u.bf16.f32 v21;
	s21 =	spop (v2sf);
	(v2sf) =	vpush v15, $0x1  }
0xb3: {  	v17 =	vld [tilespmem:s2+$0x16A0];
	v6 =	vmul.f32 v6, v18;
	v18 =	vunpack.i.u.bf16.f32 v24;
	s0 =	sadd.f32 s21, s19;
	(v2sf) =	vpush v20, $0x0  }
0xb4: {  	v7 =	vunpack.i.u.bf16.f32 v23;
	v23 =	vunpack.i.l.bf16.f32 v23;
	s22 =	spop (v2sf);
	(v2sf) =	vpush v20, $0x1  }
0xb5: {  	v9 =	vmul.f32 v23, v19;
	v16 =	vmul.f32 v7, v21;
	v19 =	vld [tilespmem:s2+$0x16C0];
	s3 =	sadd.f32 s0, s22;
	(v2sf) =	vpush v4, $0x0  }
0xb6: {  	v21 =	vunpack.i.u.bf16.f32 v11;
	v23 =	vld [tilespmem:s2+$0x300];
	v7 =	vunpack.i.u.bf16.f32 v22;
	(v2sf) =	vpush v4, $0x1  }
0xb7: {  	v7 =	vadd.f32 v18, v7;
	v15 =	vld [tilespmem:s2+$0x280];
	v18 =	vmul.f32 s3, v2;
	(v2sf) =	vpush v9, $0x0  }
0xb8: {  	v11 =	vunpack.i.l.bf16.f32 v11;
	v25 =	vunpack.i.u.bf16.f32 v17;
	(v2sf) =	vpush v9, $0x1  }
0xb9: {  	v14 =	vld [tilespmem:s2+$0x2A0];
	v17 =	vunpack.i.l.bf16.f32 v17;
	v7 =	vadd.f32 v18, v7;
	(v2sf) =	vpush v5, $0x0  }
0xba: {  	v28 =	vunpack.i.u.bf16.f32 v19;
	v19 =	vunpack.i.l.bf16.f32 v19;
	s23 =	spop (v2sf);
	(v2sf) =	vpush v8, $0x0  }
0xbb: {  	v30 =	vunpack.i.u.bf16.f32 v23;
	v4 =	vld [tilespmem:s2+$0x2C0];
	s7 =	spop (v2sf);
	v26 =	vsub.f32 $0.0e+00, v7;
	(v2sf) =	vpush v10, $0x0  }
0xbc: {  	v20 =	vunpack.i.u.bf16.f32 v15;
	v15 =	vunpack.i.l.bf16.f32 v15;
	s8 =	spop (v2sf);
	v9 =	vld [tilespmem:s2+$0x2E0];
	(v2sf) =	vpush v12, $0x0  }
0xbd: {  	s9 =	spop (v2sf);
	v11 =	vadd.f32 v11, v15;
	v5 =	vld [tilespmem:s2+$0x16E0];
	v26 =	vmul.f32 $1.442695020e+00, v26;
	(v2sf) =	vpush v13, $0x0  }
0xbe: {  	v18 =	vunpack.i.u.bf16.f32 v14;
	v14 =	vunpack.i.l.bf16.f32 v14;
	s10 =	spop (v2sf);
	v8 =	vld [tilespmem:s2+$0x1700];
	(v2sf) =	vpush v6, $0x0  }
0xbf: {  	v15 =	vadd.f32 v21, v20;
	s11 =	spop (v2sf);
	v14 =	vadd.f32 v17, v14;
	(erf) = vpow2.f32 v26  }
0xc0: {  	v20 =	vadd.f32 v25, v18;
	v27 =	vunpack.i.u.bf16.f32 v4;
	v10 =	vld [tilespmem:s2+$0x320];
	v4 =	vunpack.i.l.bf16.f32 v4;
	s13 =	spop (v2sf)  }
0xc1: {  	v23 =	vunpack.i.l.bf16.f32 v23;
	v19 =	vadd.f32 v19, v4;
	(v2sf) =	vpush v16, $0x0;
	s14 =	spop (v2sf)  }
0xc2: {  	s0 =	sadd.f32 s7, s23;
	v12 =	vld [tilespmem:s2+$0x1720];
	v21 =	vadd.f32 v28, v27;
	v29 =	vunpack.i.u.bf16.f32 v9;
	v6 =	vunpack.i.l.bf16.f32 v9;
	s22 =	spop (v2sf)  }
0xc3: {  	s8 =	sadd.f32 s9, s8;
	v13 =	vld [tilespmem:s2+$0x340];
	v9 =	vunpack.i.u.bf16.f32 v5;
	v5 =	vunpack.i.l.bf16.f32 v5;
	v16 =	vunpack.i.u.bf16.f32 v8;
	s24 =	spop (v2sf)  }
0xc4: {  	s10 =	sadd.f32 s11, s10;
	v8 =	vunpack.i.l.bf16.f32 v8;
	v5 =	vadd.f32 v5, v6;
	v6 =	vadd.f32 v9, v29;
	s29 =	spop (v2sf)  }
0xc5: {  	v26 =	vld [tilespmem:s2+$0x1740];
	v9 =	vunpack.i.l.bf16.f32 v22;
	v31 =	vunpack.i.u.bf16.f32 v10;
	v10 =	vunpack.i.l.bf16.f32 v10;
	s13 =	sadd.f32 s14, s13;
	s31 =	spop (v2sf)  }
0xc6: {  	v8 =	vadd.f32 v8, v23;
	v22 =	vadd.f32 v16, v30;
	v16 =	vunpack.i.l.bf16.f32 v24;
	s7 =	sadd.f32 s24, s22;
	s19 =	spop (v2sf)  }
0xc7: {  	v32 =	vunpack.i.u.bf16.f32 v12;
	v12 =	vunpack.i.l.bf16.f32 v12;
	v9 =	vadd.f32 v16, v9;
	s9 =	sadd.f32 s31, s29;
	s21 =	spop (v2sf)  }
0xc8: {  	v33 =	vunpack.i.u.bf16.f32 v13;
	v10 =	vadd.f32 v12, v10;
	v12 =	vmul.f32 s3, v3;
	v18 =	vpop (erf);
	s23 =	spop (v2sf);
	s3 =	sadd.f32 s21, s19  }
0xc9: {  	v13 =	vunpack.i.l.bf16.f32 v13;
	v23 =	vadd.f32 v32, v31;
	v18 =	vadd.f32 $1.000000000e+00, v18;
	s0 =	sadd.f32 s0, s23;
	s24 =	spop (v2sf)  }
0xca: {  	v17 =	vunpack.i.u.bf16.f32 v26;
	v4 =	vunpack.i.l.bf16.f32 v26;
	v56 =	vadd.f32 v12, v9;
	s8 =	sadd.f32 s8, s24;
	s29 =	spop (v2sf)  }
0xcb: {  	v24 =	vadd.f32 v4, v13;
	v13 =	vmul.f32 s0, v3;
	(erf) = vrcp.f32 v18;
	s31 =	sadd.f32 s10, s29;
	s11 =	spop (v2sf)  }
0xcc: {  	v25 =	vadd.f32 v17, v33;
	v16 =	vmul.f32 s0, v2;
	v9 =	vmul.f32 s8, v3;
	s14 =	sadd.f32 s13, s11;
	s19 =	spop (v2sf)  }
0xcd: {  	v12 =	vmul.f32 s8, v2;
	v17 =	vadd.f32 v13, v11;
	v11 =	vmul.f32 s31, v3;
	s21 =	sadd.f32 s7, s19;
	s22 =	spop (v2sf)  }
0xce: {  	v13 =	vmul.f32 s31, v2;
	v18 =	vadd.f32 v16, v15;
	v26 =	vmul.f32 s14, v3;
	s7 =	sadd.f32 s9, s22  }
0xcf: {  	v28 =	vmul.f32 s14, v2;
	v27 =	vadd.f32 v9, v14;
	v16 =	vadd.f32 v12, v20  }
0xd0: {  	s23 =	spop (v2sf);
	v9 =	vmul.f32 s21, v3;
	v15 =	vadd.f32 v11, v19;
	v19 =	vmul.f32 s7, v2  }
0xd1: {  	v29 =	vmul.f32 s21, v2;
	s24 =	sadd.f32 s3, s23;
	v14 =	vadd.f32 v13, v21;
	v5 =	vadd.f32 v26, v5  }
0xd2: {  	v20 =	vmul.f32 s7, v3;
	v13 =	vadd.f32 v28, v6;
	v6 =	vadd.f32 v9, v8  }
0xd3: {  	v21 =	vmul.f32 s24, v3;
	v12 =	vadd.f32 v29, v22;
	v22 =	vsub.f32 $0.0e+00, v27  }
0xd4: {  	v11 =	vadd.f32 v20, v10;
	v9 =	vadd.f32 v19, v23;
	v10 =	vmul.f32 s24, v2;
	v19 =	vpop (erf)  }
0xd5: {  	v20 =	vsub.f32 $0.0e+00, v17;
	v23 =	vsub.f32 $0.0e+00, v15;
	v19 =	vmul.f32 v19, v7  }
0xd6: {  	v8 =	vadd.f32 v21, v24;
	v21 =	vsub.f32 $0.0e+00, v18;
	v22 =	vmul.f32 $1.442695020e+00, v22  }
0xd7: {  	s3 =	simm.s32 $0x100;
	v24 =	vsub.f32 $0.0e+00, v14;
	v7 =	vadd.f32 v10, v25;
	v10 =	vmul.f32 $1.442695020e+00, v20;
	[tilespmem:s2+$0x2B70] =	vst v19  }
0xd8: {  	v23 =	vmul.f32 $1.442695020e+00, v23;
	v20 =	vsub.f32 $0.0e+00, v16;
	v21 =	vmul.f32 $1.442695020e+00, v21;
	v28 =	vld [tilespmem:s3+$0x290]  }
0xd9: {  	v24 =	vmul.f32 $1.442695020e+00, v24;
	(erf) = vpow2.f32 v10;
	v29 =	vld [tilespmem:s3+$0x1690]  }
0xda: {  	v20 =	vmul.f32 $1.442695020e+00, v20;
	v10 =	vsub.f32 $0.0e+00, v5;
	(erf) = vpow2.f32 v21;
	v57 =	vld [tilespmem:s3+$0x16B0]  }
0xdb: {  	v21 =	vsub.f32 $0.0e+00, v13;
	v58 =	vld [tilespmem:s3+$0x16D0];
	(erf) = vpow2.f32 v22;
	v22 =	vsub.f32 $0.0e+00, v6  }
0xdc: {  	v36 =	vld [tilespmem:s3+$0x16F0];
	v10 =	vmul.f32 $1.442695020e+00, v10;
	(erf) = vpow2.f32 v20;
	v20 =	vsub.f32 $0.0e+00, v12  }
0xdd: {  	v37 =	vld [tilespmem:s3+$0x310];
	v21 =	vmul.f32 $1.442695020e+00, v21;
	(erf) = vpow2.f32 v23;
	v23 =	vsub.f32 $0.0e+00, v11  }
0xde: {  	v38 =	vld [tilespmem:s3+$0x1710];
	v22 =	vmul.f32 $1.442695020e+00, v22;
	(erf) = vpow2.f32 v24;
	v24 =	vsub.f32 $0.0e+00, v9  }
0xdf: {  	v40 =	vld [tilespmem:s3+$0x330];
	v20 =	vmul.f32 $1.442695020e+00, v20;
	(erf) = vpow2.f32 v10;
	v10 =	vsub.f32 $0.0e+00, v8  }
0xe0: {  	v41 =	vld [tilespmem:s3+$0x1730];
	v19 =	vmul.f32 $1.442695020e+00, v23;
	v59 =	vunpack.i.u.bf16.f32 v28;
	v28 =	vunpack.i.l.bf16.f32 v28  }
0xe1: {  	v35 =	vunpack.i.u.bf16.f32 v29;
	v29 =	vunpack.i.l.bf16.f32 v29;
	v33 =	vunpack.i.u.bf16.f32 v57  }
0xe2: {  	v42 =	vunpack.i.l.bf16.f32 v36;
	v32 =	vunpack.i.u.bf16.f32 v58;
	v61 =	vunpack.i.l.bf16.f32 v37  }
0xe3: {  	v36 =	vunpack.i.u.bf16.f32 v36;
	v45 =	vunpack.i.l.bf16.f32 v38;
	v37 =	vunpack.i.u.bf16.f32 v37  }
0xe4: {  	v43 =	vld [tilespmem:s3+$0x350];
	v62 =	vunpack.i.l.bf16.f32 v40;
	v38 =	vunpack.i.u.bf16.f32 v38;
	(erf) = vpow2.f32 v21  }
0xe5: {  	v25 =	vld [tilespmem:s3+$0x370];
	v40 =	vunpack.i.u.bf16.f32 v40;
	v46 =	vunpack.i.l.bf16.f32 v41;
	(erf) = vpow2.f32 v22  }
0xe6: {  	v21 =	vsub.f32 $0.0e+00, v7;
	v23 =	vmul.f32 $1.442695020e+00, v24;
	(erf) = vpow2.f32 v20;
	v20 =	vld [tilespmem:s3+$0x1770]  }
0xe7: {  	v22 =	vsub.f32 $0.0e+00, v56;
	v10 =	vmul.f32 $1.442695020e+00, v10;
	(erf) = vpow2.f32 v19  }
0xe8: {  	v41 =	vunpack.i.u.bf16.f32 v41;
	v21 =	vmul.f32 $1.442695020e+00, v21;
	(erf) = vpow2.f32 v23  }
0xe9: {  	v63 =	vunpack.i.l.bf16.f32 v43;
	v24 =	vpop (erf);
	v19 =	vmul.f32 $1.442695020e+00, v22;
	(erf) = vpow2.f32 v10  }
0xea: {  	v44 =	vld [tilespmem:s3+$0x1750];
	v43 =	vunpack.i.u.bf16.f32 v43;
	v28 =	vmul.f32 v29, v28;
	v26 =	vpop (erf);
	(erf) = vpow2.f32 v21  }
0xeb: {  	v22 =	vpop (erf);
	(erf) = vpow2.f32 v19;
	v19 =	vunpack.i.l.bf16.f32 v25;
	v31 =	vunpack.i.l.bf16.f32 v20  }
0xec: {  	v48 =	vld [tilespmem:s3+$0x360];
	v29 =	vunpack.i.l.bf16.f32 v57;
	v24 =	vadd.f32 $1.000000000e+00, v24;
	v19 =	vmul.f32 v31, v19  }
0xed: {  	v57 =	vld [tilespmem:s3+$0x2C0];
	v26 =	vadd.f32 $1.000000000e+00, v26;
	v25 =	vunpack.i.u.bf16.f32 v25;
	v34 =	vunpack.i.u.bf16.f32 v20  }
0xee: {  	v30 =	vld [tilespmem:s3+$0x2B0];
	v23 =	vpop (erf);
	v10 =	vadd.f32 $1.000000000e+00, v22;
	v25 =	vmul.f32 v34, v25;
	(v2sf) =	vpush v19, $0x0  }
0xef: {  	v47 =	vunpack.i.u.bf16.f32 v44;
	v22 =	vadd.f32 $1.000000000e+00, v23;
	v23 =	vpop (erf);
	(v2sf) =	vpush v19, $0x1  }
0xf0: {  	v21 =	vpop (erf);
	(erf) = vrcp.f32 v24;
	v34 =	vmul.f32 v35, v59;
	v35 =	vld [tilespmem:s3+$0x1760];
	(v2sf) =	vpush v25, $0x0  }
0xf1: {  	v54 =	vunpack.i.u.bf16.f32 v48;
	v48 =	vunpack.i.l.bf16.f32 v48;
	v55 =	vpop (erf);
	(erf) = vrcp.f32 v26;
	v26 =	vld [tilespmem:s3+$0x2D0]  }
0xf2: {  	v52 =	vld [tilespmem:s3+$0x2A0];
	v49 =	vunpack.i.u.bf16.f32 v57;
	v23 =	vadd.f32 $1.000000000e+00, v23;
	v24 =	vadd.f32 $1.000000000e+00, v21;
	v31 =	vpop (erf)  }
0xf3: {  	v21 =	vadd.f32 $1.000000000e+00, v55;
	v20 =	vadd.f32 $1.000000000e+00, v31;
	v31 =	vld [tilespmem:s3+$0x2F0];
	v19 =	vpop (erf);
	v25 =	vunpack.i.l.bf16.f32 v30  }
0xf4: {  	v30 =	vunpack.i.u.bf16.f32 v30;
	v19 =	vadd.f32 $1.000000000e+00, v19;
	v25 =	vmul.f32 v29, v25  }
0xf5: {  	v29 =	vunpack.i.l.bf16.f32 v58;
	(v2sf) =	vpush v28, $0x0;
	v30 =	vmul.f32 v33, v30  }
0xf6: {  	v55 =	vunpack.i.u.bf16.f32 v35;
	v39 =	vunpack.i.l.bf16.f32 v26;
	(v2sf) =	vpush v28, $0x1  }
0xf7: {  	v33 =	vunpack.i.l.bf16.f32 v52;
	v29 =	vmul.f32 v29, v39;
	(v2sf) =	vpush v25, $0x0  }
0xf8: {  	v53 =	vld [tilespmem:s3+$0x16A0];
	v26 =	vunpack.i.u.bf16.f32 v26;
	v60 =	vunpack.i.l.bf16.f32 v31;
	(v2sf) =	vpush v25, $0x1  }
0xf9: {  	v26 =	vmul.f32 v32, v26;
	v39 =	vmul.f32 v42, v60;
	(v2sf) =	vpush v29, $0x0  }
0xfa: {  	v32 =	vmul.f32 v41, v40;
	v40 =	vunpack.i.u.bf16.f32 v52;
	(v2sf) =	vpush v29, $0x1  }
0xfb: {  	v59 =	vld [tilespmem:s3+$0x16C0];
	v31 =	vunpack.i.u.bf16.f32 v31;
	v42 =	vmul.f32 v45, v61;
	(v2sf) =	vpush v39, $0x0  }
0xfc: {  	v28 =	vld [tilespmem:s3+$0x280];
	v25 =	vunpack.i.l.bf16.f32 v44;
	v45 =	vmul.f32 v46, v62;
	(v2sf) =	vpush v39, $0x1  }
0xfd: {  	v44 =	vmul.f32 v25, v63;
	v25 =	vld [tilespmem:s3+$0x1680];
	v46 =	vunpack.i.u.bf16.f32 v53;
	(v2sf) =	vpush v42, $0x0;
	s29 =	spop (v2sf)  }
0xfe: {  	v61 =	vld [tilespmem:s3+$0x16E0];
	v29 =	vmul.f32 v36, v31;
	v31 =	vmul.f32 v38, v37;
	s31 =	spop (v2sf);
	(v2sf) =	vpush v42, $0x1  }
0xff: {  	v63 =	vld [tilespmem:s3+$0x300];
	v36 =	vmul.f32 v47, v43;
	v38 =	vunpack.i.l.bf16.f32 v53;
	s0 =	sadd.f32 s31, s29;
	s8 =	spop (v2sf);
	(v2sf) =	vpush v45, $0x0  }
0x100: {  	v43 =	vunpack.i.l.bf16.f32 v59;
	v40 =	vadd.f32 v46, v40;
	(v2sf) =	vpush v45, $0x1  }
0x101: {  	v37 =	vunpack.i.u.bf16.f32 v28;
	v33 =	vadd.f32 v38, v33;
	s7 =	sadd.f32 s0, s8;
	(v2sf) =	vpush v44, $0x0  }
0x102: {  	v28 =	vunpack.i.l.bf16.f32 v28;
	v39 =	vadd.f32 v55, v54;
	v54 =	vld [tilespmem:s3+$0x340];
	(v2sf) =	vpush v44, $0x1  }
0x103: {  	v51 =	vunpack.i.u.bf16.f32 v61;
	v58 =	vmul.f32 s7, v2;
	(v2sf) =	vpush v34, $0x0  }
0x104: {  	v60 =	vld [tilespmem:s3+$0x2E0];
	v53 =	vunpack.i.u.bf16.f32 v63;
	v42 =	vunpack.i.u.bf16.f32 v25;
	s9 =	spop (v2sf);
	(v2sf) =	vpush v30, $0x0  }
0x105: {  	v50 =	vld [tilespmem:s3+$0x320];
	v37 =	vadd.f32 v42, v37;
	v45 =	vunpack.i.l.bf16.f32 v25;
	s10 =	spop (v2sf);
	v25 =	vadd.f32 v58, v39  }
0x106: {  	v28 =	vadd.f32 v45, v28;
	s11 =	spop (v2sf);
	v44 =	vunpack.i.l.bf16.f32 v61;
	(v2sf) =	vpush v26, $0x0  }
0x107: {  	v61 =	vld [tilespmem:s3+$0x1740];
	s13 =	spop (v2sf);
	v34 =	vunpack.i.l.bf16.f32 v63;
	v63 =	vunpack.i.l.bf16.f32 v54;
	v62 =	vsub.f32 $0.0e+00, v25  }
0x108: {  	v46 =	vmul.f32 s7, v3;
	v30 =	vunpack.i.l.bf16.f32 v57;
	s14 =	spop (v2sf);
	(v2sf) =	vpush v29, $0x0  }
0x109: {  	v57 =	vunpack.i.u.bf16.f32 v59;
	v26 =	vld [tilespmem:s3+$0x1700];
	v39 =	vunpack.i.l.bf16.f32 v60;
	s22 =	spop (v2sf);
	v55 =	vmul.f32 $1.442695020e+00, v62  }
0x10a: {  	v43 =	vadd.f32 v43, v30;
	v30 =	vunpack.i.u.bf16.f32 v50;
	s31 =	spop (v2sf);
	(v2sf) =	vpush v31, $0x0  }
0x10b: {  	v47 =	vadd.f32 v57, v49;
	v29 =	vunpack.i.u.bf16.f32 v60;
	v58 =	vpop (erf);
	s19 =	spop (v2sf);
	(erf) = vpow2.f32 v55  }
0x10c: {  	v52 =	vld [tilespmem:s3+$0x1720];
	v39 =	vadd.f32 v44, v39;
	v38 =	vunpack.i.l.bf16.f32 v61;
	(v2sf) =	vpush v32, $0x0;
	v59 =	vpop (erf);
	s23 =	spop (v2sf)  }
0x10d: {  	v51 =	vadd.f32 v51, v29;
	(v2sf) =	vpush v36, $0x0;
	v36 =	vpop (erf);
	(erf) = vrcp.f32 v10;
	s24 =	spop (v2sf)  }
0x10e: {  	s0 =	sadd.f32 s10, s9;
	v38 =	vadd.f32 v38, v63;
	v42 =	vpop (erf);
	v60 =	vunpack.i.u.bf16.f32 v26;
	v26 =	vunpack.i.l.bf16.f32 v26;
	s21 =	spop (v2sf)  }
0x10f: {  	s9 =	sadd.f32 s13, s11;
	v36 =	vadd.f32 $1.000000000e+00, v36;
	v31 =	vpop (erf);
	v34 =	vadd.f32 v26, v34;
	(erf) = vrcp.f32 v22;
	s29 =	spop (v2sf)  }
0x110: {  	s11 =	sadd.f32 s22, s14;
	v62 =	vunpack.i.l.bf16.f32 v50;
	v45 =	vadd.f32 v60, v53;
	v26 =	vadd.f32 $1.000000000e+00, v58;
	v10 =	vpop (erf);
	s13 =	spop (v2sf)  }
0x111: {  	s14 =	sadd.f32 s19, s31;
	v50 =	vpop (erf);
	v22 =	vunpack.i.u.bf16.f32 v52;
	(erf) = vrcp.f32 v23;
	v23 =	vunpack.i.l.bf16.f32 v52;
	s22 =	spop (v2sf)  }
0x112: {  	v49 =	vpop (erf);
	s23 =	sadd.f32 s24, s23;
	v17 =	vmul.f32 v50, v17;
	(erf) = vrcp.f32 v24;
	v24 =	vunpack.i.u.bf16.f32 v54;
	s31 =	spop (v2sf)  }
0x113: {  	v18 =	vmul.f32 v49, v18;
	(erf) = vrcp.f32 v21;
	v21 =	vunpack.i.u.bf16.f32 v61;
	s0 =	sadd.f32 s0, s31;
	s19 =	spop (v2sf)  }
0x114: {  	(erf) = vrcp.f32 v20;
	v20 =	vunpack.i.l.bf16.f32 v35;
	v35 =	vadd.f32 v23, v62;
	v55 =	vpop (erf);
	s8 =	sadd.f32 s9, s19  }
0x115: {  	s7 =	sadd.f32 s29, s21;
	v48 =	vadd.f32 v20, v48;
	s21 =	spop (v2sf);
	v44 =	vadd.f32 $1.000000000e+00, v55;
	v20 =	vmul.f32 s0, v3  }
0x116: {  	v52 =	vadd.f32 v21, v24;
	v41 =	vpop (erf);
	s24 =	sadd.f32 s11, s21;
	v23 =	vmul.f32 s8, v3;
	v24 =	vmul.f32 s8, v2  }
0x117: {  	s29 =	spop (v2sf);
	v41 =	vmul.f32 v41, v27;
	(erf) = vrcp.f32 v44;
	v44 =	vadd.f32 v22, v30  }
0x118: {  	v32 =	vpop (erf);
	s31 =	sadd.f32 s14, s29;
	v22 =	vmul.f32 s0, v2;
	v21 =	vadd.f32 v20, v28;
	v20 =	vmul.f32 s24, v3  }
0x119: {  	v42 =	vadd.f32 $1.000000000e+00, v42;
	s10 =	spop (v2sf);
	v28 =	vmul.f32 s24, v2;
	v16 =	vmul.f32 v32, v16  }
0x11a: {  	s11 =	sadd.f32 s23, s10;
	(erf) = vrcp.f32 v19;
	v19 =	vadd.f32 $1.000000000e+00, v59;
	v57 =	vmul.f32 s31, v3  }
0x11b: {  	s13 =	sadd.f32 s22, s13;
	v53 =	vpop (erf);
	s14 =	spop (v2sf);
	v55 =	vmul.f32 s31, v2;
	v23 =	vadd.f32 v23, v33;
	v30 =	vadd.f32 v24, v40  }
0x11c: {  	s7 =	sadd.f32 s7, s14;
	v15 =	vmul.f32 v53, v15;
	v22 =	vadd.f32 v22, v37;
	v58 =	vmul.f32 s11, v3  }
0x11d: {  	s19 =	spop (v2sf);
	v24 =	vadd.f32 v20, v43;
	v29 =	vadd.f32 v28, v47;
	v28 =	vmul.f32 s11, v2  }
0x11e: {  	s21 =	sadd.f32 s13, s19;
	(erf) = vrcp.f32 v26;
	v61 =	vsub.f32 $0.0e+00, v21;
	v47 =	vmul.f32 s7, v3  }
0x11f: {  	v37 =	vpop (erf);
	v20 =	vadd.f32 v57, v39;
	v54 =	vmul.f32 s7, v2;
	(erf) = vrcp.f32 v19  }
0x120: {  	v26 =	vadd.f32 v55, v51;
	v14 =	vmul.f32 v37, v14;
	v51 =	vmul.f32 s21, v3  }
0x121: {  	v63 =	vsub.f32 $0.0e+00, v30;
	v60 =	vmul.f32 s21, v2;
	(erf) = vrcp.f32 v36  }
0x122: {  	v33 =	vpop (erf);
	v19 =	vadd.f32 v28, v45;
	v28 =	vsub.f32 $0.0e+00, v22;
	v36 =	vmul.f32 $1.442695020e+00, v61  }
0x123: {  	v43 =	vpop (erf);
	v50 =	vsub.f32 $0.0e+00, v24;
	(erf) = vrcp.f32 v42;
	v40 =	vmul.f32 $1.442695020e+00, v63  }
0x124: {  	v27 =	vsub.f32 $0.0e+00, v20;
	v13 =	vmul.f32 v43, v13;
	v57 =	vmul.f32 $1.442695020e+00, v28;
	v59 =	vpop (erf)  }
0x125: {  	v62 =	vsub.f32 $0.0e+00, v23;
	v42 =	vmul.f32 $1.442695020e+00, v50;
	v39 =	vmul.f32 v59, v25  }
0x126: {  	v28 =	vsub.f32 $0.0e+00, v29;
	(erf) = vpow2.f32 v36;
	v50 =	vmul.f32 $1.442695020e+00, v27  }
0x127: {  	v27 =	vadd.f32 v54, v44;
	v25 =	vadd.f32 v58, v34;
	v34 =	vmul.f32 $1.442695020e+00, v62;
	[tilespmem:s3+$0x2B70] =	vst v39  }
0x128: {  	v58 =	vsub.f32 $0.0e+00, v26;
	v59 =	vmul.f32 $1.442695020e+00, v28;
	v28 =	vadd.f32 v47, v35;
	[tilespmem:s2+$0x2A80] =	vst v17  }
0x129: {  	(erf) = vpow2.f32 v57;
	v57 =	vadd.f32 v46, v48;
	v62 =	vadd.f32 v60, v52;
	[tilespmem:s2+$0x2A90] =	vst v18  }
0x12a: {  	v35 =	vmul.f32 $1.442695020e+00, v58;
	(erf) = vpow2.f32 v34;
	v44 =	vsub.f32 $0.0e+00, v28;
	[tilespmem:s2+$0x2AC0] =	vst v15  }
0x12b: {  	v17 =	vsub.f32 $0.0e+00, v25;
	v15 =	vmul.f32 v33, v5;
	[tilespmem:s2+$0x2AD0] =	vst v14;
	v14 =	vpop (erf);
	(erf) = vpow2.f32 v40  }
0x12c: {  	[tilespmem:s2+$0x2AB0] =	vst v16;
	v16 =	vsub.f32 $0.0e+00, v19;
	(erf) = vpow2.f32 v42;
	v14 =	vmul.f32 v14, v6  }
0x12d: {  	[tilespmem:s2+$0x2AA0] =	vst v41;
	v18 =	vadd.f32 v51, v38;
	v32 =	vmul.f32 $1.442695020e+00, v44;
	v17 =	vmul.f32 $1.442695020e+00, v17  }
0x12e: {  	v45 =	vpop (erf);
	v16 =	vmul.f32 $1.442695020e+00, v16;
	[tilespmem:s2+$0x2AE0] =	vst v15;
	v15 =	vsub.f32 $0.0e+00, v27;
	(erf) = vpow2.f32 v59  }
0x12f: {  	s7 =	simm.s32 $0x200;
	[tilespmem:s2+$0x2AF0] =	vst v13;
	v13 =	vsub.f32 $0.0e+00, v18;
	v49 =	vpop (erf);
	v12 =	vmul.f32 v45, v12;
	(erf) = vpow2.f32 v50  }
0x130: {  	v47 =	vld [tilespmem:s7+$0x370];
	[tilespmem:s2+$0x2B00] =	vst v14;
	v14 =	vsub.f32 $0.0e+00, v62;
	v53 =	vmul.f32 v49, v11;
	v15 =	vmul.f32 $1.442695020e+00, v15  }
0x131: {  	v50 =	vpop (erf);
	v13 =	vmul.f32 $1.442695020e+00, v13;
	v51 =	vld [tilespmem:s7+$0x1770];
	(erf) = vpow2.f32 v35;
	[tilespmem:s2+$0x2B10] =	vst v12  }
0x132: {  	v52 =	vpop (erf);
	v12 =	vsub.f32 $0.0e+00, v57;
	v9 =	vmul.f32 v50, v9;
	(erf) = vpow2.f32 v17;
	v17 =	vld [tilespmem:s7+$0x290]  }
0x133: {  	v54 =	vmul.f32 $1.442695020e+00, v14;
	[tilespmem:s2+$0x2B20] =	vst v53;
	v8 =	vmul.f32 v52, v8  }
0x134: {  	v11 =	vadd.f32 $1.000000000e+00, v31;
	v31 =	vmul.f32 $1.442695020e+00, v12;
	v58 =	vld [tilespmem:s7+$0x1690];
	v14 =	vpop (erf);
	(erf) = vpow2.f32 v16  }
0x135: {  	v16 =	vpop (erf);
	v55 =	vadd.f32 $1.000000000e+00, v14;
	(erf) = vpow2.f32 v32;
	v34 =	vunpack.i.u.bf16.f32 v47  }
0x136: {  	v12 =	vpop (erf);
	v16 =	vadd.f32 $1.000000000e+00, v16;
	(erf) = vpow2.f32 v15;
	v60 =	vunpack.i.l.bf16.f32 v51  }
0x137: {  	[tilespmem:s2+$0x2B30] =	vst v9;
	v15 =	vpop (erf);
	v14 =	vadd.f32 $1.000000000e+00, v12;
	(erf) = vpow2.f32 v13;
	v35 =	vunpack.i.u.bf16.f32 v17  }
0x138: {  	v17 =	vunpack.i.l.bf16.f32 v17;
	v12 =	vadd.f32 $1.000000000e+00, v15;
	v9 =	vpop (erf);
	v15 =	vld [tilespmem:s7+$0x2B0];
	(erf) = vpow2.f32 v54;
	[tilespmem:s2+$0x2B40] =	vst v8  }
0x139: {  	v8 =	vunpack.i.l.bf16.f32 v47;
	v47 =	vunpack.i.u.bf16.f32 v51;
	v32 =	vunpack.i.l.bf16.f32 v58;
	v61 =	vld [tilespmem:s7+$0x16B0]  }
0x13a: {  	v59 =	vpop (erf);
	v13 =	vadd.f32 $1.000000000e+00, v9;
	(erf) = vpow2.f32 v31;
	v36 =	vmul.f32 v60, v8;
	v63 =	vld [tilespmem:s7+$0x16D0]  }
0x13b: {  	v34 =	vmul.f32 v47, v34;
	v48 =	vld [tilespmem:s7+$0x16F0];
	v17 =	vmul.f32 v32, v17;
	v31 =	vpop (erf);
	v9 =	vadd.f32 $1.000000000e+00, v59  }
0x13c: {  	v50 =	vld [tilespmem:s7+$0x310];
	(erf) = vrcp.f32 v55;
	v8 =	vadd.f32 $1.000000000e+00, v31;
	(v2sf) =	vpush v36, $0x0  }
0x13d: {  	v60 =	vld [tilespmem:s7+$0x1730];
	(erf) = vrcp.f32 v16;
	(v2sf) =	vpush v36, $0x1;
	v36 =	vunpack.i.u.bf16.f32 v58  }
0x13e: {  	v31 =	vld [tilespmem:s7+$0x2D0];
	v49 =	vunpack.i.l.bf16.f32 v15;
	(v2sf) =	vpush v34, $0x0;
	v15 =	vunpack.i.u.bf16.f32 v15  }
0x13f: {  	v16 =	vld [tilespmem:s7+$0x2F0];
	v35 =	vmul.f32 v36, v35;
	v53 =	vunpack.i.l.bf16.f32 v61;
	v55 =	vunpack.i.l.bf16.f32 v63  }
0x140: {  	v38 =	vunpack.i.u.bf16.f32 v61;
	v61 =	vunpack.i.l.bf16.f32 v48;
	v33 =	vunpack.i.u.bf16.f32 v63  }
0x141: {  	v41 =	vld [tilespmem:s7+$0x1710];
	v51 =	vunpack.i.l.bf16.f32 v50;
	v37 =	vunpack.i.u.bf16.f32 v48;
	v40 =	vunpack.i.u.bf16.f32 v50  }
0x142: {  	(v2sf) =	vpush v17, $0x0;
	v43 =	vunpack.i.u.bf16.f32 v60;
	v32 =	vmul.f32 v53, v49  }
0x143: {  	v58 =	vld [tilespmem:s7+$0x330];
	(v2sf) =	vpush v17, $0x1;
	v17 =	vunpack.i.l.bf16.f32 v60;
	v36 =	vmul.f32 v38, v15  }
0x144: {  	v54 =	vunpack.i.l.bf16.f32 v31;
	v59 =	vunpack.i.l.bf16.f32 v16;
	v31 =	vunpack.i.u.bf16.f32 v31  }
0x145: {  	v63 =	vld [tilespmem:s7+$0x350];
	v52 =	vunpack.i.u.bf16.f32 v16;
	v34 =	vmul.f32 v55, v54;
	(v2sf) =	vpush v32, $0x0  }
0x146: {  	v53 =	vld [tilespmem:s7+$0x1750];
	v16 =	vunpack.i.l.bf16.f32 v41;
	v41 =	vunpack.i.u.bf16.f32 v41;
	(v2sf) =	vpush v32, $0x1  }
0x147: {  	v15 =	vld [tilespmem:s7+$0x1680];
	v39 =	vmul.f32 v61, v59;
	v44 =	vmul.f32 v16, v51;
	(v2sf) =	vpush v34, $0x0  }
0x148: {  	v60 =	vld [tilespmem:s7+$0x2C0];
	v16 =	vunpack.i.l.bf16.f32 v58;
	v42 =	vunpack.i.u.bf16.f32 v58;
	(v2sf) =	vpush v34, $0x1  }
0x149: {  	v54 =	vld [tilespmem:s7+$0x280];
	v31 =	vmul.f32 v33, v31;
	v33 =	vmul.f32 v37, v52;
	(v2sf) =	vpush v39, $0x0  }
0x14a: {  	v37 =	vmul.f32 v41, v40;
	v55 =	vmul.f32 v17, v16;
	v16 =	vld [tilespmem:s7+$0x360];
	(v2sf) =	vpush v39, $0x1  }
0x14b: {  	v17 =	vld [tilespmem:s7+$0x1760];
	v38 =	vmul.f32 v43, v42;
	v61 =	vunpack.i.l.bf16.f32 v63;
	(v2sf) =	vpush v44, $0x0;
	s22 =	spop (v2sf)  }
0x14c: {  	v63 =	vunpack.i.u.bf16.f32 v63;
	v47 =	vunpack.i.l.bf16.f32 v53;
	(v2sf) =	vpush v44, $0x1;
	s23 =	spop (v2sf)  }
0x14d: {  	v52 =	vld [tilespmem:s7+$0x2A0];
	v51 =	vunpack.i.u.bf16.f32 v53;
	v34 =	vmul.f32 v47, v61;
	(v2sf) =	vpush v55, $0x0;
	s0 =	sadd.f32 s23, s22  }
0x14e: {  	v46 =	vunpack.i.u.bf16.f32 v15;
	v49 =	vunpack.i.u.bf16.f32 v60;
	s24 =	spop (v2sf);
	(v2sf) =	vpush v55, $0x1  }
0x14f: {  	v32 =	vmul.f32 v51, v63;
	v40 =	vunpack.i.u.bf16.f32 v54;
	(v2sf) =	vpush v34, $0x0;
	s9 =	sadd.f32 s0, s24  }
0x150: {  	v53 =	vld [tilespmem:s7+$0x16A0];
	v58 =	vunpack.i.u.bf16.f32 v16;
	v59 =	vunpack.i.u.bf16.f32 v17;
	(v2sf) =	vpush v34, $0x1  }
0x151: {  	v42 =	vadd.f32 v59, v58;
	v58 =	vld [tilespmem:s7+$0x2E0];
	(v2sf) =	vpush v35, $0x0;
	v61 =	vmul.f32 s9, v2  }
0x152: {  	v63 =	vunpack.i.l.bf16.f32 v54;
	v54 =	vld [tilespmem:s7+$0x16C0];
	v39 =	vunpack.i.l.bf16.f32 v52;
	s11 =	spop (v2sf);
	(v2sf) =	vpush v36, $0x0  }
0x153: {  	v40 =	vadd.f32 v46, v40;
	v59 =	vld [tilespmem:s7+$0x300];
	v55 =	vunpack.i.l.bf16.f32 v15;
	s19 =	spop (v2sf);
	v15 =	vadd.f32 v61, v42  }
0x154: {  	v16 =	vunpack.i.l.bf16.f32 v16;
	v17 =	vunpack.i.l.bf16.f32 v17;
	s21 =	spop (v2sf);
	(v2sf) =	vpush v31, $0x0  }
0x155: {  	v41 =	vunpack.i.l.bf16.f32 v53;
	s29 =	spop (v2sf);
	(v2sf) =	vpush v33, $0x0;
	v43 =	vsub.f32 $0.0e+00, v15  }
0x156: {  	v39 =	vadd.f32 v41, v39;
	v51 =	vunpack.i.u.bf16.f32 v58;
	v34 =	vunpack.i.l.bf16.f32 v58;
	v58 =	vld [tilespmem:s7+$0x1720];
	s31 =	spop (v2sf)  }
0x157: {  	v47 =	vunpack.i.l.bf16.f32 v54;
	v45 =	vadd.f32 v55, v63;
	v36 =	vld [tilespmem:s7+$0x16E0];
	s22 =	spop (v2sf);
	v43 =	vmul.f32 $1.442695020e+00, v43  }
0x158: {  	v44 =	vunpack.i.l.bf16.f32 v59;
	v35 =	vunpack.i.u.bf16.f32 v53;
	v33 =	vpop (erf);
	(v2sf) =	vpush v37, $0x0;
	s24 =	spop (v2sf)  }
0x159: {  	v31 =	vunpack.i.l.bf16.f32 v60;
	v60 =	vunpack.i.u.bf16.f32 v54;
	v37 =	vpop (erf);
	s8 =	spop (v2sf);
	(erf) = vpow2.f32 v43  }
0x15a: {  	v42 =	vunpack.i.u.bf16.f32 v52;
	v61 =	vld [tilespmem:s7+$0x320];
	v47 =	vadd.f32 v47, v31;
	(v2sf) =	vpush v38, $0x0;
	v38 =	vpop (erf);
	s0 =	spop (v2sf)  }
0x15b: {  	v35 =	vadd.f32 v35, v42;
	v46 =	vunpack.i.u.bf16.f32 v58;
	(v2sf) =	vpush v32, $0x0;
	v48 =	vpop (erf);
	v43 =	vld [tilespmem:s7+$0x1700];
	s23 =	spop (v2sf)  }
0x15c: {  	v63 =	vunpack.i.u.bf16.f32 v36;
	v36 =	vunpack.i.l.bf16.f32 v36;
	v41 =	vpop (erf);
	(erf) = vrcp.f32 v14;
	s13 =	spop (v2sf)  }
0x15d: {  	v34 =	vadd.f32 v36, v34;
	v50 =	vadd.f32 v63, v51;
	v42 =	vpop (erf);
	(erf) = vrcp.f32 v12;
	s14 =	spop (v2sf)  }
0x15e: {  	s19 =	sadd.f32 s19, s11;
	v63 =	vmul.f32 s9, v3;
	v32 =	vpop (erf);
	v14 =	vunpack.i.u.bf16.f32 v59;
	v59 =	vld [tilespmem:s7+$0x340];
	(erf) = vrcp.f32 v13;
	s10 =	spop (v2sf)  }
0x15f: {  	s21 =	sadd.f32 s29, s21;
	v55 =	vadd.f32 $1.000000000e+00, v48;
	v31 =	vpop (erf);
	(erf) = vrcp.f32 v9;
	v9 =	vunpack.i.l.bf16.f32 v61;
	s11 =	spop (v2sf)  }
0x160: {  	s8 =	sadd.f32 s8, s24;
	v12 =	vadd.f32 v60, v49;
	v51 =	vpop (erf);
	v60 =	vunpack.i.l.bf16.f32 v43;
	v43 =	vunpack.i.u.bf16.f32 v43;
	s29 =	spop (v2sf)  }
0x161: {  	v13 =	vld [tilespmem:s7+$0x1740];
	v49 =	vpop (erf);
	v61 =	vunpack.i.u.bf16.f32 v61;
	v43 =	vadd.f32 v43, v14;
	v14 =	vunpack.i.l.bf16.f32 v58;
	s19 =	sadd.f32 s19, s29;
	s29 =	spop (v2sf)  }
0x162: {  	(erf) = vrcp.f32 v8;
	v8 =	vadd.f32 $1.000000000e+00, v33;
	v33 =	vadd.f32 v14, v9;
	s9 =	sadd.f32 s21, s29;
	v9 =	vpop (erf)  }
0x163: {  	v44 =	vadd.f32 v60, v44;
	v36 =	vunpack.i.l.bf16.f32 v59;
	s29 =	sadd.f32 s22, s31;
	s31 =	spop (v2sf);
	v9 =	vadd.f32 $1.000000000e+00, v9  }
0x164: {  	v14 =	vadd.f32 $1.000000000e+00, v37;
	(erf) = vrcp.f32 v8;
	s21 =	spop (v2sf);
	v54 =	vmul.f32 s9, v2  }
0x165: {  	v37 =	vadd.f32 v46, v61;
	v8 =	vunpack.i.u.bf16.f32 v59;
	s8 =	sadd.f32 s8, s21;
	(erf) = vrcp.f32 v9  }
0x166: {  	s0 =	sadd.f32 s23, s0;
	v9 =	vunpack.i.u.bf16.f32 v13;
	v13 =	vunpack.i.l.bf16.f32 v13;
	v58 =	vadd.f32 v54, v35  }
0x167: {  	s22 =	spop (v2sf);
	v48 =	vmul.f32 s8, v3;
	v54 =	vmul.f32 s8, v2;
	v52 =	vadd.f32 v13, v36  }
0x168: {  	s0 =	sadd.f32 s0, s22;
	v53 =	vadd.f32 v9, v8;
	v8 =	vadd.f32 v17, v16;
	v9 =	vmul.f32 s19, v3  }
0x169: {  	v16 =	vadd.f32 $1.000000000e+00, v38;
	(erf) = vrcp.f32 v14;
	v14 =	vmul.f32 s19, v2;
	s19 =	sadd.f32 s29, s31  }
0x16a: {  	v36 =	vpop (erf);
	v59 =	vmul.f32 s0, v3;
	(erf) = vrcp.f32 v11;
	v11 =	vadd.f32 $1.000000000e+00, v41  }
0x16b: {  	v38 =	vpop (erf);
	v17 =	vadd.f32 v63, v8;
	v8 =	vmul.f32 s9, v3;
	v60 =	vmul.f32 s19, v3  }
0x16c: {  	v4 =	vadd.f32 v14, v40;
	v40 =	vpop (erf);
	v61 =	vmul.f32 s19, v2;
	v30 =	vmul.f32 v38, v30  }
0x16d: {  	v40 =	vmul.f32 v40, v24;
	v63 =	vadd.f32 v8, v39;
	v0 =	vadd.f32 v60, v47  }
0x16e: {  	s23 =	sadd.f32 s14, s13;
	v39 =	vpop (erf);
	(erf) = vrcp.f32 v16;
	v60 =	vadd.f32 v54, v50;
	v50 =	vsub.f32 $0.0e+00, v58  }
0x16f: {  	v42 =	vadd.f32 $1.000000000e+00, v42;
	s24 =	spop (v2sf);
	(erf) = vrcp.f32 v55;
	v29 =	vmul.f32 v39, v29  }
0x170: {  	s8 =	sadd.f32 s23, s24;
	v16 =	vadd.f32 $1.000000000e+00, v10;
	v41 =	vpop (erf);
	(erf) = vrcp.f32 v11;
	v54 =	vmul.f32 $1.442695020e+00, v50  }
0x171: {  	v1 =	vadd.f32 v9, v45;
	v45 =	vpop (erf);
	v41 =	vmul.f32 v41, v20;
	(erf) = vrcp.f32 v42  }
0x172: {  	v42 =	vmul.f32 s8, v3;
	v11 =	vpop (erf);
	(erf) = vrcp.f32 v16  }
0x173: {  	s29 =	sadd.f32 s11, s10;
	v16 =	vsub.f32 $0.0e+00, v4;
	v46 =	vmul.f32 v11, v15;
	v11 =	vsub.f32 $0.0e+00, v1  }
0x174: {  	s31 =	spop (v2sf);
	v26 =	vmul.f32 v45, v26;
	v15 =	vadd.f32 v61, v12;
	v12 =	vadd.f32 v48, v34  }
0x175: {  	v61 =	vsub.f32 $0.0e+00, v63;
	v48 =	vmul.f32 s0, v2;
	v34 =	vmul.f32 v51, v21;
	s0 =	sadd.f32 s29, s31  }
0x176: {  	v16 =	vmul.f32 $1.442695020e+00, v16;
	v55 =	vmul.f32 $1.442695020e+00, v11  }
0x177: {  	v35 =	vmul.f32 $1.442695020e+00, v61;
	v61 =	vsub.f32 $0.0e+00, v15;
	v50 =	vmul.f32 s0, v3  }
0x178: {  	v21 =	vadd.f32 v48, v43;
	v48 =	vmul.f32 v36, v23;
	(erf) = vpow2.f32 v55  }
0x179: {  	v55 =	vsub.f32 $0.0e+00, v0;
	v51 =	vmul.f32 $1.442695020e+00, v61;
	v24 =	vadd.f32 v50, v52  }
0x17a: {  	[tilespmem:s7+$0x2B70] =	vst v46;
	v61 =	vmul.f32 s0, v2;
	v46 =	vsub.f32 $0.0e+00, v21;
	(erf) = vpow2.f32 v16  }
0x17b: {  	v16 =	vadd.f32 v59, v44;
	v44 =	vmul.f32 v49, v22;
	v59 =	vmul.f32 s8, v2  }
0x17c: {  	v49 =	vsub.f32 $0.0e+00, v12;
	v22 =	vadd.f32 v42, v33;
	(erf) = vpow2.f32 v35  }
0x17d: {  	v35 =	vmul.f32 $1.442695020e+00, v55;
	v55 =	vsub.f32 $0.0e+00, v60;
	v50 =	vmul.f32 $1.442695020e+00, v46  }
0x17e: {  	[tilespmem:$0x1FFC0] =	vst v1;
	(erf) = vpow2.f32 v54;
	v23 =	vadd.f32 v59, v37;
	v59 =	vsub.f32 $0.0e+00, v16  }
0x17f: {  	[tilespmem:s3+$0x2A80] =	vst v34;
	v20 =	vadd.f32 v61, v53;
	v37 =	vpop (erf);
	v54 =	vmul.f32 $1.442695020e+00, v49;
	(erf) = vpow2.f32 v35  }
0x180: {  	[tilespmem:s3+$0x2AD0] =	vst v29;
	v29 =	vsub.f32 $0.0e+00, v24;
	v36 =	vpop (erf);
	v43 =	vmul.f32 $1.442695020e+00, v55;
	v35 =	vmul.f32 $1.442695020e+00, v59  }
0x181: {  	[tilespmem:s3+$0x2AB0] =	vst v30;
	v53 =	vmul.f32 v37, v25;
	(erf) = vpow2.f32 v51;
	v47 =	vpop (erf);
	v30 =	vsub.f32 $0.0e+00, v23  }
0x182: {  	[tilespmem:s3+$0x2AA0] =	vst v48;
	v48 =	vsub.f32 $0.0e+00, v22;
	v55 =	vmul.f32 $1.442695020e+00, v29;
	(erf) = vpow2.f32 v54;
	v49 =	vpop (erf)  }
0x183: {  	[tilespmem:s3+$0x2AF0] =	vst v26;
	v26 =	vsub.f32 $0.0e+00, v17;
	(erf) = vpow2.f32 v43;
	v51 =	vpop (erf);
	v30 =	vmul.f32 $1.442695020e+00, v30  }
0x184: {  	[tilespmem:s3+$0x2AC0] =	vst v40;
	v11 =	vmov v0;
	v52 =	vmul.f32 $1.442695020e+00, v48;
	(erf) = vpow2.f32 v35;
	v35 =	vpop (erf)  }
0x185: {  	[tilespmem:s3+$0x2AE0] =	vst v41;
	v25 =	vadd.f32 $1.000000000e+00, v32;
	v32 =	vmul.f32 $1.442695020e+00, v26;
	(erf) = vpow2.f32 v50;
	v33 =	vpop (erf)  }
0x186: {  	s9 =	simm.s32 $0x300;
	[tilespmem:s3+$0x2A90] =	vst v44;
	v54 =	vsub.f32 $0.0e+00, v20;
	v59 =	vmul.f32 v47, v19;
	(erf) = vpow2.f32 v52;
	v61 =	vpop (erf)  }
0x187: {  	v29 =	vld [tilespmem:s9+$0x370];
	[tilespmem:s3+$0x2B00] =	vst v53;
	v19 =	vadd.f32 $1.000000000e+00, v31;
	v28 =	vmul.f32 v49, v28;
	(erf) = vpow2.f32 v30;
	v30 =	vpop (erf)  }
0x188: {  	[tilespmem:$0x1FFD0] =	vst v4;
	v38 =	vld [tilespmem:s9+$0x1770];
	v37 =	vmul.f32 $1.442695020e+00, v54;
	v27 =	vmul.f32 v51, v27;
	v39 =	vadd.f32 $1.000000000e+00, v61;
	v26 =	vpop (erf)  }
0x189: {  	s10 =	simm.s32 $0x1000;
	[tilespmem:s3+$0x2B10] =	vst v59;
	(erf) = vpow2.f32 v55;
	v40 =	vadd.f32 $1.000000000e+00, v30;
	v26 =	vadd.f32 $1.000000000e+00, v26;
	v30 =	vpop (erf)  }
.LBB2_8:
0x18a: {  	_ = 	snop  }
0x18b: {  	v31 =	vld [tilespmem:s9+$0x290];
	v18 =	vmul.f32 v35, v18;
	[tilespmem:s3+$0x2B20] =	vst v28  }
0x18c: {  	v34 =	vadd.f32 $1.000000000e+00, v30;
	v30 =	vpop (erf);
	v7 =	vmul.f32 v36, v7;
	v0 =	vmov v57;
	v28 =	vld [tilespmem:s9+$0x1690];
	[tilespmem:s3+$0x2B30] =	vst v27  }
0x18d: {  	v57 =	vunpack.i.l.bf16.f32 v38;
	(erf) = vpow2.f32 v37;
	v35 =	vadd.f32 $1.000000000e+00, v30;
	v30 =	vpop (erf);
	v27 =	vld [tilespmem:s9+$0x2B0];
	[tilespmem:s3+$0x2B40] =	vst v18  }
0x18e: {  	(erf) = vpow2.f32 v32;
	v36 =	vadd.f32 $1.000000000e+00, v30;
	v30 =	vpop (erf);
	v44 =	vld [tilespmem:s9+$0x16B0];
	[tilespmem:s2+$0x2B50] =	vst v7;
	v7 =	vunpack.i.l.bf16.f32 v29  }
0x18f: {  	v37 =	vadd.f32 $1.000000000e+00, v30;
	v30 =	vpop (erf);
	v18 =	vmul.f32 v33, v56;
	v7 =	vmul.f32 v57, v7  }
0x190: {  	(erf) = vrcp.f32 v39;
	v39 =	vadd.f32 $1.000000000e+00, v30;
	v30 =	vpop (erf);
	v29 =	vunpack.i.u.bf16.f32 v29  }
0x191: {  	v6 =	vld [tilespmem:s9+$0x2D0];
	v42 =	vadd.f32 $1.000000000e+00, v30;
	v30 =	vunpack.i.u.bf16.f32 v38;
	[tilespmem:s2+$0x2B60] =	vst v18;
	s2 =	smov.u32 s3;
	s3 =	smov.u32 s7;
	s7 =	smov.u32 s9;
	(v2sf) =	vpush v7, $0x0  }
0x192: {  	v29 =	vmul.f32 v30, v29;
	v46 =	vld [tilespmem:s7+$0x16D0];
	(v2sf) =	vpush v7, $0x1  }
0x193: {  	v48 =	vld [tilespmem:s7+$0x2F0]  }
0x194: {  	v49 =	vld [tilespmem:s7+$0x16F0];
	(v2sf) =	vpush v29, $0x0  }
0x195: {  	(erf) = vrcp.f32 v40;
	v50 =	vld [tilespmem:s7+$0x310]  }
0x196: {  	v18 =	vunpack.i.l.bf16.f32 v31;
	v47 =	vunpack.i.u.bf16.f32 v28;
	v28 =	vunpack.i.l.bf16.f32 v28;
	v52 =	vld [tilespmem:s7+$0x1710]  }
0x197: {  	v45 =	vunpack.i.u.bf16.f32 v31;
	v57 =	vld [tilespmem:s7+$0x1730];
	v31 =	vunpack.i.l.bf16.f32 v27;
	v51 =	vmul.f32 v28, v18  }
0x198: {  	v61 =	vld [tilespmem:s7+$0x1750];
	v55 =	vunpack.i.u.bf16.f32 v27;
	v45 =	vmul.f32 v47, v45;
	v7 =	vunpack.i.l.bf16.f32 v44  }
0x199: {  	v44 =	vunpack.i.u.bf16.f32 v44;
	v18 =	vunpack.i.l.bf16.f32 v6;
	v53 =	vmul.f32 v7, v31  }
0x19a: {  	v13 =	vmovc v58;
	v58 =	vunpack.i.u.bf16.f32 v6;
	(v2sf) =	vpush v51, $0x0;
	v44 =	vmul.f32 v44, v55  }
0x19b: {  	v1 =	vmovc v22;
	v10 =	vmovc v20;
	v20 =	vld [tilespmem:s7+$0x16A0];
	(v2sf) =	vpush v51, $0x1;
	v7 =	vunpack.i.l.bf16.f32 v46;
	v6 =	vunpack.i.l.bf16.f32 v49  }
0x19c: {  	[tilespmem:$0x1FF90] =	vst v0;
	v0 =	vmovc v23;
	v29 =	vmovc v21;
	v21 =	vunpack.i.u.bf16.f32 v48;
	v4 =	vunpack.i.l.bf16.f32 v52;
	v23 =	vunpack.i.u.bf16.f32 v50  }
0x19d: {  	v9 =	vmovc v12;
	v12 =	vmovc v62;
	[tilespmem:$0x1FFA0] =	vst v1;
	v54 =	vld [tilespmem:s7+$0x330];
	v52 =	vunpack.i.u.bf16.f32 v52;
	v62 =	vunpack.i.l.bf16.f32 v57;
	v1 =	vunpack.i.u.bf16.f32 v61  }
0x19e: {  	v59 =	vld [tilespmem:s7+$0x350];
	v61 =	vunpack.i.l.bf16.f32 v61;
	(v2sf) =	vpush v53, $0x0;
	v56 =	vmul.f32 v7, v18  }
0x19f: {  	v7 =	vunpack.i.l.bf16.f32 v48;
	v48 =	vunpack.i.u.bf16.f32 v49;
	v23 =	vmul.f32 v52, v23;
	v52 =	vld [tilespmem:s7+$0x1760]  }
0x1a0: {  	[tilespmem:$0x1FFB0] =	vst v0;
	v0 =	vunpack.i.l.bf16.f32 v20;
	(v2sf) =	vpush v53, $0x1;
	v21 =	vmul.f32 v48, v21;
	v48 =	vld [tilespmem:s7+$0x360];
	s0 =	spop (v2sf)  }
0x1a1: {  	v27 =	vmovc v60;
	v60 =	vmul.f32 v6, v7;
	v7 =	vunpack.i.l.bf16.f32 v50;
	(v2sf) =	vpush v56, $0x0;
	s8 =	spop (v2sf)  }
0x1a2: {  	v50 =	vunpack.i.l.bf16.f32 v54;
	v49 =	vmul.f32 v4, v7;
	(v2sf) =	vpush v56, $0x1;
	s0 =	sadd.f32 s8, s0  }
0x1a3: {  	v47 =	vld [tilespmem:s7+$0x16C0];
	v50 =	vmul.f32 v62, v50;
	v62 =	vunpack.i.l.bf16.f32 v59;
	(v2sf) =	vpush v60, $0x0;
	s14 =	spop (v2sf)  }
0x1a4: {  	v55 =	vld [tilespmem:s7+$0x2E0];
	v61 =	vmul.f32 v61, v62;
	v62 =	vunpack.i.u.bf16.f32 v20;
	(v2sf) =	vpush v60, $0x1;
	s19 =	sadd.f32 s0, s14  }
0x1a5: {  	v40 =	vpop (erf);
	v5 =	vunpack.i.u.bf16.f32 v52;
	v20 =	vunpack.i.u.bf16.f32 v48;
	(v2sf) =	vpush v49, $0x0  }
0x1a6: {  	v41 =	vpop (erf);
	v5 =	vadd.f32 v5, v20;
	(v2sf) =	vpush v49, $0x1;
	v20 =	vmul.f32 s19, v2  }
0x1a7: {  	v43 =	vpop (erf);
	v46 =	vunpack.i.u.bf16.f32 v46;
	(v2sf) =	vpush v50, $0x0  }
0x1a8: {  	v38 =	vpop (erf);
	v8 =	vunpack.i.u.bf16.f32 v47;
	(v2sf) =	vpush v50, $0x1;
	v20 =	vadd.f32 v20, v5  }
0x1a9: {  	v28 =	vmovc v16;
	v16 =	vmovc v15;
	v50 =	vunpack.i.l.bf16.f32 v55;
	v5 =	vunpack.i.l.bf16.f32 v47;
	(v2sf) =	vpush v61, $0x0  }
0x1aa: {  	v15 =	vmovc v11;
	v11 =	vmovc v17;
	v17 =	vld [tilespmem:s7+$0x280];
	v47 =	vunpack.i.u.bf16.f32 v55;
	(v2sf) =	vpush v61, $0x1;
	v55 =	vsub.f32 $0.0e+00, v20  }
0x1ab: {  	v22 =	vld [tilespmem:s7+$0x1680];
	v32 =	vpop (erf);
	v46 =	vmul.f32 v46, v58;
	(v2sf) =	vpush v45, $0x0  }
0x1ac: {  	v38 =	vadd.f32 $1.000000000e+00, v38;
	v33 =	vpop (erf);
	s21 =	spop (v2sf);
	(v2sf) =	vpush v44, $0x0;
	v55 =	vmul.f32 $1.442695020e+00, v55  }
0x1ad: {  	v30 =	vpop (erf);
	v57 =	vunpack.i.u.bf16.f32 v57;
	v18 =	vmov v24;
	v24 =	vld [tilespmem:s7+$0x2A0];
	s22 =	spop (v2sf);
	(v2sf) =	vpush v46, $0x0  }
0x1ae: {  	v31 =	vpop (erf);
	v54 =	vunpack.i.u.bf16.f32 v54;
	v59 =	vunpack.i.u.bf16.f32 v59;
	v60 =	vld [tilespmem:s7+$0x1720];
	s23 =	spop (v2sf);
	(erf) = vpow2.f32 v55  }
0x1af: {  	v51 =	vmul.f32 v57, v54;
	v53 =	vunpack.i.u.bf16.f32 v17;
	v17 =	vunpack.i.l.bf16.f32 v17;
	s24 =	spop (v2sf)  }
0x1b0: {  	v57 =	vunpack.i.u.bf16.f32 v22;
	v22 =	vunpack.i.l.bf16.f32 v22;
	v1 =	vmul.f32 v1, v59;
	s29 =	spop (v2sf)  }
0x1b1: {  	v14 =	vmovc v63;
	v63 =	vld [tilespmem:s7+$0x2C0];
	v22 =	vadd.f32 v22, v17;
	v53 =	vadd.f32 v57, v53;
	v17 =	vunpack.i.l.bf16.f32 v52;
	s13 =	spop (v2sf)  }
0x1b2: {  	v54 =	vld [tilespmem:s7+$0x16E0];
	v48 =	vunpack.i.l.bf16.f32 v48;
	v56 =	vunpack.i.u.bf16.f32 v24;
	(v2sf) =	vpush v21, $0x0;
	s31 =	spop (v2sf)  }
0x1b3: {  	v58 =	vld [tilespmem:s7+$0x300];
	v24 =	vunpack.i.l.bf16.f32 v24;
	(v2sf) =	vpush v23, $0x0;
	v23 =	vunpack.i.u.bf16.f32 v60;
	s14 =	spop (v2sf)  }
0x1b4: {  	s11 =	sadd.f32 s22, s21;
	v55 =	vunpack.i.l.bf16.f32 v60;
	v60 =	vmul.f32 s19, v3;
	(erf) = vrcp.f32 v26;
	s19 =	spop (v2sf)  }
0x1b5: {  	v7 =	vld [tilespmem:s7+$0x1740];
	v0 =	vadd.f32 v0, v24;
	v24 =	vadd.f32 v62, v56;
	(erf) = vrcp.f32 v34;
	s9 =	sadd.f32 s14, s31;
	s14 =	spop (v2sf)  }
0x1b6: {  	v59 =	vld [tilespmem:s7+$0x1700];
	v49 =	vunpack.i.u.bf16.f32 v63;
	v63 =	vunpack.i.l.bf16.f32 v63;
	s8 =	sadd.f32 s13, s29;
	(erf) = vrcp.f32 v35;
	s21 =	spop (v2sf)  }
0x1b7: {  	v6 =	vld [tilespmem:s7+$0x340];
	v61 =	vunpack.i.u.bf16.f32 v54;
	(v2sf) =	vpush v51, $0x0;
	s13 =	sadd.f32 s14, s19;
	s19 =	spop (v2sf);
	v56 =	vpop (erf);
	(erf) = vrcp.f32 v36  }
0x1b8: {  	v45 =	vunpack.i.u.bf16.f32 v58;
	s22 =	spop (v2sf);
	v57 =	vadd.f32 $1.000000000e+00, v56;
	(erf) = vrcp.f32 v37  }
0x1b9: {  	v44 =	vunpack.i.l.bf16.f32 v58;
	(v2sf) =	vpush v1, $0x0;
	s14 =	sadd.f32 s19, s21;
	s21 =	spop (v2sf);
	(erf) = vrcp.f32 v39  }
0x1ba: {  	s0 =	sadd.f32 s24, s23;
	v1 =	vunpack.i.u.bf16.f32 v7;
	v7 =	vunpack.i.l.bf16.f32 v7;
	s23 =	spop (v2sf);
	(erf) = vrcp.f32 v57  }
0x1bb: {  	v4 =	vld [tilespmem:s7+$0x320];
	v58 =	vunpack.i.u.bf16.f32 v59;
	v46 =	vunpack.i.l.bf16.f32 v59;
	s11 =	sadd.f32 s11, s23;
	s24 =	spop (v2sf);
	(erf) = vrcp.f32 v42  }
0x1bc: {  	v59 =	vunpack.i.u.bf16.f32 v6;
	v6 =	vunpack.i.l.bf16.f32 v6;
	s29 =	spop (v2sf);
	(erf) = vrcp.f32 v25  }
0x1bd: {  	v5 =	vadd.f32 v5, v63;
	v6 =	vadd.f32 v7, v6;
	v7 =	vpop (erf);
	v25 =	vmul.f32 s11, v3;
	s8 =	sadd.f32 s8, s29  }
0x1be: {  	v54 =	vunpack.i.l.bf16.f32 v54;
	v45 =	vadd.f32 v58, v45;
	v35 =	vadd.f32 v46, v44;
	v42 =	vpop (erf)  }
0x1bf: {  	v39 =	vadd.f32 $1.000000000e+00, v43;
	v44 =	vpop (erf);
	v43 =	vadd.f32 v25, v22;
	v22 =	vmul.f32 s8, v3  }
0x1c0: {  	v58 =	vadd.f32 v17, v48;
	v21 =	vunpack.i.u.bf16.f32 v4;
	v4 =	vunpack.i.l.bf16.f32 v4;
	v48 =	vpop (erf)  }
0x1c1: {  	v26 =	vadd.f32 v54, v50;
	v4 =	vadd.f32 v55, v4;
	v50 =	vpop (erf)  }
0x1c2: {  	v23 =	vadd.f32 v23, v21;
	v21 =	vadd.f32 $1.000000000e+00, v40;
	v52 =	vpop (erf)  }
0x1c3: {  	v37 =	vadd.f32 $1.000000000e+00, v41;
	s0 =	sadd.f32 s0, s24;
	v5 =	vadd.f32 v22, v5;
	v22 =	vpop (erf)  }
0x1c4: {  	v1 =	vadd.f32 v1, v59;
	v59 =	vmul.f32 s11, v2;
	s31 =	spop (v2sf);
	v55 =	vpop (erf);
	(erf) = vrcp.f32 v21  }
0x1c5: {  	v17 =	vadd.f32 v60, v58;
	s19 =	sadd.f32 s21, s22;
	v60 =	vmul.f32 s0, v3;
	s21 =	spop (v2sf);
	v36 =	vpop (erf);
	(erf) = vrcp.f32 v37  }
0x1c6: {  	v34 =	vadd.f32 v61, v47;
	v61 =	vmul.f32 s0, v2;
	s11 =	sadd.f32 s9, s31;
	s23 =	spop (v2sf);
	(erf) = vrcp.f32 v39  }
0x1c7: {  	v8 =	vadd.f32 v8, v49;
	v25 =	vmul.f32 s8, v2;
	s24 =	sadd.f32 s14, s23;
	(erf) = vrcp.f32 v38  }
0x1c8: {  	s22 =	sadd.f32 s13, s21;
	v46 =	vadd.f32 v59, v53;
	v62 =	vmul.f32 s11, v3;
	s29 =	spop (v2sf);
	(erf) = vrcp.f32 v19  }
0x1c9: {  	v41 =	vadd.f32 v61, v24;
	s31 =	sadd.f32 s19, s29;
	v8 =	vadd.f32 v25, v8;
	v59 =	vmul.f32 s24, v2  }
0x1ca: {  	v58 =	vmul.f32 s22, v2;
	v24 =	vmul.f32 s24, v3;
	v26 =	vadd.f32 v62, v26  }
0x1cb: {  	v61 =	vmul.f32 s31, v2;
	v62 =	vsub.f32 $0.0e+00, v8;
	v23 =	vadd.f32 v59, v23  }
0x1cc: {  	v20 =	vmul.f32 v22, v20;
	v21 =	vadd.f32 v58, v45;
	v22 =	vadd.f32 v24, v4  }
0x1cd: {  	v63 =	vmul.f32 s11, v2;
	v4 =	vsub.f32 $0.0e+00, v43;
	v19 =	vsub.f32 $0.0e+00, v41;
	v54 =	vpop (erf)  }
0x1ce: {  	v57 =	vmul.f32 s22, v3;
	[tilespmem:s7+$0x2B70] =	vst v20;
	v20 =	vadd.f32 v61, v1;
	v1 =	vsub.f32 $0.0e+00, v46;
	v59 =	vpop (erf)  }
0x1cf: {  	v4 =	vmul.f32 $1.442695020e+00, v4;
	v45 =	vmul.f32 $1.442695020e+00, v19;
	v19 =	vsub.f32 $0.0e+00, v21;
	v61 =	vpop (erf)  }
0x1d0: {  	v40 =	vadd.f32 v57, v35;
	v56 =	vmul.f32 $1.442695020e+00, v62;
	v1 =	vmul.f32 $1.442695020e+00, v1;
	v35 =	vpop (erf)  }
0x1d1: {  	v62 =	vmul.f32 $1.442695020e+00, v19;
	v19 =	vadd.f32 $1.000000000e+00, v33;
	v33 =	vpop (erf);
	(erf) = vpow2.f32 v4  }
0x1d2: {  	v34 =	vadd.f32 v63, v34;
	v63 =	vsub.f32 $0.0e+00, v26;
	(erf) = vpow2.f32 v1;
	v1 =	vld [tilespmem:$0x1FFC0]  }
0x1d3: {  	v0 =	vadd.f32 v60, v0;
	v60 =	vmul.f32 s31, v3;
	_ =	sdelay $0x1  }
0x1d4: {  	v25 =	vsub.f32 $0.0e+00, v5;
	v24 =	vadd.f32 v60, v6  }
0x1d5: {  	v6 =	vsub.f32 $0.0e+00, v0;
	v60 =	vmul.f32 $1.442695020e+00, v63;
	v63 =	vmovc v0;
	v0 =	vmul.f32 v42, v13;
	v4 =	vmovc v43  }
0x1d6: {  	v49 =	vmul.f32 $1.442695020e+00, v25;
	[tilespmem:$0x1FFC0] =	vst v4;
	v4 =	vld [tilespmem:$0x1FFD0];
	v1 =	vmul.f32 v30, v1  }
0x1d7: {  	v58 =	vsub.f32 $0.0e+00, v17;
	v25 =	vadd.f32 $1.000000000e+00, v32;
	[tilespmem:s3+$0x2AB0] =	vst v0;
	v0 =	vmul.f32 v48, v16  }
0x1d8: {  	v51 =	vsub.f32 $0.0e+00, v23;
	v6 =	vmul.f32 $1.442695020e+00, v6;
	[tilespmem:s3+$0x2A80] =	vst v1;
	v1 =	vmul.f32 v7, v14  }
0x1d9: {  	v39 =	vsub.f32 $0.0e+00, v40;
	v32 =	vmul.f32 $1.442695020e+00, v58;
	[tilespmem:s3+$0x2AD0] =	vst v0;
	v0 =	vmul.f32 v52, v27  }
0x1da: {  	v51 =	vmul.f32 $1.442695020e+00, v51;
	[tilespmem:s3+$0x2AA0] =	vst v1;
	v1 =	vmul.f32 v44, v15  }
0x1db: {  	v38 =	vsub.f32 $0.0e+00, v34;
	v39 =	vmul.f32 $1.442695020e+00, v39;
	[tilespmem:s3+$0x2AF0] =	vst v0;
	v4 =	vmul.f32 v31, v4  }
0x1dc: {  	(erf) = vpow2.f32 v6;
	[tilespmem:s3+$0x2AC0] =	vst v1;
	v1 =	vmul.f32 v50, v9  }
0x1dd: {  	v47 =	vsub.f32 $0.0e+00, v22;
	v38 =	vmul.f32 $1.442695020e+00, v38;
	(erf) = vpow2.f32 v45;
	[tilespmem:s3+$0x2A90] =	vst v4  }
0x1de: {  	s9 =	sshra.s32 s10, $0x2;
	v53 =	vsub.f32 $0.0e+00, v24;
	(erf) = vpow2.f32 v49;
	[tilespmem:s3+$0x2AE0] =	vst v1;
	v1 =	vmul.f32 v55, v28  }
0x1df: {  	v57 =	vsub.f32 $0.0e+00, v20;
	v0 =	vmul.f32 v54, v29;
	(erf) = vpow2.f32 v56;
	v29 =	vld [tilespmem:s9+$0x370]  }
0x1e0: {  	v47 =	vmul.f32 $1.442695020e+00, v47;
	(erf) = vpow2.f32 v60;
	[tilespmem:s3+$0x2B00] =	vst v1;
	v1 =	vld [tilespmem:$0x1FFA0]  }
0x1e1: {  	v53 =	vmul.f32 $1.442695020e+00, v53;
	(erf) = vpow2.f32 v38;
	v38 =	vld [tilespmem:s9+$0x1770]  }
0x1e2: {  	p0 =	sne.s32 s10, $0x2400;
	v58 =	vmovc v41;
	v16 =	vmov v40;
	v37 =	vmul.f32 $1.442695020e+00, v57;
	(erf) = vpow2.f32 v39;
	[tilespmem:s3+$0x2B10] =	vst v0;
	v0 =	vld [tilespmem:$0x1FFB0]  }
.Ltmp7:
0x1e3: {  	v57 =	vmov v11;
	v11 =	vmov v5;
	v4 =	vpop (erf);
	(erf) = vpow2.f32 v62;
	(pc) =	sbr.rel @p0 .LBB2_8-.Ltmp7, $4  }
0x1e4: {  	v6 =	vmov v46;
	v39 =	vadd.f32 $1.000000000e+00, v4;
	v4 =	vpop (erf);
	(erf) = vpow2.f32 v47  }
0x1e5: {  	v60 =	vmov v34;
	v40 =	vadd.f32 $1.000000000e+00, v4;
	v4 =	vpop (erf);
	(erf) = vpow2.f32 v51  }
0x1e6: {  	[tilespmem:$0x1FFD0] =	vst v6;
	v7 =	vmov v12;
	v12 =	vmov v26;
	v30 =	vpop (erf);
	(erf) = vpow2.f32 v53  }
0x1e7: {  	s10 =	sadd.s32 $0x400, s10;
	v56 =	vld [tilespmem:$0x1FF90];
	v15 =	vmovc v8;
	v62 =	vmovc v10;
	v26 =	vadd.f32 $1.000000000e+00, v4;
	v28 =	vmul.f32 v59, v1;
	v27 =	vmul.f32 v61, v0  }
0x1e8: {  	_ = 	snop  }
0x1e9: {  	v4 =	vmul.f32 v35, v18  }
0x1ea: {  	v0 =	vld [tilespmem:s9+$0x290];
	v7 =	vmul.f32 v36, v7;
	(erf) = vpow2.f32 v37;
	v9 =	vunpack.i.l.bf16.f32 v29;
	[tilespmem:s3+$0x2B20] =	vst v28  }
0x1eb: {  	v6 =	vpop (erf);
	v10 =	vunpack.i.l.bf16.f32 v38;
	v47 =	vunpack.i.u.bf16.f32 v29;
	(erf) = vpow2.f32 v32;
	v1 =	vld [tilespmem:s9+$0x1690];
	[tilespmem:s3+$0x2B30] =	vst v27  }
0x1ec: {  	v48 =	vunpack.i.u.bf16.f32 v38;
	v32 =	vmul.f32 v10, v9;
	v5 =	vld [tilespmem:s9+$0x2B0];
	[tilespmem:s3+$0x2B40] =	vst v4;
	v59 =	vmul.f32 v33, v56  }
0x1ed: {  	v31 =	vadd.f32 $1.000000000e+00, v30;
	v37 =	vmul.f32 v48, v47;
	v4 =	vpop (erf);
	v8 =	vld [tilespmem:s9+$0x16B0];
	[tilespmem:s2+$0x2B50] =	vst v7  }
0x1ee: {  	(v2sf) =	vpush v32, $0x0;
	(erf) = vrcp.f32 v39;
	v28 =	vadd.f32 $1.000000000e+00, v4;
	v4 =	vld [tilespmem:s9+$0x2D0];
	[tilespmem:s2+$0x2B60] =	vst v59  }
0x1ef: {  	v30 =	vadd.f32 $1.000000000e+00, v6;
	(v2sf) =	vpush v32, $0x1;
	v55 =	vpop (erf);
	(erf) = vrcp.f32 v40;
	v18 =	vld [tilespmem:s9+$0x16D0]  }
0x1f0: {  	v6 =	vunpack.i.u.bf16.f32 v0;
	v0 =	vunpack.i.l.bf16.f32 v0;
	(v2sf) =	vpush v37, $0x0;
	v61 =	vpop (erf);
	v34 =	vld [tilespmem:s9+$0x2F0]  }
0x1f1: {  	v7 =	vadd.f32 $1.000000000e+00, v55;
	v27 =	vadd.f32 $1.000000000e+00, v61;
	v33 =	vunpack.i.u.bf16.f32 v1;
	v13 =	vpop (erf);
	v14 =	vld [tilespmem:s9+$0x16F0]  }
0x1f2: {  	v1 =	vunpack.i.l.bf16.f32 v1;
	v49 =	vld [tilespmem:s9+$0x310];
	v29 =	vadd.f32 $1.000000000e+00, v13;
	v50 =	vunpack.i.l.bf16.f32 v5  }
0x1f3: {  	v51 =	vld [tilespmem:s9+$0x1710];
	v0 =	vmul.f32 v1, v0;
	v5 =	vunpack.i.u.bf16.f32 v5;
	v6 =	vmul.f32 v33, v6  }
0x1f4: {  	v54 =	vld [tilespmem:s9+$0x330];
	v1 =	vunpack.i.l.bf16.f32 v8;
	v8 =	vunpack.i.u.bf16.f32 v8;
	v52 =	vunpack.i.l.bf16.f32 v4  }
0x1f5: {  	v59 =	vld [tilespmem:s9+$0x1730];
	v1 =	vmul.f32 v1, v50;
	v4 =	vunpack.i.u.bf16.f32 v4;
	(v2sf) =	vpush v0, $0x0  }
0x1f6: {  	v42 =	vld [tilespmem:s9+$0x350];
	v5 =	vmul.f32 v8, v5;
	(v2sf) =	vpush v0, $0x1;
	v53 =	vunpack.i.l.bf16.f32 v18  }
0x1f7: {  	v43 =	vld [tilespmem:s9+$0x1750];
	v56 =	vunpack.i.l.bf16.f32 v34;
	v41 =	vunpack.i.l.bf16.f32 v14;
	v18 =	vunpack.i.u.bf16.f32 v18  }
0x1f8: {  	v46 =	vld [tilespmem:s9+$0x280];
	v61 =	vunpack.i.l.bf16.f32 v49;
	v34 =	vunpack.i.u.bf16.f32 v34;
	v44 =	vunpack.i.l.bf16.f32 v51  }
0x1f9: {  	v36 =	vunpack.i.u.bf16.f32 v14;
	v35 =	vunpack.i.u.bf16.f32 v49;
	v9 =	vunpack.i.l.bf16.f32 v54  }
0x1fa: {  	v38 =	vunpack.i.u.bf16.f32 v51;
	v32 =	vunpack.i.u.bf16.f32 v54;
	v45 =	vunpack.i.l.bf16.f32 v59  }
0x1fb: {  	v40 =	vunpack.i.u.bf16.f32 v59;
	v10 =	vunpack.i.l.bf16.f32 v42;
	v42 =	vunpack.i.u.bf16.f32 v42  }
0x1fc: {  	v48 =	vld [tilespmem:s9+$0x2A0];
	v47 =	vunpack.i.u.bf16.f32 v43;
	(v2sf) =	vpush v1, $0x0;
	v43 =	vunpack.i.l.bf16.f32 v43  }
0x1fd: {  	v33 =	vld [tilespmem:s9+$0x1760];
	v37 =	vunpack.i.u.bf16.f32 v46;
	v55 =	vmul.f32 v53, v52;
	v39 =	vmul.f32 v41, v56  }
0x1fe: {  	v13 =	vld [tilespmem:s9+$0x16A0];
	v41 =	vmul.f32 v44, v61;
	v44 =	vmul.f32 v45, v9;
	(v2sf) =	vpush v1, $0x1  }
0x1ff: {  	v1 =	vmul.f32 v43, v10;
	v4 =	vmul.f32 v18, v4;
	(v2sf) =	vpush v55, $0x0  }
0x200: {  	v8 =	vld [tilespmem:s9+$0x360];
	v18 =	vmul.f32 v36, v34;
	v34 =	vmul.f32 v38, v35;
	(v2sf) =	vpush v55, $0x1  }
0x201: {  	v14 =	vld [tilespmem:s9+$0x2C0];
	v32 =	vmul.f32 v40, v32;
	v36 =	vmul.f32 v47, v42;
	(v2sf) =	vpush v39, $0x0  }
0x202: {  	v59 =	vld [tilespmem:s9+$0x16E0];
	v38 =	vunpack.i.l.bf16.f32 v46;
	v42 =	vunpack.i.u.bf16.f32 v48;
	s0 =	spop (v2sf);
	(v2sf) =	vpush v39, $0x1  }
0x203: {  	v0 =	vld [tilespmem:s9+$0x1680];
	v54 =	vunpack.i.u.bf16.f32 v33;
	v47 =	vunpack.i.u.bf16.f32 v13;
	s24 =	spop (v2sf);
	(v2sf) =	vpush v41, $0x0  }
0x204: {  	v52 =	vld [tilespmem:s9+$0x16C0];
	v49 =	vunpack.i.l.bf16.f32 v13;
	v33 =	vunpack.i.l.bf16.f32 v33;
	s0 =	sadd.f32 s24, s0;
	(v2sf) =	vpush v41, $0x1  }
0x205: {  	v61 =	vld [tilespmem:s9+$0x1700];
	v42 =	vadd.f32 v47, v42;
	v53 =	vunpack.i.u.bf16.f32 v8;
	s29 =	spop (v2sf);
	(v2sf) =	vpush v44, $0x0  }
0x206: {  	v8 =	vunpack.i.l.bf16.f32 v8;
	v55 =	vld [tilespmem:s9+$0x2E0];
	v43 =	vadd.f32 v54, v53;
	s2 =	sadd.f32 s0, s29;
	(v2sf) =	vpush v44, $0x1  }
0x207: {  	v40 =	vunpack.i.l.bf16.f32 v14;
	v51 =	vunpack.i.u.bf16.f32 v59;
	(v2sf) =	vpush v1, $0x0  }
0x208: {  	v39 =	vunpack.i.u.bf16.f32 v0;
	v56 =	vmul.f32 s2, v2;
	(v2sf) =	vpush v1, $0x1  }
0x209: {  	v0 =	vunpack.i.l.bf16.f32 v0;
	v9 =	vunpack.i.u.bf16.f32 v52;
	(v2sf) =	vpush v6, $0x0  }
0x20a: {  	v53 =	vunpack.i.u.bf16.f32 v61;
	s31 =	spop (v2sf);
	v35 =	vadd.f32 v56, v43;
	(v2sf) =	vpush v5, $0x0  }
0x20b: {  	v0 =	vadd.f32 v0, v38;
	v37 =	vadd.f32 v39, v37;
	v10 =	vunpack.i.u.bf16.f32 v55;
	s8 =	spop (v2sf)  }
0x20c: {  	v46 =	vunpack.i.l.bf16.f32 v55;
	v55 =	vld [tilespmem:s9+$0x1740];
	(v2sf) =	vpush v4, $0x0;
	s10 =	spop (v2sf);
	v50 =	vsub.f32 $0.0e+00, v35  }
0x20d: {  	v13 =	vld [tilespmem:s9+$0x1720];
	v44 =	vunpack.i.l.bf16.f32 v48;
	v48 =	vunpack.i.l.bf16.f32 v59;
	(v2sf) =	vpush v18, $0x0;
	s11 =	spop (v2sf)  }
0x20e: {  	v41 =	vadd.f32 v51, v10;
	v44 =	vadd.f32 v49, v44;
	v1 =	vld [tilespmem:s9+$0x300];
	v50 =	vmul.f32 $1.442695020e+00, v50;
	s13 =	spop (v2sf)  }
0x20f: {  	v45 =	vadd.f32 v48, v46;
	v43 =	vunpack.i.u.bf16.f32 v14;
	v14 =	vld [tilespmem:s9+$0x340];
	(v2sf) =	vpush v34, $0x0;
	s14 =	spop (v2sf)  }
0x210: {  	v6 =	vunpack.i.l.bf16.f32 v61;
	v5 =	vunpack.i.l.bf16.f32 v52;
	v4 =	vld [tilespmem:s9+$0x320];
	(erf) = vpow2.f32 v50;
	s19 =	spop (v2sf)  }
0x211: {  	v61 =	vunpack.i.u.bf16.f32 v55;
	v5 =	vadd.f32 v5, v40;
	(v2sf) =	vpush v32, $0x0;
	v32 =	vpop (erf);
	s21 =	spop (v2sf)  }
0x212: {  	v40 =	vunpack.i.u.bf16.f32 v13;
	v43 =	vadd.f32 v9, v43;
	(v2sf) =	vpush v36, $0x0;
	v36 =	vpop (erf);
	s22 =	spop (v2sf)  }
0x213: {  	s0 =	sadd.f32 s8, s31;
	v52 =	vunpack.i.u.bf16.f32 v1;
	v1 =	vunpack.i.l.bf16.f32 v1;
	v34 =	vunpack.i.l.bf16.f32 v13;
	v54 =	vpop (erf);
	s23 =	spop (v2sf)  }
0x214: {  	s10 =	sadd.f32 s11, s10;
	v13 =	vmul.f32 s2, v3;
	v1 =	vadd.f32 v6, v1;
	(erf) = vrcp.f32 v26;
	v26 =	vpop (erf);
	s24 =	spop (v2sf)  }
0x215: {  	v48 =	vadd.f32 v53, v52;
	v59 =	vunpack.i.l.bf16.f32 v14;
	v56 =	vunpack.i.l.bf16.f32 v4;
	s13 =	sadd.f32 s14, s13;
	v18 =	vpop (erf);
	s29 =	spop (v2sf)  }
0x216: {  	v49 =	vunpack.i.u.bf16.f32 v4;
	v50 =	vadd.f32 v34, v56;
	(erf) = vrcp.f32 v31;
	s14 =	sadd.f32 s21, s19;
	v4 =	vpop (erf);
	s31 =	spop (v2sf)  }
0x217: {  	v31 =	vunpack.i.u.bf16.f32 v14;
	v14 =	vunpack.i.l.bf16.f32 v55;
	(erf) = vrcp.f32 v30;
	v38 =	vpop (erf);
	s8 =	sadd.f32 s23, s22;
	s21 =	spop (v2sf)  }
0x218: {  	v40 =	vadd.f32 v40, v49;
	v46 =	vadd.f32 v14, v59;
	(erf) = vrcp.f32 v28;
	v39 =	vpop (erf);
	s2 =	sadd.f32 s29, s24;
	s22 =	spop (v2sf)  }
0x219: {  	v47 =	vadd.f32 v61, v31;
	v59 =	vadd.f32 v33, v8;
	(erf) = vrcp.f32 v7;
	v55 =	vpop (erf);
	s0 =	sadd.f32 s0, s22;
	s23 =	spop (v2sf)  }
0x21a: {  	v8 =	vadd.f32 $1.000000000e+00, v32;
	(erf) = vrcp.f32 v27;
	v28 =	vadd.f32 $1.000000000e+00, v55;
	s10 =	sadd.f32 s10, s23  }
0x21b: {  	v7 =	vadd.f32 v13, v59;
	s11 =	sadd.f32 s21, s31;
	s24 =	spop (v2sf);
	v61 =	vmul.f32 s0, v3;
	v9 =	vmul.f32 s0, v2  }
0x21c: {  	s29 =	sadd.f32 s13, s24;
	s31 =	spop (v2sf);
	(erf) = vrcp.f32 v28;
	v28 =	vadd.f32 $1.000000000e+00, v36;
	v10 =	vmul.f32 s10, v3  }
0x21d: {  	v36 =	vadd.f32 $1.000000000e+00, v54;
	v13 =	vmul.f32 s10, v2;
	s14 =	sadd.f32 s14, s31;
	(erf) = vrcp.f32 v29  }
0x21e: {  	s19 =	spop (v2sf);
	v30 =	vadd.f32 v61, v0;
	v0 =	vmul.f32 s29, v3;
	v14 =	vmul.f32 s29, v2  }
0x21f: {  	s21 =	sadd.f32 s8, s19;
	v31 =	vadd.f32 v9, v37;
	(erf) = vrcp.f32 v25;
	v59 =	vmul.f32 s14, v3  }
0x220: {  	s22 =	spop (v2sf);
	v61 =	vmul.f32 s14, v2;
	v33 =	vadd.f32 v10, v44;
	v34 =	vadd.f32 v13, v42  }
0x221: {  	s2 =	sadd.f32 s2, s22;
	v9 =	vmul.f32 s21, v3;
	v10 =	vmul.f32 s21, v2;
	v32 =	vadd.f32 v0, v5  }
0x222: {  	v49 =	vpop (erf);
	s23 =	spop (v2sf);
	v29 =	vadd.f32 v14, v43;
	v14 =	vadd.f32 $1.000000000e+00, v26;
	(erf) = vrcp.f32 v8  }
0x223: {  	s24 =	sadd.f32 s11, s23;
	v37 =	vsub.f32 $0.0e+00, v31;
	v42 =	vmul.f32 s2, v3;
	v5 =	vmul.f32 s2, v2  }
0x224: {  	v51 =	vpop (erf);
	v25 =	vadd.f32 v59, v45;
	v26 =	vadd.f32 v61, v41;
	(erf) = vrcp.f32 v28  }
0x225: {  	v52 =	vpop (erf);
	v43 =	vsub.f32 $0.0e+00, v33;
	v44 =	vsub.f32 $0.0e+00, v34;
	v55 =	vmul.f32 s24, v3  }
0x226: {  	v53 =	vpop (erf);
	v41 =	vmul.f32 s24, v2;
	v27 =	vadd.f32 v9, v1;
	v1 =	vsub.f32 $0.0e+00, v30  }
0x227: {  	v54 =	vpop (erf);
	v28 =	vadd.f32 v10, v48;
	(erf) = vrcp.f32 v36;
	v6 =	vmul.f32 $1.442695020e+00, v37  }
0x228: {  	v0 =	vpop (erf);
	v48 =	vsub.f32 $0.0e+00, v32;
	(erf) = vrcp.f32 v14;
	v8 =	vmul.f32 $1.442695020e+00, v43  }
0x229: {  	v56 =	vmul.f32 $1.442695020e+00, v44;
	v59 =	vsub.f32 $0.0e+00, v25;
	v0 =	vmul.f32 v0, v60  }
0x22a: {  	v9 =	vsub.f32 $0.0e+00, v26;
	v1 =	vmul.f32 $1.442695020e+00, v1;
	(erf) = vrcp.f32 v19  }
0x22b: {  	v61 =	vmul.f32 $1.442695020e+00, v48;
	v19 =	vadd.f32 v42, v50;
	v10 =	vsub.f32 $0.0e+00, v27  }
0x22c: {  	v36 =	vadd.f32 v41, v47;
	v48 =	vmul.f32 v49, v63;
	v13 =	vpop (erf);
	(erf) = vpow2.f32 v1  }
0x22d: {  	v1 =	vsub.f32 $0.0e+00, v29;
	v45 =	vmul.f32 v13, v35;
	(erf) = vpow2.f32 v6  }
0x22e: {  	v35 =	vadd.f32 v5, v40;
	v5 =	vmul.f32 $1.442695020e+00, v59;
	(erf) = vpow2.f32 v8  }
0x22f: {  	v37 =	vadd.f32 v55, v46;
	v1 =	vmul.f32 $1.442695020e+00, v1;
	v8 =	vpop (erf);
	(erf) = vpow2.f32 v56  }
0x230: {  	v47 =	vsub.f32 $0.0e+00, v36;
	v6 =	vpop (erf);
	v56 =	vmul.f32 $1.442695020e+00, v9;
	v9 =	vld [tilespmem:$0x1FFC0];
	(erf) = vpow2.f32 v61  }
0x231: {  	v59 =	vmul.f32 $1.442695020e+00, v10;
	v42 =	vpop (erf);
	(erf) = vpow2.f32 v1;
	v1 =	vsub.f32 $0.0e+00, v28  }
0x232: {  	v13 =	vsub.f32 $0.0e+00, v19;
	v47 =	vmul.f32 $1.442695020e+00, v47;
	(erf) = vpow2.f32 v5;
	v5 =	vpop (erf)  }
0x233: {  	v14 =	vsub.f32 $0.0e+00, v35;
	v46 =	vpop (erf);
	v1 =	vmul.f32 $1.442695020e+00, v1;
	(erf) = vpow2.f32 v56  }
0x234: {  	v50 =	vld [tilespmem:$0x1FFD0];
	v40 =	vmul.f32 $1.442695020e+00, v13;
	v61 =	vsub.f32 $0.0e+00, v37;
	v41 =	vpop (erf);
	(erf) = vpow2.f32 v59  }
0x235: {  	v13 =	vmul.f32 v38, v9;
	v38 =	vpop (erf);
	(erf) = vpow2.f32 v1;
	v1 =	vsub.f32 $0.0e+00, v7  }
0x236: {  	v43 =	vmul.f32 $1.442695020e+00, v14;
	v44 =	vmul.f32 $1.442695020e+00, v61;
	v55 =	vpop (erf)  }
0x237: {  	(erf) = vpow2.f32 v40;
	v56 =	vpop (erf);
	v1 =	vmul.f32 $1.442695020e+00, v1  }
0x238: {  	[tilespmem:s9+$0x2B70] =	vst v45;
	v8 =	vmul.f32 v8, v16;
	(erf) = vpow2.f32 v43;
	v59 =	vpop (erf)  }
0x239: {  	[tilespmem:s7+$0x2AA0] =	vst v48;
	v14 =	vmul.f32 v39, v50;
	(erf) = vpow2.f32 v44;
	v61 =	vpop (erf)  }
0x23a: {  	[tilespmem:s7+$0x2AF0] =	vst v0;
	v0 =	vmul.f32 v42, v21;
	v49 =	vadd.f32 $1.000000000e+00, v55;
	(erf) = vpow2.f32 v47;
	v50 =	vpop (erf)  }
0x23b: {  	[tilespmem:s7+$0x2B00] =	vst v8;
	v5 =	vmul.f32 v5, v22;
	v40 =	vadd.f32 $1.000000000e+00, v56;
	(erf) = vpow2.f32 v1;
	v1 =	vpop (erf)  }
0x23c: {  	[tilespmem:s7+$0x2A90] =	vst v14;
	v55 =	vmul.f32 v51, v58;
	v10 =	vadd.f32 $1.000000000e+00, v59;
	(erf) = vrcp.f32 v49;
	v58 =	vpop (erf)  }
0x23d: {  	[tilespmem:s7+$0x2B10] =	vst v0;
	v61 =	vadd.f32 $1.000000000e+00, v61;
	(erf) = vrcp.f32 v40;
	v1 =	vadd.f32 $1.000000000e+00, v1;
	v63 =	vpop (erf)  }
0x23e: {  	v0 =	vmul.f32 v46, v23;
	[tilespmem:s7+$0x2B20] =	vst v5;
	v44 =	vadd.f32 $1.000000000e+00, v50;
	(erf) = vrcp.f32 v10;
	v45 =	vpop (erf)  }
0x23f: {  	v5 =	vmul.f32 v41, v24;
	[tilespmem:s7+$0x2A80] =	vst v13;
	(erf) = vrcp.f32 v61;
	v47 =	vpop (erf)  }
0x240: {  	[tilespmem:s7+$0x2B30] =	vst v0;
	v43 =	vmul.f32 v54, v12;
	(erf) = vrcp.f32 v44;
	v49 =	vpop (erf)  }
0x241: {  	[tilespmem:s7+$0x2B40] =	vst v5;
	v56 =	vmul.f32 v52, v11;
	v48 =	vadd.f32 $1.000000000e+00, v58;
	(erf) = vrcp.f32 v1;
	v1 =	vpop (erf)  }
0x242: {  	[tilespmem:s7+$0x2AB0] =	vst v55;
	v59 =	vmul.f32 v53, v15;
	v50 =	vadd.f32 $1.000000000e+00, v63;
	v52 =	vpop (erf)  }
0x243: {  	[tilespmem:s7+$0x2AE0] =	vst v43;
	v51 =	vadd.f32 $1.000000000e+00, v45;
	(erf) = vrcp.f32 v48;
	v54 =	vpop (erf)  }
0x244: {  	v0 =	vmul.f32 v6, v62;
	v53 =	vadd.f32 $1.000000000e+00, v18;
	[tilespmem:s7+$0x2AC0] =	vst v56;
	(erf) = vrcp.f32 v50;
	v55 =	vpop (erf)  }
0x245: {  	v5 =	vmul.f32 v38, v57;
	[tilespmem:s7+$0x2AD0] =	vst v59;
	v11 =	vadd.f32 $1.000000000e+00, v47;
	(erf) = vrcp.f32 v51;
	v56 =	vpop (erf)  }
0x246: {  	[tilespmem:s3+$0x2B50] =	vst v0;
	v58 =	vadd.f32 $1.000000000e+00, v49;
	(erf) = vrcp.f32 v53;
	v59 =	vpop (erf);
	v0 =	vmul.f32 v56, v30  }
0x247: {  	[tilespmem:s3+$0x2B60] =	vst v5;
	v1 =	vadd.f32 $1.000000000e+00, v1;
	v9 =	vadd.f32 $1.000000000e+00, v52;
	(erf) = vrcp.f32 v11;
	v60 =	vpop (erf)  }
0x248: {  	(erf) = vrcp.f32 v58;
	[tilespmem:s9+$0x2A80] =	vst v0;
	v0 =	vadd.f32 $1.000000000e+00, v4;
	v4 =	vmul.f32 v60, v33  }
0x249: {  	(erf) = vrcp.f32 v1;
	v1 =	vmul.f32 v59, v31;
	v5 =	vpop (erf)  }
0x24a: {  	(erf) = vrcp.f32 v9;
	v61 =	vpop (erf)  }
0x24b: {  	v62 =	vadd.f32 $1.000000000e+00, v54;
	[tilespmem:s9+$0x2A90] =	vst v1;
	v1 =	vmul.f32 v5, v34;
	v5 =	vpop (erf)  }
0x24c: {  	v63 =	vadd.f32 $1.000000000e+00, v55;
	(erf) = vrcp.f32 v0;
	[tilespmem:s9+$0x2AA0] =	vst v4;
	v0 =	vmul.f32 v61, v32;
	v4 =	vpop (erf)  }
0x24d: {  	[tilespmem:s9+$0x2AB0] =	vst v1;
	v1 =	vmul.f32 v5, v29;
	(erf) = vrcp.f32 v62;
	v5 =	vpop (erf)  }
0x24e: {  	[tilespmem:s9+$0x2AC0] =	vst v0;
	(erf) = vrcp.f32 v63;
	v0 =	vmul.f32 v4, v25;
	v4 =	vpop (erf)  }
0x24f: {  	[tilespmem:s9+$0x2AD0] =	vst v1;
	v1 =	vmul.f32 v5, v26;
	v5 =	vpop (erf)  }
0x250: {  	[tilespmem:s9+$0x2AE0] =	vst v0;
	v0 =	vmul.f32 v4, v27;
	v4 =	vpop (erf)  }
0x251: {  	[tilespmem:s9+$0x2AF0] =	vst v1;
	v1 =	vmul.f32 v4, v28;
	v4 =	vpop (erf)  }
0x252: {  	[tilespmem:s9+$0x2B00] =	vst v0;
	v0 =	vmul.f32 v4, v19;
	v4 =	vpop (erf)  }
0x253: {  	[tilespmem:s9+$0x2B10] =	vst v1;
	v1 =	vmul.f32 v4, v35;
	v4 =	vpop (erf)  }
0x254: {  	[tilespmem:s9+$0x2B20] =	vst v0;
	v0 =	vmul.f32 v4, v37  }
0x255: {  	v4 =	vpop (erf);
	[tilespmem:s9+$0x2B30] =	vst v1;
	v1 =	vmul.f32 v5, v20  }
0x256: {  	p0 =	seq.s32 s26, $0x0;
	[tilespmem:s9+$0x2B40] =	vst v0;
	v0 =	vmul.f32 v4, v17;
	v4 =	vpop (erf)  }
.Ltmp8:
0x257: {  	[tilespmem:s7+$0x2B50] =	vst v1;
	v1 =	vmul.f32 v4, v36;
	v4 =	vpop (erf);
	(pc) =	sbr.rel @p0 .LBB2_13-.Ltmp8, $4  }
0x258: {  	[tilespmem:s7+$0x2B60] =	vst v0;
	v0 =	vmul.f32 v4, v7  }
0x259: {  	[tilespmem:s9+$0x2B50] =	vst v1  }
0x25a: {  	s31 =	simm.s32 $0x2A80;
	s29 =	simm.s32 $0x1E0;
	[tilespmem:s9+$0x2B60] =	vst v0  }
0x25b: {  	[spmem:s1] =	stream.indirect.scatter.add.f32 [tilespmem:s31], [sflag:$0x5], $0x20, s29, s20, $0xb8;
	[tilespmem:$0x1D6A0] =	vst v63  }
.LBB2_10:
0x25c: {  	p0 =	seq.s32 s25, $0x270  }
0x25d: {  	s0 =	simm.s32 @!p0 $0x1  }
0x25e: {  	_ =	swait.ge @!p0 [sflag:s0], $0x50  }
0x25f: {  	[sflag:s0] =	ssyncset.done @!p0 $0x0  }
0x260: {  	[sflag:s0] =	ssyncadd.s32 @!p0 $0xFFFFFFB0  }
0x261: {  	_ =	swait.ge @!p0 [sflag:s0], $0x50  }
0x262: {  	[sflag:s0] =	ssyncset.done @!p0 $0x0  }
0x263: {  	v54 =	vmov v2;
	v2 =	vld [tilespmem:$0x1FFF0];
	[sflag:s0] =	ssyncadd.s32 @!p0 $0xFFFFFFB0  }
0x264: {  	v0 =	vld @!p0 [tilespmem:$0x0]  }
0x265: {  	v1 =	vld @!p0 [tilespmem:$0xA0]  }
0x266: {  	v4 =	vld @!p0 [tilespmem:$0x10]  }
0x267: {  	v5 =	vld @!p0 [tilespmem:$0xB0]  }
0x268: {  	v6 =	vld @!p0 [tilespmem:$0x20]  }
0x269: {  	v7 =	vld @!p0 [tilespmem:$0xC0];
	v0 =	vadd.s32 @!p0 v2, v0  }
0x26a: {  	[tilespmem:$0x0] =	vst @!p0 v0;
	v0 =	vadd.s32 @!p0 v2, v1;
	v1 =	vld @!p0 [tilespmem:$0x30]  }
0x26b: {  	[tilespmem:$0x140] =	vst @!p0 v0;
	v0 =	vadd.s32 @!p0 v2, v4;
	v4 =	vld @!p0 [tilespmem:$0xD0]  }
0x26c: {  	[tilespmem:$0x10] =	vst @!p0 v0;
	v0 =	vadd.s32 @!p0 v2, v5;
	v5 =	vld @!p0 [tilespmem:$0x40]  }
0x26d: {  	[tilespmem:$0x150] =	vst @!p0 v0;
	v0 =	vadd.s32 @!p0 v2, v6;
	v6 =	vld @!p0 [tilespmem:$0xE0]  }
0x26e: {  	[tilespmem:$0x20] =	vst @!p0 v0;
	v0 =	vadd.s32 @!p0 v2, v7  }
0x26f: {  	[tilespmem:$0x160] =	vst @!p0 v0;
	v0 =	vadd.s32 @!p0 v2, v1  }
0x270: {  	[tilespmem:$0x30] =	vst @!p0 v0;
	v0 =	vadd.s32 @!p0 v2, v4  }
0x271: {  	[tilespmem:$0x170] =	vst @!p0 v0;
	v0 =	vadd.s32 @!p0 v2, v5  }
0x272: {  	[tilespmem:$0x40] =	vst @!p0 v0;
	v0 =	vadd.s32 @!p0 v2, v6  }
0x273: {  	s2 =	simm.s32 @!p0 $0x0;
	s3 =	simm.s32 @!p0 $0x280;
	s0 =	simm.s32 @!p0 $0x50;
	[tilespmem:$0x180] =	vst @!p0 v0  }
0x274: {  	[tilespmem:s3], [sflag:$0x3] =	stream.indirect.gather @!p0 [hbm4b:s5+s0], $0x20, s2, s0, $0xb8;
	[tilespmem:$0x1D6A0] =	vst v63  }
0x275: {  	s2 =	simm.s32 @!p0 $0x140;
	s3 =	simm.s32 @!p0 $0x1680  }
0x276: {  	[tilespmem:s3], [sflag:$0x3] =	stream.indirect.gather @!p0 [hbm4b:s6+s0], $0x20, s2, s0, $0xb8;
	[tilespmem:$0x1D6A0] =	vst v63  }
0x277: {  	_ =	swait.ge [sflag:s28], $0xA00  }
0x278: {  	[sflag:s28] =	ssyncset.done $0x0  }
0x279: {  	[sflag:s28] =	ssyncadd.s32 $0xFFFFF600  }
0x27a: {  	_ =	swait.ge [sflag:s28], $0xA00  }
0x27b: {  	p0 =	slt.u32 s25, $0x2;
	[sflag:s28] =	ssyncset.done $0x0  }
0x27c: {  	s0 =	simm.s32 @!p0 $0x6;
	[sflag:s28] =	ssyncadd.s32 $0xFFFFF600  }
0x27d: {  	_ =	swait.ge @!p0 [sflag:s0], $0xA00  }
0x27e: {  	[sflag:s0] =	ssyncset.done @!p0 $0x0  }
0x27f: {  	[sflag:s0] =	ssyncadd.s32 @!p0 $0xFFFFF600  }
0x280: {  	v35 =	vld [tilespmem:$0xF0]  }
0x281: {  	v36 =	vld [tilespmem:$0x100]  }
0x282: {  	v4 =	vld [tilespmem:$0x110]  }
0x283: {  	v5 =	vld [tilespmem:$0x120]  }
0x284: {  	p0 =	sgt.u32 s25, $0x26E;
	v6 =	vld [tilespmem:$0x130]  }
0x285: {  	s0 =	smul.u32 @!p0 $0x50, s25;
	[tilespmem:$0x230] =	vst v35  }
0x286: {  	[tilespmem:$0x240] =	vst v36  }
0x287: {  	s0 =	sadd.s32 @!p0 s0, s12;
	[tilespmem:$0x250] =	vst v4  }
0x288: {  	s0 =	sshrl.u32 @!p0 s0, $0x3;
	[tilespmem:$0x260] =	vst v5  }
0x289: {  	s2 =	simm.s32 @!p0 $0x0;
	s3 =	simm.s32 @!p0 $0x50;
	s0 =	sadd.s32 @!p0 s4, s0;
	[tilespmem:$0x270] =	vst v6  }
0x28a: {  	[tilespmem:s3], [sflag:$0x2] =	stream.linear.gather @!p0 [hbm4b:s0+s2], $0x50, $0x38;
	[tilespmem:$0x1D6A0] =	vst v63  }
0x28b: {  	s0 =	sadd.s32 @!p0 $0x186A0, s0;
	s3 =	simm.s32 @!p0 $0xF0  }
0x28c: {  	[tilespmem:s3], [sflag:$0x2] =	stream.linear.gather @!p0 [hbm4b:s0+s2], $0x50, $0x38;
	[tilespmem:$0x1D6A0] =	vst v63  }
0x28d: {  	s2 =	simm.s32 $0x0  }
0x28e: {  	v0 =	vld [tilespmem:s2+$0xD70]  }
0x28f: {  	v1 =	vld [tilespmem:s2+$0x2170];
	_ =	sdelay $0x1  }
0x290: {  	v4 =	vld [tilespmem:s2+$0xC90]  }
0x291: {  	v5 =	vld [tilespmem:s2+$0x2090]  }
0x292: {  	v6 =	vld [tilespmem:s2+$0xCB0]  }
0x293: {  	v12 =	vld [tilespmem:s2+$0x20F0];
	v7 =	vunpack.i.l.bf16.f32 v0;
	v8 =	vunpack.i.l.bf16.f32 v1  }
0x294: {  	v15 =	vld [tilespmem:s2+$0x2110];
	v7 =	vmul.f32 v8, v7  }
0x295: {  	v16 =	vld [tilespmem:s2+$0xD30]  }
0x296: {  	v9 =	vld [tilespmem:s2+$0x20B0];
	v0 =	vunpack.i.u.bf16.f32 v0;
	v1 =	vunpack.i.u.bf16.f32 v1;
	(v2sf) =	vpush v7, $0x0  }
0x297: {  	v40 =	vld [tilespmem:s2+$0xCC0];
	v37 =	vunpack.i.u.bf16.f32 v4;
	v0 =	vmul.f32 v1, v0;
	(v2sf) =	vpush v7, $0x1  }
0x298: {  	v4 =	vunpack.i.l.bf16.f32 v4;
	v13 =	vunpack.i.l.bf16.f32 v6;
	v6 =	vunpack.i.u.bf16.f32 v6;
	v8 =	vld [tilespmem:s2+$0xCD0]  }
0x299: {  	v10 =	vld [tilespmem:s2+$0x20D0];
	v18 =	vunpack.i.l.bf16.f32 v12;
	v12 =	vunpack.i.u.bf16.f32 v12;
	(v2sf) =	vpush v0, $0x0  }
0x29a: {  	v20 =	vunpack.i.l.bf16.f32 v15;
	v39 =	vunpack.i.l.bf16.f32 v16;
	v15 =	vunpack.i.u.bf16.f32 v15  }
0x29b: {  	v11 =	vld [tilespmem:s2+$0xCF0];
	v16 =	vunpack.i.u.bf16.f32 v16;
	v7 =	vunpack.i.u.bf16.f32 v5;
	v5 =	vunpack.i.l.bf16.f32 v5  }
0x29c: {  	v25 =	vunpack.i.u.bf16.f32 v40;
	v38 =	vmul.f32 v5, v4;
	v4 =	vunpack.i.l.bf16.f32 v9  }
0x29d: {  	v14 =	vld [tilespmem:s2+$0xD10];
	v9 =	vunpack.i.u.bf16.f32 v9;
	v1 =	vmul.f32 v7, v37;
	v5 =	vunpack.i.l.bf16.f32 v8  }
0x29e: {  	v4 =	vmul.f32 v4, v13;
	v13 =	vunpack.i.l.bf16.f32 v10;
	v8 =	vunpack.i.u.bf16.f32 v8  }
0x29f: {  	v17 =	vld [tilespmem:s2+$0x2130];
	v10 =	vunpack.i.u.bf16.f32 v10;
	v6 =	vmul.f32 v9, v6;
	(v2sf) =	vpush v38, $0x0  }
0x2a0: {  	v5 =	vmul.f32 v13, v5;
	v13 =	vunpack.i.l.bf16.f32 v11;
	(v2sf) =	vpush v38, $0x1  }
0x2a1: {  	v19 =	vld [tilespmem:s2+$0xD50];
	v11 =	vunpack.i.u.bf16.f32 v11;
	v8 =	vmul.f32 v10, v8;
	(v2sf) =	vpush v4, $0x0  }
0x2a2: {  	v13 =	vmul.f32 v18, v13;
	v18 =	vunpack.i.l.bf16.f32 v14;
	(v2sf) =	vpush v4, $0x1  }
0x2a3: {  	v21 =	vld [tilespmem:s2+$0x2150];
	v14 =	vunpack.i.u.bf16.f32 v14;
	v10 =	vmul.f32 v12, v11;
	(v2sf) =	vpush v5, $0x0  }
0x2a4: {  	v22 =	vld [tilespmem:s2+$0x2160];
	v18 =	vmul.f32 v20, v18;
	v20 =	vunpack.i.l.bf16.f32 v17;
	(v2sf) =	vpush v5, $0x1  }
0x2a5: {  	v11 =	vmul.f32 v15, v14;
	v0 =	vmul.f32 v20, v39;
	v20 =	vld [tilespmem:s2+$0xD60];
	(v2sf) =	vpush v13, $0x0;
	s13 =	spop (v2sf)  }
0x2a6: {  	v4 =	vunpack.i.u.bf16.f32 v17;
	v17 =	vunpack.i.l.bf16.f32 v19;
	s14 =	spop (v2sf);
	(v2sf) =	vpush v13, $0x1  }
0x2a7: {  	v9 =	vld [tilespmem:s2+$0x2080];
	v19 =	vunpack.i.u.bf16.f32 v19;
	v4 =	vmul.f32 v4, v16;
	s0 =	sadd.f32 s14, s13;
	(v2sf) =	vpush v18, $0x0  }
0x2a8: {  	v14 =	vld [tilespmem:s2+$0x20A0];
	v5 =	vunpack.i.u.bf16.f32 v21;
	v21 =	vunpack.i.l.bf16.f32 v21;
	s19 =	spop (v2sf);
	(v2sf) =	vpush v18, $0x1  }
0x2a9: {  	v16 =	vunpack.i.u.bf16.f32 v22;
	v7 =	vmul.f32 v21, v17;
	v17 =	vld [tilespmem:s2+$0x20C0];
	s3 =	sadd.f32 s0, s19;
	(v2sf) =	vpush v0, $0x0  }
0x2aa: {  	v5 =	vmul.f32 v5, v19;
	v15 =	vunpack.i.u.bf16.f32 v20;
	(v2sf) =	vpush v0, $0x1  }
0x2ab: {  	v15 =	vadd.f32 v16, v15;
	v13 =	vld [tilespmem:s2+$0xC80];
	v16 =	vmul.f32 s3, v54;
	(v2sf) =	vpush v7, $0x0  }
0x2ac: {  	v21 =	vunpack.i.u.bf16.f32 v9;
	v9 =	vunpack.i.l.bf16.f32 v9;
	(v2sf) =	vpush v7, $0x1  }
0x2ad: {  	v19 =	vld [tilespmem:s2+$0xCE0];
	v23 =	vunpack.i.u.bf16.f32 v14;
	v7 =	vadd.f32 v16, v15;
	(v2sf) =	vpush v1, $0x0  }
0x2ae: {  	v14 =	vunpack.i.l.bf16.f32 v14;
	v26 =	vunpack.i.u.bf16.f32 v17;
	s21 =	spop (v2sf);
	(v2sf) =	vpush v6, $0x0  }
0x2af: {  	v12 =	vld [tilespmem:s2+$0xCA0];
	v17 =	vunpack.i.l.bf16.f32 v17;
	s7 =	spop (v2sf);
	v24 =	vsub.f32 $0.0e+00, v7;
	(v2sf) =	vpush v8, $0x0  }
0x2b0: {  	v41 =	vld [tilespmem:s2+$0x20E0];
	v0 =	vunpack.i.l.bf16.f32 v40;
	v18 =	vunpack.i.u.bf16.f32 v13;
	s8 =	spop (v2sf);
	(v2sf) =	vpush v10, $0x0  }
0x2b1: {  	v13 =	vunpack.i.l.bf16.f32 v13;
	v0 =	vadd.f32 v17, v0;
	s9 =	spop (v2sf);
	v16 =	vld [tilespmem:s2+$0xD00];
	v24 =	vmul.f32 $1.442695020e+00, v24  }
0x2b2: {  	v27 =	vunpack.i.u.bf16.f32 v19;
	v9 =	vadd.f32 v9, v13;
	s10 =	spop (v2sf);
	v6 =	vld [tilespmem:s2+$0x2100];
	(v2sf) =	vpush v11, $0x0  }
0x2b3: {  	v13 =	vadd.f32 v21, v18;
	s11 =	spop (v2sf);
	(v2sf) =	vpush v4, $0x0;
	(erf) = vpow2.f32 v24  }
0x2b4: {  	v21 =	vadd.f32 v26, v25;
	v15 =	vunpack.i.u.bf16.f32 v12;
	v12 =	vunpack.i.l.bf16.f32 v12;
	v8 =	vld [tilespmem:s2+$0xD20];
	s13 =	spop (v2sf)  }
0x2b5: {  	v1 =	vunpack.i.l.bf16.f32 v41;
	v12 =	vadd.f32 v14, v12;
	(v2sf) =	vpush v5, $0x0;
	s14 =	spop (v2sf)  }
0x2b6: {  	v14 =	vadd.f32 v23, v15;
	v10 =	vld [tilespmem:s2+$0x2120];
	v4 =	vunpack.i.l.bf16.f32 v19;
	v19 =	vunpack.i.u.bf16.f32 v41;
	s19 =	spop (v2sf)  }
0x2b7: {  	s0 =	sadd.f32 s7, s21;
	v11 =	vld [tilespmem:s2+$0xD40];
	v28 =	vunpack.i.u.bf16.f32 v16;
	v16 =	vunpack.i.l.bf16.f32 v16;
	v5 =	vunpack.i.u.bf16.f32 v6;
	s22 =	spop (v2sf)  }
0x2b8: {  	s8 =	sadd.f32 s9, s8;
	v6 =	vunpack.i.l.bf16.f32 v6;
	v1 =	vadd.f32 v1, v4;
	v19 =	vadd.f32 v19, v27;
	s23 =	spop (v2sf)  }
0x2b9: {  	s10 =	sadd.f32 s11, s10;
	v24 =	vld [tilespmem:s2+$0x2140];
	v4 =	vunpack.i.l.bf16.f32 v20;
	v29 =	vunpack.i.u.bf16.f32 v8;
	v8 =	vunpack.i.l.bf16.f32 v8;
	s24 =	spop (v2sf)  }
0x2ba: {  	v6 =	vadd.f32 v6, v16;
	v20 =	vadd.f32 v5, v28;
	v5 =	vunpack.i.l.bf16.f32 v22;
	s13 =	sadd.f32 s14, s13;
	s26 =	spop (v2sf)  }
0x2bb: {  	v30 =	vunpack.i.u.bf16.f32 v10;
	v10 =	vunpack.i.l.bf16.f32 v10;
	v4 =	vadd.f32 v5, v4;
	s7 =	sadd.f32 s22, s19;
	s29 =	spop (v2sf)  }
0x2bc: {  	v31 =	vunpack.i.u.bf16.f32 v11;
	v8 =	vadd.f32 v10, v8;
	v10 =	vmul.f32 s3, v3;
	s9 =	sadd.f32 s24, s23;
	v16 =	vpop (erf);
	s31 =	spop (v2sf)  }
0x2bd: {  	v11 =	vunpack.i.l.bf16.f32 v11;
	v22 =	vadd.f32 v30, v29;
	v16 =	vadd.f32 $1.000000000e+00, v16;
	s0 =	sadd.f32 s0, s31;
	s14 =	spop (v2sf)  }
0x2be: {  	v15 =	vunpack.i.u.bf16.f32 v24;
	v17 =	vunpack.i.l.bf16.f32 v24;
	v55 =	vadd.f32 v10, v4;
	s8 =	sadd.f32 s8, s14;
	s19 =	spop (v2sf)  }
0x2bf: {  	v23 =	vadd.f32 v17, v11;
	v5 =	vmul.f32 s0, v3;
	(erf) = vrcp.f32 v16;
	s21 =	sadd.f32 s10, s19;
	s22 =	spop (v2sf)  }
0x2c0: {  	v24 =	vadd.f32 v15, v31;
	v11 =	vmul.f32 s0, v54;
	v10 =	vmul.f32 s8, v3;
	s23 =	sadd.f32 s13, s22  }
0x2c1: {  	s3 =	sadd.f32 s29, s26;
	v15 =	vmul.f32 s8, v54;
	s24 =	spop (v2sf);
	v17 =	vadd.f32 v5, v9;
	v5 =	vmul.f32 s21, v3  }
0x2c2: {  	v9 =	vmul.f32 s21, v54;
	s26 =	sadd.f32 s7, s24;
	s29 =	spop (v2sf);
	v18 =	vadd.f32 v11, v13;
	v11 =	vmul.f32 s23, v3  }
0x2c3: {  	v13 =	vmul.f32 s23, v54;
	s7 =	sadd.f32 s9, s29;
	v27 =	vadd.f32 v10, v12;
	v16 =	vadd.f32 v15, v14  }
0x2c4: {  	s31 =	spop (v2sf);
	v10 =	vmul.f32 s26, v3;
	v12 =	vmul.f32 s26, v54;
	v15 =	vadd.f32 v5, v0  }
0x2c5: {  	s3 =	sadd.f32 s3, s31;
	v14 =	vadd.f32 v9, v21;
	v45 =	vsub.f32 $0.0e+00, v17;
	v25 =	vmul.f32 s7, v3  }
0x2c6: {  	v42 =	vmul.f32 s7, v54;
	v5 =	vadd.f32 v11, v1;
	v13 =	vadd.f32 v13, v19  }
0x2c7: {  	v19 =	vsub.f32 $0.0e+00, v18;
	v47 =	vsub.f32 $0.0e+00, v16;
	v43 =	vmul.f32 s3, v3  }
0x2c8: {  	v6 =	vadd.f32 v10, v6;
	v12 =	vadd.f32 v12, v20;
	v44 =	vmul.f32 s3, v54  }
0x2c9: {  	v20 =	vsub.f32 $0.0e+00, v27;
	v46 =	vmul.f32 $1.442695020e+00, v45;
	v21 =	vsub.f32 $0.0e+00, v15  }
0x2ca: {  	v11 =	vadd.f32 v25, v8;
	v9 =	vadd.f32 v42, v22;
	v19 =	vmul.f32 $1.442695020e+00, v19  }
0x2cb: {  	v22 =	vsub.f32 $0.0e+00, v14;
	v1 =	vmul.f32 $1.442695020e+00, v47;
	v48 =	vsub.f32 $0.0e+00, v5;
	v10 =	vpop (erf)  }
0x2cc: {  	v8 =	vadd.f32 v43, v23;
	v20 =	vmul.f32 $1.442695020e+00, v20;
	v10 =	vmul.f32 v10, v7  }
0x2cd: {  	(erf) = vpow2.f32 v46;
	v21 =	vmul.f32 $1.442695020e+00, v21;
	v49 =	vsub.f32 $0.0e+00, v12  }
0x2ce: {  	s3 =	simm.s32 $0x100;
	(erf) = vpow2.f32 v19;
	v19 =	vsub.f32 $0.0e+00, v13;
	v22 =	vmul.f32 $1.442695020e+00, v22;
	[tilespmem:s2+$0x3570] =	vst v10  }
0x2cf: {  	v0 =	vmul.f32 $1.442695020e+00, v48;
	v7 =	vadd.f32 v44, v24;
	(erf) = vpow2.f32 v20;
	v51 =	vld [tilespmem:s3+$0x2170]  }
0x2d0: {  	v20 =	vsub.f32 $0.0e+00, v6;
	(erf) = vpow2.f32 v1;
	v19 =	vmul.f32 $1.442695020e+00, v19;
	v52 =	vld [tilespmem:s3+$0xC90]  }
0x2d1: {  	v1 =	vmul.f32 $1.442695020e+00, v49;
	(erf) = vpow2.f32 v21;
	v21 =	vsub.f32 $0.0e+00, v11;
	v30 =	vld [tilespmem:s3+$0x20B0]  }
0x2d2: {  	v50 =	vsub.f32 $0.0e+00, v8;
	v20 =	vmul.f32 $1.442695020e+00, v20;
	(erf) = vpow2.f32 v22;
	v31 =	vld [tilespmem:s3+$0x20D0]  }
0x2d3: {  	v22 =	vsub.f32 $0.0e+00, v9;
	v34 =	vld [tilespmem:s3+$0x20F0];
	(erf) = vpow2.f32 v0;
	v10 =	vmul.f32 $1.442695020e+00, v21  }
0x2d4: {  	v36 =	vld [tilespmem:s3+$0x2110];
	v0 =	vmul.f32 $1.442695020e+00, v50;
	(erf) = vpow2.f32 v19;
	v19 =	vsub.f32 $0.0e+00, v7  }
0x2d5: {  	v38 =	vld [tilespmem:s3+$0xD30];
	v21 =	vmul.f32 $1.442695020e+00, v22;
	v22 =	vsub.f32 $0.0e+00, v55;
	(erf) = vpow2.f32 v20  }
0x2d6: {  	v39 =	vld [tilespmem:s3+$0x2130];
	(erf) = vpow2.f32 v1;
	v19 =	vmul.f32 $1.442695020e+00, v19  }
0x2d7: {  	v41 =	vld [tilespmem:s3+$0xD50];
	v25 =	vmul.f32 $1.442695020e+00, v22;
	(erf) = vpow2.f32 v10  }
0x2d8: {  	v42 =	vld [tilespmem:s3+$0x2150];
	v29 =	vunpack.i.l.bf16.f32 v51;
	v1 =	vunpack.i.u.bf16.f32 v51;
	v53 =	vunpack.i.u.bf16.f32 v52  }
0x2d9: {  	v46 =	vld [tilespmem:s3+$0xD60];
	v57 =	vunpack.i.l.bf16.f32 v30;
	v58 =	vunpack.i.l.bf16.f32 v31;
	v30 =	vunpack.i.u.bf16.f32 v30  }
0x2da: {  	v20 =	vld [tilespmem:s3+$0xD70];
	v40 =	vunpack.i.l.bf16.f32 v34;
	v31 =	vunpack.i.u.bf16.f32 v31;
	v34 =	vunpack.i.u.bf16.f32 v34  }
0x2db: {  	v43 =	vunpack.i.l.bf16.f32 v36;
	v61 =	vunpack.i.l.bf16.f32 v38;
	v36 =	vunpack.i.u.bf16.f32 v36  }
0x2dc: {  	v38 =	vunpack.i.u.bf16.f32 v38;
	v44 =	vunpack.i.l.bf16.f32 v39;
	v39 =	vunpack.i.u.bf16.f32 v39  }
0x2dd: {  	v63 =	vunpack.i.l.bf16.f32 v41;
	v41 =	vunpack.i.u.bf16.f32 v41;
	v45 =	vunpack.i.u.bf16.f32 v42  }
0x2de: {  	v23 =	vpop (erf);
	v48 =	vunpack.i.l.bf16.f32 v42;
	v51 =	vunpack.i.u.bf16.f32 v46;
	v46 =	vunpack.i.l.bf16.f32 v46  }
0x2df: {  	v24 =	vpop (erf);
	(erf) = vpow2.f32 v21;
	v21 =	vadd.f32 $1.000000000e+00, v23;
	v28 =	vunpack.i.l.bf16.f32 v20  }
0x2e0: {  	v10 =	vpop (erf);
	v26 =	vadd.f32 $1.000000000e+00, v24;
	(erf) = vpow2.f32 v0;
	v28 =	vmul.f32 v29, v28  }
0x2e1: {  	v22 =	vpop (erf);
	v10 =	vadd.f32 $1.000000000e+00, v10;
	(erf) = vpow2.f32 v19;
	v19 =	vld [tilespmem:s3+$0x2090];
	v32 =	vunpack.i.u.bf16.f32 v20  }
0x2e2: {  	v23 =	vpop (erf);
	(erf) = vpow2.f32 v25;
	v25 =	vld [tilespmem:s3+$0xCB0];
	v1 =	vmul.f32 v1, v32;
	(v2sf) =	vpush v28, $0x0  }
0x2e3: {  	v22 =	vadd.f32 $1.000000000e+00, v22;
	v24 =	vpop (erf);
	(erf) = vrcp.f32 v21;
	(v2sf) =	vpush v28, $0x1  }
0x2e4: {  	v23 =	vadd.f32 $1.000000000e+00, v23;
	v21 =	vpop (erf);
	(erf) = vrcp.f32 v26;
	v26 =	vld [tilespmem:s3+$0xCD0];
	(v2sf) =	vpush v1, $0x0  }
0x2e5: {  	v0 =	vunpack.i.l.bf16.f32 v52;
	v24 =	vadd.f32 $1.000000000e+00, v24;
	v21 =	vadd.f32 $1.000000000e+00, v21;
	v29 =	vpop (erf)  }
0x2e6: {  	v20 =	vadd.f32 $1.000000000e+00, v29;
	v29 =	vld [tilespmem:s3+$0xCF0];
	v28 =	vpop (erf);
	v33 =	vunpack.i.u.bf16.f32 v19;
	v35 =	vunpack.i.l.bf16.f32 v19  }
0x2e7: {  	v62 =	vld [tilespmem:s3+$0xC80];
	v19 =	vadd.f32 $1.000000000e+00, v28;
	v56 =	vunpack.i.l.bf16.f32 v25;
	v0 =	vmul.f32 v35, v0  }
0x2e8: {  	v49 =	vld [tilespmem:s3+$0xCA0];
	v25 =	vunpack.i.u.bf16.f32 v25;
	v32 =	vmul.f32 v33, v53;
	v1 =	vmul.f32 v57, v56  }
0x2e9: {  	v28 =	vld [tilespmem:s3+$0xD10];
	v30 =	vmul.f32 v30, v25;
	v37 =	vunpack.i.l.bf16.f32 v26;
	(v2sf) =	vpush v0, $0x0  }
0x2ea: {  	v26 =	vunpack.i.u.bf16.f32 v26;
	v35 =	vmul.f32 v58, v37;
	(v2sf) =	vpush v0, $0x1  }
0x2eb: {  	v59 =	vunpack.i.l.bf16.f32 v29;
	v29 =	vunpack.i.u.bf16.f32 v29;
	(v2sf) =	vpush v1, $0x0  }
0x2ec: {  	v33 =	vld [tilespmem:s3+$0x2160];
	v26 =	vmul.f32 v31, v26;
	v31 =	vmul.f32 v39, v38;
	(v2sf) =	vpush v1, $0x1  }
0x2ed: {  	v53 =	vld [tilespmem:s3+$0xCC0];
	v0 =	vunpack.i.l.bf16.f32 v62;
	v37 =	vmul.f32 v40, v59;
	(v2sf) =	vpush v35, $0x0  }
0x2ee: {  	v39 =	vunpack.i.u.bf16.f32 v49;
	v60 =	vunpack.i.l.bf16.f32 v28;
	(v2sf) =	vpush v35, $0x1  }
0x2ef: {  	v25 =	vld [tilespmem:s3+$0x2080];
	v29 =	vmul.f32 v34, v29;
	v40 =	vmul.f32 v43, v60;
	(v2sf) =	vpush v37, $0x0  }
0x2f0: {  	v50 =	vld [tilespmem:s3+$0x20A0];
	v34 =	vunpack.i.l.bf16.f32 v49;
	v28 =	vunpack.i.u.bf16.f32 v28;
	(v2sf) =	vpush v37, $0x1  }
0x2f1: {  	v1 =	vmul.f32 v48, v63;
	v43 =	vmul.f32 v44, v61;
	(v2sf) =	vpush v40, $0x0;
	s7 =	spop (v2sf)  }
0x2f2: {  	v52 =	vunpack.i.u.bf16.f32 v33;
	v47 =	vunpack.i.u.bf16.f32 v53;
	s8 =	spop (v2sf);
	(v2sf) =	vpush v40, $0x1  }
0x2f3: {  	v57 =	vld [tilespmem:s3+$0x20C0];
	v28 =	vmul.f32 v36, v28;
	v36 =	vunpack.i.u.bf16.f32 v62;
	s0 =	sadd.f32 s8, s7;
	s9 =	spop (v2sf);
	(v2sf) =	vpush v43, $0x0  }
0x2f4: {  	v63 =	vld [tilespmem:s3+$0xD00];
	v38 =	vadd.f32 v52, v51;
	v58 =	vunpack.i.l.bf16.f32 v25;
	(v2sf) =	vpush v43, $0x1  }
0x2f5: {  	v60 =	vld [tilespmem:s3+$0x20E0];
	v61 =	vunpack.i.u.bf16.f32 v50;
	v35 =	vmul.f32 v45, v41;
	s7 =	sadd.f32 s0, s9;
	(v2sf) =	vpush v1, $0x0  }
0x2f6: {  	v41 =	vunpack.i.u.bf16.f32 v25;
	v0 =	vadd.f32 v58, v0;
	(v2sf) =	vpush v1, $0x1  }
0x2f7: {  	v59 =	vld [tilespmem:s3+$0xCE0];
	v39 =	vadd.f32 v61, v39;
	v56 =	vmul.f32 s7, v54;
	(v2sf) =	vpush v32, $0x0  }
0x2f8: {  	v42 =	vunpack.i.l.bf16.f32 v57;
	v36 =	vadd.f32 v41, v36;
	s10 =	spop (v2sf);
	(v2sf) =	vpush v30, $0x0  }
0x2f9: {  	v52 =	vld [tilespmem:s3+$0xD40];
	v37 =	vunpack.i.l.bf16.f32 v50;
	v51 =	vunpack.i.u.bf16.f32 v63;
	s11 =	spop (v2sf);
	v25 =	vadd.f32 v56, v38  }
0x2fa: {  	v34 =	vadd.f32 v37, v34;
	v48 =	vunpack.i.u.bf16.f32 v60;
	s13 =	spop (v2sf);
	(v2sf) =	vpush v26, $0x0  }
0x2fb: {  	v1 =	vunpack.i.l.bf16.f32 v60;
	v30 =	vunpack.i.l.bf16.f32 v53;
	v26 =	vld [tilespmem:s3+$0x2100];
	s14 =	spop (v2sf);
	v62 =	vsub.f32 $0.0e+00, v25  }
0x2fc: {  	v56 =	vunpack.i.u.bf16.f32 v57;
	v57 =	vld [tilespmem:s3+$0xD20];
	v38 =	vunpack.i.l.bf16.f32 v59;
	(v2sf) =	vpush v29, $0x0;
	s19 =	spop (v2sf)  }
0x2fd: {  	v42 =	vadd.f32 v42, v30;
	v29 =	vunpack.i.u.bf16.f32 v59;
	v59 =	vld [tilespmem:s3+$0x2140];
	s26 =	spop (v2sf);
	v53 =	vmul.f32 $1.442695020e+00, v62  }
0x2fe: {  	v60 =	vunpack.i.l.bf16.f32 v52;
	v45 =	vadd.f32 v56, v47;
	(v2sf) =	vpush v28, $0x0;
	s29 =	spop (v2sf)  }
0x2ff: {  	v1 =	vadd.f32 v1, v38;
	v28 =	vpop (erf);
	(v2sf) =	vpush v31, $0x0;
	s31 =	spop (v2sf);
	(erf) = vpow2.f32 v53  }
0x300: {  	v50 =	vld [tilespmem:s3+$0x2120];
	v32 =	vunpack.i.l.bf16.f32 v63;
	v48 =	vadd.f32 v48, v29;
	v49 =	vpop (erf);
	(v2sf) =	vpush v35, $0x0;
	s21 =	spop (v2sf)  }
0x301: {  	v35 =	vpop (erf);
	v58 =	vunpack.i.u.bf16.f32 v26;
	v26 =	vunpack.i.l.bf16.f32 v26;
	v30 =	vunpack.i.u.bf16.f32 v57;
	s22 =	spop (v2sf)  }
0x302: {  	v41 =	vpop (erf);
	v40 =	vunpack.i.l.bf16.f32 v57;
	v35 =	vadd.f32 $1.000000000e+00, v35;
	v37 =	vunpack.i.l.bf16.f32 v59;
	s23 =	spop (v2sf)  }
0x303: {  	s0 =	sadd.f32 s11, s10;
	v31 =	vpop (erf);
	v32 =	vadd.f32 v26, v32;
	v43 =	vadd.f32 v58, v51;
	(erf) = vrcp.f32 v10;
	s24 =	spop (v2sf)  }
0x304: {  	s9 =	sadd.f32 s14, s13;
	v26 =	vadd.f32 $1.000000000e+00, v28;
	v41 =	vadd.f32 $1.000000000e+00, v41;
	v10 =	vpop (erf);
	(erf) = vrcp.f32 v22;
	s13 =	spop (v2sf)  }
0x305: {  	s11 =	sadd.f32 s26, s19;
	v44 =	vpop (erf);
	v22 =	vunpack.i.u.bf16.f32 v50;
	(erf) = vrcp.f32 v23;
	v23 =	vunpack.i.l.bf16.f32 v50;
	s19 =	spop (v2sf)  }
0x306: {  	s14 =	sadd.f32 s31, s29;
	v47 =	vpop (erf);
	v17 =	vmul.f32 v44, v17;
	(erf) = vrcp.f32 v24;
	v24 =	vunpack.i.u.bf16.f32 v52;
	s26 =	spop (v2sf)  }
0x307: {  	v18 =	vmul.f32 v47, v18;
	(erf) = vrcp.f32 v21;
	v21 =	vunpack.i.u.bf16.f32 v59;
	s0 =	sadd.f32 s0, s26;
	s29 =	spop (v2sf)  }
0x308: {  	(erf) = vrcp.f32 v20;
	v20 =	vunpack.i.l.bf16.f32 v33;
	v33 =	vadd.f32 v23, v40;
	v61 =	vpop (erf);
	s8 =	sadd.f32 s9, s29  }
0x309: {  	v40 =	vmul.f32 s7, v3;
	v50 =	vadd.f32 v21, v24;
	s31 =	spop (v2sf);
	v38 =	vadd.f32 $1.000000000e+00, v61  }
0x30a: {  	v46 =	vadd.f32 v20, v46;
	v20 =	vmul.f32 s0, v3;
	s10 =	sadd.f32 s11, s31;
	v23 =	vmul.f32 s8, v3  }
0x30b: {  	s21 =	sadd.f32 s22, s21;
	s11 =	spop (v2sf);
	v24 =	vmul.f32 s8, v54;
	(erf) = vrcp.f32 v38;
	v38 =	vadd.f32 v22, v30  }
0x30c: {  	s22 =	sadd.f32 s14, s11;
	v22 =	vmul.f32 s0, v54;
	v21 =	vadd.f32 v20, v0;
	v20 =	vmul.f32 s10, v3  }
0x30d: {  	v37 =	vadd.f32 v37, v60;
	s7 =	sadd.f32 s24, s23;
	s23 =	spop (v2sf);
	v29 =	vmul.f32 s10, v54;
	(erf) = vrcp.f32 v19  }
0x30e: {  	s24 =	sadd.f32 s21, s23;
	v19 =	vadd.f32 $1.000000000e+00, v49;
	v62 =	vmul.f32 s22, v3;
	v23 =	vadd.f32 v23, v34  }
0x30f: {  	s26 =	sadd.f32 s19, s13;
	s29 =	spop (v2sf);
	v63 =	vmul.f32 s22, v54;
	v30 =	vadd.f32 v24, v39;
	v22 =	vadd.f32 v22, v36  }
0x310: {  	v28 =	vpop (erf);
	s7 =	sadd.f32 s7, s29;
	v56 =	vmul.f32 s24, v3;
	v24 =	vadd.f32 v20, v42;
	v29 =	vadd.f32 v29, v45  }
0x311: {  	v49 =	vpop (erf);
	s31 =	spop (v2sf);
	v57 =	vmul.f32 s24, v54;
	(erf) = vrcp.f32 v26;
	v59 =	vsub.f32 $0.0e+00, v21  }
0x312: {  	s10 =	sadd.f32 s26, s31;
	v16 =	vmul.f32 v49, v16;
	v20 =	vadd.f32 v62, v1;
	v51 =	vmul.f32 s7, v3  }
0x313: {  	v0 =	vpop (erf);
	v53 =	vmul.f32 s7, v54;
	v26 =	vadd.f32 v63, v48;
	(erf) = vrcp.f32 v19  }
0x314: {  	v61 =	vsub.f32 $0.0e+00, v23;
	v0 =	vmul.f32 v0, v15;
	v48 =	vmul.f32 s10, v3  }
0x315: {  	v36 =	vpop (erf);
	v62 =	vsub.f32 $0.0e+00, v30;
	v52 =	vmul.f32 s10, v54;
	(erf) = vrcp.f32 v35  }
0x316: {  	v34 =	vpop (erf);
	v19 =	vadd.f32 v57, v43;
	v35 =	vmul.f32 $1.442695020e+00, v59;
	v57 =	vmul.f32 v28, v27  }
0x317: {  	v60 =	vsub.f32 $0.0e+00, v22;
	v14 =	vmul.f32 v36, v14;
	v42 =	vpop (erf);
	(erf) = vrcp.f32 v41  }
0x318: {  	v63 =	vsub.f32 $0.0e+00, v24;
	v39 =	vmul.f32 $1.442695020e+00, v61;
	v41 =	vmul.f32 $1.442695020e+00, v62;
	v58 =	vpop (erf)  }
0x319: {  	v27 =	vsub.f32 $0.0e+00, v20;
	v59 =	vmul.f32 v34, v5;
	v1 =	vmul.f32 v58, v25  }
0x31a: {  	v28 =	vadd.f32 v51, v33;
	v43 =	vmul.f32 $1.442695020e+00, v63;
	(erf) = vpow2.f32 v35  }
0x31b: {  	v15 =	vsub.f32 $0.0e+00, v19;
	v47 =	vmul.f32 $1.442695020e+00, v27;
	v27 =	vadd.f32 v53, v38;
	[tilespmem:s3+$0x3570] =	vst v1  }
0x31c: {  	v13 =	vmul.f32 v42, v13;
	v25 =	vadd.f32 v56, v32;
	v56 =	vsub.f32 $0.0e+00, v29;
	[tilespmem:s2+$0x3480] =	vst v17  }
0x31d: {  	v15 =	vmul.f32 $1.442695020e+00, v15;
	v32 =	vmul.f32 $1.442695020e+00, v60;
	v58 =	vsub.f32 $0.0e+00, v26;
	[tilespmem:s2+$0x3490] =	vst v18  }
0x31e: {  	v61 =	vsub.f32 $0.0e+00, v27;
	v60 =	vadd.f32 v52, v50;
	v44 =	vmul.f32 $1.442695020e+00, v56;
	[tilespmem:s2+$0x34A0] =	vst v57  }
0x31f: {  	v1 =	vmul.f32 $1.442695020e+00, v58;
	(erf) = vpow2.f32 v32;
	v17 =	vsub.f32 $0.0e+00, v25;
	[tilespmem:s2+$0x34C0] =	vst v0  }
0x320: {  	v18 =	vadd.f32 v48, v37;
	(erf) = vpow2.f32 v39;
	[tilespmem:s2+$0x34D0] =	vst v14;
	v14 =	vpop (erf);
	v0 =	vmul.f32 $1.442695020e+00, v61  }
0x321: {  	[tilespmem:s2+$0x34B0] =	vst v16;
	v16 =	vsub.f32 $0.0e+00, v28;
	(erf) = vpow2.f32 v41;
	v14 =	vmul.f32 v14, v6  }
0x322: {  	[tilespmem:s2+$0x34E0] =	vst v59;
	v57 =	vadd.f32 v40, v46;
	v62 =	vpop (erf);
	v17 =	vmul.f32 $1.442695020e+00, v17;
	(erf) = vpow2.f32 v43  }
0x323: {  	s7 =	simm.s32 $0x200;
	[tilespmem:s2+$0x34F0] =	vst v13;
	v13 =	vsub.f32 $0.0e+00, v18;
	v16 =	vmul.f32 $1.442695020e+00, v16;
	v40 =	vpop (erf);
	v12 =	vmul.f32 v62, v12  }
0x324: {  	v63 =	vld [tilespmem:s7+$0xD70];
	(erf) = vpow2.f32 v44;
	[tilespmem:s2+$0x3500] =	vst v14;
	v14 =	vsub.f32 $0.0e+00, v60;
	v44 =	vmul.f32 v40, v11  }
0x325: {  	v41 =	vpop (erf);
	(erf) = vpow2.f32 v47;
	v13 =	vmul.f32 $1.442695020e+00, v13  }
0x326: {  	v42 =	vld [tilespmem:s7+$0x2170];
	v9 =	vmul.f32 v41, v9;
	(erf) = vpow2.f32 v1  }
0x327: {  	v43 =	vpop (erf);
	[tilespmem:s2+$0x3510] =	vst v12;
	v12 =	vsub.f32 $0.0e+00, v57;
	v45 =	vmul.f32 $1.442695020e+00, v14;
	(erf) = vpow2.f32 v17  }
0x328: {  	v11 =	vadd.f32 $1.000000000e+00, v31;
	v8 =	vmul.f32 v43, v8;
	v14 =	vpop (erf);
	(erf) = vpow2.f32 v15  }
0x329: {  	v17 =	vld [tilespmem:s7+$0xC90];
	[tilespmem:s2+$0x3520] =	vst v44;
	v46 =	vmul.f32 $1.442695020e+00, v12;
	v33 =	vunpack.i.u.bf16.f32 v63;
	v15 =	vpop (erf);
	(erf) = vpow2.f32 v16  }
0x32a: {  	v31 =	vadd.f32 $1.000000000e+00, v14;
	v16 =	vld [tilespmem:s7+$0x2090];
	[tilespmem:s2+$0x3530] =	vst v9;
	v15 =	vadd.f32 $1.000000000e+00, v15;
	(erf) = vpow2.f32 v0  }
0x32b: {  	v12 =	vpop (erf);
	v49 =	vld [tilespmem:s7+$0xCB0];
	[tilespmem:s2+$0x3540] =	vst v8;
	v8 =	vunpack.i.l.bf16.f32 v63;
	v50 =	vunpack.i.l.bf16.f32 v42;
	v35 =	vunpack.i.u.bf16.f32 v42  }
0x32c: {  	v47 =	vpop (erf);
	v14 =	vadd.f32 $1.000000000e+00, v12;
	(erf) = vpow2.f32 v13;
	v52 =	vld [tilespmem:s7+$0x20B0];
	v34 =	vmul.f32 v50, v8  }
0x32d: {  	v53 =	vld [tilespmem:s7+$0xCD0];
	v33 =	vmul.f32 v35, v33;
	v12 =	vadd.f32 $1.000000000e+00, v47;
	v48 =	vpop (erf);
	(erf) = vpow2.f32 v45  }
0x32e: {  	v36 =	vld [tilespmem:s7+$0x20F0];
	v9 =	vpop (erf);
	v13 =	vadd.f32 $1.000000000e+00, v48;
	(erf) = vpow2.f32 v46;
	(v2sf) =	vpush v34, $0x0  }
0x32f: {  	v58 =	vld [tilespmem:s7+$0xD10];
	v9 =	vadd.f32 $1.000000000e+00, v9;
	(erf) = vrcp.f32 v31;
	(v2sf) =	vpush v34, $0x1  }
0x330: {  	v61 =	vld [tilespmem:s7+$0x2110];
	v51 =	vpop (erf);
	v34 =	vunpack.i.u.bf16.f32 v17;
	v17 =	vunpack.i.l.bf16.f32 v17;
	v35 =	vunpack.i.u.bf16.f32 v16  }
0x331: {  	v63 =	vld [tilespmem:s7+$0xD30];
	v16 =	vunpack.i.l.bf16.f32 v16;
	v8 =	vadd.f32 $1.000000000e+00, v51;
	(erf) = vrcp.f32 v15  }
0x332: {  	v56 =	vunpack.i.l.bf16.f32 v49;
	(v2sf) =	vpush v33, $0x0;
	v16 =	vmul.f32 v16, v17  }
0x333: {  	v32 =	vunpack.i.u.bf16.f32 v49;
	v34 =	vmul.f32 v35, v34;
	v17 =	vunpack.i.l.bf16.f32 v52  }
0x334: {  	v31 =	vld [tilespmem:s7+$0x20D0];
	v59 =	vunpack.i.l.bf16.f32 v53;
	v1 =	vunpack.i.u.bf16.f32 v52;
	v0 =	vunpack.i.u.bf16.f32 v53  }
0x335: {  	v50 =	vunpack.i.l.bf16.f32 v36;
	v52 =	vunpack.i.l.bf16.f32 v58;
	v36 =	vunpack.i.u.bf16.f32 v36  }
0x336: {  	v15 =	vld [tilespmem:s7+$0xCF0];
	v38 =	vunpack.i.u.bf16.f32 v58;
	v58 =	vunpack.i.l.bf16.f32 v63;
	v39 =	vunpack.i.u.bf16.f32 v61  }
0x337: {  	v49 =	vld [tilespmem:s7+$0x2130];
	v40 =	vunpack.i.u.bf16.f32 v63;
	v17 =	vmul.f32 v17, v56;
	v56 =	vunpack.i.l.bf16.f32 v61  }
0x338: {  	v51 =	vld [tilespmem:s7+$0xD50];
	(v2sf) =	vpush v16, $0x0;
	v1 =	vmul.f32 v1, v32;
	v35 =	vmul.f32 v39, v38  }
0x339: {  	v42 =	vmul.f32 v56, v52;
	(v2sf) =	vpush v16, $0x1;
	v62 =	vunpack.i.l.bf16.f32 v31  }
0x33a: {  	v53 =	vld [tilespmem:s7+$0x2150];
	v31 =	vunpack.i.u.bf16.f32 v31;
	(v2sf) =	vpush v17, $0x0;
	v33 =	vmul.f32 v62, v59  }
0x33b: {  	v48 =	vunpack.i.l.bf16.f32 v15;
	v15 =	vunpack.i.u.bf16.f32 v15;
	(v2sf) =	vpush v17, $0x1  }
0x33c: {  	v16 =	vunpack.i.l.bf16.f32 v49;
	v59 =	vld [tilespmem:s7+$0xC80];
	v37 =	vmul.f32 v50, v48;
	(v2sf) =	vpush v33, $0x0  }
0x33d: {  	v41 =	vunpack.i.u.bf16.f32 v49;
	v61 =	vunpack.i.l.bf16.f32 v51;
	v17 =	vld [tilespmem:s7+$0x2160];
	(v2sf) =	vpush v33, $0x1  }
0x33e: {  	v43 =	vunpack.i.u.bf16.f32 v51;
	v49 =	vld [tilespmem:s7+$0x2080];
	v0 =	vmul.f32 v31, v0;
	(v2sf) =	vpush v37, $0x0  }
0x33f: {  	v51 =	vld [tilespmem:s7+$0x20A0];
	v45 =	vmul.f32 v16, v58;
	v62 =	vunpack.i.u.bf16.f32 v53;
	(v2sf) =	vpush v37, $0x1  }
0x340: {  	v16 =	vld [tilespmem:s7+$0xD60];
	v44 =	vunpack.i.l.bf16.f32 v53;
	v31 =	vmul.f32 v36, v15;
	(v2sf) =	vpush v42, $0x0;
	s11 =	spop (v2sf)  }
0x341: {  	v36 =	vmul.f32 v41, v40;
	v63 =	vmul.f32 v44, v61;
	(v2sf) =	vpush v42, $0x1;
	s13 =	spop (v2sf)  }
0x342: {  	v50 =	vld [tilespmem:s7+$0xCA0];
	v38 =	vmul.f32 v62, v43;
	v39 =	vunpack.i.u.bf16.f32 v59;
	(v2sf) =	vpush v45, $0x0;
	s0 =	sadd.f32 s13, s11  }
0x343: {  	v52 =	vunpack.i.u.bf16.f32 v17;
	v58 =	vunpack.i.l.bf16.f32 v59;
	s14 =	spop (v2sf);
	(v2sf) =	vpush v45, $0x1  }
0x344: {  	v53 =	vld [tilespmem:s7+$0xCC0];
	v44 =	vunpack.i.u.bf16.f32 v49;
	v32 =	vunpack.i.l.bf16.f32 v49;
	(v2sf) =	vpush v63, $0x0;
	s9 =	sadd.f32 s0, s14  }
0x345: {  	v61 =	vld [tilespmem:s7+$0xCE0];
	v40 =	vunpack.i.l.bf16.f32 v51;
	v15 =	vunpack.i.u.bf16.f32 v16;
	(v2sf) =	vpush v63, $0x1  }
0x346: {  	v59 =	vld [tilespmem:s7+$0x20C0];
	v15 =	vadd.f32 v52, v15;
	(v2sf) =	vpush v34, $0x0;
	v56 =	vmul.f32 s9, v54  }
0x347: {  	v17 =	vunpack.i.l.bf16.f32 v17;
	v41 =	vunpack.i.u.bf16.f32 v50;
	s19 =	spop (v2sf);
	(v2sf) =	vpush v1, $0x0  }
0x348: {  	v37 =	vunpack.i.l.bf16.f32 v50;
	s21 =	spop (v2sf);
	(v2sf) =	vpush v0, $0x0;
	v15 =	vadd.f32 v56, v15  }
0x349: {  	v47 =	vunpack.i.u.bf16.f32 v53;
	v39 =	vadd.f32 v44, v39;
	s31 =	spop (v2sf);
	(v2sf) =	vpush v31, $0x0  }
0x34a: {  	v16 =	vunpack.i.l.bf16.f32 v16;
	v49 =	vunpack.i.u.bf16.f32 v61;
	v63 =	vld [tilespmem:s7+$0x20E0];
	s29 =	spop (v2sf);
	v62 =	vsub.f32 $0.0e+00, v15  }
0x34b: {  	v33 =	vunpack.i.l.bf16.f32 v61;
	v37 =	vadd.f32 v40, v37;
	v48 =	vunpack.i.u.bf16.f32 v59;
	v31 =	vld [tilespmem:s7+$0xD00];
	s0 =	spop (v2sf)  }
0x34c: {  	v46 =	vpop (erf);
	v34 =	vunpack.i.u.bf16.f32 v51;
	v0 =	vunpack.i.l.bf16.f32 v53;
	v56 =	vld [tilespmem:s7+$0x2100];
	s22 =	spop (v2sf);
	v53 =	vmul.f32 $1.442695020e+00, v62  }
0x34d: {  	v45 =	vunpack.i.l.bf16.f32 v59;
	v34 =	vadd.f32 v34, v41;
	(v2sf) =	vpush v35, $0x0;
	v35 =	vpop (erf);
	s24 =	spop (v2sf)  }
0x34e: {  	v0 =	vadd.f32 v45, v0;
	(v2sf) =	vpush v36, $0x0;
	v36 =	vpop (erf);
	s8 =	spop (v2sf);
	(erf) = vpow2.f32 v53  }
0x34f: {  	v1 =	vunpack.i.l.bf16.f32 v63;
	(v2sf) =	vpush v38, $0x0;
	v38 =	vadd.f32 v32, v58;
	v43 =	vpop (erf);
	v58 =	vld [tilespmem:s7+$0xD20];
	s26 =	spop (v2sf)  }
0x350: {  	v59 =	vunpack.i.u.bf16.f32 v63;
	v1 =	vadd.f32 v1, v33;
	v62 =	vld [tilespmem:s7+$0x2120];
	v43 =	vadd.f32 $1.000000000e+00, v43;
	s23 =	spop (v2sf)  }
0x351: {  	v61 =	vpop (erf);
	v63 =	vunpack.i.l.bf16.f32 v31;
	v42 =	vunpack.i.u.bf16.f32 v56;
	(erf) = vrcp.f32 v14;
	s13 =	spop (v2sf)  }
0x352: {  	s19 =	sadd.f32 s21, s19;
	v41 =	vpop (erf);
	v53 =	vunpack.i.l.bf16.f32 v56;
	v14 =	vunpack.i.u.bf16.f32 v31;
	(erf) = vrcp.f32 v12;
	s14 =	spop (v2sf)  }
0x353: {  	v2 =	vld [tilespmem:s7+$0xD40];
	s21 =	sadd.f32 s29, s31;
	v32 =	vpop (erf);
	v45 =	vadd.f32 v53, v63;
	v12 =	vadd.f32 v48, v47;
	(erf) = vrcp.f32 v13;
	s10 =	spop (v2sf)  }
0x354: {  	s0 =	sadd.f32 s22, s0;
	v31 =	vpop (erf);
	v47 =	vadd.f32 v59, v49;
	(erf) = vrcp.f32 v9;
	v9 =	vunpack.i.l.bf16.f32 v58;
	s11 =	spop (v2sf)  }
0x355: {  	s8 =	sadd.f32 s8, s24;
	v48 =	vpop (erf);
	v42 =	vadd.f32 v42, v14;
	v56 =	vunpack.i.u.bf16.f32 v58;
	v14 =	vunpack.i.l.bf16.f32 v62;
	s31 =	spop (v2sf)  }
0x356: {  	v13 =	vld [tilespmem:s7+$0x2140];
	v49 =	vpop (erf);
	v44 =	vunpack.i.u.bf16.f32 v62;
	v62 =	vadd.f32 $1.000000000e+00, v41;
	v58 =	vmul.f32 s9, v3;
	s19 =	sadd.f32 s19, s31;
	s29 =	spop (v2sf)  }
0x357: {  	(erf) = vrcp.f32 v8;
	v8 =	vadd.f32 $1.000000000e+00, v46;
	v46 =	vadd.f32 v14, v9;
	s9 =	sadd.f32 s21, s29;
	s31 =	spop (v2sf);
	v9 =	vpop (erf)  }
0x358: {  	v33 =	vunpack.i.l.bf16.f32 v2;
	v14 =	vadd.f32 $1.000000000e+00, v35;
	s0 =	sadd.f32 s0, s31;
	s22 =	spop (v2sf);
	v9 =	vadd.f32 $1.000000000e+00, v9  }
0x359: {  	v35 =	vadd.f32 v44, v56;
	(erf) = vrcp.f32 v8;
	v59 =	vmul.f32 s9, v54;
	s8 =	sadd.f32 s8, s22  }
0x35a: {  	v8 =	vunpack.i.u.bf16.f32 v2;
	v51 =	vmul.f32 s0, v54;
	(erf) = vrcp.f32 v9  }
0x35b: {  	v9 =	vunpack.i.u.bf16.f32 v13;
	v13 =	vunpack.i.l.bf16.f32 v13;
	v52 =	vmul.f32 s8, v3  }
0x35c: {  	v53 =	vmul.f32 s8, v54;
	v50 =	vadd.f32 v9, v8;
	v8 =	vadd.f32 v17, v16  }
0x35d: {  	s21 =	sadd.f32 s23, s26;
	v9 =	vmul.f32 s19, v3;
	v16 =	vadd.f32 $1.000000000e+00, v36;
	(erf) = vrcp.f32 v14  }
0x35e: {  	s23 =	spop (v2sf);
	v14 =	vmul.f32 s19, v54;
	v36 =	vpop (erf);
	(erf) = vrcp.f32 v11;
	v11 =	vadd.f32 $1.000000000e+00, v61  }
0x35f: {  	v44 =	vpop (erf);
	v61 =	vmul.f32 s0, v3;
	s0 =	sadd.f32 s21, s23;
	v17 =	vadd.f32 v58, v8;
	v8 =	vmul.f32 s9, v3  }
0x360: {  	v5 =	vadd.f32 v14, v39;
	v58 =	vadd.f32 v59, v34;
	v30 =	vmul.f32 v44, v30  }
0x361: {  	v39 =	vpop (erf);
	v2 =	vadd.f32 v61, v0;
	v59 =	vmul.f32 s0, v3;
	v61 =	vadd.f32 v53, v47  }
0x362: {  	v47 =	vmul.f32 s0, v54;
	v63 =	vadd.f32 v8, v37;
	v37 =	vpop (erf);
	(erf) = vrcp.f32 v16  }
0x363: {  	v4 =	vadd.f32 v9, v38;
	(erf) = vrcp.f32 v43;
	v43 =	vmul.f32 v49, v22  }
0x364: {  	v16 =	vadd.f32 $1.000000000e+00, v10;
	v38 =	vpop (erf);
	v29 =	vmul.f32 v37, v29;
	(erf) = vrcp.f32 v11  }
0x365: {  	s24 =	sadd.f32 s14, s13;
	v33 =	vadd.f32 v13, v33;
	v41 =	vpop (erf);
	v38 =	vmul.f32 v38, v20;
	(erf) = vrcp.f32 v62  }
0x366: {  	s26 =	spop (v2sf);
	v62 =	vsub.f32 $0.0e+00, v63;
	v11 =	vpop (erf);
	(erf) = vrcp.f32 v16;
	v16 =	vsub.f32 $0.0e+00, v5  }
0x367: {  	s8 =	sadd.f32 s24, s26;
	v34 =	vmul.f32 v11, v15;
	v11 =	vsub.f32 $0.0e+00, v4;
	v15 =	vadd.f32 v51, v12  }
0x368: {  	s29 =	sadd.f32 s11, s10;
	v12 =	vadd.f32 v52, v1;
	v1 =	vmul.f32 v48, v21;
	v0 =	vmul.f32 $1.442695020e+00, v62  }
0x369: {  	s31 =	spop (v2sf);
	v51 =	vsub.f32 $0.0e+00, v58;
	v52 =	vmul.f32 s8, v3;
	v48 =	vmul.f32 v36, v23  }
0x36a: {  	s0 =	sadd.f32 s29, s31;
	v21 =	vadd.f32 v47, v42;
	v16 =	vmul.f32 $1.442695020e+00, v16;
	v56 =	vmul.f32 $1.442695020e+00, v11  }
0x36b: {  	v53 =	vmul.f32 $1.442695020e+00, v51;
	v62 =	vsub.f32 $0.0e+00, v15;
	v49 =	vsub.f32 $0.0e+00, v12  }
0x36c: {  	v22 =	vadd.f32 v52, v46;
	v51 =	vmul.f32 s0, v3;
	(erf) = vpow2.f32 v56  }
0x36d: {  	v56 =	vsub.f32 $0.0e+00, v2;
	v42 =	vmul.f32 $1.442695020e+00, v62;
	v52 =	vmul.f32 $1.442695020e+00, v49  }
0x36e: {  	v62 =	vmul.f32 s0, v54;
	v47 =	vsub.f32 $0.0e+00, v22;
	(erf) = vpow2.f32 v16  }
0x36f: {  	v16 =	vadd.f32 v59, v45;
	(erf) = vpow2.f32 v0;
	v0 =	vmul.f32 $1.442695020e+00, v56  }
0x370: {  	v59 =	vmul.f32 s8, v54;
	v45 =	vsub.f32 $0.0e+00, v21;
	v56 =	vmul.f32 v39, v24  }
0x371: {  	[tilespmem:$0x1FF70] =	vst v4;
	v24 =	vadd.f32 v51, v33;
	v20 =	vadd.f32 v62, v50;
	v50 =	vmul.f32 v41, v26  }
0x372: {  	[tilespmem:$0x1FF80] =	vst v5;
	(erf) = vpow2.f32 v53;
	v23 =	vadd.f32 v59, v35;
	v59 =	vsub.f32 $0.0e+00, v16  }
0x373: {  	[tilespmem:s7+$0x3570] =	vst v34;
	v26 =	vmul.f32 $1.442695020e+00, v47;
	v53 =	vsub.f32 $0.0e+00, v61;
	(erf) = vpow2.f32 v0;
	v0 =	vpop (erf)  }
0x374: {  	[tilespmem:s3+$0x34D0] =	vst v29;
	v49 =	vmul.f32 $1.442695020e+00, v45;
	v29 =	vsub.f32 $0.0e+00, v24;
	v35 =	vmul.f32 $1.442695020e+00, v59;
	v36 =	vpop (erf)  }
0x375: {  	[tilespmem:s3+$0x34B0] =	vst v30;
	v44 =	vmul.f32 $1.442695020e+00, v53;
	v30 =	vsub.f32 $0.0e+00, v23;
	(erf) = vpow2.f32 v42;
	v46 =	vpop (erf)  }
0x376: {  	v8 =	vmov v3;
	[tilespmem:s3+$0x34A0] =	vst v48;
	v53 =	vmul.f32 $1.442695020e+00, v29;
	(erf) = vpow2.f32 v52;
	v48 =	vpop (erf)  }
0x377: {  	[tilespmem:s3+$0x3480] =	vst v1;
	v11 =	vmov v2;
	v30 =	vmul.f32 $1.442695020e+00, v30;
	(erf) = vpow2.f32 v44;
	v51 =	vpop (erf)  }
0x378: {  	[tilespmem:s3+$0x3490] =	vst v43;
	v0 =	vmul.f32 v0, v25;
	v52 =	vsub.f32 $0.0e+00, v17;
	(erf) = vpow2.f32 v35;
	v35 =	vpop (erf)  }
0x379: {  	[tilespmem:s3+$0x34E0] =	vst v38;
	v25 =	vadd.f32 $1.000000000e+00, v32;
	v54 =	vmul.f32 v46, v19;
	(erf) = vpow2.f32 v49;
	v33 =	vpop (erf)  }
0x37a: {  	[tilespmem:s3+$0x34C0] =	vst v56;
	v32 =	vmul.f32 $1.442695020e+00, v52;
	(erf) = vpow2.f32 v26;
	v26 =	vsub.f32 $0.0e+00, v20;
	v56 =	vpop (erf)  }
0x37b: {  	s9 =	simm.s32 $0x300;
	[tilespmem:s3+$0x34F0] =	vst v50;
	v19 =	vadd.f32 $1.000000000e+00, v31;
	v28 =	vmul.f32 v48, v28;
	v27 =	vmul.f32 v51, v27;
	v59 =	vpop (erf)  }
0x37c: {  	v29 =	vld [tilespmem:s9+$0xD70];
	[tilespmem:s3+$0x3500] =	vst v0;
	(erf) = vpow2.f32 v30;
	v37 =	vmul.f32 $1.442695020e+00, v26;
	v39 =	vadd.f32 $1.000000000e+00, v56;
	v62 =	vpop (erf)  }
0x37d: {  	s10 =	simm.s32 $0x1000;
	v38 =	vld [tilespmem:s9+$0x2170];
	[tilespmem:s3+$0x3510] =	vst v54;
	(erf) = vpow2.f32 v53;
	v40 =	vadd.f32 $1.000000000e+00, v59;
	v26 =	vadd.f32 $1.000000000e+00, v62;
	v30 =	vpop (erf)  }
.LBB2_11:
0x37e: {  	v1 =	vpop (erf);
	v18 =	vmul.f32 v35, v18  }
0x37f: {  	v0 =	vld [tilespmem:s9+$0xC90];
	v34 =	vadd.f32 $1.000000000e+00, v30;
	[tilespmem:s3+$0x3520] =	vst v28;
	v7 =	vmul.f32 v36, v7;
	(erf) = vpow2.f32 v37;
	v53 =	vpop (erf)  }
0x380: {  	v28 =	vld [tilespmem:s9+$0x2090];
	v35 =	vadd.f32 $1.000000000e+00, v1;
	[tilespmem:s3+$0x3530] =	vst v27;
	(erf) = vpow2.f32 v32;
	v36 =	vadd.f32 $1.000000000e+00, v53;
	v54 =	vpop (erf)  }
0x381: {  	v27 =	vld [tilespmem:s9+$0xCB0];
	[tilespmem:s3+$0x3540] =	vst v18;
	(erf) = vrcp.f32 v39;
	v37 =	vadd.f32 $1.000000000e+00, v54;
	v18 =	vmul.f32 v33, v55  }
0x382: {  	v31 =	vld [tilespmem:s9+$0x20B0];
	v56 =	vpop (erf);
	[tilespmem:s2+$0x3550] =	vst v7;
	v7 =	vunpack.i.l.bf16.f32 v29;
	v29 =	vunpack.i.u.bf16.f32 v29;
	v30 =	vunpack.i.l.bf16.f32 v38  }
0x383: {  	(erf) = vrcp.f32 v40;
	v6 =	vld [tilespmem:s9+$0xCD0];
	v39 =	vadd.f32 $1.000000000e+00, v56;
	v59 =	vpop (erf);
	v7 =	vmul.f32 v30, v7;
	[tilespmem:s2+$0x3560] =	vst v18;
	s2 =	smov.u32 s3;
	s3 =	smov.u32 s7;
	s7 =	smov.u32 s9  }
0x384: {  	v44 =	vunpack.i.u.bf16.f32 v0;
	v0 =	vunpack.i.l.bf16.f32 v0;
	v42 =	vadd.f32 $1.000000000e+00, v59;
	v18 =	vld [tilespmem:s7+$0x20D0]  }
0x385: {  	v30 =	vunpack.i.u.bf16.f32 v38;
	v45 =	vunpack.i.u.bf16.f32 v28;
	v46 =	vld [tilespmem:s7+$0xCF0];
	(v2sf) =	vpush v7, $0x0  }
0x386: {  	v2 =	vmovc v57;
	v3 =	vmovc v22;
	v28 =	vunpack.i.l.bf16.f32 v28;
	v29 =	vmul.f32 v30, v29;
	v62 =	vld [tilespmem:s7+$0x20F0];
	(v2sf) =	vpush v7, $0x1  }
0x387: {  	v40 =	vpop (erf);
	v59 =	vunpack.i.l.bf16.f32 v27;
	v47 =	vld [tilespmem:s7+$0xD10];
	v0 =	vmul.f32 v28, v0;
	v51 =	vunpack.i.u.bf16.f32 v27  }
0x388: {  	v41 =	vpop (erf);
	v48 =	vld [tilespmem:s7+$0x2110];
	v44 =	vmul.f32 v45, v44;
	v7 =	vunpack.i.l.bf16.f32 v31;
	(v2sf) =	vpush v29, $0x0  }
0x389: {  	v43 =	vpop (erf);
	v50 =	vld [tilespmem:s7+$0xD30];
	v54 =	vunpack.i.u.bf16.f32 v31;
	v28 =	vunpack.i.l.bf16.f32 v6;
	v49 =	vmul.f32 v7, v59  }
0x38a: {  	v53 =	vld [tilespmem:s7+$0x2130];
	v38 =	vpop (erf);
	v55 =	vunpack.i.u.bf16.f32 v6;
	v51 =	vmul.f32 v54, v51;
	(v2sf) =	vpush v0, $0x0  }
0x38b: {  	v10 =	vmovc v20;
	v27 =	vmovc v15;
	v20 =	vld [tilespmem:s7+$0x20A0];
	v38 =	vadd.f32 $1.000000000e+00, v38;
	(v2sf) =	vpush v0, $0x1;
	v7 =	vunpack.i.l.bf16.f32 v18  }
0x38c: {  	v15 =	vmovc v11;
	v29 =	vmovc v21;
	v6 =	vunpack.i.l.bf16.f32 v62;
	v57 =	vunpack.i.u.bf16.f32 v18;
	v21 =	vunpack.i.u.bf16.f32 v46  }
0x38d: {  	v11 =	vmovc v17;
	v17 =	vld [tilespmem:s7+$0xC80];
	v1 =	vunpack.i.u.bf16.f32 v62;
	v18 =	vunpack.i.l.bf16.f32 v48;
	v62 =	vmovc v23;
	v23 =	vunpack.i.u.bf16.f32 v47  }
0x38e: {  	[tilespmem:$0x1FF50] =	vst v3;
	v3 =	vunpack.i.l.bf16.f32 v50;
	v48 =	vunpack.i.u.bf16.f32 v48;
	v50 =	vunpack.i.u.bf16.f32 v50  }
0x38f: {  	[tilespmem:$0x1FF40] =	vst v2;
	v56 =	vld [tilespmem:s7+$0xD50];
	v2 =	vunpack.i.l.bf16.f32 v53;
	v53 =	vunpack.i.u.bf16.f32 v53;
	(v2sf) =	vpush v49, $0x0  }
0x390: {  	v14 =	vmovc v63;
	v59 =	vld [tilespmem:s7+$0x2150];
	v63 =	vunpack.i.l.bf16.f32 v20;
	v52 =	vmul.f32 v7, v28;
	v54 =	vmul.f32 v57, v55  }
0x391: {  	v7 =	vunpack.i.l.bf16.f32 v46;
	v0 =	vmul.f32 v1, v21;
	v1 =	vmul.f32 v48, v23  }
0x392: {  	v22 =	vld [tilespmem:s7+$0x2080];
	v23 =	vmul.f32 v53, v50;
	(v2sf) =	vpush v49, $0x1;
	v49 =	vunpack.i.u.bf16.f32 v17  }
0x393: {  	v13 =	vmovc v58;
	v21 =	vld [tilespmem:s7+$0xD60];
	v17 =	vunpack.i.l.bf16.f32 v17;
	v58 =	vmul.f32 v6, v7;
	v7 =	vunpack.i.l.bf16.f32 v47  }
0x394: {  	v50 =	vld [tilespmem:s7+$0x2160];
	v47 =	vmul.f32 v2, v3;
	v3 =	vunpack.i.l.bf16.f32 v56;
	v56 =	vunpack.i.u.bf16.f32 v56;
	s0 =	spop (v2sf)  }
0x395: {  	[tilespmem:$0x1FF60] =	vst v62;
	v62 =	vunpack.i.u.bf16.f32 v59;
	v46 =	vmul.f32 v18, v7;
	v7 =	vld [tilespmem:$0x1FFE0];
	(v2sf) =	vpush v52, $0x0;
	s8 =	spop (v2sf)  }
0x396: {  	v59 =	vunpack.i.l.bf16.f32 v59;
	v48 =	vmul.f32 v62, v56;
	(v2sf) =	vpush v52, $0x1;
	s0 =	sadd.f32 s8, s0  }
0x397: {  	v45 =	vld [tilespmem:s7+$0x20C0];
	v56 =	vunpack.i.u.bf16.f32 v22;
	v22 =	vunpack.i.l.bf16.f32 v22;
	(v2sf) =	vpush v58, $0x0;
	s21 =	spop (v2sf)  }
0x398: {  	v55 =	vld [tilespmem:s7+$0xCE0];
	v62 =	vunpack.i.u.bf16.f32 v20;
	v22 =	vadd.f32 v22, v17;
	(v2sf) =	vpush v58, $0x1;
	s22 =	sadd.f32 s0, s21  }
0x399: {  	v20 =	vunpack.i.u.bf16.f32 v21;
	v5 =	vunpack.i.u.bf16.f32 v50;
	(v2sf) =	vpush v46, $0x0  }
0x39a: {  	v28 =	vmovc v24;
	v24 =	vld [tilespmem:s7+$0xCA0];
	v5 =	vadd.f32 v5, v20;
	(v2sf) =	vpush v46, $0x1;
	v20 =	vmul.f32 s22, v7  }
0x39b: {  	v59 =	vmul.f32 v59, v3;
	v49 =	vadd.f32 v56, v49;
	(v2sf) =	vpush v47, $0x0  }
0x39c: {  	v6 =	vunpack.i.u.bf16.f32 v45;
	(v2sf) =	vpush v47, $0x1;
	v20 =	vadd.f32 v20, v5  }
0x39d: {  	v18 =	vmovc v16;
	v16 =	vmovc v61;
	v61 =	vld [tilespmem:s7+$0xCC0];
	v47 =	vunpack.i.l.bf16.f32 v55;
	v5 =	vunpack.i.l.bf16.f32 v45;
	(v2sf) =	vpush v59, $0x0  }
0x39e: {  	v9 =	vmovc v12;
	v12 =	vmovc v60;
	v53 =	vld [tilespmem:s7+$0x20E0];
	v45 =	vunpack.i.u.bf16.f32 v55;
	(v2sf) =	vpush v59, $0x1;
	v55 =	vsub.f32 $0.0e+00, v20  }
0x39f: {  	v32 =	vpop (erf);
	v21 =	vunpack.i.l.bf16.f32 v21;
	v52 =	vunpack.i.u.bf16.f32 v24;
	(v2sf) =	vpush v44, $0x0  }
0x3a0: {  	v33 =	vpop (erf);
	v57 =	vld [tilespmem:s7+$0xD00];
	v24 =	vunpack.i.l.bf16.f32 v24;
	s23 =	spop (v2sf);
	(v2sf) =	vpush v51, $0x0;
	v55 =	vmul.f32 $1.442695020e+00, v55  }
0x3a1: {  	v60 =	vld [tilespmem:s7+$0x2100];
	v30 =	vpop (erf);
	v17 =	vunpack.i.l.bf16.f32 v50;
	v24 =	vadd.f32 v63, v24;
	s24 =	spop (v2sf);
	(v2sf) =	vpush v54, $0x0  }
0x3a2: {  	v4 =	vld [tilespmem:s7+$0xD20];
	v31 =	vpop (erf);
	v46 =	vunpack.i.u.bf16.f32 v61;
	s26 =	spop (v2sf);
	(v2sf) =	vpush v0, $0x0;
	(erf) = vpow2.f32 v55  }
0x3a3: {  	v58 =	vld [tilespmem:s7+$0x2120];
	v61 =	vunpack.i.l.bf16.f32 v61;
	s29 =	spop (v2sf);
	v6 =	vadd.f32 v6, v46;
	v59 =	vunpack.i.u.bf16.f32 v53  }
0x3a4: {  	v3 =	vld [tilespmem:s7+$0x2140];
	v53 =	vunpack.i.l.bf16.f32 v53;
	v5 =	vadd.f32 v5, v61;
	(v2sf) =	vpush v1, $0x0;
	s31 =	spop (v2sf)  }
0x3a5: {  	v2 =	vld [tilespmem:s7+$0xD40];
	v44 =	vunpack.i.u.bf16.f32 v57;
	v51 =	vunpack.i.l.bf16.f32 v57;
	(v2sf) =	vpush v23, $0x0;
	s13 =	spop (v2sf)  }
0x3a6: {  	v57 =	vunpack.i.u.bf16.f32 v60;
	v54 =	vunpack.i.l.bf16.f32 v60;
	v60 =	vmul.f32 s22, v8;
	s14 =	spop (v2sf)  }
0x3a7: {  	v44 =	vadd.f32 v57, v44;
	v0 =	vunpack.i.u.bf16.f32 v4;
	v4 =	vunpack.i.l.bf16.f32 v4;
	s19 =	spop (v2sf)  }
0x3a8: {  	s11 =	sadd.f32 s24, s23;
	v1 =	vunpack.i.u.bf16.f32 v58;
	(erf) = vrcp.f32 v26;
	(v2sf) =	vpush v48, $0x0;
	s21 =	spop (v2sf)  }
0x3a9: {  	v55 =	vunpack.i.l.bf16.f32 v58;
	v58 =	vunpack.i.u.bf16.f32 v3;
	(erf) = vrcp.f32 v34;
	s9 =	sadd.f32 s19, s14;
	s14 =	spop (v2sf)  }
0x3aa: {  	s0 =	sadd.f32 s29, s26;
	v3 =	vunpack.i.l.bf16.f32 v3;
	v23 =	vunpack.i.u.bf16.f32 v2;
	(erf) = vrcp.f32 v35;
	s22 =	spop (v2sf)  }
0x3ab: {  	v34 =	vadd.f32 v53, v47;
	s8 =	sadd.f32 s13, s31;
	v35 =	vadd.f32 v59, v45;
	s19 =	spop (v2sf);
	v53 =	vpop (erf);
	(erf) = vrcp.f32 v36  }
0x3ac: {  	v45 =	vadd.f32 v54, v51;
	s13 =	sadd.f32 s14, s21;
	s23 =	spop (v2sf);
	v54 =	vadd.f32 $1.000000000e+00, v53;
	(erf) = vrcp.f32 v37  }
0x3ad: {  	v2 =	vunpack.i.l.bf16.f32 v2;
	v26 =	vadd.f32 v62, v52;
	s14 =	sadd.f32 s19, s22;
	s21 =	spop (v2sf);
	(erf) = vrcp.f32 v39  }
0x3ae: {  	v4 =	vadd.f32 v55, v4;
	v0 =	vadd.f32 v1, v0;
	s19 =	sadd.f32 s21, s23;
	s24 =	spop (v2sf);
	(erf) = vrcp.f32 v54  }
0x3af: {  	v55 =	vadd.f32 v17, v21;
	v21 =	vadd.f32 $1.000000000e+00, v40;
	s11 =	sadd.f32 s11, s24;
	s26 =	spop (v2sf);
	(erf) = vrcp.f32 v42  }
0x3b0: {  	v1 =	vadd.f32 v3, v2;
	v2 =	vadd.f32 v58, v23;
	s0 =	sadd.f32 s0, s26;
	s29 =	spop (v2sf);
	(erf) = vrcp.f32 v25  }
0x3b1: {  	v23 =	vadd.f32 $1.000000000e+00, v41;
	v17 =	vadd.f32 v60, v55;
	v3 =	vpop (erf);
	v25 =	vmul.f32 s11, v8;
	s8 =	sadd.f32 s8, s29;
	s31 =	spop (v2sf)  }
0x3b2: {  	v37 =	vadd.f32 $1.000000000e+00, v43;
	v41 =	vpop (erf);
	v56 =	vmul.f32 s11, v7;
	v57 =	vmul.f32 s0, v8;
	s21 =	sadd.f32 s9, s31  }
0x3b3: {  	v43 =	vpop (erf);
	v58 =	vmul.f32 s0, v7;
	s22 =	spop (v2sf);
	v42 =	vadd.f32 v25, v22;
	v22 =	vmul.f32 s8, v8  }
0x3b4: {  	v25 =	vmul.f32 s8, v7;
	s23 =	sadd.f32 s13, s22;
	s24 =	spop (v2sf);
	v46 =	vadd.f32 v56, v49;
	v59 =	vmul.f32 s21, v8;
	v48 =	vpop (erf)  }
0x3b5: {  	v60 =	vmul.f32 s21, v7;
	s26 =	sadd.f32 s14, s24;
	v39 =	vadd.f32 v57, v24;
	v26 =	vadd.f32 v58, v26;
	v50 =	vpop (erf)  }
0x3b6: {  	v24 =	vmul.f32 s23, v8;
	v61 =	vmul.f32 s23, v7;
	v5 =	vadd.f32 v22, v5;
	v52 =	vpop (erf)  }
0x3b7: {  	s29 =	spop (v2sf);
	v6 =	vadd.f32 v25, v6;
	v62 =	vmul.f32 s26, v8;
	v63 =	vmul.f32 s26, v7;
	v22 =	vpop (erf)  }
0x3b8: {  	s31 =	sadd.f32 s19, s29;
	v34 =	vadd.f32 v59, v34;
	v47 =	vadd.f32 v60, v35;
	v55 =	vpop (erf);
	(erf) = vrcp.f32 v21  }
0x3b9: {  	v59 =	vsub.f32 $0.0e+00, v42;
	v60 =	vsub.f32 $0.0e+00, v46;
	v36 =	vpop (erf);
	(erf) = vrcp.f32 v23  }
0x3ba: {  	v57 =	vmul.f32 s31, v8;
	v45 =	vadd.f32 v24, v45;
	(erf) = vrcp.f32 v37  }
0x3bb: {  	v25 =	vsub.f32 $0.0e+00, v6;
	v20 =	vmul.f32 v22, v20;
	(erf) = vrcp.f32 v38  }
0x3bc: {  	v21 =	vadd.f32 v61, v44;
	v22 =	vadd.f32 v62, v4;
	(erf) = vrcp.f32 v19  }
0x3bd: {  	v58 =	vmul.f32 s31, v7;
	v24 =	vadd.f32 v57, v1;
	v61 =	vsub.f32 $0.0e+00, v39  }
0x3be: {  	v4 =	vsub.f32 $0.0e+00, v26;
	v1 =	vmul.f32 $1.442695020e+00, v60;
	v62 =	vsub.f32 $0.0e+00, v34  }
0x3bf: {  	v56 =	vmul.f32 $1.442695020e+00, v25;
	v23 =	vadd.f32 v63, v0;
	v0 =	vmul.f32 $1.442695020e+00, v59  }
0x3c0: {  	[tilespmem:s7+$0x3570] =	vst v20;
	v20 =	vadd.f32 v58, v2;
	v2 =	vmul.f32 $1.442695020e+00, v61;
	v37 =	vsub.f32 $0.0e+00, v47  }
0x3c1: {  	v4 =	vmul.f32 $1.442695020e+00, v4;
	v40 =	vsub.f32 $0.0e+00, v21;
	v44 =	vsub.f32 $0.0e+00, v22;
	v54 =	vpop (erf)  }
0x3c2: {  	v53 =	vsub.f32 $0.0e+00, v24;
	v58 =	vsub.f32 $0.0e+00, v17;
	v60 =	vmul.f32 $1.442695020e+00, v62;
	v59 =	vpop (erf)  }
0x3c3: {  	v63 =	vld [tilespmem:$0x1FF70];
	v19 =	vsub.f32 $0.0e+00, v5;
	v61 =	vmul.f32 $1.442695020e+00, v37;
	v40 =	vmul.f32 $1.442695020e+00, v40;
	v62 =	vpop (erf)  }
0x3c4: {  	v44 =	vmul.f32 $1.442695020e+00, v44;
	v53 =	vmul.f32 $1.442695020e+00, v53;
	v35 =	vpop (erf)  }
0x3c5: {  	v49 =	vmul.f32 $1.442695020e+00, v19;
	v19 =	vadd.f32 $1.000000000e+00, v33;
	v33 =	vpop (erf);
	(erf) = vpow2.f32 v0  }
0x3c6: {  	v25 =	vadd.f32 $1.000000000e+00, v32;
	v32 =	vmul.f32 $1.442695020e+00, v58;
	(erf) = vpow2.f32 v1  }
0x3c7: {  	v38 =	vsub.f32 $0.0e+00, v45;
	v58 =	vmovc v42;
	v42 =	vmovc v46;
	v46 =	vmul.f32 v3, v14;
	(erf) = vpow2.f32 v2  }
0x3c8: {  	v51 =	vsub.f32 $0.0e+00, v23;
	v0 =	vmul.f32 v30, v63;
	v63 =	vld [tilespmem:$0x1FF80];
	(erf) = vpow2.f32 v4  }
0x3c9: {  	v57 =	vsub.f32 $0.0e+00, v20;
	[tilespmem:s3+$0x34A0] =	vst v46;
	v46 =	vmul.f32 v52, v16;
	(erf) = vpow2.f32 v49  }
0x3ca: {  	v38 =	vmul.f32 $1.442695020e+00, v38;
	[tilespmem:$0x1FF70] =	vst v58;
	(erf) = vpow2.f32 v56;
	v56 =	vld [tilespmem:$0x1FF50]  }
0x3cb: {  	v51 =	vmul.f32 $1.442695020e+00, v51;
	v37 =	vmul.f32 $1.442695020e+00, v57;
	[tilespmem:s3+$0x34F0] =	vst v46  }
0x3cc: {  	[tilespmem:$0x1FF80] =	vst v42;
	v42 =	vmul.f32 v48, v27;
	v49 =	vmul.f32 v55, v18  }
0x3cd: {  	[tilespmem:s3+$0x3480] =	vst v0;
	v1 =	vmul.f32 v31, v63;
	v63 =	vmov v39;
	v39 =	vmul.f32 v41, v13  }
0x3ce: {  	v7 =	vmov v12;
	[tilespmem:s3+$0x34D0] =	vst v42;
	v41 =	vmul.f32 v43, v15;
	(erf) = vpow2.f32 v60  }
0x3cf: {  	p0 =	sne.s32 s10, $0x2400;
	v12 =	vmovc v34;
	v57 =	vmovc v11;
	v18 =	vmov v28;
	[tilespmem:s3+$0x3490] =	vst v1;
	(erf) = vpow2.f32 v61;
	v28 =	vmul.f32 v59, v56;
	v59 =	vld [tilespmem:$0x1FF60]  }
.Ltmp9:
0x3d0: {  	v11 =	vmovc v5;
	v16 =	vmovc v45;
	v58 =	vmov v26;
	v43 =	vmul.f32 v50, v9;
	[tilespmem:s3+$0x34B0] =	vst v39;
	(erf) = vpow2.f32 v38;
	(pc) =	sbr.rel @p0 .LBB2_11-.Ltmp9, $4  }
0x3d1: {  	v52 =	vmul.f32 v54, v29;
	v15 =	vmov v6;
	[tilespmem:s3+$0x34C0] =	vst v41;
	v48 =	vpop (erf);
	(erf) = vpow2.f32 v40  }
0x3d2: {  	s9 =	sshra.s32 s10, $0x2;
	v55 =	vld [tilespmem:$0x1FF40];
	v60 =	vmov v10;
	v61 =	vmov v47;
	[tilespmem:s3+$0x34E0] =	vst v43;
	v50 =	vpop (erf);
	(erf) = vpow2.f32 v44  }
0x3d3: {  	v29 =	vld [tilespmem:s9+$0xD70];
	[tilespmem:s3+$0x3500] =	vst v49;
	v39 =	vadd.f32 $1.000000000e+00, v48;
	v40 =	vadd.f32 $1.000000000e+00, v50;
	v54 =	vpop (erf);
	(erf) = vpow2.f32 v51  }
0x3d4: {  	s10 =	sadd.s32 $0x400, s10;
	v38 =	vld [tilespmem:s9+$0x2170];
	[tilespmem:s3+$0x3510] =	vst v52;
	v26 =	vadd.f32 $1.000000000e+00, v54;
	v30 =	vpop (erf);
	(erf) = vpow2.f32 v53;
	v27 =	vmul.f32 v62, v59  }
0x3d5: {  	v0 =	vld [tilespmem:s9+$0xC90];
	[tilespmem:s3+$0x3520] =	vst v28;
	v2 =	vmul.f32 v35, v18  }
0x3d6: {  	v4 =	vpop (erf);
	v5 =	vmul.f32 v36, v7;
	(erf) = vpow2.f32 v37;
	v1 =	vld [tilespmem:s9+$0x2090];
	[tilespmem:s3+$0x3530] =	vst v27  }
0x3d7: {  	v31 =	vadd.f32 $1.000000000e+00, v30;
	v30 =	vadd.f32 $1.000000000e+00, v4;
	(erf) = vpow2.f32 v32;
	v3 =	vld [tilespmem:s9+$0xCB0];
	[tilespmem:s3+$0x3540] =	vst v2  }
0x3d8: {  	v10 =	vmul.f32 v33, v55;
	v6 =	vld [tilespmem:s9+$0x20B0];
	[tilespmem:s2+$0x3550] =	vst v5;
	v5 =	vunpack.i.l.bf16.f32 v29;
	v47 =	vunpack.i.u.bf16.f32 v29  }
0x3d9: {  	v2 =	vpop (erf);
	(erf) = vrcp.f32 v39;
	v13 =	vunpack.i.l.bf16.f32 v38;
	v48 =	vunpack.i.u.bf16.f32 v38  }
0x3da: {  	v4 =	vpop (erf);
	v28 =	vadd.f32 $1.000000000e+00, v2;
	v2 =	vld [tilespmem:s9+$0xCD0];
	(erf) = vrcp.f32 v40;
	[tilespmem:s2+$0x3560] =	vst v10;
	v5 =	vmul.f32 v13, v5  }
0x3db: {  	v36 =	vmul.f32 v48, v47;
	v7 =	vadd.f32 $1.000000000e+00, v4;
	v4 =	vpop (erf);
	v18 =	vld [tilespmem:s9+$0x20D0];
	v14 =	vunpack.i.u.bf16.f32 v1  }
0x3dc: {  	v1 =	vunpack.i.l.bf16.f32 v1;
	v45 =	vld [tilespmem:s9+$0xCF0];
	v27 =	vadd.f32 $1.000000000e+00, v4;
	v4 =	vunpack.i.u.bf16.f32 v0;
	v34 =	vpop (erf)  }
0x3dd: {  	v46 =	vld [tilespmem:s9+$0x20F0];
	v0 =	vunpack.i.l.bf16.f32 v0;
	(v2sf) =	vpush v5, $0x0;
	v29 =	vadd.f32 $1.000000000e+00, v34  }
0x3de: {  	v49 =	vld [tilespmem:s9+$0xD10];
	(v2sf) =	vpush v5, $0x1;
	v5 =	vunpack.i.l.bf16.f32 v3;
	v0 =	vmul.f32 v1, v0  }
0x3df: {  	v50 =	vld [tilespmem:s9+$0x2110];
	v1 =	vunpack.i.l.bf16.f32 v6;
	v3 =	vunpack.i.u.bf16.f32 v3;
	v6 =	vunpack.i.u.bf16.f32 v6  }
0x3e0: {  	v55 =	vld [tilespmem:s9+$0x2130];
	v4 =	vmul.f32 v14, v4;
	(v2sf) =	vpush v36, $0x0;
	v1 =	vmul.f32 v1, v5  }
0x3e1: {  	v41 =	vld [tilespmem:s9+$0xD50];
	v3 =	vmul.f32 v6, v3;
	v51 =	vunpack.i.l.bf16.f32 v2;
	v2 =	vunpack.i.u.bf16.f32 v2  }
0x3e2: {  	v42 =	vld [tilespmem:s9+$0x2150];
	(v2sf) =	vpush v0, $0x0;
	v52 =	vunpack.i.l.bf16.f32 v18;
	v54 =	vunpack.i.l.bf16.f32 v45  }
0x3e3: {  	v56 =	vunpack.i.l.bf16.f32 v46;
	v18 =	vunpack.i.u.bf16.f32 v18;
	v59 =	vunpack.i.l.bf16.f32 v49  }
0x3e4: {  	v47 =	vld [tilespmem:s9+$0xCA0];
	v33 =	vunpack.i.u.bf16.f32 v45;
	v43 =	vunpack.i.l.bf16.f32 v50;
	v35 =	vunpack.i.u.bf16.f32 v46  }
0x3e5: {  	v32 =	vld [tilespmem:s9+$0x2160];
	v34 =	vunpack.i.u.bf16.f32 v49;
	v37 =	vunpack.i.u.bf16.f32 v50;
	v44 =	vunpack.i.l.bf16.f32 v55  }
0x3e6: {  	v10 =	vld [tilespmem:s9+$0x20A0];
	v39 =	vunpack.i.u.bf16.f32 v55;
	v9 =	vunpack.i.l.bf16.f32 v41;
	(v2sf) =	vpush v0, $0x1  }
0x3e7: {  	v13 =	vld [tilespmem:s9+$0xCC0];
	v41 =	vunpack.i.u.bf16.f32 v41;
	v46 =	vunpack.i.u.bf16.f32 v42;
	v42 =	vunpack.i.l.bf16.f32 v42  }
0x3e8: {  	v5 =	vld [tilespmem:s9+$0xD30];
	v53 =	vmul.f32 v52, v51;
	v38 =	vmul.f32 v56, v54;
	(v2sf) =	vpush v1, $0x0  }
0x3e9: {  	v40 =	vmul.f32 v43, v59;
	v2 =	vmul.f32 v18, v2;
	(v2sf) =	vpush v1, $0x1  }
0x3ea: {  	v18 =	vmul.f32 v35, v33;
	v33 =	vmul.f32 v37, v34;
	(v2sf) =	vpush v53, $0x0  }
0x3eb: {  	v14 =	vld [tilespmem:s9+$0x20C0];
	v36 =	vmul.f32 v46, v41;
	v52 =	vunpack.i.u.bf16.f32 v32;
	(v2sf) =	vpush v53, $0x1  }
0x3ec: {  	v6 =	vld [tilespmem:s9+$0xD60];
	v59 =	vunpack.i.l.bf16.f32 v47;
	v34 =	vunpack.i.l.bf16.f32 v10;
	(v2sf) =	vpush v38, $0x0  }
0x3ed: {  	v41 =	vunpack.i.l.bf16.f32 v13;
	v62 =	vunpack.i.l.bf16.f32 v5;
	(v2sf) =	vpush v38, $0x1  }
0x3ee: {  	v32 =	vunpack.i.l.bf16.f32 v32;
	v43 =	vmul.f32 v44, v62;
	(v2sf) =	vpush v40, $0x0  }
0x3ef: {  	v45 =	vld [tilespmem:s9+$0xC80];
	v1 =	vmul.f32 v42, v9;
	v42 =	vunpack.i.u.bf16.f32 v47;
	(v2sf) =	vpush v40, $0x1  }
0x3f0: {  	v0 =	vld [tilespmem:s9+$0x2080];
	v48 =	vunpack.i.u.bf16.f32 v14;
	v34 =	vadd.f32 v34, v59;
	(v2sf) =	vpush v43, $0x0  }
0x3f1: {  	v5 =	vunpack.i.u.bf16.f32 v5;
	v51 =	vunpack.i.u.bf16.f32 v6;
	(v2sf) =	vpush v43, $0x1  }
0x3f2: {  	v56 =	vld [tilespmem:$0x1FFE0];
	v6 =	vunpack.i.l.bf16.f32 v6;
	v5 =	vmul.f32 v39, v5;
	s0 =	spop (v2sf);
	(v2sf) =	vpush v1, $0x0  }
0x3f3: {  	v9 =	vld [tilespmem:s9+$0x20E0];
	v35 =	vadd.f32 v52, v51;
	v62 =	vunpack.i.u.bf16.f32 v10;
	s22 =	spop (v2sf);
	(v2sf) =	vpush v1, $0x1  }
0x3f4: {  	v53 =	vld [tilespmem:s9+$0xCE0];
	v10 =	vunpack.i.u.bf16.f32 v13;
	v6 =	vadd.f32 v32, v6;
	s0 =	sadd.f32 s22, s0;
	s23 =	spop (v2sf);
	(v2sf) =	vpush v4, $0x0  }
0x3f5: {  	v37 =	vunpack.i.u.bf16.f32 v45;
	v39 =	vunpack.i.u.bf16.f32 v0;
	(v2sf) =	vpush v3, $0x0;
	s24 =	spop (v2sf)  }
0x3f6: {  	v0 =	vunpack.i.l.bf16.f32 v0;
	v42 =	vadd.f32 v62, v42;
	s2 =	sadd.f32 s0, s23;
	(v2sf) =	vpush v2, $0x0;
	s8 =	spop (v2sf)  }
0x3f7: {  	v13 =	vld [tilespmem:s9+$0x2120];
	v44 =	vadd.f32 v48, v10;
	v38 =	vunpack.i.l.bf16.f32 v45;
	(v2sf) =	vpush v18, $0x0;
	s10 =	spop (v2sf)  }
0x3f8: {  	v37 =	vadd.f32 v39, v37;
	v50 =	vunpack.i.u.bf16.f32 v9;
	v1 =	vld [tilespmem:s9+$0xD00];
	v55 =	vmul.f32 s2, v56;
	s11 =	spop (v2sf)  }
0x3f9: {  	v47 =	vunpack.i.l.bf16.f32 v9;
	v45 =	vunpack.i.l.bf16.f32 v53;
	v4 =	vld [tilespmem:s9+$0x2100];
	(v2sf) =	vpush v33, $0x0;
	s13 =	spop (v2sf)  }
0x3fa: {  	v3 =	vunpack.i.l.bf16.f32 v14;
	v14 =	vld [tilespmem:s9+$0xD40];
	(v2sf) =	vpush v5, $0x0;
	v35 =	vadd.f32 v55, v35;
	s14 =	spop (v2sf)  }
0x3fb: {  	v0 =	vadd.f32 v0, v38;
	v40 =	vunpack.i.u.bf16.f32 v53;
	v45 =	vadd.f32 v47, v45;
	s19 =	spop (v2sf)  }
0x3fc: {  	v62 =	vunpack.i.u.bf16.f32 v13;
	(v2sf) =	vpush v36, $0x0;
	v49 =	vsub.f32 $0.0e+00, v35;
	s21 =	spop (v2sf)  }
0x3fd: {  	v40 =	vadd.f32 v50, v40;
	v2 =	vld [tilespmem:s9+$0xD20];
	v3 =	vadd.f32 v3, v41;
	v51 =	vunpack.i.u.bf16.f32 v1;
	s26 =	spop (v2sf)  }
0x3fe: {  	s0 =	sadd.f32 s8, s24;
	v1 =	vunpack.i.l.bf16.f32 v1;
	v33 =	vunpack.i.l.bf16.f32 v13;
	v5 =	vpop (erf);
	v49 =	vmul.f32 $1.442695020e+00, v49;
	s29 =	spop (v2sf)  }
0x3ff: {  	v52 =	vunpack.i.u.bf16.f32 v4;
	v53 =	vunpack.i.l.bf16.f32 v4;
	v36 =	vpop (erf);
	v55 =	vld [tilespmem:s9+$0x2140];
	v9 =	vunpack.i.u.bf16.f32 v14;
	s13 =	sadd.f32 s14, s13;
	s31 =	spop (v2sf)  }
0x400: {  	v10 =	vunpack.i.l.bf16.f32 v14;
	v1 =	vadd.f32 v53, v1;
	v54 =	vpop (erf);
	s14 =	sadd.f32 s21, s19;
	(erf) = vpow2.f32 v49;
	s21 =	spop (v2sf)  }
0x401: {  	s10 =	sadd.f32 s11, s10;
	v14 =	vmul.f32 s2, v8;
	v5 =	vadd.f32 $1.000000000e+00, v5;
	(erf) = vrcp.f32 v26;
	v26 =	vpop (erf);
	s22 =	spop (v2sf)  }
0x402: {  	v59 =	vunpack.i.u.bf16.f32 v2;
	v2 =	vunpack.i.l.bf16.f32 v2;
	s8 =	sadd.f32 s29, s26;
	v18 =	vpop (erf);
	(erf) = vrcp.f32 v31;
	s23 =	spop (v2sf)  }
0x403: {  	v2 =	vadd.f32 v33, v2;
	v41 =	vadd.f32 v62, v59;
	s2 =	sadd.f32 s21, s31;
	v4 =	vpop (erf);
	(erf) = vrcp.f32 v30;
	s24 =	spop (v2sf)  }
0x404: {  	v13 =	vunpack.i.u.bf16.f32 v55;
	v53 =	vunpack.i.l.bf16.f32 v55;
	(erf) = vrcp.f32 v28;
	s0 =	sadd.f32 s0, s24;
	s26 =	spop (v2sf)  }
0x405: {  	v49 =	vadd.f32 v52, v51;
	v43 =	vadd.f32 v53, v10;
	(erf) = vrcp.f32 v7;
	s10 =	sadd.f32 s10, s26;
	s29 =	spop (v2sf)  }
0x406: {  	v46 =	vadd.f32 v13, v9;
	(erf) = vrcp.f32 v27;
	v59 =	vmul.f32 s0, v8;
	s31 =	sadd.f32 s13, s29;
	s19 =	spop (v2sf)  }
0x407: {  	v7 =	vadd.f32 v14, v6;
	v62 =	vmul.f32 s0, v56;
	v9 =	vmul.f32 s10, v8;
	s21 =	sadd.f32 s14, s19  }
0x408: {  	s11 =	sadd.f32 s23, s22;
	v38 =	vpop (erf);
	v10 =	vmul.f32 s10, v56;
	s22 =	spop (v2sf);
	v30 =	vadd.f32 v59, v0;
	v0 =	vmul.f32 s31, v8  }
0x409: {  	v39 =	vpop (erf);
	v13 =	vmul.f32 s31, v56;
	s23 =	sadd.f32 s8, s22;
	s24 =	spop (v2sf);
	v31 =	vadd.f32 v62, v37;
	v14 =	vmul.f32 s21, v8  }
0x40a: {  	v55 =	vpop (erf);
	v59 =	vmul.f32 s21, v56;
	s2 =	sadd.f32 s2, s24;
	v33 =	vadd.f32 v9, v34;
	v34 =	vadd.f32 v10, v42  }
0x40b: {  	s26 =	spop (v2sf);
	v28 =	vadd.f32 $1.000000000e+00, v55;
	v62 =	vmul.f32 s23, v8;
	v9 =	vmul.f32 s23, v56  }
0x40c: {  	s29 =	sadd.f32 s11, s26;
	v32 =	vadd.f32 v0, v3;
	v10 =	vmul.f32 s2, v8;
	v3 =	vmul.f32 s2, v56  }
0x40d: {  	v52 =	vsub.f32 $0.0e+00, v34;
	(erf) = vrcp.f32 v28;
	v28 =	vadd.f32 $1.000000000e+00, v36  }
0x40e: {  	v36 =	vadd.f32 $1.000000000e+00, v54;
	v54 =	vmul.f32 s29, v8;
	v27 =	vadd.f32 v62, v1  }
0x40f: {  	v48 =	vpop (erf);
	v1 =	vsub.f32 $0.0e+00, v30;
	v55 =	vsub.f32 $0.0e+00, v32;
	(erf) = vrcp.f32 v29  }
0x410: {  	v47 =	vpop (erf);
	(erf) = vrcp.f32 v25;
	v25 =	vadd.f32 v14, v45;
	v14 =	vadd.f32 $1.000000000e+00, v26  }
0x411: {  	v50 =	vpop (erf);
	v26 =	vadd.f32 v59, v40;
	v40 =	vmul.f32 s29, v56;
	v1 =	vmul.f32 $1.442695020e+00, v1  }
0x412: {  	v51 =	vpop (erf);
	v29 =	vadd.f32 v13, v44;
	v59 =	vmul.f32 $1.442695020e+00, v52;
	v62 =	vmul.f32 $1.442695020e+00, v55  }
0x413: {  	v53 =	vpop (erf);
	v15 =	vmul.f32 v51, v15;
	(erf) = vrcp.f32 v5;
	v5 =	vsub.f32 $0.0e+00, v31  }
0x414: {  	v0 =	vpop (erf);
	(erf) = vrcp.f32 v28;
	v28 =	vadd.f32 v9, v49;
	v49 =	vsub.f32 $0.0e+00, v33  }
0x415: {  	v9 =	vsub.f32 $0.0e+00, v26;
	v0 =	vmul.f32 v0, v61;
	(erf) = vrcp.f32 v36  }
0x416: {  	v5 =	vmul.f32 $1.442695020e+00, v5;
	v36 =	vadd.f32 v40, v46;
	(erf) = vrcp.f32 v14  }
0x417: {  	(erf) = vrcp.f32 v19;
	v19 =	vadd.f32 v10, v2;
	v10 =	vsub.f32 $0.0e+00, v27  }
0x418: {  	v6 =	vmul.f32 $1.442695020e+00, v49;
	v46 =	vsub.f32 $0.0e+00, v36;
	(erf) = vpow2.f32 v1  }
0x419: {  	v13 =	vpop (erf);
	(erf) = vpow2.f32 v5;
	v5 =	vsub.f32 $0.0e+00, v25;
	v52 =	vmul.f32 $1.442695020e+00, v10  }
0x41a: {  	v1 =	vsub.f32 $0.0e+00, v29;
	v46 =	vmul.f32 $1.442695020e+00, v46;
	v45 =	vmul.f32 v13, v35  }
0x41b: {  	(erf) = vpow2.f32 v6;
	v35 =	vadd.f32 v3, v41;
	v3 =	vmul.f32 $1.442695020e+00, v5  }
0x41c: {  	v37 =	vadd.f32 v54, v43;
	v1 =	vmul.f32 $1.442695020e+00, v1;
	v2 =	vpop (erf);
	(erf) = vpow2.f32 v59  }
0x41d: {  	v13 =	vsub.f32 $0.0e+00, v19;
	v6 =	vmul.f32 $1.442695020e+00, v9;
	v9 =	vld [tilespmem:$0x1FF70];
	(erf) = vpow2.f32 v62;
	v5 =	vpop (erf)  }
0x41e: {  	v2 =	vmul.f32 v2, v16;
	(erf) = vpow2.f32 v1;
	v1 =	vsub.f32 $0.0e+00, v28;
	v42 =	vpop (erf)  }
0x41f: {  	v14 =	vsub.f32 $0.0e+00, v35;
	v41 =	vmul.f32 $1.442695020e+00, v13;
	(erf) = vpow2.f32 v3;
	v3 =	vpop (erf)  }
0x420: {  	v1 =	vmul.f32 $1.442695020e+00, v1;
	(erf) = vpow2.f32 v6;
	v43 =	vpop (erf)  }
0x421: {  	v55 =	vsub.f32 $0.0e+00, v37;
	v44 =	vmul.f32 $1.442695020e+00, v14;
	(erf) = vpow2.f32 v52;
	v40 =	vpop (erf)  }
0x422: {  	v59 =	vld [tilespmem:$0x1FF80];
	v13 =	vmul.f32 v38, v9;
	(erf) = vpow2.f32 v1;
	v1 =	vsub.f32 $0.0e+00, v7;
	v38 =	vpop (erf)  }
0x423: {  	v6 =	vmul.f32 $1.442695020e+00, v55;
	v55 =	vmul.f32 v48, v63;
	v62 =	vpop (erf)  }
0x424: {  	(erf) = vpow2.f32 v41;
	v1 =	vmul.f32 $1.442695020e+00, v1;
	v49 =	vpop (erf)  }
0x425: {  	[tilespmem:s9+$0x3570] =	vst v45;
	v63 =	vmul.f32 v47, v58;
	(erf) = vpow2.f32 v44;
	v52 =	vpop (erf)  }
0x426: {  	[tilespmem:s7+$0x34F0] =	vst v0;
	v0 =	vmul.f32 v42, v21;
	(erf) = vpow2.f32 v6;
	v54 =	vpop (erf)  }
0x427: {  	[tilespmem:s7+$0x34D0] =	vst v15;
	v14 =	vmul.f32 v39, v59;
	v59 =	vadd.f32 $1.000000000e+00, v62;
	(erf) = vpow2.f32 v46;
	v62 =	vpop (erf)  }
0x428: {  	[tilespmem:s7+$0x3500] =	vst v2;
	v2 =	vmul.f32 v3, v22;
	v41 =	vadd.f32 $1.000000000e+00, v49;
	(erf) = vpow2.f32 v1;
	v1 =	vpop (erf)  }
0x429: {  	[tilespmem:s7+$0x3510] =	vst v0;
	v0 =	vmul.f32 v43, v23;
	v10 =	vadd.f32 $1.000000000e+00, v52;
	(erf) = vrcp.f32 v59;
	v47 =	vpop (erf)  }
0x42a: {  	[tilespmem:s7+$0x3480] =	vst v13;
	v6 =	vadd.f32 $1.000000000e+00, v54;
	(erf) = vrcp.f32 v41;
	v1 =	vadd.f32 $1.000000000e+00, v1;
	v48 =	vpop (erf)  }
0x42b: {  	[tilespmem:s7+$0x34A0] =	vst v55;
	v46 =	vmul.f32 v50, v11;
	v50 =	vadd.f32 $1.000000000e+00, v62;
	(erf) = vrcp.f32 v10;
	v51 =	vpop (erf)  }
0x42c: {  	[tilespmem:s7+$0x34B0] =	vst v63;
	v49 =	vmul.f32 v53, v12;
	(erf) = vrcp.f32 v6;
	v52 =	vpop (erf)  }
0x42d: {  	[tilespmem:s7+$0x3490] =	vst v14;
	v13 =	vadd.f32 $1.000000000e+00, v47;
	(erf) = vrcp.f32 v50;
	v3 =	vadd.f32 $1.000000000e+00, v51;
	v53 =	vpop (erf)  }
0x42e: {  	[tilespmem:s7+$0x3520] =	vst v2;
	v2 =	vmul.f32 v40, v24;
	v54 =	vadd.f32 $1.000000000e+00, v48;
	(erf) = vrcp.f32 v1;
	v1 =	vpop (erf)  }
0x42f: {  	[tilespmem:s7+$0x3530] =	vst v0;
	(erf) = vrcp.f32 v13;
	v55 =	vpop (erf)  }
0x430: {  	[tilespmem:s7+$0x3540] =	vst v2;
	(erf) = vrcp.f32 v54;
	v59 =	vpop (erf)  }
0x431: {  	v58 =	vadd.f32 $1.000000000e+00, v18;
	v0 =	vmul.f32 v5, v60;
	[tilespmem:s7+$0x34C0] =	vst v46;
	(erf) = vrcp.f32 v3;
	v3 =	vpop (erf)  }
0x432: {  	v2 =	vmul.f32 v38, v57;
	[tilespmem:s7+$0x34E0] =	vst v49;
	v6 =	vadd.f32 $1.000000000e+00, v52;
	v5 =	vpop (erf)  }
0x433: {  	[tilespmem:s3+$0x3550] =	vst v0;
	v9 =	vadd.f32 $1.000000000e+00, v53;
	(erf) = vrcp.f32 v58;
	v61 =	vpop (erf);
	v0 =	vmul.f32 v5, v30  }
0x434: {  	[tilespmem:s3+$0x3560] =	vst v2;
	v1 =	vadd.f32 $1.000000000e+00, v1;
	v62 =	vadd.f32 $1.000000000e+00, v55;
	(erf) = vrcp.f32 v6;
	v5 =	vpop (erf)  }
0x435: {  	(erf) = vrcp.f32 v9;
	[tilespmem:s9+$0x3480] =	vst v0;
	v0 =	vadd.f32 $1.000000000e+00, v4;
	v4 =	vmul.f32 v5, v33  }
0x436: {  	(erf) = vrcp.f32 v1;
	v1 =	vmul.f32 v61, v31;
	v2 =	vpop (erf)  }
0x437: {  	v3 =	vadd.f32 $1.000000000e+00, v3;
	(erf) = vrcp.f32 v62;
	v5 =	vpop (erf)  }
0x438: {  	v63 =	vadd.f32 $1.000000000e+00, v59;
	[tilespmem:s9+$0x3490] =	vst v1;
	v1 =	vmul.f32 v2, v34;
	v2 =	vpop (erf)  }
0x439: {  	(erf) = vrcp.f32 v0;
	[tilespmem:s9+$0x34A0] =	vst v4;
	v0 =	vmul.f32 v5, v32;
	v4 =	vpop (erf)  }
0x43a: {  	[tilespmem:s9+$0x34B0] =	vst v1;
	v1 =	vmul.f32 v2, v29;
	(erf) = vrcp.f32 v63;
	v2 =	vpop (erf)  }
0x43b: {  	[tilespmem:s9+$0x34C0] =	vst v0;
	(erf) = vrcp.f32 v3;
	v0 =	vmul.f32 v4, v25;
	v3 =	vpop (erf)  }
0x43c: {  	[tilespmem:s9+$0x34D0] =	vst v1;
	v1 =	vmul.f32 v2, v26;
	v2 =	vpop (erf)  }
0x43d: {  	[tilespmem:s9+$0x34E0] =	vst v0;
	v0 =	vmul.f32 v3, v27;
	v3 =	vpop (erf)  }
0x43e: {  	[tilespmem:s9+$0x34F0] =	vst v1;
	v1 =	vmul.f32 v3, v28;
	v3 =	vpop (erf)  }
0x43f: {  	[tilespmem:s9+$0x3500] =	vst v0;
	v0 =	vmul.f32 v3, v19;
	v3 =	vpop (erf)  }
0x440: {  	[tilespmem:s9+$0x3510] =	vst v1;
	v1 =	vmul.f32 v3, v35;
	v3 =	vpop (erf)  }
0x441: {  	[tilespmem:s9+$0x3520] =	vst v0;
	v0 =	vmul.f32 v3, v37  }
0x442: {  	[tilespmem:s9+$0x3530] =	vst v1;
	v1 =	vmul.f32 v2, v20;
	v2 =	vpop (erf)  }
0x443: {  	[tilespmem:s9+$0x3540] =	vst v0;
	v0 =	vmul.f32 v2, v17;
	v2 =	vpop (erf)  }
.Ltmp10:
0x444: {  	[tilespmem:s7+$0x3550] =	vst v1;
	v1 =	vmul.f32 v2, v36;
	v2 =	vpop (erf);
	(pc) =	sbr.rel .LBB2_13-.Ltmp10, $4  }
0x445: {  	[tilespmem:s7+$0x3560] =	vst v0;
	v0 =	vmul.f32 v2, v7  }
0x446: {  	[tilespmem:s9+$0x3550] =	vst v1  }
0x447: {  	s31 =	simm.s32 $0x230;
	[tilespmem:s9+$0x3560] =	vst v0  }
0x448: {  	v3 =	vmov v8;
	v2 =	vmov v56;
	[spmem:s1] =	stream.indirect.scatter.add.f32 [tilespmem:s30], [sflag:$0x6], $0x20, s31, s20, $0xb8;
	[tilespmem:$0x1D6A0] =	vst v63  }
.LBB2_15:
0x449: {  	_ =	sfence.sel $0x180000  }
0x44a: {  	[bflag:$0x0] =	sbarrier.arrive $0xFFFF  }
0x44b: {  	_ =	strace $0x90000047  }
0x44c: {  	s0 =	stileid.u32;
	[bflag:$0x2] =	sbarrier.arrive $0xFFFF  }
0x44d: {  	p0 =	sne.s32 s0, $0x0;
	s0 =	rddreg [dreg:$0x3]  }
0x44e: {  	s0 =	sadd.s32 @!p0 $0x100000, s0  }
0x44f: {  	[sflag:s0] =	ssyncadd.tile.s32 @!p0 $0x1;
	_ =	shalt  }
.Lfunc_end2:
_tile_overlayer_lowered:
.L_overlay_start_2:
0x450: {  	(tag) =	ssettag $0x2  }
0x451: {  	s0 =	rddreg [dreg:$0x0];
	s2 =	stileid.u32  }
0x452: {  	s1 =	rddreg [dreg:$0x1];
	p0 =	sne.s32 s2, $0x0  }
0x453: {  	s3 =	rddreg [dreg:$0x2];
	[bflag:$0x3] =	sbarrier.arrive $0xFFFF;
	s2 =	simm.s32 @!p0 $0x1C07  }
0x454: {  	[timem:s3], [sflag:s2] =	dma.local @!p0 [hbm:s0], s1  }
0x455: {  	s0 =	simm.s32 @!p0 $0x7  }
0x456: {  	_ =	swait.ge @!p0 [sflag:s0], s1  }
0x457: {  	s1 =	ssub.s32 @!p0 $0x0, s1;
	[sflag:s0] =	ssyncset.done @!p0 $0x0  }
0x458: {  	[sflag:s0] =	ssyncadd.s32 @!p0 s1  }
0x459: {  	[bflag:$0x3] =	sbarrier.arrive $0xFFFF  }
0x45a: {  	_ =	shalt  }

</sc_bundles>
